<compile_context>
chip_gen: v7x
topology: tpu7x:2x2x1
jax: 0.10.2.dev20260603
libtpu: 0.0.44.dev20260713+nightly
codegen_flags: <defaults>
</compile_context>

<pallas_src>
import jax
import jax.numpy as jnp
from jax import lax
from jax.experimental import pallas as pl
from jax.experimental.pallas import tpu as pltpu
from jax.experimental.pallas import tpu_sc as plsc

MEM = 10000
B = 2048
NCL = 100
D = 3 * 32 * 32
PK = 128
NC = 2
NS = 16
NT = NC * NS
NB = B // 16
CA = 8


def _lane(vec, k):
    return vec[k]


def _make_body(n_big, has_packed):

    def body(*args):
        a = list(args)
        xbig = [a.pop(0) for _ in range(n_big)]
        xp = a.pop(0) if has_packed else None
        sbig = [a.pop(0) for _ in range(n_big)]
        bp_in = a.pop(0) if has_packed else None
        rand_hbm = a.pop(0)
        bbig = [a.pop(0) for _ in range(n_big)]
        bpk = a.pop(0) if has_packed else None
        rv, pm, pb, idxb, idxm, rsem, wsem = a

        cax = lax.axis_index("c")
        sax = lax.axis_index("s")
        w = sax * NC + cax

        pltpu.sync_copy(rand_hbm, rv)
        li = lax.iota(jnp.int32, 16)

        def scan(ci, cnt):
            base = pl.multiple_of(ci * 16, 16)
            r = rv[pl.ds(base, 16)]
            hit = (r < MEM) & (((r >> 4) & (NT - 1)) == w)
            nh = _lane(plsc.all_reduce_population_count(hit), 0)

            @pl.when(nh > 0)
            def _append():
                h32 = jnp.where(hit, 1, 0)
                rank = li * 0
                for k in range(15):
                    rank = rank + jnp.where((li > k) & (_lane(h32, k) > 0),
                                            1, 0)
                plsc.store_scatter(pm.at[...], [cnt + rank], r, mask=hit)
                plsc.store_scatter(pb.at[...], [cnt + rank], li + ci * 16,
                                   mask=hit)

            return cnt + nh

        cnt = lax.fori_loop(0, NB, scan, jnp.int32(0))
        nchunks = (cnt + CA - 1) // CA
        lo8 = li < CA

        def apply_chunk():
            gts = [pltpu.async_copy(s.at[idxb], b, rsem)
                   for s, b in zip(sbig, bbig)]
            if has_packed:
                gts.append(pltpu.async_copy(bp_in.at[idxb], bpk, rsem))
            for cp in gts:
                cp.wait()
            sts = [pltpu.async_copy(b, x.at[idxm], wsem)
                   for x, b in zip(xbig, bbig)]
            if has_packed:
                sts.append(pltpu.async_copy(bpk, xp.at[idxm], wsem))
            for cp in sts:
                cp.wait()

        def apply(t, carry):
            o = pl.multiple_of(t * CA, CA)
            mv = pm[pl.ds(o, 16)]
            bv = pb[pl.ds(o, 16)]
            vc = jnp.minimum(cnt - o, CA)
            mvp = jnp.where(li < vc, mv, _lane(mv, 0))
            bvp = jnp.where(li < vc, bv, _lane(bv, 0))
            dup = li < 0
            for k in range(CA - 1):
                dup = dup | ((mvp == (li * 0 + _lane(mv, k))) & (li > k)
                             & (li < vc) & (k < vc))
            ndup = _lane(plsc.all_reduce_population_count(dup), 0)

            @pl.when(ndup == 0)
            def _fast():
                plsc.store_scatter(idxm.at[...], [li], mvp, mask=lo8)
                plsc.store_scatter(idxb.at[...], [li], bvp, mask=lo8)
                apply_chunk()

            @pl.when(ndup > 0)
            def _fallback():
                for k in range(CA):
                    @pl.when(k < vc)
                    def _one(k=k):
                        plsc.store_scatter(idxm.at[...], [li],
                                           li * 0 + _lane(mvp, k), mask=lo8)
                        plsc.store_scatter(idxb.at[...], [li],
                                           li * 0 + _lane(bvp, k), mask=lo8)
                        apply_chunk()

            return carry

        lax.fori_loop(0, nchunks, apply, 0)

    return body


def _scatter_call(n_big, has_packed):
    f32 = jnp.float32
    i32 = jnp.int32
    scratch = [pltpu.VMEM((CA, D), f32) for _ in range(n_big)]
    if has_packed:
        scratch.append(pltpu.VMEM((CA, PK), i32))
    scratch += [
        pltpu.VMEM((B,), i32),
        pltpu.VMEM((B + 16,), i32),
        pltpu.VMEM((B + 16,), i32),
        pltpu.VMEM((CA,), i32),
        pltpu.VMEM((CA,), i32),
        pltpu.SemaphoreType.DMA,
        pltpu.SemaphoreType.DMA,
    ]
    return pl.kernel(
        _make_body(n_big, has_packed),
        out_type=(),
        mesh=plsc.VectorSubcoreMesh(core_axis_name="c", subcore_axis_name="s"),
        compiler_params=pltpu.CompilerParams(needs_layout_passes=False),
        scratch_types=scratch,
    )


def kernel(mem_weak, mem_strong, mem_label, mem_partial, mem_task, mem_index,
           sample_weak, sample_strong, label, partial, task, index, rand_idx):
    i32 = jnp.int32
    f32 = jnp.float32
    sw2 = sample_weak.reshape(B, D)
    ss2 = sample_strong.reshape(B, D)

    mp_pad = jnp.concatenate(
        [mem_partial, mem_label[:, None], mem_task[:, None],
         mem_index[:, None], jnp.zeros((MEM, PK - NCL - 3), i32)], axis=1)
    taskcol = jnp.full((B,), task, i32)
    bp_pad = jnp.concatenate(
        [partial, label[:, None], taskcol[:, None],
         index[:, None], jnp.zeros((B, PK - NCL - 3), i32)], axis=1)

    xw = jax.new_ref(mem_weak.reshape(MEM, D))
    xs = jax.new_ref(mem_strong.reshape(MEM, D))
    xp = jax.new_ref(mp_pad)

    _scatter_call(1, False)(xw, sw2, rand_idx)
    _scatter_call(1, True)(xs, xp, ss2, bp_pad, rand_idx)

    ow = xw[...]
    os_ = xs[...]
    op_ = xp[...]
    return (ow.reshape(mem_weak.shape), os_.reshape(mem_strong.shape),
            op_[:, NCL], op_[:, :NCL], op_[:, NCL + 1], op_[:, NCL + 2])

# --- scband reference (transcript-rebuilt; emitter-appended) ---
"""Pipeline reference for scband-buffer-20177756357005 (READ-ONLY COPY).

The authoritative reference and input builder live on the scoring server;
editing this copy changes nothing except your own understanding.
"""

import jax, jax.numpy as jnp
import numpy as np

MEM = 10000
B = 2048
N_CLASSES = 100
INPUT_SIZE = (3, 32, 32)
N_SEEN = 50000


def setup_inputs(seed: int = 0) -> dict:
    key = jax.random.key(seed)
    k = jax.random.split(key, 6)
    return {
        # registered buffers (the module's memory state), sized per init_kwargs
        "mem_weak": jnp.zeros((MEM,) + INPUT_SIZE, jnp.float32),
        "mem_strong": jnp.zeros((MEM,) + INPUT_SIZE, jnp.float32),
        "mem_label": jnp.zeros((MEM,), jnp.int32),
        "mem_partial": jnp.zeros((MEM, N_CLASSES), jnp.int32),
        "mem_task": jnp.zeros((MEM,), jnp.int32),
        "mem_index": jnp.zeros((MEM,), jnp.int32),
        # forward args of add_reservoir
        "sample_weak": jax.random.normal(k[0], (B,) + INPUT_SIZE, jnp.float32),
        "sample_strong": jax.random.normal(k[1], (B,) + INPUT_SIZE, jnp.float32),
        "label": jax.random.randint(k[2], (B,), 0, N_CLASSES, jnp.int32),
        "partial": jax.random.randint(k[3], (B, N_CLASSES), 0, 2, jnp.int32),
        "task": 1,
        "index": jax.random.randint(k[4], (B,), 0, 1000000, jnp.int32),
        # externalized reservoir randomness: uniform(0, n_seen_so_far).long()
        "rand_idx": jax.random.randint(k[5], (B,), 0, N_SEEN, jnp.int32),
    }


def reference(mem_weak, mem_strong, mem_label, mem_partial, mem_task, mem_index,
              sample_weak, sample_strong, label, partial, task, index, rand_idx):
    # Faithful translation of Buffer.add_reservoir's reservoir-overwrite path
    # (buffer full, place_left == 0). In torch: indices = uniform(0, n_seen).long();
    # valid = indices < MEM; buffer[indices[valid]] = batch[valid]. JAX scatter with
    # mode='drop' discards out-of-bounds rand_idx, exactly matching the valid-index filter.
    new_w = mem_weak.at[rand_idx].set(sample_weak, mode="drop")
    new_s = mem_strong.at[rand_idx].set(sample_strong, mode="drop")
    new_l = mem_label.at[rand_idx].set(label, mode="drop")
    new_p = mem_partial.at[rand_idx].set(partial, mode="drop")
    new_t = mem_task.at[rand_idx].set(jnp.full_like(label, task), mode="drop")
    new_i = mem_index.at[rand_idx].set(index, mode="drop")
    return (new_w, new_s, new_l, new_p, new_t, new_i)

if __name__ == "__main__":
    import jax
    _d = setup_inputs()
    print(jax.jit(kernel)(*tuple(_d.values())))

</pallas_src>

<mosaic_0001>
#map = affine_map<(d0, d1) -> (0, 0)>
#map1 = affine_map<(d0, d1) -> (0)>
module attributes {stable_mosaic.version = 14 : i64} {
  func.func @new_body(%arg0: i32, %arg1: i32, %arg2: memref<10000x3072xf32, #tpu.memory_space<hbm>>, %arg3: memref<10000x128xi32, #tpu.memory_space<hbm>>, %arg4: memref<2048x3072xf32, #tpu.memory_space<hbm>>, %arg5: memref<2048x128xi32, #tpu.memory_space<hbm>>, %arg6: memref<2048xi32, #tpu.memory_space<hbm>>, %arg7: memref<10000x3072xf32, #tpu.memory_space<hbm>>, %arg8: memref<10000x128xi32, #tpu.memory_space<hbm>>, %arg9: memref<8x3072xf32, #tpu.memory_space<vmem>>, %arg10: memref<8x128xi32, #tpu.memory_space<vmem>>, %arg11: memref<2048xi32, #tpu.memory_space<vmem>>, %arg12: memref<2064xi32, #tpu.memory_space<vmem>>, %arg13: memref<2064xi32, #tpu.memory_space<vmem>>, %arg14: memref<8xi32, #tpu.memory_space<vmem>>, %arg15: memref<8xi32, #tpu.memory_space<vmem>>, %arg16: memref<!tpu.dma_semaphore, #tpu.memory_space<semaphore_mem>>, %arg17: memref<!tpu.dma_semaphore, #tpu.memory_space<semaphore_mem>>) attributes {dimension_semantics = [#tpu.dimension_semantics<core_parallel>, #tpu.dimension_semantics<subcore_parallel>], iteration_bounds = array<i64: 2, 16>, scalar_prefetch = 0 : i64, scratch_operands = 9 : i64, tpu.core_type = #tpu.core_type<sc_vector_subcore>, window_params = [{transform_indices = #map}, {transform_indices = #map}, {transform_indices = #map}, {transform_indices = #map}, {transform_indices = #map1}, {transform_indices = #map}, {transform_indices = #map}]} {
    %mul3A = arith.constant 2 : i32
    %mul3A_0 = arith.muli %arg1, %mul3A : i32
    %add3A = arith.addi %mul3A_0, %arg0 : i32
    "tpu.region"() ({
      %run_scoped3A = tpu.sem_alloc : memref<!tpu.dma_semaphore, #tpu.memory_space<semaphore_mem>>
      tpu.enqueue_dma source(%arg6 : memref<2048xi32, #tpu.memory_space<hbm>>) target(%arg11 : memref<2048xi32, #tpu.memory_space<vmem>>) target_semaphore(%run_scoped3A : memref<!tpu.dma_semaphore, #tpu.memory_space<semaphore_mem>>)
      tpu.wait_dma2 semaphore(%run_scoped3A : memref<!tpu.dma_semaphore, #tpu.memory_space<semaphore_mem>>) src(%arg6 : memref<2048xi32, #tpu.memory_space<hbm>>) dst(%arg11 : memref<2048xi32, #tpu.memory_space<vmem>>)
      tpu.yield
    }) : () -> ()
    %iota3A = tpu.iota {dimensions = array<i32: 0>} : vector<16xi32>
    %scan3A = arith.constant 0 : i32
    %scan3A_1 = arith.constant 0 : i32
    %scan3A_2 = arith.constant 128 : i32
    %scan3A_3 = arith.addi %scan3A_1, %scan3A_2 : i32
    %scan3A_4 = arith.constant 1 : i32
    %scan3A_5 = scf.for %scan3A_38 = %scan3A_1 to %scan3A_3 step %scan3A_4 iter_args(%scan3A_39 = %scan3A) -> (i32)  : i32 {
      %mul3A_40 = arith.constant 16 : i32
      %mul3A_41 = arith.muli %scan3A_38, %mul3A_40 : i32
      %multiple_of3A = tpu.assume_multiple %mul3A_41, 16 : i32
      %get3A = arith.index_cast %multiple_of3A : i32 to index
      %get3A_42 = tpu.vector_load %arg11[%get3A] {strides = array<i32>} : memref<2048xi32, #tpu.memory_space<vmem>>, vector<16xi32>,
      %lt3A_43 = arith.constant 10000 : i32
      %lt3A_44 = vector.broadcast %lt3A_43 : i32 to vector<16xi32>
      %lt3A_45 = arith.cmpi slt, %get3A_42, %lt3A_44 : vector<16xi32>
      %shift_right_arithmetic3A = arith.constant 4 : i32
      %shift_right_arithmetic3A_46 = vector.broadcast %shift_right_arithmetic3A : i32 to vector<16xi32>
      %shift_right_arithmetic3A_47 = arith.shrsi %get3A_42, %shift_right_arithmetic3A_46 : vector<16xi32>
      %and3A_48 = arith.constant 31 : i32
      %and3A_49 = vector.broadcast %and3A_48 : i32 to vector<16xi32>
      %and3A_50 = arith.andi %shift_right_arithmetic3A_47, %and3A_49 : vector<16xi32>
      %eq3A = vector.broadcast %add3A : i32 to vector<16xi32>
      %eq3A_51 = arith.cmpi eq, %and3A_50, %eq3A : vector<16xi32>
      %and3A_52 = arith.andi %lt3A_45, %eq3A_51 : vector<16xi1>
      %all_reduce_population_count3A = tpu.all_reduce %and3A_52 {dim = 0 : i64, kind = #tpu.reduction_kind<sum>} : vector<16xi1> -> vector<16xi32>
      %slice3A = vector.extract_strided_slice %all_reduce_population_count3A {offsets = [0], sizes = [1], strides = [1]} : vector<16xi32> to vector<1xi32>
      %squeeze3A = vector.extract %slice3A[0] : i32 from vector<1xi32>
      %gt3A = arith.constant 0 : i32
      %gt3A_53 = arith.cmpi sgt, %squeeze3A, %gt3A : i32
      %convert_element_type3A = arith.extui %gt3A_53 : i1 to i32
      %cond3A = arith.constant 0 : i32
      %cond3A_54 = arith.cmpi ne, %convert_element_type3A, %cond3A : i32
      scf.if %cond3A_54 {
        %jit3A_56 = arith.constant 1 : i32
        %jit3A_57 = arith.constant 0 : i32
        %broadcast_in_dim3A = vector.broadcast %jit3A_56 : i32 to vector<16xi32>
        %broadcast_in_dim3A_58 = vector.broadcast %jit3A_57 : i32 to vector<16xi32>
        %select_n3A_59 = arith.select %and3A_52, %broadcast_in_dim3A, %broadcast_in_dim3A_58 : vector<16xi1>, vector<16xi32>
        %mul3A_60 = arith.constant 0 : i32
        %mul3A_61 = vector.broadcast %mul3A_60 : i32 to vector<16xi32>
        %mul3A_62 = arith.muli %iota3A, %mul3A_61 : vector<16xi32>
        %gt3A_63 = arith.constant 0 : i32
        %gt3A_64 = vector.broadcast %gt3A_63 : i32 to vector<16xi32>
        %gt3A_65 = arith.cmpi sgt, %iota3A, %gt3A_64 : vector<16xi32>
        %slice3A_66 = vector.extract_strided_slice %select_n3A_59 {offsets = [0], sizes = [1], strides = [1]} : vector<16xi32> to vector<1xi32>
        %squeeze3A_67 = vector.extract %slice3A_66[0] : i32 from vector<1xi32>
        %gt3A_68 = arith.constant 0 : i32
        %gt3A_69 = arith.cmpi sgt, %squeeze3A_67, %gt3A_68 : i32
        %and3A_70 = vector.broadcast %gt3A_69 : i1 to vector<16xi1>
        %and3A_71 = arith.andi %gt3A_65, %and3A_70 : vector<16xi1>
        %jit3A_72 = arith.constant 1 : i32
        %jit3A_73 = arith.constant 0 : i32
        %broadcast_in_dim3A_74 = vector.broadcast %jit3A_72 : i32 to vector<16xi32>
        %broadcast_in_dim3A_75 = vector.broadcast %jit3A_73 : i32 to vector<16xi32>
        %select_n3A_76 = arith.select %and3A_71, %broadcast_in_dim3A_74, %broadcast_in_dim3A_75 : vector<16xi1>, vector<16xi32>
        %add3A_77 = arith.addi %mul3A_62, %select_n3A_76 : vector<16xi32>
        %gt3A_78 = arith.constant 1 : i32
        %gt3A_79 = vector.broadcast %gt3A_78 : i32 to vector<16xi32>
        %gt3A_80 = arith.cmpi sgt, %iota3A, %gt3A_79 : vector<16xi32>
        %slice3A_81 = vector.extract_strided_slice %select_n3A_59 {offsets = [1], sizes = [1], strides = [1]} : vector<16xi32> to vector<1xi32>
        %squeeze3A_82 = vector.extract %slice3A_81[0] : i32 from vector<1xi32>
        %gt3A_83 = arith.constant 0 : i32
        %gt3A_84 = arith.cmpi sgt, %squeeze3A_82, %gt3A_83 : i32
        %and3A_85 = vector.broadcast %gt3A_84 : i1 to vector<16xi1>
        %and3A_86 = arith.andi %gt3A_80, %and3A_85 : vector<16xi1>
        %jit3A_87 = arith.constant 1 : i32
        %jit3A_88 = arith.constant 0 : i32
        %broadcast_in_dim3A_89 = vector.broadcast %jit3A_87 : i32 to vector<16xi32>
        %broadcast_in_dim3A_90 = vector.broadcast %jit3A_88 : i32 to vector<16xi32>
        %select_n3A_91 = arith.select %and3A_86, %broadcast_in_dim3A_89, %broadcast_in_dim3A_90 : vector<16xi1>, vector<16xi32>
        %add3A_92 = arith.addi %add3A_77, %select_n3A_91 : vector<16xi32>
        %gt3A_93 = arith.constant 2 : i32
        %gt3A_94 = vector.broadcast %gt3A_93 : i32 to vector<16xi32>
        %gt3A_95 = arith.cmpi sgt, %iota3A, %gt3A_94 : vector<16xi32>
        %slice3A_96 = vector.extract_strided_slice %select_n3A_59 {offsets = [2], sizes = [1], strides = [1]} : vector<16xi32> to vector<1xi32>
        %squeeze3A_97 = vector.extract %slice3A_96[0] : i32 from vector<1xi32>
        %gt3A_98 = arith.constant 0 : i32
        %gt3A_99 = arith.cmpi sgt, %squeeze3A_97, %gt3A_98 : i32
        %and3A_100 = vector.broadcast %gt3A_99 : i1 to vector<16xi1>
        %and3A_101 = arith.andi %gt3A_95, %and3A_100 : vector<16xi1>
        %jit3A_102 = arith.constant 1 : i32
        %jit3A_103 = arith.constant 0 : i32
        %broadcast_in_dim3A_104 = vector.broadcast %jit3A_102 : i32 to vector<16xi32>
        %broadcast_in_dim3A_105 = vector.broadcast %jit3A_103 : i32 to vector<16xi32>
        %select_n3A_106 = arith.select %and3A_101, %broadcast_in_dim3A_104, %broadcast_in_dim3A_105 : vector<16xi1>, vector<16xi32>
        %add3A_107 = arith.addi %add3A_92, %select_n3A_106 : vector<16xi32>
        %gt3A_108 = arith.constant 3 : i32
        %gt3A_109 = vector.broadcast %gt3A_108 : i32 to vector<16xi32>
        %gt3A_110 = arith.cmpi sgt, %iota3A, %gt3A_109 : vector<16xi32>
        %slice3A_111 = vector.extract_strided_slice %select_n3A_59 {offsets = [3], sizes = [1], strides = [1]} : vector<16xi32> to vector<1xi32>
        %squeeze3A_112 = vector.extract %slice3A_111[0] : i32 from vector<1xi32>
        %gt3A_113 = arith.constant 0 : i32
        %gt3A_114 = arith.cmpi sgt, %squeeze3A_112, %gt3A_113 : i32
        %and3A_115 = vector.broadcast %gt3A_114 : i1 to vector<16xi1>
        %and3A_116 = arith.andi %gt3A_110, %and3A_115 : vector<16xi1>
        %jit3A_117 = arith.constant 1 : i32
        %jit3A_118 = arith.constant 0 : i32
        %broadcast_in_dim3A_119 = vector.broadcast %jit3A_117 : i32 to vector<16xi32>
        %broadcast_in_dim3A_120 = vector.broadcast %jit3A_118 : i32 to vector<16xi32>
        %select_n3A_121 = arith.select %and3A_116, %broadcast_in_dim3A_119, %broadcast_in_dim3A_120 : vector<16xi1>, vector<16xi32>
        %add3A_122 = arith.addi %add3A_107, %select_n3A_121 : vector<16xi32>
        %gt3A_123 = arith.constant 4 : i32
        %gt3A_124 = vector.broadcast %gt3A_123 : i32 to vector<16xi32>
        %gt3A_125 = arith.cmpi sgt, %iota3A, %gt3A_124 : vector<16xi32>
        %slice3A_126 = vector.extract_strided_slice %select_n3A_59 {offsets = [4], sizes = [1], strides = [1]} : vector<16xi32> to vector<1xi32>
        %squeeze3A_127 = vector.extract %slice3A_126[0] : i32 from vector<1xi32>
        %gt3A_128 = arith.constant 0 : i32
        %gt3A_129 = arith.cmpi sgt, %squeeze3A_127, %gt3A_128 : i32
        %and3A_130 = vector.broadcast %gt3A_129 : i1 to vector<16xi1>
        %and3A_131 = arith.andi %gt3A_125, %and3A_130 : vector<16xi1>
        %jit3A_132 = arith.constant 1 : i32
        %jit3A_133 = arith.constant 0 : i32
        %broadcast_in_dim3A_134 = vector.broadcast %jit3A_132 : i32 to vector<16xi32>
        %broadcast_in_dim3A_135 = vector.broadcast %jit3A_133 : i32 to vector<16xi32>
        %select_n3A_136 = arith.select %and3A_131, %broadcast_in_dim3A_134, %broadcast_in_dim3A_135 : vector<16xi1>, vector<16xi32>
        %add3A_137 = arith.addi %add3A_122, %select_n3A_136 : vector<16xi32>
        %gt3A_138 = arith.constant 5 : i32
        %gt3A_139 = vector.broadcast %gt3A_138 : i32 to vector<16xi32>
        %gt3A_140 = arith.cmpi sgt, %iota3A, %gt3A_139 : vector<16xi32>
        %slice3A_141 = vector.extract_strided_slice %select_n3A_59 {offsets = [5], sizes = [1], strides = [1]} : vector<16xi32> to vector<1xi32>
        %squeeze3A_142 = vector.extract %slice3A_141[0] : i32 from vector<1xi32>
        %gt3A_143 = arith.constant 0 : i32
        %gt3A_144 = arith.cmpi sgt, %squeeze3A_142, %gt3A_143 : i32
        %and3A_145 = vector.broadcast %gt3A_144 : i1 to vector<16xi1>
        %and3A_146 = arith.andi %gt3A_140, %and3A_145 : vector<16xi1>
        %jit3A_147 = arith.constant 1 : i32
        %jit3A_148 = arith.constant 0 : i32
        %broadcast_in_dim3A_149 = vector.broadcast %jit3A_147 : i32 to vector<16xi32>
        %broadcast_in_dim3A_150 = vector.broadcast %jit3A_148 : i32 to vector<16xi32>
        %select_n3A_151 = arith.select %and3A_146, %broadcast_in_dim3A_149, %broadcast_in_dim3A_150 : vector<16xi1>, vector<16xi32>
        %add3A_152 = arith.addi %add3A_137, %select_n3A_151 : vector<16xi32>
        %gt3A_153 = arith.constant 6 : i32
        %gt3A_154 = vector.broadcast %gt3A_153 : i32 to vector<16xi32>
        %gt3A_155 = arith.cmpi sgt, %iota3A, %gt3A_154 : vector<16xi32>
        %slice3A_156 = vector.extract_strided_slice %select_n3A_59 {offsets = [6], sizes = [1], strides = [1]} : vector<16xi32> to vector<1xi32>
        %squeeze3A_157 = vector.extract %slice3A_156[0] : i32 from vector<1xi32>
        %gt3A_158 = arith.constant 0 : i32
        %gt3A_159 = arith.cmpi sgt, %squeeze3A_157, %gt3A_158 : i32
        %and3A_160 = vector.broadcast %gt3A_159 : i1 to vector<16xi1>
        %and3A_161 = arith.andi %gt3A_155, %and3A_160 : vector<16xi1>
        %jit3A_162 = arith.constant 1 : i32
        %jit3A_163 = arith.constant 0 : i32
        %broadcast_in_dim3A_164 = vector.broadcast %jit3A_162 : i32 to vector<16xi32>
        %broadcast_in_dim3A_165 = vector.broadcast %jit3A_163 : i32 to vector<16xi32>
        %select_n3A_166 = arith.select %and3A_161, %broadcast_in_dim3A_164, %broadcast_in_dim3A_165 : vector<16xi1>, vector<16xi32>
        %add3A_167 = arith.addi %add3A_152, %select_n3A_166 : vector<16xi32>
        %gt3A_168 = arith.constant 7 : i32
        %gt3A_169 = vector.broadcast %gt3A_168 : i32 to vector<16xi32>
        %gt3A_170 = arith.cmpi sgt, %iota3A, %gt3A_169 : vector<16xi32>
        %slice3A_171 = vector.extract_strided_slice %select_n3A_59 {offsets = [7], sizes = [1], strides = [1]} : vector<16xi32> to vector<1xi32>
        %squeeze3A_172 = vector.extract %slice3A_171[0] : i32 from vector<1xi32>
        %gt3A_173 = arith.constant 0 : i32
        %gt3A_174 = arith.cmpi sgt, %squeeze3A_172, %gt3A_173 : i32
        %and3A_175 = vector.broadcast %gt3A_174 : i1 to vector<16xi1>
        %and3A_176 = arith.andi %gt3A_170, %and3A_175 : vector<16xi1>
        %jit3A_177 = arith.constant 1 : i32
        %jit3A_178 = arith.constant 0 : i32
        %broadcast_in_dim3A_179 = vector.broadcast %jit3A_177 : i32 to vector<16xi32>
        %broadcast_in_dim3A_180 = vector.broadcast %jit3A_178 : i32 to vector<16xi32>
        %select_n3A_181 = arith.select %and3A_176, %broadcast_in_dim3A_179, %broadcast_in_dim3A_180 : vector<16xi1>, vector<16xi32>
        %add3A_182 = arith.addi %add3A_167, %select_n3A_181 : vector<16xi32>
        %gt3A_183 = arith.constant 8 : i32
        %gt3A_184 = vector.broadcast %gt3A_183 : i32 to vector<16xi32>
        %gt3A_185 = arith.cmpi sgt, %iota3A, %gt3A_184 : vector<16xi32>
        %slice3A_186 = vector.extract_strided_slice %select_n3A_59 {offsets = [8], sizes = [1], strides = [1]} : vector<16xi32> to vector<1xi32>
        %squeeze3A_187 = vector.extract %slice3A_186[0] : i32 from vector<1xi32>
        %gt3A_188 = arith.constant 0 : i32
        %gt3A_189 = arith.cmpi sgt, %squeeze3A_187, %gt3A_188 : i32
        %and3A_190 = vector.broadcast %gt3A_189 : i1 to vector<16xi1>
        %and3A_191 = arith.andi %gt3A_185, %and3A_190 : vector<16xi1>
        %jit3A_192 = arith.constant 1 : i32
        %jit3A_193 = arith.constant 0 : i32
        %broadcast_in_dim3A_194 = vector.broadcast %jit3A_192 : i32 to vector<16xi32>
        %broadcast_in_dim3A_195 = vector.broadcast %jit3A_193 : i32 to vector<16xi32>
        %select_n3A_196 = arith.select %and3A_191, %broadcast_in_dim3A_194, %broadcast_in_dim3A_195 : vector<16xi1>, vector<16xi32>
        %add3A_197 = arith.addi %add3A_182, %select_n3A_196 : vector<16xi32>
        %gt3A_198 = arith.constant 9 : i32
        %gt3A_199 = vector.broadcast %gt3A_198 : i32 to vector<16xi32>
        %gt3A_200 = arith.cmpi sgt, %iota3A, %gt3A_199 : vector<16xi32>
        %slice3A_201 = vector.extract_strided_slice %select_n3A_59 {offsets = [9], sizes = [1], strides = [1]} : vector<16xi32> to vector<1xi32>
        %squeeze3A_202 = vector.extract %slice3A_201[0] : i32 from vector<1xi32>
        %gt3A_203 = arith.constant 0 : i32
        %gt3A_204 = arith.cmpi sgt, %squeeze3A_202, %gt3A_203 : i32
        %and3A_205 = vector.broadcast %gt3A_204 : i1 to vector<16xi1>
        %and3A_206 = arith.andi %gt3A_200, %and3A_205 : vector<16xi1>
        %jit3A_207 = arith.constant 1 : i32
        %jit3A_208 = arith.constant 0 : i32
        %broadcast_in_dim3A_209 = vector.broadcast %jit3A_207 : i32 to vector<16xi32>
        %broadcast_in_dim3A_210 = vector.broadcast %jit3A_208 : i32 to vector<16xi32>
        %select_n3A_211 = arith.select %and3A_206, %broadcast_in_dim3A_209, %broadcast_in_dim3A_210 : vector<16xi1>, vector<16xi32>
        %add3A_212 = arith.addi %add3A_197, %select_n3A_211 : vector<16xi32>
        %gt3A_213 = arith.constant 10 : i32
        %gt3A_214 = vector.broadcast %gt3A_213 : i32 to vector<16xi32>
        %gt3A_215 = arith.cmpi sgt, %iota3A, %gt3A_214 : vector<16xi32>
        %slice3A_216 = vector.extract_strided_slice %select_n3A_59 {offsets = [10], sizes = [1], strides = [1]} : vector<16xi32> to vector<1xi32>
        %squeeze3A_217 = vector.extract %slice3A_216[0] : i32 from vector<1xi32>
        %gt3A_218 = arith.constant 0 : i32
        %gt3A_219 = arith.cmpi sgt, %squeeze3A_217, %gt3A_218 : i32
        %and3A_220 = vector.broadcast %gt3A_219 : i1 to vector<16xi1>
        %and3A_221 = arith.andi %gt3A_215, %and3A_220 : vector<16xi1>
        %jit3A_222 = arith.constant 1 : i32
        %jit3A_223 = arith.constant 0 : i32
        %broadcast_in_dim3A_224 = vector.broadcast %jit3A_222 : i32 to vector<16xi32>
        %broadcast_in_dim3A_225 = vector.broadcast %jit3A_223 : i32 to vector<16xi32>
        %select_n3A_226 = arith.select %and3A_221, %broadcast_in_dim3A_224, %broadcast_in_dim3A_225 : vector<16xi1>, vector<16xi32>
        %add3A_227 = arith.addi %add3A_212, %select_n3A_226 : vector<16xi32>
        %gt3A_228 = arith.constant 11 : i32
        %gt3A_229 = vector.broadcast %gt3A_228 : i32 to vector<16xi32>
        %gt3A_230 = arith.cmpi sgt, %iota3A, %gt3A_229 : vector<16xi32>
        %slice3A_231 = vector.extract_strided_slice %select_n3A_59 {offsets = [11], sizes = [1], strides = [1]} : vector<16xi32> to vector<1xi32>
        %squeeze3A_232 = vector.extract %slice3A_231[0] : i32 from vector<1xi32>
        %gt3A_233 = arith.constant 0 : i32
        %gt3A_234 = arith.cmpi sgt, %squeeze3A_232, %gt3A_233 : i32
        %and3A_235 = vector.broadcast %gt3A_234 : i1 to vector<16xi1>
        %and3A_236 = arith.andi %gt3A_230, %and3A_235 : vector<16xi1>
        %jit3A_237 = arith.constant 1 : i32
        %jit3A_238 = arith.constant 0 : i32
        %broadcast_in_dim3A_239 = vector.broadcast %jit3A_237 : i32 to vector<16xi32>
        %broadcast_in_dim3A_240 = vector.broadcast %jit3A_238 : i32 to vector<16xi32>
        %select_n3A_241 = arith.select %and3A_236, %broadcast_in_dim3A_239, %broadcast_in_dim3A_240 : vector<16xi1>, vector<16xi32>
        %add3A_242 = arith.addi %add3A_227, %select_n3A_241 : vector<16xi32>
        %gt3A_243 = arith.constant 12 : i32
        %gt3A_244 = vector.broadcast %gt3A_243 : i32 to vector<16xi32>
        %gt3A_245 = arith.cmpi sgt, %iota3A, %gt3A_244 : vector<16xi32>
        %slice3A_246 = vector.extract_strided_slice %select_n3A_59 {offsets = [12], sizes = [1], strides = [1]} : vector<16xi32> to vector<1xi32>
        %squeeze3A_247 = vector.extract %slice3A_246[0] : i32 from vector<1xi32>
        %gt3A_248 = arith.constant 0 : i32
        %gt3A_249 = arith.cmpi sgt, %squeeze3A_247, %gt3A_248 : i32
        %and3A_250 = vector.broadcast %gt3A_249 : i1 to vector<16xi1>
        %and3A_251 = arith.andi %gt3A_245, %and3A_250 : vector<16xi1>
        %jit3A_252 = arith.constant 1 : i32
        %jit3A_253 = arith.constant 0 : i32
        %broadcast_in_dim3A_254 = vector.broadcast %jit3A_252 : i32 to vector<16xi32>
        %broadcast_in_dim3A_255 = vector.broadcast %jit3A_253 : i32 to vector<16xi32>
        %select_n3A_256 = arith.select %and3A_251, %broadcast_in_dim3A_254, %broadcast_in_dim3A_255 : vector<16xi1>, vector<16xi32>
        %add3A_257 = arith.addi %add3A_242, %select_n3A_256 : vector<16xi32>
        %gt3A_258 = arith.constant 13 : i32
        %gt3A_259 = vector.broadcast %gt3A_258 : i32 to vector<16xi32>
        %gt3A_260 = arith.cmpi sgt, %iota3A, %gt3A_259 : vector<16xi32>
        %slice3A_261 = vector.extract_strided_slice %select_n3A_59 {offsets = [13], sizes = [1], strides = [1]} : vector<16xi32> to vector<1xi32>
        %squeeze3A_262 = vector.extract %slice3A_261[0] : i32 from vector<1xi32>
        %gt3A_263 = arith.constant 0 : i32
        %gt3A_264 = arith.cmpi sgt, %squeeze3A_262, %gt3A_263 : i32
        %and3A_265 = vector.broadcast %gt3A_264 : i1 to vector<16xi1>
        %and3A_266 = arith.andi %gt3A_260, %and3A_265 : vector<16xi1>
        %jit3A_267 = arith.constant 1 : i32
        %jit3A_268 = arith.constant 0 : i32
        %broadcast_in_dim3A_269 = vector.broadcast %jit3A_267 : i32 to vector<16xi32>
        %broadcast_in_dim3A_270 = vector.broadcast %jit3A_268 : i32 to vector<16xi32>
        %select_n3A_271 = arith.select %and3A_266, %broadcast_in_dim3A_269, %broadcast_in_dim3A_270 : vector<16xi1>, vector<16xi32>
        %add3A_272 = arith.addi %add3A_257, %select_n3A_271 : vector<16xi32>
        %gt3A_273 = arith.constant 14 : i32
        %gt3A_274 = vector.broadcast %gt3A_273 : i32 to vector<16xi32>
        %gt3A_275 = arith.cmpi sgt, %iota3A, %gt3A_274 : vector<16xi32>
        %slice3A_276 = vector.extract_strided_slice %select_n3A_59 {offsets = [14], sizes = [1], strides = [1]} : vector<16xi32> to vector<1xi32>
        %squeeze3A_277 = vector.extract %slice3A_276[0] : i32 from vector<1xi32>
        %gt3A_278 = arith.constant 0 : i32
        %gt3A_279 = arith.cmpi sgt, %squeeze3A_277, %gt3A_278 : i32
        %and3A_280 = vector.broadcast %gt3A_279 : i1 to vector<16xi1>
        %and3A_281 = arith.andi %gt3A_275, %and3A_280 : vector<16xi1>
        %jit3A_282 = arith.constant 1 : i32
        %jit3A_283 = arith.constant 0 : i32
        %broadcast_in_dim3A_284 = vector.broadcast %jit3A_282 : i32 to vector<16xi32>
        %broadcast_in_dim3A_285 = vector.broadcast %jit3A_283 : i32 to vector<16xi32>
        %select_n3A_286 = arith.select %and3A_281, %broadcast_in_dim3A_284, %broadcast_in_dim3A_285 : vector<16xi1>, vector<16xi32>
        %add3A_287 = arith.addi %add3A_272, %select_n3A_286 : vector<16xi32>
        %add3A_288 = vector.broadcast %scan3A_39 : i32 to vector<16xi32>
        %add3A_289 = arith.addi %add3A_288, %add3A_287 : vector<16xi32>
        %scatter3A = arith.constant 0 : i32
        %scatter3A_290 = tpu.memref_slice %arg12[%scatter3A] : memref<2064xi32, #tpu.memory_space<vmem>> -> memref<2064xi32, #tpu.memory_space<vmem>>
        tpu.vector_store_idx %scatter3A_290[%add3A_289], %get3A_42 masked %and3A_52 : memref<2064xi32, #tpu.memory_space<vmem>>[vector<16xi32>], vector<16xi32>, vector<16xi1>
        %add3A_291 = vector.broadcast %scan3A_39 : i32 to vector<16xi32>
        %add3A_292 = arith.addi %add3A_291, %add3A_287 : vector<16xi32>
        %mul3A_293 = arith.constant 16 : i32
        %mul3A_294 = arith.muli %scan3A_38, %mul3A_293 : i32
        %add3A_295 = vector.broadcast %mul3A_294 : i32 to vector<16xi32>
        %add3A_296 = arith.addi %iota3A, %add3A_295 : vector<16xi32>
        %scatter3A_297 = arith.constant 0 : i32
        %scatter3A_298 = tpu.memref_slice %arg13[%scatter3A_297] : memref<2064xi32, #tpu.memory_space<vmem>> -> memref<2064xi32, #tpu.memory_space<vmem>>
        tpu.vector_store_idx %scatter3A_298[%add3A_292], %add3A_296 masked %and3A_52 : memref<2064xi32, #tpu.memory_space<vmem>>[vector<16xi32>], vector<16xi32>, vector<16xi1>
      } else {
      }
      %add3A_55 = arith.addi %scan3A_39, %squeeze3A : i32
      scf.yield %add3A_55 : i32
    }
    %scan3A_6 = arith.constant 128 : i32
    %add3A_7 = arith.constant 8 : i32
    %add3A_8 = arith.addi %scan3A_5, %add3A_7 : i32
    %sub3A = arith.constant 1 : i32
    %sub3A_9 = arith.subi %add3A_8, %sub3A : i32
    %jit3A = arith.constant 8 : i32
    %div3A = arith.divsi %sub3A_9, %jit3A : i32
    %sign3A = arith.constant 0 : i32
    %sign3A_10 = arith.cmpi sgt, %sub3A_9, %sign3A : i32
    %sign3A_11 = arith.extui %sign3A_10 : i1 to i32
    %sign3A_12 = arith.constant 0 : i32
    %sign3A_13 = arith.cmpi slt, %sub3A_9, %sign3A_12 : i32
    %sign3A_14 = arith.extui %sign3A_13 : i1 to i32
    %sign3A_15 = arith.subi %sign3A_11, %sign3A_14 : i32
    %sign3A_16 = arith.constant 0 : i32
    %sign3A_17 = arith.cmpi sgt, %jit3A, %sign3A_16 : i32
    %sign3A_18 = arith.extui %sign3A_17 : i1 to i32
    %sign3A_19 = arith.constant 0 : i32
    %sign3A_20 = arith.cmpi slt, %jit3A, %sign3A_19 : i32
    %sign3A_21 = arith.extui %sign3A_20 : i1 to i32
    %sign3A_22 = arith.subi %sign3A_18, %sign3A_21 : i32
    %ne3A = arith.cmpi ne, %sign3A_15, %sign3A_22 : i32
    %rem3A = arith.remsi %sub3A_9, %jit3A : i32
    %ne3A_23 = arith.constant 0 : i32
    %ne3A_24 = arith.cmpi ne, %rem3A, %ne3A_23 : i32
    %and3A = arith.andi %ne3A, %ne3A_24 : i1
    %sub3A_25 = arith.constant 1 : i32
    %sub3A_26 = arith.subi %div3A, %sub3A_25 : i32
    %select_n3A = arith.select %and3A, %sub3A_26, %div3A : i32
    %lt3A = arith.constant 8 : i32
    %lt3A_27 = vector.broadcast %lt3A : i32 to vector<16xi32>
    %lt3A_28 = arith.cmpi slt, %iota3A, %lt3A_27 : vector<16xi32>
    %while3A = arith.constant 0 : i32
    %while3A_29 = arith.constant 0 : i32
    %while3A_30 = arith.subi %select_n3A, %while3A_29 : i32
    %while3A_31 = arith.addi %while3A_29, %while3A_30 : i32
    %while3A_32 = arith.constant 1 : i32
    %while3A_33 = arith.divsi %while3A_30, %while3A_32 : i32
    %while3A_34 = arith.muli %while3A_33, %while3A_32 : i32
    %while3A_35 = arith.addi %while3A_29, %while3A_34 : i32
    %while3A_36 = arith.constant 1 : i32
    scf.for %while3A_38 = %while3A_29 to %while3A_35 step %while3A_36  : i32 {
      %mul3A_39 = arith.constant 8 : i32
      %mul3A_40 = arith.muli %while3A_38, %mul3A_39 : i32
      %multiple_of3A = tpu.assume_multiple %mul3A_40, 8 : i32
      %get3A = arith.index_cast %multiple_of3A : i32 to index
      %get3A_41 = tpu.vector_load %arg12[%get3A] {strides = array<i32>} : memref<2064xi32, #tpu.memory_space<vmem>>, vector<16xi32>,
      %get3A_42 = arith.index_cast %multiple_of3A : i32 to index
      %get3A_43 = tpu.vector_load %arg13[%get3A_42] {strides = array<i32>} : memref<2064xi32, #tpu.memory_space<vmem>>, vector<16xi32>,
      %sub3A_44 = arith.subi %scan3A_5, %multiple_of3A : i32
      %min3A = arith.constant 8 : i32
      %min3A_45 = arith.minsi %sub3A_44, %min3A : i32
      %lt3A_46 = vector.broadcast %min3A_45 : i32 to vector<16xi32>
      %lt3A_47 = arith.cmpi slt, %iota3A, %lt3A_46 : vector<16xi32>
      %slice3A = vector.extract_strided_slice %get3A_41 {offsets = [0], sizes = [1], strides = [1]} : vector<16xi32> to vector<1xi32>
      %squeeze3A = vector.extract %slice3A[0] : i32 from vector<1xi32>
      %broadcast_in_dim3A = vector.broadcast %squeeze3A : i32 to vector<16xi32>
      %select_n3A_48 = arith.select %lt3A_47, %get3A_41, %broadcast_in_dim3A : vector<16xi1>, vector<16xi32>
      %lt3A_49 = vector.broadcast %min3A_45 : i32 to vector<16xi32>
      %lt3A_50 = arith.cmpi slt, %iota3A, %lt3A_49 : vector<16xi32>
      %slice3A_51 = vector.extract_strided_slice %get3A_43 {offsets = [0], sizes = [1], strides = [1]} : vector<16xi32> to vector<1xi32>
      %squeeze3A_52 = vector.extract %slice3A_51[0] : i32 from vector<1xi32>
      %broadcast_in_dim3A_53 = vector.broadcast %squeeze3A_52 : i32 to vector<16xi32>
      %select_n3A_54 = arith.select %lt3A_50, %get3A_43, %broadcast_in_dim3A_53 : vector<16xi1>, vector<16xi32>
      %lt3A_55 = arith.constant 0 : i32
      %lt3A_56 = vector.broadcast %lt3A_55 : i32 to vector<16xi32>
      %lt3A_57 = arith.cmpi slt, %iota3A, %lt3A_56 : vector<16xi32>
      %mul3A_58 = arith.constant 0 : i32
      %mul3A_59 = vector.broadcast %mul3A_58 : i32 to vector<16xi32>
      %mul3A_60 = arith.muli %iota3A, %mul3A_59 : vector<16xi32>
      %slice3A_61 = vector.extract_strided_slice %get3A_41 {offsets = [0], sizes = [1], strides = [1]} : vector<16xi32> to vector<1xi32>
      %squeeze3A_62 = vector.extract %slice3A_61[0] : i32 from vector<1xi32>
      %add3A_63 = vector.broadcast %squeeze3A_62 : i32 to vector<16xi32>
      %add3A_64 = arith.addi %mul3A_60, %add3A_63 : vector<16xi32>
      %eq3A = arith.cmpi eq, %select_n3A_48, %add3A_64 : vector<16xi32>
      %gt3A = arith.constant 0 : i32
      %gt3A_65 = vector.broadcast %gt3A : i32 to vector<16xi32>
      %gt3A_66 = arith.cmpi sgt, %iota3A, %gt3A_65 : vector<16xi32>
      %and3A_67 = arith.andi %eq3A, %gt3A_66 : vector<16xi1>
      %lt3A_68 = vector.broadcast %min3A_45 : i32 to vector<16xi32>
      %lt3A_69 = arith.cmpi slt, %iota3A, %lt3A_68 : vector<16xi32>
      %and3A_70 = arith.andi %and3A_67, %lt3A_69 : vector<16xi1>
      %gt3A_71 = arith.constant 0 : i32
      %gt3A_72 = arith.cmpi sgt, %min3A_45, %gt3A_71 : i32
      %and3A_73 = vector.broadcast %gt3A_72 : i1 to vector<16xi1>
      %and3A_74 = arith.andi %and3A_70, %and3A_73 : vector<16xi1>
      %or3A = arith.ori %lt3A_57, %and3A_74 : vector<16xi1>
      %mul3A_75 = arith.constant 0 : i32
      %mul3A_76 = vector.broadcast %mul3A_75 : i32 to vector<16xi32>
      %mul3A_77 = arith.muli %iota3A, %mul3A_76 : vector<16xi32>
      %slice3A_78 = vector.extract_strided_slice %get3A_41 {offsets = [1], sizes = [1], strides = [1]} : vector<16xi32> to vector<1xi32>
      %squeeze3A_79 = vector.extract %slice3A_78[0] : i32 from vector<1xi32>
      %add3A_80 = vector.broadcast %squeeze3A_79 : i32 to vector<16xi32>
      %add3A_81 = arith.addi %mul3A_77, %add3A_80 : vector<16xi32>
      %eq3A_82 = arith.cmpi eq, %select_n3A_48, %add3A_81 : vector<16xi32>
      %gt3A_83 = arith.constant 1 : i32
      %gt3A_84 = vector.broadcast %gt3A_83 : i32 to vector<16xi32>
      %gt3A_85 = arith.cmpi sgt, %iota3A, %gt3A_84 : vector<16xi32>
      %and3A_86 = arith.andi %eq3A_82, %gt3A_85 : vector<16xi1>
      %lt3A_87 = vector.broadcast %min3A_45 : i32 to vector<16xi32>
      %lt3A_88 = arith.cmpi slt, %iota3A, %lt3A_87 : vector<16xi32>
      %and3A_89 = arith.andi %and3A_86, %lt3A_88 : vector<16xi1>
      %gt3A_90 = arith.constant 1 : i32
      %gt3A_91 = arith.cmpi sgt, %min3A_45, %gt3A_90 : i32
      %and3A_92 = vector.broadcast %gt3A_91 : i1 to vector<16xi1>
      %and3A_93 = arith.andi %and3A_89, %and3A_92 : vector<16xi1>
      %or3A_94 = arith.ori %or3A, %and3A_93 : vector<16xi1>
      %mul3A_95 = arith.constant 0 : i32
      %mul3A_96 = vector.broadcast %mul3A_95 : i32 to vector<16xi32>
      %mul3A_97 = arith.muli %iota3A, %mul3A_96 : vector<16xi32>
      %slice3A_98 = vector.extract_strided_slice %get3A_41 {offsets = [2], sizes = [1], strides = [1]} : vector<16xi32> to vector<1xi32>
      %squeeze3A_99 = vector.extract %slice3A_98[0] : i32 from vector<1xi32>
      %add3A_100 = vector.broadcast %squeeze3A_99 : i32 to vector<16xi32>
      %add3A_101 = arith.addi %mul3A_97, %add3A_100 : vector<16xi32>
      %eq3A_102 = arith.cmpi eq, %select_n3A_48, %add3A_101 : vector<16xi32>
      %gt3A_103 = arith.constant 2 : i32
      %gt3A_104 = vector.broadcast %gt3A_103 : i32 to vector<16xi32>
      %gt3A_105 = arith.cmpi sgt, %iota3A, %gt3A_104 : vector<16xi32>
      %and3A_106 = arith.andi %eq3A_102, %gt3A_105 : vector<16xi1>
      %lt3A_107 = vector.broadcast %min3A_45 : i32 to vector<16xi32>
      %lt3A_108 = arith.cmpi slt, %iota3A, %lt3A_107 : vector<16xi32>
      %and3A_109 = arith.andi %and3A_106, %lt3A_108 : vector<16xi1>
      %gt3A_110 = arith.constant 2 : i32
      %gt3A_111 = arith.cmpi sgt, %min3A_45, %gt3A_110 : i32
      %and3A_112 = vector.broadcast %gt3A_111 : i1 to vector<16xi1>
      %and3A_113 = arith.andi %and3A_109, %and3A_112 : vector<16xi1>
      %or3A_114 = arith.ori %or3A_94, %and3A_113 : vector<16xi1>
      %mul3A_115 = arith.constant 0 : i32
      %mul3A_116 = vector.broadcast %mul3A_115 : i32 to vector<16xi32>
      %mul3A_117 = arith.muli %iota3A, %mul3A_116 : vector<16xi32>
      %slice3A_118 = vector.extract_strided_slice %get3A_41 {offsets = [3], sizes = [1], strides = [1]} : vector<16xi32> to vector<1xi32>
      %squeeze3A_119 = vector.extract %slice3A_118[0] : i32 from vector<1xi32>
      %add3A_120 = vector.broadcast %squeeze3A_119 : i32 to vector<16xi32>
      %add3A_121 = arith.addi %mul3A_117, %add3A_120 : vector<16xi32>
      %eq3A_122 = arith.cmpi eq, %select_n3A_48, %add3A_121 : vector<16xi32>
      %gt3A_123 = arith.constant 3 : i32
      %gt3A_124 = vector.broadcast %gt3A_123 : i32 to vector<16xi32>
      %gt3A_125 = arith.cmpi sgt, %iota3A, %gt3A_124 : vector<16xi32>
      %and3A_126 = arith.andi %eq3A_122, %gt3A_125 : vector<16xi1>
      %lt3A_127 = vector.broadcast %min3A_45 : i32 to vector<16xi32>
      %lt3A_128 = arith.cmpi slt, %iota3A, %lt3A_127 : vector<16xi32>
      %and3A_129 = arith.andi %and3A_126, %lt3A_128 : vector<16xi1>
      %gt3A_130 = arith.constant 3 : i32
      %gt3A_131 = arith.cmpi sgt, %min3A_45, %gt3A_130 : i32
      %and3A_132 = vector.broadcast %gt3A_131 : i1 to vector<16xi1>
      %and3A_133 = arith.andi %and3A_129, %and3A_132 : vector<16xi1>
      %or3A_134 = arith.ori %or3A_114, %and3A_133 : vector<16xi1>
      %mul3A_135 = arith.constant 0 : i32
      %mul3A_136 = vector.broadcast %mul3A_135 : i32 to vector<16xi32>
      %mul3A_137 = arith.muli %iota3A, %mul3A_136 : vector<16xi32>
      %slice3A_138 = vector.extract_strided_slice %get3A_41 {offsets = [4], sizes = [1], strides = [1]} : vector<16xi32> to vector<1xi32>
      %squeeze3A_139 = vector.extract %slice3A_138[0] : i32 from vector<1xi32>
      %add3A_140 = vector.broadcast %squeeze3A_139 : i32 to vector<16xi32>
      %add3A_141 = arith.addi %mul3A_137, %add3A_140 : vector<16xi32>
      %eq3A_142 = arith.cmpi eq, %select_n3A_48, %add3A_141 : vector<16xi32>
      %gt3A_143 = arith.constant 4 : i32
      %gt3A_144 = vector.broadcast %gt3A_143 : i32 to vector<16xi32>
      %gt3A_145 = arith.cmpi sgt, %iota3A, %gt3A_144 : vector<16xi32>
      %and3A_146 = arith.andi %eq3A_142, %gt3A_145 : vector<16xi1>
      %lt3A_147 = vector.broadcast %min3A_45 : i32 to vector<16xi32>
      %lt3A_148 = arith.cmpi slt, %iota3A, %lt3A_147 : vector<16xi32>
      %and3A_149 = arith.andi %and3A_146, %lt3A_148 : vector<16xi1>
      %gt3A_150 = arith.constant 4 : i32
      %gt3A_151 = arith.cmpi sgt, %min3A_45, %gt3A_150 : i32
      %and3A_152 = vector.broadcast %gt3A_151 : i1 to vector<16xi1>
      %and3A_153 = arith.andi %and3A_149, %and3A_152 : vector<16xi1>
      %or3A_154 = arith.ori %or3A_134, %and3A_153 : vector<16xi1>
      %mul3A_155 = arith.constant 0 : i32
      %mul3A_156 = vector.broadcast %mul3A_155 : i32 to vector<16xi32>
      %mul3A_157 = arith.muli %iota3A, %mul3A_156 : vector<16xi32>
      %slice3A_158 = vector.extract_strided_slice %get3A_41 {offsets = [5], sizes = [1], strides = [1]} : vector<16xi32> to vector<1xi32>
      %squeeze3A_159 = vector.extract %slice3A_158[0] : i32 from vector<1xi32>
      %add3A_160 = vector.broadcast %squeeze3A_159 : i32 to vector<16xi32>
      %add3A_161 = arith.addi %mul3A_157, %add3A_160 : vector<16xi32>
      %eq3A_162 = arith.cmpi eq, %select_n3A_48, %add3A_161 : vector<16xi32>
      %gt3A_163 = arith.constant 5 : i32
      %gt3A_164 = vector.broadcast %gt3A_163 : i32 to vector<16xi32>
      %gt3A_165 = arith.cmpi sgt, %iota3A, %gt3A_164 : vector<16xi32>
      %and3A_166 = arith.andi %eq3A_162, %gt3A_165 : vector<16xi1>
      %lt3A_167 = vector.broadcast %min3A_45 : i32 to vector<16xi32>
      %lt3A_168 = arith.cmpi slt, %iota3A, %lt3A_167 : vector<16xi32>
      %and3A_169 = arith.andi %and3A_166, %lt3A_168 : vector<16xi1>
      %gt3A_170 = arith.constant 5 : i32
      %gt3A_171 = arith.cmpi sgt, %min3A_45, %gt3A_170 : i32
      %and3A_172 = vector.broadcast %gt3A_171 : i1 to vector<16xi1>
      %and3A_173 = arith.andi %and3A_169, %and3A_172 : vector<16xi1>
      %or3A_174 = arith.ori %or3A_154, %and3A_173 : vector<16xi1>
      %mul3A_175 = arith.constant 0 : i32
      %mul3A_176 = vector.broadcast %mul3A_175 : i32 to vector<16xi32>
      %mul3A_177 = arith.muli %iota3A, %mul3A_176 : vector<16xi32>
      %slice3A_178 = vector.extract_strided_slice %get3A_41 {offsets = [6], sizes = [1], strides = [1]} : vector<16xi32> to vector<1xi32>
      %squeeze3A_179 = vector.extract %slice3A_178[0] : i32 from vector<1xi32>
      %add3A_180 = vector.broadcast %squeeze3A_179 : i32 to vector<16xi32>
      %add3A_181 = arith.addi %mul3A_177, %add3A_180 : vector<16xi32>
      %eq3A_182 = arith.cmpi eq, %select_n3A_48, %add3A_181 : vector<16xi32>
      %gt3A_183 = arith.constant 6 : i32
      %gt3A_184 = vector.broadcast %gt3A_183 : i32 to vector<16xi32>
      %gt3A_185 = arith.cmpi sgt, %iota3A, %gt3A_184 : vector<16xi32>
      %and3A_186 = arith.andi %eq3A_182, %gt3A_185 : vector<16xi1>
      %lt3A_187 = vector.broadcast %min3A_45 : i32 to vector<16xi32>
      %lt3A_188 = arith.cmpi slt, %iota3A, %lt3A_187 : vector<16xi32>
      %and3A_189 = arith.andi %and3A_186, %lt3A_188 : vector<16xi1>
      %gt3A_190 = arith.constant 6 : i32
      %gt3A_191 = arith.cmpi sgt, %min3A_45, %gt3A_190 : i32
      %and3A_192 = vector.broadcast %gt3A_191 : i1 to vector<16xi1>
      %and3A_193 = arith.andi %and3A_189, %and3A_192 : vector<16xi1>
      %or3A_194 = arith.ori %or3A_174, %and3A_193 : vector<16xi1>
      %all_reduce_population_count3A = tpu.all_reduce %or3A_194 {dim = 0 : i64, kind = #tpu.reduction_kind<sum>} : vector<16xi1> -> vector<16xi32>
      %slice3A_195 = vector.extract_strided_slice %all_reduce_population_count3A {offsets = [0], sizes = [1], strides = [1]} : vector<16xi32> to vector<1xi32>
      %squeeze3A_196 = vector.extract %slice3A_195[0] : i32 from vector<1xi32>
      %eq3A_197 = arith.constant 0 : i32
      %eq3A_198 = arith.cmpi eq, %squeeze3A_196, %eq3A_197 : i32
      %convert_element_type3A = arith.extui %eq3A_198 : i1 to i32
      %cond3A = arith.constant 0 : i32
      %cond3A_199 = arith.cmpi ne, %convert_element_type3A, %cond3A : i32
      scf.if %cond3A_199 {
        %scatter3A = arith.constant 0 : i32
        %scatter3A_205 = tpu.memref_slice %arg15[%scatter3A] : memref<8xi32, #tpu.memory_space<vmem>> -> memref<8xi32, #tpu.memory_space<vmem>>
        tpu.vector_store_idx %scatter3A_205[%iota3A], %select_n3A_48 masked %lt3A_28 : memref<8xi32, #tpu.memory_space<vmem>>[vector<16xi32>], vector<16xi32>, vector<16xi1>
        %scatter3A_206 = arith.constant 0 : i32
        %scatter3A_207 = tpu.memref_slice %arg14[%scatter3A_206] : memref<8xi32, #tpu.memory_space<vmem>> -> memref<8xi32, #tpu.memory_space<vmem>>
        tpu.vector_store_idx %scatter3A_207[%iota3A], %select_n3A_54 masked %lt3A_28 : memref<8xi32, #tpu.memory_space<vmem>>[vector<16xi32>], vector<16xi32>, vector<16xi1>
        %dma_start3A = arith.constant 0 : i32
        %dma_start3A_208 = arith.constant 0 : i32
        %dma_start3A_209 = tpu.memref_slice %arg4[%dma_start3A, %dma_start3A_208] : memref<2048x3072xf32, #tpu.memory_space<hbm>> -> memref<2048x3072xf32, #tpu.memory_space<hbm>>
        tpu.enqueue_indirect_dma source(%dma_start3A_209 : memref<2048x3072xf32, #tpu.memory_space<hbm>>) target(%arg9 : memref<8x3072xf32, #tpu.memory_space<vmem>>) offsets(%arg14 : memref<8xi32, #tpu.memory_space<vmem>>) semaphore(%arg16 : memref<!tpu.dma_semaphore, #tpu.memory_space<semaphore_mem>>)
        %dma_start3A_210 = arith.constant 0 : i32
        %dma_start3A_211 = arith.constant 0 : i32
        %dma_start3A_212 = tpu.memref_slice %arg5[%dma_start3A_210, %dma_start3A_211] : memref<2048x128xi32, #tpu.memory_space<hbm>> -> memref<2048x128xi32, #tpu.memory_space<hbm>>
        tpu.enqueue_indirect_dma source(%dma_start3A_212 : memref<2048x128xi32, #tpu.memory_space<hbm>>) target(%arg10 : memref<8x128xi32, #tpu.memory_space<vmem>>) offsets(%arg14 : memref<8xi32, #tpu.memory_space<vmem>>) semaphore(%arg16 : memref<!tpu.dma_semaphore, #tpu.memory_space<semaphore_mem>>)
        %dma_wait3A = arith.constant 0 : i32
        %dma_wait3A_213 = arith.constant 0 : i32
        %dma_wait3A_214 = tpu.memref_slice %arg4[%dma_wait3A, %dma_wait3A_213] : memref<2048x3072xf32, #tpu.memory_space<hbm>> -> memref<2048x3072xf32, #tpu.memory_space<hbm>>
        tpu.wait_indirect_dma semaphore(%arg16 : memref<!tpu.dma_semaphore, #tpu.memory_space<semaphore_mem>>) src(%dma_wait3A_214 : memref<2048x3072xf32, #tpu.memory_space<hbm>>) dst(%arg9 : memref<8x3072xf32, #tpu.memory_space<vmem>>)
        %dma_wait3A_215 = arith.constant 0 : i32
        %dma_wait3A_216 = arith.constant 0 : i32
        %dma_wait3A_217 = tpu.memref_slice %arg5[%dma_wait3A_215, %dma_wait3A_216] : memref<2048x128xi32, #tpu.memory_space<hbm>> -> memref<2048x128xi32, #tpu.memory_space<hbm>>
        tpu.wait_indirect_dma semaphore(%arg16 : memref<!tpu.dma_semaphore, #tpu.memory_space<semaphore_mem>>) src(%dma_wait3A_217 : memref<2048x128xi32, #tpu.memory_space<hbm>>) dst(%arg10 : memref<8x128xi32, #tpu.memory_space<vmem>>)
        %dma_start3A_218 = arith.constant 0 : i32
        %dma_start3A_219 = arith.constant 0 : i32
        %dma_start3A_220 = tpu.memref_slice %arg2[%dma_start3A_218, %dma_start3A_219] : memref<10000x3072xf32, #tpu.memory_space<hbm>> -> memref<10000x3072xf32, #tpu.memory_space<hbm>>
        tpu.enqueue_indirect_dma source(%arg9 : memref<8x3072xf32, #tpu.memory_space<vmem>>) target(%dma_start3A_220 : memref<10000x3072xf32, #tpu.memory_space<hbm>>) offsets(%arg15 : memref<8xi32, #tpu.memory_space<vmem>>) semaphore(%arg17 : memref<!tpu.dma_semaphore, #tpu.memory_space<semaphore_mem>>)
        %dma_start3A_221 = arith.constant 0 : i32
        %dma_start3A_222 = arith.constant 0 : i32
        %dma_start3A_223 = tpu.memref_slice %arg3[%dma_start3A_221, %dma_start3A_222] : memref<10000x128xi32, #tpu.memory_space<hbm>> -> memref<10000x128xi32, #tpu.memory_space<hbm>>
        tpu.enqueue_indirect_dma source(%arg10 : memref<8x128xi32, #tpu.memory_space<vmem>>) target(%dma_start3A_223 : memref<10000x128xi32, #tpu.memory_space<hbm>>) offsets(%arg15 : memref<8xi32, #tpu.memory_space<vmem>>) semaphore(%arg17 : memref<!tpu.dma_semaphore, #tpu.memory_space<semaphore_mem>>)
        %dma_wait3A_224 = arith.constant 0 : i32
        %dma_wait3A_225 = arith.constant 0 : i32
        %dma_wait3A_226 = tpu.memref_slice %arg2[%dma_wait3A_224, %dma_wait3A_225] : memref<10000x3072xf32, #tpu.memory_space<hbm>> -> memref<10000x3072xf32, #tpu.memory_space<hbm>>
        tpu.wait_indirect_dma semaphore(%arg17 : memref<!tpu.dma_semaphore, #tpu.memory_space<semaphore_mem>>) src(%arg9 : memref<8x3072xf32, #tpu.memory_space<vmem>>) dst(%dma_wait3A_226 : memref<10000x3072xf32, #tpu.memory_space<hbm>>)
        %dma_wait3A_227 = arith.constant 0 : i32
        %dma_wait3A_228 = arith.constant 0 : i32
        %dma_wait3A_229 = tpu.memref_slice %arg3[%dma_wait3A_227, %dma_wait3A_228] : memref<10000x128xi32, #tpu.memory_space<hbm>> -> memref<10000x128xi32, #tpu.memory_space<hbm>>
        tpu.wait_indirect_dma semaphore(%arg17 : memref<!tpu.dma_semaphore, #tpu.memory_space<semaphore_mem>>) src(%arg10 : memref<8x128xi32, #tpu.memory_space<vmem>>) dst(%dma_wait3A_229 : memref<10000x128xi32, #tpu.memory_space<hbm>>)
      } else {
      }
      %gt3A_200 = arith.constant 0 : i32
      %gt3A_201 = arith.cmpi sgt, %squeeze3A_196, %gt3A_200 : i32
      %convert_element_type3A_202 = arith.extui %gt3A_201 : i1 to i32
      %cond3A_203 = arith.constant 0 : i32
      %cond3A_204 = arith.cmpi ne, %convert_element_type3A_202, %cond3A_203 : i32
      scf.if %cond3A_204 {
        %gt3A_205 = arith.constant 0 : i32
        %gt3A_206 = arith.cmpi sgt, %min3A_45, %gt3A_205 : i32
        %convert_element_type3A_207 = arith.extui %gt3A_206 : i1 to i32
        %cond3A_208 = arith.constant 0 : i32
        %cond3A_209 = arith.cmpi ne, %convert_element_type3A_207, %cond3A_208 : i32
        scf.if %cond3A_209 {
          %mul3A_245 = arith.constant 0 : i32
          %mul3A_246 = vector.broadcast %mul3A_245 : i32 to vector<16xi32>
          %mul3A_247 = arith.muli %iota3A, %mul3A_246 : vector<16xi32>
          %slice3A_248 = vector.extract_strided_slice %select_n3A_48 {offsets = [0], sizes = [1], strides = [1]} : vector<16xi32> to vector<1xi32>
          %squeeze3A_249 = vector.extract %slice3A_248[0] : i32 from vector<1xi32>
          %add3A_250 = vector.broadcast %squeeze3A_249 : i32 to vector<16xi32>
          %add3A_251 = arith.addi %mul3A_247, %add3A_250 : vector<16xi32>
          %scatter3A = arith.constant 0 : i32
          %scatter3A_252 = tpu.memref_slice %arg15[%scatter3A] : memref<8xi32, #tpu.memory_space<vmem>> -> memref<8xi32, #tpu.memory_space<vmem>>
          tpu.vector_store_idx %scatter3A_252[%iota3A], %add3A_251 masked %lt3A_28 : memref<8xi32, #tpu.memory_space<vmem>>[vector<16xi32>], vector<16xi32>, vector<16xi1>
          %mul3A_253 = arith.constant 0 : i32
          %mul3A_254 = vector.broadcast %mul3A_253 : i32 to vector<16xi32>
          %mul3A_255 = arith.muli %iota3A, %mul3A_254 : vector<16xi32>
          %slice3A_256 = vector.extract_strided_slice %select_n3A_54 {offsets = [0], sizes = [1], strides = [1]} : vector<16xi32> to vector<1xi32>
          %squeeze3A_257 = vector.extract %slice3A_256[0] : i32 from vector<1xi32>
          %add3A_258 = vector.broadcast %squeeze3A_257 : i32 to vector<16xi32>
          %add3A_259 = arith.addi %mul3A_255, %add3A_258 : vector<16xi32>
          %scatter3A_260 = arith.constant 0 : i32
          %scatter3A_261 = tpu.memref_slice %arg14[%scatter3A_260] : memref<8xi32, #tpu.memory_space<vmem>> -> memref<8xi32, #tpu.memory_space<vmem>>
          tpu.vector_store_idx %scatter3A_261[%iota3A], %add3A_259 masked %lt3A_28 : memref<8xi32, #tpu.memory_space<vmem>>[vector<16xi32>], vector<16xi32>, vector<16xi1>
          %dma_start3A = arith.constant 0 : i32
          %dma_start3A_262 = arith.constant 0 : i32
          %dma_start3A_263 = tpu.memref_slice %arg4[%dma_start3A, %dma_start3A_262] : memref<2048x3072xf32, #tpu.memory_space<hbm>> -> memref<2048x3072xf32, #tpu.memory_space<hbm>>
          tpu.enqueue_indirect_dma source(%dma_start3A_263 : memref<2048x3072xf32, #tpu.memory_space<hbm>>) target(%arg9 : memref<8x3072xf32, #tpu.memory_space<vmem>>) offsets(%arg14 : memref<8xi32, #tpu.memory_space<vmem>>) semaphore(%arg16 : memref<!tpu.dma_semaphore, #tpu.memory_space<semaphore_mem>>)
          %dma_start3A_264 = arith.constant 0 : i32
          %dma_start3A_265 = arith.constant 0 : i32
          %dma_start3A_266 = tpu.memref_slice %arg5[%dma_start3A_264, %dma_start3A_265] : memref<2048x128xi32, #tpu.memory_space<hbm>> -> memref<2048x128xi32, #tpu.memory_space<hbm>>
          tpu.enqueue_indirect_dma source(%dma_start3A_266 : memref<2048x128xi32, #tpu.memory_space<hbm>>) target(%arg10 : memref<8x128xi32, #tpu.memory_space<vmem>>) offsets(%arg14 : memref<8xi32, #tpu.memory_space<vmem>>) semaphore(%arg16 : memref<!tpu.dma_semaphore, #tpu.memory_space<semaphore_mem>>)
          %dma_wait3A = arith.constant 0 : i32
          %dma_wait3A_267 = arith.constant 0 : i32
          %dma_wait3A_268 = tpu.memref_slice %arg4[%dma_wait3A, %dma_wait3A_267] : memref<2048x3072xf32, #tpu.memory_space<hbm>> -> memref<2048x3072xf32, #tpu.memory_space<hbm>>
          tpu.wait_indirect_dma semaphore(%arg16 : memref<!tpu.dma_semaphore, #tpu.memory_space<semaphore_mem>>) src(%dma_wait3A_268 : memref<2048x3072xf32, #tpu.memory_space<hbm>>) dst(%arg9 : memref<8x3072xf32, #tpu.memory_space<vmem>>)
          %dma_wait3A_269 = arith.constant 0 : i32
          %dma_wait3A_270 = arith.constant 0 : i32
          %dma_wait3A_271 = tpu.memref_slice %arg5[%dma_wait3A_269, %dma_wait3A_270] : memref<2048x128xi32, #tpu.memory_space<hbm>> -> memref<2048x128xi32, #tpu.memory_space<hbm>>
          tpu.wait_indirect_dma semaphore(%arg16 : memref<!tpu.dma_semaphore, #tpu.memory_space<semaphore_mem>>) src(%dma_wait3A_271 : memref<2048x128xi32, #tpu.memory_space<hbm>>) dst(%arg10 : memref<8x128xi32, #tpu.memory_space<vmem>>)
          %dma_start3A_272 = arith.constant 0 : i32
          %dma_start3A_273 = arith.constant 0 : i32
          %dma_start3A_274 = tpu.memref_slice %arg2[%dma_start3A_272, %dma_start3A_273] : memref<10000x3072xf32, #tpu.memory_space<hbm>> -> memref<10000x3072xf32, #tpu.memory_space<hbm>>
          tpu.enqueue_indirect_dma source(%arg9 : memref<8x3072xf32, #tpu.memory_space<vmem>>) target(%dma_start3A_274 : memref<10000x3072xf32, #tpu.memory_space<hbm>>) offsets(%arg15 : memref<8xi32, #tpu.memory_space<vmem>>) semaphore(%arg17 : memref<!tpu.dma_semaphore, #tpu.memory_space<semaphore_mem>>)
          %dma_start3A_275 = arith.constant 0 : i32
          %dma_start3A_276 = arith.constant 0 : i32
          %dma_start3A_277 = tpu.memref_slice %arg3[%dma_start3A_275, %dma_start3A_276] : memref<10000x128xi32, #tpu.memory_space<hbm>> -> memref<10000x128xi32, #tpu.memory_space<hbm>>
          tpu.enqueue_indirect_dma source(%arg10 : memref<8x128xi32, #tpu.memory_space<vmem>>) target(%dma_start3A_277 : memref<10000x128xi32, #tpu.memory_space<hbm>>) offsets(%arg15 : memref<8xi32, #tpu.memory_space<vmem>>) semaphore(%arg17 : memref<!tpu.dma_semaphore, #tpu.memory_space<semaphore_mem>>)
          %dma_wait3A_278 = arith.constant 0 : i32
          %dma_wait3A_279 = arith.constant 0 : i32
          %dma_wait3A_280 = tpu.memref_slice %arg2[%dma_wait3A_278, %dma_wait3A_279] : memref<10000x3072xf32, #tpu.memory_space<hbm>> -> memref<10000x3072xf32, #tpu.memory_space<hbm>>
          tpu.wait_indirect_dma semaphore(%arg17 : memref<!tpu.dma_semaphore, #tpu.memory_space<semaphore_mem>>) src(%arg9 : memref<8x3072xf32, #tpu.memory_space<vmem>>) dst(%dma_wait3A_280 : memref<10000x3072xf32, #tpu.memory_space<hbm>>)
          %dma_wait3A_281 = arith.constant 0 : i32
          %dma_wait3A_282 = arith.constant 0 : i32
          %dma_wait3A_283 = tpu.memref_slice %arg3[%dma_wait3A_281, %dma_wait3A_282] : memref<10000x128xi32, #tpu.memory_space<hbm>> -> memref<10000x128xi32, #tpu.memory_space<hbm>>
          tpu.wait_indirect_dma semaphore(%arg17 : memref<!tpu.dma_semaphore, #tpu.memory_space<semaphore_mem>>) src(%arg10 : memref<8x128xi32, #tpu.memory_space<vmem>>) dst(%dma_wait3A_283 : memref<10000x128xi32, #tpu.memory_space<hbm>>)
        } else {
        }
        %gt3A_210 = arith.constant 1 : i32
        %gt3A_211 = arith.cmpi sgt, %min3A_45, %gt3A_210 : i32
        %convert_element_type3A_212 = arith.extui %gt3A_211 : i1 to i32
        %cond3A_213 = arith.constant 0 : i32
        %cond3A_214 = arith.cmpi ne, %convert_element_type3A_212, %cond3A_213 : i32
        scf.if %cond3A_214 {
          %mul3A_245 = arith.constant 0 : i32
          %mul3A_246 = vector.broadcast %mul3A_245 : i32 to vector<16xi32>
          %mul3A_247 = arith.muli %iota3A, %mul3A_246 : vector<16xi32>
          %slice3A_248 = vector.extract_strided_slice %select_n3A_48 {offsets = [1], sizes = [1], strides = [1]} : vector<16xi32> to vector<1xi32>
          %squeeze3A_249 = vector.extract %slice3A_248[0] : i32 from vector<1xi32>
          %add3A_250 = vector.broadcast %squeeze3A_249 : i32 to vector<16xi32>
          %add3A_251 = arith.addi %mul3A_247, %add3A_250 : vector<16xi32>
          %scatter3A = arith.constant 0 : i32
          %scatter3A_252 = tpu.memref_slice %arg15[%scatter3A] : memref<8xi32, #tpu.memory_space<vmem>> -> memref<8xi32, #tpu.memory_space<vmem>>
          tpu.vector_store_idx %scatter3A_252[%iota3A], %add3A_251 masked %lt3A_28 : memref<8xi32, #tpu.memory_space<vmem>>[vector<16xi32>], vector<16xi32>, vector<16xi1>
          %mul3A_253 = arith.constant 0 : i32
          %mul3A_254 = vector.broadcast %mul3A_253 : i32 to vector<16xi32>
          %mul3A_255 = arith.muli %iota3A, %mul3A_254 : vector<16xi32>
          %slice3A_256 = vector.extract_strided_slice %select_n3A_54 {offsets = [1], sizes = [1], strides = [1]} : vector<16xi32> to vector<1xi32>
          %squeeze3A_257 = vector.extract %slice3A_256[0] : i32 from vector<1xi32>
          %add3A_258 = vector.broadcast %squeeze3A_257 : i32 to vector<16xi32>
          %add3A_259 = arith.addi %mul3A_255, %add3A_258 : vector<16xi32>
          %scatter3A_260 = arith.constant 0 : i32
          %scatter3A_261 = tpu.memref_slice %arg14[%scatter3A_260] : memref<8xi32, #tpu.memory_space<vmem>> -> memref<8xi32, #tpu.memory_space<vmem>>
          tpu.vector_store_idx %scatter3A_261[%iota3A], %add3A_259 masked %lt3A_28 : memref<8xi32, #tpu.memory_space<vmem>>[vector<16xi32>], vector<16xi32>, vector<16xi1>
          %dma_start3A = arith.constant 0 : i32
          %dma_start3A_262 = arith.constant 0 : i32
          %dma_start3A_263 = tpu.memref_slice %arg4[%dma_start3A, %dma_start3A_262] : memref<2048x3072xf32, #tpu.memory_space<hbm>> -> memref<2048x3072xf32, #tpu.memory_space<hbm>>
          tpu.enqueue_indirect_dma source(%dma_start3A_263 : memref<2048x3072xf32, #tpu.memory_space<hbm>>) target(%arg9 : memref<8x3072xf32, #tpu.memory_space<vmem>>) offsets(%arg14 : memref<8xi32, #tpu.memory_space<vmem>>) semaphore(%arg16 : memref<!tpu.dma_semaphore, #tpu.memory_space<semaphore_mem>>)
          %dma_start3A_264 = arith.constant 0 : i32
          %dma_start3A_265 = arith.constant 0 : i32
          %dma_start3A_266 = tpu.memref_slice %arg5[%dma_start3A_264, %dma_start3A_265] : memref<2048x128xi32, #tpu.memory_space<hbm>> -> memref<2048x128xi32, #tpu.memory_space<hbm>>
          tpu.enqueue_indirect_dma source(%dma_start3A_266 : memref<2048x128xi32, #tpu.memory_space<hbm>>) target(%arg10 : memref<8x128xi32, #tpu.memory_space<vmem>>) offsets(%arg14 : memref<8xi32, #tpu.memory_space<vmem>>) semaphore(%arg16 : memref<!tpu.dma_semaphore, #tpu.memory_space<semaphore_mem>>)
          %dma_wait3A = arith.constant 0 : i32
          %dma_wait3A_267 = arith.constant 0 : i32
          %dma_wait3A_268 = tpu.memref_slice %arg4[%dma_wait3A, %dma_wait3A_267] : memref<2048x3072xf32, #tpu.memory_space<hbm>> -> memref<2048x3072xf32, #tpu.memory_space<hbm>>
          tpu.wait_indirect_dma semaphore(%arg16 : memref<!tpu.dma_semaphore, #tpu.memory_space<semaphore_mem>>) src(%dma_wait3A_268 : memref<2048x3072xf32, #tpu.memory_space<hbm>>) dst(%arg9 : memref<8x3072xf32, #tpu.memory_space<vmem>>)
          %dma_wait3A_269 = arith.constant 0 : i32
          %dma_wait3A_270 = arith.constant 0 : i32
          %dma_wait3A_271 = tpu.memref_slice %arg5[%dma_wait3A_269, %dma_wait3A_270] : memref<2048x128xi32, #tpu.memory_space<hbm>> -> memref<2048x128xi32, #tpu.memory_space<hbm>>
          tpu.wait_indirect_dma semaphore(%arg16 : memref<!tpu.dma_semaphore, #tpu.memory_space<semaphore_mem>>) src(%dma_wait3A_271 : memref<2048x128xi32, #tpu.memory_space<hbm>>) dst(%arg10 : memref<8x128xi32, #tpu.memory_space<vmem>>)
          %dma_start3A_272 = arith.constant 0 : i32
          %dma_start3A_273 = arith.constant 0 : i32
          %dma_start3A_274 = tpu.memref_slice %arg2[%dma_start3A_272, %dma_start3A_273] : memref<10000x3072xf32, #tpu.memory_space<hbm>> -> memref<10000x3072xf32, #tpu.memory_space<hbm>>
          tpu.enqueue_indirect_dma source(%arg9 : memref<8x3072xf32, #tpu.memory_space<vmem>>) target(%dma_start3A_274 : memref<10000x3072xf32, #tpu.memory_space<hbm>>) offsets(%arg15 : memref<8xi32, #tpu.memory_space<vmem>>) semaphore(%arg17 : memref<!tpu.dma_semaphore, #tpu.memory_space<semaphore_mem>>)
          %dma_start3A_275 = arith.constant 0 : i32
          %dma_start3A_276 = arith.constant 0 : i32
          %dma_start3A_277 = tpu.memref_slice %arg3[%dma_start3A_275, %dma_start3A_276] : memref<10000x128xi32, #tpu.memory_space<hbm>> -> memref<10000x128xi32, #tpu.memory_space<hbm>>
          tpu.enqueue_indirect_dma source(%arg10 : memref<8x128xi32, #tpu.memory_space<vmem>>) target(%dma_start3A_277 : memref<10000x128xi32, #tpu.memory_space<hbm>>) offsets(%arg15 : memref<8xi32, #tpu.memory_space<vmem>>) semaphore(%arg17 : memref<!tpu.dma_semaphore, #tpu.memory_space<semaphore_mem>>)
          %dma_wait3A_278 = arith.constant 0 : i32
          %dma_wait3A_279 = arith.constant 0 : i32
          %dma_wait3A_280 = tpu.memref_slice %arg2[%dma_wait3A_278, %dma_wait3A_279] : memref<10000x3072xf32, #tpu.memory_space<hbm>> -> memref<10000x3072xf32, #tpu.memory_space<hbm>>
          tpu.wait_indirect_dma semaphore(%arg17 : memref<!tpu.dma_semaphore, #tpu.memory_space<semaphore_mem>>) src(%arg9 : memref<8x3072xf32, #tpu.memory_space<vmem>>) dst(%dma_wait3A_280 : memref<10000x3072xf32, #tpu.memory_space<hbm>>)
          %dma_wait3A_281 = arith.constant 0 : i32
          %dma_wait3A_282 = arith.constant 0 : i32
          %dma_wait3A_283 = tpu.memref_slice %arg3[%dma_wait3A_281, %dma_wait3A_282] : memref<10000x128xi32, #tpu.memory_space<hbm>> -> memref<10000x128xi32, #tpu.memory_space<hbm>>
          tpu.wait_indirect_dma semaphore(%arg17 : memref<!tpu.dma_semaphore, #tpu.memory_space<semaphore_mem>>) src(%arg10 : memref<8x128xi32, #tpu.memory_space<vmem>>) dst(%dma_wait3A_283 : memref<10000x128xi32, #tpu.memory_space<hbm>>)
        } else {
        }
        %gt3A_215 = arith.constant 2 : i32
        %gt3A_216 = arith.cmpi sgt, %min3A_45, %gt3A_215 : i32
        %convert_element_type3A_217 = arith.extui %gt3A_216 : i1 to i32
        %cond3A_218 = arith.constant 0 : i32
        %cond3A_219 = arith.cmpi ne, %convert_element_type3A_217, %cond3A_218 : i32
        scf.if %cond3A_219 {
          %mul3A_245 = arith.constant 0 : i32
          %mul3A_246 = vector.broadcast %mul3A_245 : i32 to vector<16xi32>
          %mul3A_247 = arith.muli %iota3A, %mul3A_246 : vector<16xi32>
          %slice3A_248 = vector.extract_strided_slice %select_n3A_48 {offsets = [2], sizes = [1], strides = [1]} : vector<16xi32> to vector<1xi32>
          %squeeze3A_249 = vector.extract %slice3A_248[0] : i32 from vector<1xi32>
          %add3A_250 = vector.broadcast %squeeze3A_249 : i32 to vector<16xi32>
          %add3A_251 = arith.addi %mul3A_247, %add3A_250 : vector<16xi32>
          %scatter3A = arith.constant 0 : i32
          %scatter3A_252 = tpu.memref_slice %arg15[%scatter3A] : memref<8xi32, #tpu.memory_space<vmem>> -> memref<8xi32, #tpu.memory_space<vmem>>
          tpu.vector_store_idx %scatter3A_252[%iota3A], %add3A_251 masked %lt3A_28 : memref<8xi32, #tpu.memory_space<vmem>>[vector<16xi32>], vector<16xi32>, vector<16xi1>
          %mul3A_253 = arith.constant 0 : i32
          %mul3A_254 = vector.broadcast %mul3A_253 : i32 to vector<16xi32>
          %mul3A_255 = arith.muli %iota3A, %mul3A_254 : vector<16xi32>
          %slice3A_256 = vector.extract_strided_slice %select_n3A_54 {offsets = [2], sizes = [1], strides = [1]} : vector<16xi32> to vector<1xi32>
          %squeeze3A_257 = vector.extract %slice3A_256[0] : i32 from vector<1xi32>
          %add3A_258 = vector.broadcast %squeeze3A_257 : i32 to vector<16xi32>
          %add3A_259 = arith.addi %mul3A_255, %add3A_258 : vector<16xi32>
          %scatter3A_260 = arith.constant 0 : i32
          %scatter3A_261 = tpu.memref_slice %arg14[%scatter3A_260] : memref<8xi32, #tpu.memory_space<vmem>> -> memref<8xi32, #tpu.memory_space<vmem>>
          tpu.vector_store_idx %scatter3A_261[%iota3A], %add3A_259 masked %lt3A_28 : memref<8xi32, #tpu.memory_space<vmem>>[vector<16xi32>], vector<16xi32>, vector<16xi1>
          %dma_start3A = arith.constant 0 : i32
          %dma_start3A_262 = arith.constant 0 : i32
          %dma_start3A_263 = tpu.memref_slice %arg4[%dma_start3A, %dma_start3A_262] : memref<2048x3072xf32, #tpu.memory_space<hbm>> -> memref<2048x3072xf32, #tpu.memory_space<hbm>>
          tpu.enqueue_indirect_dma source(%dma_start3A_263 : memref<2048x3072xf32, #tpu.memory_space<hbm>>) target(%arg9 : memref<8x3072xf32, #tpu.memory_space<vmem>>) offsets(%arg14 : memref<8xi32, #tpu.memory_space<vmem>>) semaphore(%arg16 : memref<!tpu.dma_semaphore, #tpu.memory_space<semaphore_mem>>)
          %dma_start3A_264 = arith.constant 0 : i32
          %dma_start3A_265 = arith.constant 0 : i32
          %dma_start3A_266 = tpu.memref_slice %arg5[%dma_start3A_264, %dma_start3A_265] : memref<2048x128xi32, #tpu.memory_space<hbm>> -> memref<2048x128xi32, #tpu.memory_space<hbm>>
          tpu.enqueue_indirect_dma source(%dma_start3A_266 : memref<2048x128xi32, #tpu.memory_space<hbm>>) target(%arg10 : memref<8x128xi32, #tpu.memory_space<vmem>>) offsets(%arg14 : memref<8xi32, #tpu.memory_space<vmem>>) semaphore(%arg16 : memref<!tpu.dma_semaphore, #tpu.memory_space<semaphore_mem>>)
          %dma_wait3A = arith.constant 0 : i32
          %dma_wait3A_267 = arith.constant 0 : i32
          %dma_wait3A_268 = tpu.memref_slice %arg4[%dma_wait3A, %dma_wait3A_267] : memref<2048x3072xf32, #tpu.memory_space<hbm>> -> memref<2048x3072xf32, #tpu.memory_space<hbm>>
          tpu.wait_indirect_dma semaphore(%arg16 : memref<!tpu.dma_semaphore, #tpu.memory_space<semaphore_mem>>) src(%dma_wait3A_268 : memref<2048x3072xf32, #tpu.memory_space<hbm>>) dst(%arg9 : memref<8x3072xf32, #tpu.memory_space<vmem>>)
          %dma_wait3A_269 = arith.constant 0 : i32
          %dma_wait3A_270 = arith.constant 0 : i32
          %dma_wait3A_271 = tpu.memref_slice %arg5[%dma_wait3A_269, %dma_wait3A_270] : memref<2048x128xi32, #tpu.memory_space<hbm>> -> memref<2048x128xi32, #tpu.memory_space<hbm>>
          tpu.wait_indirect_dma semaphore(%arg16 : memref<!tpu.dma_semaphore, #tpu.memory_space<semaphore_mem>>) src(%dma_wait3A_271 : memref<2048x128xi32, #tpu.memory_space<hbm>>) dst(%arg10 : memref<8x128xi32, #tpu.memory_space<vmem>>)
          %dma_start3A_272 = arith.constant 0 : i32
          %dma_start3A_273 = arith.constant 0 : i32
          %dma_start3A_274 = tpu.memref_slice %arg2[%dma_start3A_272, %dma_start3A_273] : memref<10000x3072xf32, #tpu.memory_space<hbm>> -> memref<10000x3072xf32, #tpu.memory_space<hbm>>
          tpu.enqueue_indirect_dma source(%arg9 : memref<8x3072xf32, #tpu.memory_space<vmem>>) target(%dma_start3A_274 : memref<10000x3072xf32, #tpu.memory_space<hbm>>) offsets(%arg15 : memref<8xi32, #tpu.memory_space<vmem>>) semaphore(%arg17 : memref<!tpu.dma_semaphore, #tpu.memory_space<semaphore_mem>>)
          %dma_start3A_275 = arith.constant 0 : i32
          %dma_start3A_276 = arith.constant 0 : i32
          %dma_start3A_277 = tpu.memref_slice %arg3[%dma_start3A_275, %dma_start3A_276] : memref<10000x128xi32, #tpu.memory_space<hbm>> -> memref<10000x128xi32, #tpu.memory_space<hbm>>
          tpu.enqueue_indirect_dma source(%arg10 : memref<8x128xi32, #tpu.memory_space<vmem>>) target(%dma_start3A_277 : memref<10000x128xi32, #tpu.memory_space<hbm>>) offsets(%arg15 : memref<8xi32, #tpu.memory_space<vmem>>) semaphore(%arg17 : memref<!tpu.dma_semaphore, #tpu.memory_space<semaphore_mem>>)
          %dma_wait3A_278 = arith.constant 0 : i32
          %dma_wait3A_279 = arith.constant 0 : i32
          %dma_wait3A_280 = tpu.memref_slice %arg2[%dma_wait3A_278, %dma_wait3A_279] : memref<10000x3072xf32, #tpu.memory_space<hbm>> -> memref<10000x3072xf32, #tpu.memory_space<hbm>>
          tpu.wait_indirect_dma semaphore(%arg17 : memref<!tpu.dma_semaphore, #tpu.memory_space<semaphore_mem>>) src(%arg9 : memref<8x3072xf32, #tpu.memory_space<vmem>>) dst(%dma_wait3A_280 : memref<10000x3072xf32, #tpu.memory_space<hbm>>)
          %dma_wait3A_281 = arith.constant 0 : i32
          %dma_wait3A_282 = arith.constant 0 : i32
          %dma_wait3A_283 = tpu.memref_slice %arg3[%dma_wait3A_281, %dma_wait3A_282] : memref<10000x128xi32, #tpu.memory_space<hbm>> -> memref<10000x128xi32, #tpu.memory_space<hbm>>
          tpu.wait_indirect_dma semaphore(%arg17 : memref<!tpu.dma_semaphore, #tpu.memory_space<semaphore_mem>>) src(%arg10 : memref<8x128xi32, #tpu.memory_space<vmem>>) dst(%dma_wait3A_283 : memref<10000x128xi32, #tpu.memory_space<hbm>>)
        } else {
        }
        %gt3A_220 = arith.constant 3 : i32
        %gt3A_221 = arith.cmpi sgt, %min3A_45, %gt3A_220 : i32
        %convert_element_type3A_222 = arith.extui %gt3A_221 : i1 to i32
        %cond3A_223 = arith.constant 0 : i32
        %cond3A_224 = arith.cmpi ne, %convert_element_type3A_222, %cond3A_223 : i32
        scf.if %cond3A_224 {
          %mul3A_245 = arith.constant 0 : i32
          %mul3A_246 = vector.broadcast %mul3A_245 : i32 to vector<16xi32>
          %mul3A_247 = arith.muli %iota3A, %mul3A_246 : vector<16xi32>
          %slice3A_248 = vector.extract_strided_slice %select_n3A_48 {offsets = [3], sizes = [1], strides = [1]} : vector<16xi32> to vector<1xi32>
          %squeeze3A_249 = vector.extract %slice3A_248[0] : i32 from vector<1xi32>
          %add3A_250 = vector.broadcast %squeeze3A_249 : i32 to vector<16xi32>
          %add3A_251 = arith.addi %mul3A_247, %add3A_250 : vector<16xi32>
          %scatter3A = arith.constant 0 : i32
          %scatter3A_252 = tpu.memref_slice %arg15[%scatter3A] : memref<8xi32, #tpu.memory_space<vmem>> -> memref<8xi32, #tpu.memory_space<vmem>>
          tpu.vector_store_idx %scatter3A_252[%iota3A], %add3A_251 masked %lt3A_28 : memref<8xi32, #tpu.memory_space<vmem>>[vector<16xi32>], vector<16xi32>, vector<16xi1>
          %mul3A_253 = arith.constant 0 : i32
          %mul3A_254 = vector.broadcast %mul3A_253 : i32 to vector<16xi32>
          %mul3A_255 = arith.muli %iota3A, %mul3A_254 : vector<16xi32>
          %slice3A_256 = vector.extract_strided_slice %select_n3A_54 {offsets = [3], sizes = [1], strides = [1]} : vector<16xi32> to vector<1xi32>
          %squeeze3A_257 = vector.extract %slice3A_256[0] : i32 from vector<1xi32>
          %add3A_258 = vector.broadcast %squeeze3A_257 : i32 to vector<16xi32>
          %add3A_259 = arith.addi %mul3A_255, %add3A_258 : vector<16xi32>
          %scatter3A_260 = arith.constant 0 : i32
          %scatter3A_261 = tpu.memref_slice %arg14[%scatter3A_260] : memref<8xi32, #tpu.memory_space<vmem>> -> memref<8xi32, #tpu.memory_space<vmem>>
          tpu.vector_store_idx %scatter3A_261[%iota3A], %add3A_259 masked %lt3A_28 : memref<8xi32, #tpu.memory_space<vmem>>[vector<16xi32>], vector<16xi32>, vector<16xi1>
          %dma_start3A = arith.constant 0 : i32
          %dma_start3A_262 = arith.constant 0 : i32
          %dma_start3A_263 = tpu.memref_slice %arg4[%dma_start3A, %dma_start3A_262] : memref<2048x3072xf32, #tpu.memory_space<hbm>> -> memref<2048x3072xf32, #tpu.memory_space<hbm>>
          tpu.enqueue_indirect_dma source(%dma_start3A_263 : memref<2048x3072xf32, #tpu.memory_space<hbm>>) target(%arg9 : memref<8x3072xf32, #tpu.memory_space<vmem>>) offsets(%arg14 : memref<8xi32, #tpu.memory_space<vmem>>) semaphore(%arg16 : memref<!tpu.dma_semaphore, #tpu.memory_space<semaphore_mem>>)
          %dma_start3A_264 = arith.constant 0 : i32
          %dma_start3A_265 = arith.constant 0 : i32
          %dma_start3A_266 = tpu.memref_slice %arg5[%dma_start3A_264, %dma_start3A_265] : memref<2048x128xi32, #tpu.memory_space<hbm>> -> memref<2048x128xi32, #tpu.memory_space<hbm>>
          tpu.enqueue_indirect_dma source(%dma_start3A_266 : memref<2048x128xi32, #tpu.memory_space<hbm>>) target(%arg10 : memref<8x128xi32, #tpu.memory_space<vmem>>) offsets(%arg14 : memref<8xi32, #tpu.memory_space<vmem>>) semaphore(%arg16 : memref<!tpu.dma_semaphore, #tpu.memory_space<semaphore_mem>>)
          %dma_wait3A = arith.constant 0 : i32
          %dma_wait3A_267 = arith.constant 0 : i32
          %dma_wait3A_268 = tpu.memref_slice %arg4[%dma_wait3A, %dma_wait3A_267] : memref<2048x3072xf32, #tpu.memory_space<hbm>> -> memref<2048x3072xf32, #tpu.memory_space<hbm>>
          tpu.wait_indirect_dma semaphore(%arg16 : memref<!tpu.dma_semaphore, #tpu.memory_space<semaphore_mem>>) src(%dma_wait3A_268 : memref<2048x3072xf32, #tpu.memory_space<hbm>>) dst(%arg9 : memref<8x3072xf32, #tpu.memory_space<vmem>>)
          %dma_wait3A_269 = arith.constant 0 : i32
          %dma_wait3A_270 = arith.constant 0 : i32
          %dma_wait3A_271 = tpu.memref_slice %arg5[%dma_wait3A_269, %dma_wait3A_270] : memref<2048x128xi32, #tpu.memory_space<hbm>> -> memref<2048x128xi32, #tpu.memory_space<hbm>>
          tpu.wait_indirect_dma semaphore(%arg16 : memref<!tpu.dma_semaphore, #tpu.memory_space<semaphore_mem>>) src(%dma_wait3A_271 : memref<2048x128xi32, #tpu.memory_space<hbm>>) dst(%arg10 : memref<8x128xi32, #tpu.memory_space<vmem>>)
          %dma_start3A_272 = arith.constant 0 : i32
          %dma_start3A_273 = arith.constant 0 : i32
          %dma_start3A_274 = tpu.memref_slice %arg2[%dma_start3A_272, %dma_start3A_273] : memref<10000x3072xf32, #tpu.memory_space<hbm>> -> memref<10000x3072xf32, #tpu.memory_space<hbm>>
          tpu.enqueue_indirect_dma source(%arg9 : memref<8x3072xf32, #tpu.memory_space<vmem>>) target(%dma_start3A_274 : memref<10000x3072xf32, #tpu.memory_space<hbm>>) offsets(%arg15 : memref<8xi32, #tpu.memory_space<vmem>>) semaphore(%arg17 : memref<!tpu.dma_semaphore, #tpu.memory_space<semaphore_mem>>)
          %dma_start3A_275 = arith.constant 0 : i32
          %dma_start3A_276 = arith.constant 0 : i32
          %dma_start3A_277 = tpu.memref_slice %arg3[%dma_start3A_275, %dma_start3A_276] : memref<10000x128xi32, #tpu.memory_space<hbm>> -> memref<10000x128xi32, #tpu.memory_space<hbm>>
          tpu.enqueue_indirect_dma source(%arg10 : memref<8x128xi32, #tpu.memory_space<vmem>>) target(%dma_start3A_277 : memref<10000x128xi32, #tpu.memory_space<hbm>>) offsets(%arg15 : memref<8xi32, #tpu.memory_space<vmem>>) semaphore(%arg17 : memref<!tpu.dma_semaphore, #tpu.memory_space<semaphore_mem>>)
          %dma_wait3A_278 = arith.constant 0 : i32
          %dma_wait3A_279 = arith.constant 0 : i32
          %dma_wait3A_280 = tpu.memref_slice %arg2[%dma_wait3A_278, %dma_wait3A_279] : memref<10000x3072xf32, #tpu.memory_space<hbm>> -> memref<10000x3072xf32, #tpu.memory_space<hbm>>
          tpu.wait_indirect_dma semaphore(%arg17 : memref<!tpu.dma_semaphore, #tpu.memory_space<semaphore_mem>>) src(%arg9 : memref<8x3072xf32, #tpu.memory_space<vmem>>) dst(%dma_wait3A_280 : memref<10000x3072xf32, #tpu.memory_space<hbm>>)
          %dma_wait3A_281 = arith.constant 0 : i32
          %dma_wait3A_282 = arith.constant 0 : i32
          %dma_wait3A_283 = tpu.memref_slice %arg3[%dma_wait3A_281, %dma_wait3A_282] : memref<10000x128xi32, #tpu.memory_space<hbm>> -> memref<10000x128xi32, #tpu.memory_space<hbm>>
          tpu.wait_indirect_dma semaphore(%arg17 : memref<!tpu.dma_semaphore, #tpu.memory_space<semaphore_mem>>) src(%arg10 : memref<8x128xi32, #tpu.memory_space<vmem>>) dst(%dma_wait3A_283 : memref<10000x128xi32, #tpu.memory_space<hbm>>)
        } else {
        }
        %gt3A_225 = arith.constant 4 : i32
        %gt3A_226 = arith.cmpi sgt, %min3A_45, %gt3A_225 : i32
        %convert_element_type3A_227 = arith.extui %gt3A_226 : i1 to i32
        %cond3A_228 = arith.constant 0 : i32
        %cond3A_229 = arith.cmpi ne, %convert_element_type3A_227, %cond3A_228 : i32
        scf.if %cond3A_229 {
          %mul3A_245 = arith.constant 0 : i32
          %mul3A_246 = vector.broadcast %mul3A_245 : i32 to vector<16xi32>
          %mul3A_247 = arith.muli %iota3A, %mul3A_246 : vector<16xi32>
          %slice3A_248 = vector.extract_strided_slice %select_n3A_48 {offsets = [4], sizes = [1], strides = [1]} : vector<16xi32> to vector<1xi32>
          %squeeze3A_249 = vector.extract %slice3A_248[0] : i32 from vector<1xi32>
          %add3A_250 = vector.broadcast %squeeze3A_249 : i32 to vector<16xi32>
          %add3A_251 = arith.addi %mul3A_247, %add3A_250 : vector<16xi32>
          %scatter3A = arith.constant 0 : i32
          %scatter3A_252 = tpu.memref_slice %arg15[%scatter3A] : memref<8xi32, #tpu.memory_space<vmem>> -> memref<8xi32, #tpu.memory_space<vmem>>
          tpu.vector_store_idx %scatter3A_252[%iota3A], %add3A_251 masked %lt3A_28 : memref<8xi32, #tpu.memory_space<vmem>>[vector<16xi32>], vector<16xi32>, vector<16xi1>
          %mul3A_253 = arith.constant 0 : i32
          %mul3A_254 = vector.broadcast %mul3A_253 : i32 to vector<16xi32>
          %mul3A_255 = arith.muli %iota3A, %mul3A_254 : vector<16xi32>
          %slice3A_256 = vector.extract_strided_slice %select_n3A_54 {offsets = [4], sizes = [1], strides = [1]} : vector<16xi32> to vector<1xi32>
          %squeeze3A_257 = vector.extract %slice3A_256[0] : i32 from vector<1xi32>
          %add3A_258 = vector.broadcast %squeeze3A_257 : i32 to vector<16xi32>
          %add3A_259 = arith.addi %mul3A_255, %add3A_258 : vector<16xi32>
          %scatter3A_260 = arith.constant 0 : i32
          %scatter3A_261 = tpu.memref_slice %arg14[%scatter3A_260] : memref<8xi32, #tpu.memory_space<vmem>> -> memref<8xi32, #tpu.memory_space<vmem>>
          tpu.vector_store_idx %scatter3A_261[%iota3A], %add3A_259 masked %lt3A_28 : memref<8xi32, #tpu.memory_space<vmem>>[vector<16xi32>], vector<16xi32>, vector<16xi1>
          %dma_start3A = arith.constant 0 : i32
          %dma_start3A_262 = arith.constant 0 : i32
          %dma_start3A_263 = tpu.memref_slice %arg4[%dma_start3A, %dma_start3A_262] : memref<2048x3072xf32, #tpu.memory_space<hbm>> -> memref<2048x3072xf32, #tpu.memory_space<hbm>>
          tpu.enqueue_indirect_dma source(%dma_start3A_263 : memref<2048x3072xf32, #tpu.memory_space<hbm>>) target(%arg9 : memref<8x3072xf32, #tpu.memory_space<vmem>>) offsets(%arg14 : memref<8xi32, #tpu.memory_space<vmem>>) semaphore(%arg16 : memref<!tpu.dma_semaphore, #tpu.memory_space<semaphore_mem>>)
          %dma_start3A_264 = arith.constant 0 : i32
          %dma_start3A_265 = arith.constant 0 : i32
          %dma_start3A_266 = tpu.memref_slice %arg5[%dma_start3A_264, %dma_start3A_265] : memref<2048x128xi32, #tpu.memory_space<hbm>> -> memref<2048x128xi32, #tpu.memory_space<hbm>>
          tpu.enqueue_indirect_dma source(%dma_start3A_266 : memref<2048x128xi32, #tpu.memory_space<hbm>>) target(%arg10 : memref<8x128xi32, #tpu.memory_space<vmem>>) offsets(%arg14 : memref<8xi32, #tpu.memory_space<vmem>>) semaphore(%arg16 : memref<!tpu.dma_semaphore, #tpu.memory_space<semaphore_mem>>)
          %dma_wait3A = arith.constant 0 : i32
          %dma_wait3A_267 = arith.constant 0 : i32
          %dma_wait3A_268 = tpu.memref_slice %arg4[%dma_wait3A, %dma_wait3A_267] : memref<2048x3072xf32, #tpu.memory_space<hbm>> -> memref<2048x3072xf32, #tpu.memory_space<hbm>>
          tpu.wait_indirect_dma semaphore(%arg16 : memref<!tpu.dma_semaphore, #tpu.memory_space<semaphore_mem>>) src(%dma_wait3A_268 : memref<2048x3072xf32, #tpu.memory_space<hbm>>) dst(%arg9 : memref<8x3072xf32, #tpu.memory_space<vmem>>)
          %dma_wait3A_269 = arith.constant 0 : i32
          %dma_wait3A_270 = arith.constant 0 : i32
          %dma_wait3A_271 = tpu.memref_slice %arg5[%dma_wait3A_269, %dma_wait3A_270] : memref<2048x128xi32, #tpu.memory_space<hbm>> -> memref<2048x128xi32, #tpu.memory_space<hbm>>
          tpu.wait_indirect_dma semaphore(%arg16 : memref<!tpu.dma_semaphore, #tpu.memory_space<semaphore_mem>>) src(%dma_wait3A_271 : memref<2048x128xi32, #tpu.memory_space<hbm>>) dst(%arg10 : memref<8x128xi32, #tpu.memory_space<vmem>>)
          %dma_start3A_272 = arith.constant 0 : i32
          %dma_start3A_273 = arith.constant 0 : i32
          %dma_start3A_274 = tpu.memref_slice %arg2[%dma_start3A_272, %dma_start3A_273] : memref<10000x3072xf32, #tpu.memory_space<hbm>> -> memref<10000x3072xf32, #tpu.memory_space<hbm>>
          tpu.enqueue_indirect_dma source(%arg9 : memref<8x3072xf32, #tpu.memory_space<vmem>>) target(%dma_start3A_274 : memref<10000x3072xf32, #tpu.memory_space<hbm>>) offsets(%arg15 : memref<8xi32, #tpu.memory_space<vmem>>) semaphore(%arg17 : memref<!tpu.dma_semaphore, #tpu.memory_space<semaphore_mem>>)
          %dma_start3A_275 = arith.constant 0 : i32
          %dma_start3A_276 = arith.constant 0 : i32
          %dma_start3A_277 = tpu.memref_slice %arg3[%dma_start3A_275, %dma_start3A_276] : memref<10000x128xi32, #tpu.memory_space<hbm>> -> memref<10000x128xi32, #tpu.memory_space<hbm>>
          tpu.enqueue_indirect_dma source(%arg10 : memref<8x128xi32, #tpu.memory_space<vmem>>) target(%dma_start3A_277 : memref<10000x128xi32, #tpu.memory_space<hbm>>) offsets(%arg15 : memref<8xi32, #tpu.memory_space<vmem>>) semaphore(%arg17 : memref<!tpu.dma_semaphore, #tpu.memory_space<semaphore_mem>>)
          %dma_wait3A_278 = arith.constant 0 : i32
          %dma_wait3A_279 = arith.constant 0 : i32
          %dma_wait3A_280 = tpu.memref_slice %arg2[%dma_wait3A_278, %dma_wait3A_279] : memref<10000x3072xf32, #tpu.memory_space<hbm>> -> memref<10000x3072xf32, #tpu.memory_space<hbm>>
          tpu.wait_indirect_dma semaphore(%arg17 : memref<!tpu.dma_semaphore, #tpu.memory_space<semaphore_mem>>) src(%arg9 : memref<8x3072xf32, #tpu.memory_space<vmem>>) dst(%dma_wait3A_280 : memref<10000x3072xf32, #tpu.memory_space<hbm>>)
          %dma_wait3A_281 = arith.constant 0 : i32
          %dma_wait3A_282 = arith.constant 0 : i32
          %dma_wait3A_283 = tpu.memref_slice %arg3[%dma_wait3A_281, %dma_wait3A_282] : memref<10000x128xi32, #tpu.memory_space<hbm>> -> memref<10000x128xi32, #tpu.memory_space<hbm>>
          tpu.wait_indirect_dma semaphore(%arg17 : memref<!tpu.dma_semaphore, #tpu.memory_space<semaphore_mem>>) src(%arg10 : memref<8x128xi32, #tpu.memory_space<vmem>>) dst(%dma_wait3A_283 : memref<10000x128xi32, #tpu.memory_space<hbm>>)
        } else {
        }
        %gt3A_230 = arith.constant 5 : i32
        %gt3A_231 = arith.cmpi sgt, %min3A_45, %gt3A_230 : i32
        %convert_element_type3A_232 = arith.extui %gt3A_231 : i1 to i32
        %cond3A_233 = arith.constant 0 : i32
        %cond3A_234 = arith.cmpi ne, %convert_element_type3A_232, %cond3A_233 : i32
        scf.if %cond3A_234 {
          %mul3A_245 = arith.constant 0 : i32
          %mul3A_246 = vector.broadcast %mul3A_245 : i32 to vector<16xi32>
          %mul3A_247 = arith.muli %iota3A, %mul3A_246 : vector<16xi32>
          %slice3A_248 = vector.extract_strided_slice %select_n3A_48 {offsets = [5], sizes = [1], strides = [1]} : vector<16xi32> to vector<1xi32>
          %squeeze3A_249 = vector.extract %slice3A_248[0] : i32 from vector<1xi32>
          %add3A_250 = vector.broadcast %squeeze3A_249 : i32 to vector<16xi32>
          %add3A_251 = arith.addi %mul3A_247, %add3A_250 : vector<16xi32>
          %scatter3A = arith.constant 0 : i32
          %scatter3A_252 = tpu.memref_slice %arg15[%scatter3A] : memref<8xi32, #tpu.memory_space<vmem>> -> memref<8xi32, #tpu.memory_space<vmem>>
          tpu.vector_store_idx %scatter3A_252[%iota3A], %add3A_251 masked %lt3A_28 : memref<8xi32, #tpu.memory_space<vmem>>[vector<16xi32>], vector<16xi32>, vector<16xi1>
          %mul3A_253 = arith.constant 0 : i32
          %mul3A_254 = vector.broadcast %mul3A_253 : i32 to vector<16xi32>
          %mul3A_255 = arith.muli %iota3A, %mul3A_254 : vector<16xi32>
          %slice3A_256 = vector.extract_strided_slice %select_n3A_54 {offsets = [5], sizes = [1], strides = [1]} : vector<16xi32> to vector<1xi32>
          %squeeze3A_257 = vector.extract %slice3A_256[0] : i32 from vector<1xi32>
          %add3A_258 = vector.broadcast %squeeze3A_257 : i32 to vector<16xi32>
          %add3A_259 = arith.addi %mul3A_255, %add3A_258 : vector<16xi32>
          %scatter3A_260 = arith.constant 0 : i32
          %scatter3A_261 = tpu.memref_slice %arg14[%scatter3A_260] : memref<8xi32, #tpu.memory_space<vmem>> -> memref<8xi32, #tpu.memory_space<vmem>>
          tpu.vector_store_idx %scatter3A_261[%iota3A], %add3A_259 masked %lt3A_28 : memref<8xi32, #tpu.memory_space<vmem>>[vector<16xi32>], vector<16xi32>, vector<16xi1>
          %dma_start3A = arith.constant 0 : i32
          %dma_start3A_262 = arith.constant 0 : i32
          %dma_start3A_263 = tpu.memref_slice %arg4[%dma_start3A, %dma_start3A_262] : memref<2048x3072xf32, #tpu.memory_space<hbm>> -> memref<2048x3072xf32, #tpu.memory_space<hbm>>
          tpu.enqueue_indirect_dma source(%dma_start3A_263 : memref<2048x3072xf32, #tpu.memory_space<hbm>>) target(%arg9 : memref<8x3072xf32, #tpu.memory_space<vmem>>) offsets(%arg14 : memref<8xi32, #tpu.memory_space<vmem>>) semaphore(%arg16 : memref<!tpu.dma_semaphore, #tpu.memory_space<semaphore_mem>>)
          %dma_start3A_264 = arith.constant 0 : i32
          %dma_start3A_265 = arith.constant 0 : i32
          %dma_start3A_266 = tpu.memref_slice %arg5[%dma_start3A_264, %dma_start3A_265] : memref<2048x128xi32, #tpu.memory_space<hbm>> -> memref<2048x128xi32, #tpu.memory_space<hbm>>
          tpu.enqueue_indirect_dma source(%dma_start3A_266 : memref<2048x128xi32, #tpu.memory_space<hbm>>) target(%arg10 : memref<8x128xi32, #tpu.memory_space<vmem>>) offsets(%arg14 : memref<8xi32, #tpu.memory_space<vmem>>) semaphore(%arg16 : memref<!tpu.dma_semaphore, #tpu.memory_space<semaphore_mem>>)
          %dma_wait3A = arith.constant 0 : i32
          %dma_wait3A_267 = arith.constant 0 : i32
          %dma_wait3A_268 = tpu.memref_slice %arg4[%dma_wait3A, %dma_wait3A_267] : memref<2048x3072xf32, #tpu.memory_space<hbm>> -> memref<2048x3072xf32, #tpu.memory_space<hbm>>
          tpu.wait_indirect_dma semaphore(%arg16 : memref<!tpu.dma_semaphore, #tpu.memory_space<semaphore_mem>>) src(%dma_wait3A_268 : memref<2048x3072xf32, #tpu.memory_space<hbm>>) dst(%arg9 : memref<8x3072xf32, #tpu.memory_space<vmem>>)
          %dma_wait3A_269 = arith.constant 0 : i32
          %dma_wait3A_270 = arith.constant 0 : i32
          %dma_wait3A_271 = tpu.memref_slice %arg5[%dma_wait3A_269, %dma_wait3A_270] : memref<2048x128xi32, #tpu.memory_space<hbm>> -> memref<2048x128xi32, #tpu.memory_space<hbm>>
          tpu.wait_indirect_dma semaphore(%arg16 : memref<!tpu.dma_semaphore, #tpu.memory_space<semaphore_mem>>) src(%dma_wait3A_271 : memref<2048x128xi32, #tpu.memory_space<hbm>>) dst(%arg10 : memref<8x128xi32, #tpu.memory_space<vmem>>)
          %dma_start3A_272 = arith.constant 0 : i32
          %dma_start3A_273 = arith.constant 0 : i32
          %dma_start3A_274 = tpu.memref_slice %arg2[%dma_start3A_272, %dma_start3A_273] : memref<10000x3072xf32, #tpu.memory_space<hbm>> -> memref<10000x3072xf32, #tpu.memory_space<hbm>>
          tpu.enqueue_indirect_dma source(%arg9 : memref<8x3072xf32, #tpu.memory_space<vmem>>) target(%dma_start3A_274 : memref<10000x3072xf32, #tpu.memory_space<hbm>>) offsets(%arg15 : memref<8xi32, #tpu.memory_space<vmem>>) semaphore(%arg17 : memref<!tpu.dma_semaphore, #tpu.memory_space<semaphore_mem>>)
          %dma_start3A_275 = arith.constant 0 : i32
          %dma_start3A_276 = arith.constant 0 : i32
          %dma_start3A_277 = tpu.memref_slice %arg3[%dma_start3A_275, %dma_start3A_276] : memref<10000x128xi32, #tpu.memory_space<hbm>> -> memref<10000x128xi32, #tpu.memory_space<hbm>>
          tpu.enqueue_indirect_dma source(%arg10 : memref<8x128xi32, #tpu.memory_space<vmem>>) target(%dma_start3A_277 : memref<10000x128xi32, #tpu.memory_space<hbm>>) offsets(%arg15 : memref<8xi32, #tpu.memory_space<vmem>>) semaphore(%arg17 : memref<!tpu.dma_semaphore, #tpu.memory_space<semaphore_mem>>)
          %dma_wait3A_278 = arith.constant 0 : i32
          %dma_wait3A_279 = arith.constant 0 : i32
          %dma_wait3A_280 = tpu.memref_slice %arg2[%dma_wait3A_278, %dma_wait3A_279] : memref<10000x3072xf32, #tpu.memory_space<hbm>> -> memref<10000x3072xf32, #tpu.memory_space<hbm>>
          tpu.wait_indirect_dma semaphore(%arg17 : memref<!tpu.dma_semaphore, #tpu.memory_space<semaphore_mem>>) src(%arg9 : memref<8x3072xf32, #tpu.memory_space<vmem>>) dst(%dma_wait3A_280 : memref<10000x3072xf32, #tpu.memory_space<hbm>>)
          %dma_wait3A_281 = arith.constant 0 : i32
          %dma_wait3A_282 = arith.constant 0 : i32
          %dma_wait3A_283 = tpu.memref_slice %arg3[%dma_wait3A_281, %dma_wait3A_282] : memref<10000x128xi32, #tpu.memory_space<hbm>> -> memref<10000x128xi32, #tpu.memory_space<hbm>>
          tpu.wait_indirect_dma semaphore(%arg17 : memref<!tpu.dma_semaphore, #tpu.memory_space<semaphore_mem>>) src(%arg10 : memref<8x128xi32, #tpu.memory_space<vmem>>) dst(%dma_wait3A_283 : memref<10000x128xi32, #tpu.memory_space<hbm>>)
        } else {
        }
        %gt3A_235 = arith.constant 6 : i32
        %gt3A_236 = arith.cmpi sgt, %min3A_45, %gt3A_235 : i32
        %convert_element_type3A_237 = arith.extui %gt3A_236 : i1 to i32
        %cond3A_238 = arith.constant 0 : i32
        %cond3A_239 = arith.cmpi ne, %convert_element_type3A_237, %cond3A_238 : i32
        scf.if %cond3A_239 {
          %mul3A_245 = arith.constant 0 : i32
          %mul3A_246 = vector.broadcast %mul3A_245 : i32 to vector<16xi32>
          %mul3A_247 = arith.muli %iota3A, %mul3A_246 : vector<16xi32>
          %slice3A_248 = vector.extract_strided_slice %select_n3A_48 {offsets = [6], sizes = [1], strides = [1]} : vector<16xi32> to vector<1xi32>
          %squeeze3A_249 = vector.extract %slice3A_248[0] : i32 from vector<1xi32>
          %add3A_250 = vector.broadcast %squeeze3A_249 : i32 to vector<16xi32>
          %add3A_251 = arith.addi %mul3A_247, %add3A_250 : vector<16xi32>
          %scatter3A = arith.constant 0 : i32
          %scatter3A_252 = tpu.memref_slice %arg15[%scatter3A] : memref<8xi32, #tpu.memory_space<vmem>> -> memref<8xi32, #tpu.memory_space<vmem>>
          tpu.vector_store_idx %scatter3A_252[%iota3A], %add3A_251 masked %lt3A_28 : memref<8xi32, #tpu.memory_space<vmem>>[vector<16xi32>], vector<16xi32>, vector<16xi1>
          %mul3A_253 = arith.constant 0 : i32
          %mul3A_254 = vector.broadcast %mul3A_253 : i32 to vector<16xi32>
          %mul3A_255 = arith.muli %iota3A, %mul3A_254 : vector<16xi32>
          %slice3A_256 = vector.extract_strided_slice %select_n3A_54 {offsets = [6], sizes = [1], strides = [1]} : vector<16xi32> to vector<1xi32>
          %squeeze3A_257 = vector.extract %slice3A_256[0] : i32 from vector<1xi32>
          %add3A_258 = vector.broadcast %squeeze3A_257 : i32 to vector<16xi32>
          %add3A_259 = arith.addi %mul3A_255, %add3A_258 : vector<16xi32>
          %scatter3A_260 = arith.constant 0 : i32
          %scatter3A_261 = tpu.memref_slice %arg14[%scatter3A_260] : memref<8xi32, #tpu.memory_space<vmem>> -> memref<8xi32, #tpu.memory_space<vmem>>
          tpu.vector_store_idx %scatter3A_261[%iota3A], %add3A_259 masked %lt3A_28 : memref<8xi32, #tpu.memory_space<vmem>>[vector<16xi32>], vector<16xi32>, vector<16xi1>
          %dma_start3A = arith.constant 0 : i32
          %dma_start3A_262 = arith.constant 0 : i32
          %dma_start3A_263 = tpu.memref_slice %arg4[%dma_start3A, %dma_start3A_262] : memref<2048x3072xf32, #tpu.memory_space<hbm>> -> memref<2048x3072xf32, #tpu.memory_space<hbm>>
          tpu.enqueue_indirect_dma source(%dma_start3A_263 : memref<2048x3072xf32, #tpu.memory_space<hbm>>) target(%arg9 : memref<8x3072xf32, #tpu.memory_space<vmem>>) offsets(%arg14 : memref<8xi32, #tpu.memory_space<vmem>>) semaphore(%arg16 : memref<!tpu.dma_semaphore, #tpu.memory_space<semaphore_mem>>)
          %dma_start3A_264 = arith.constant 0 : i32
          %dma_start3A_265 = arith.constant 0 : i32
          %dma_start3A_266 = tpu.memref_slice %arg5[%dma_start3A_264, %dma_start3A_265] : memref<2048x128xi32, #tpu.memory_space<hbm>> -> memref<2048x128xi32, #tpu.memory_space<hbm>>
          tpu.enqueue_indirect_dma source(%dma_start3A_266 : memref<2048x128xi32, #tpu.memory_space<hbm>>) target(%arg10 : memref<8x128xi32, #tpu.memory_space<vmem>>) offsets(%arg14 : memref<8xi32, #tpu.memory_space<vmem>>) semaphore(%arg16 : memref<!tpu.dma_semaphore, #tpu.memory_space<semaphore_mem>>)
          %dma_wait3A = arith.constant 0 : i32
          %dma_wait3A_267 = arith.constant 0 : i32
          %dma_wait3A_268 = tpu.memref_slice %arg4[%dma_wait3A, %dma_wait3A_267] : memref<2048x3072xf32, #tpu.memory_space<hbm>> -> memref<2048x3072xf32, #tpu.memory_space<hbm>>
          tpu.wait_indirect_dma semaphore(%arg16 : memref<!tpu.dma_semaphore, #tpu.memory_space<semaphore_mem>>) src(%dma_wait3A_268 : memref<2048x3072xf32, #tpu.memory_space<hbm>>) dst(%arg9 : memref<8x3072xf32, #tpu.memory_space<vmem>>)
          %dma_wait3A_269 = arith.constant 0 : i32
          %dma_wait3A_270 = arith.constant 0 : i32
          %dma_wait3A_271 = tpu.memref_slice %arg5[%dma_wait3A_269, %dma_wait3A_270] : memref<2048x128xi32, #tpu.memory_space<hbm>> -> memref<2048x128xi32, #tpu.memory_space<hbm>>
          tpu.wait_indirect_dma semaphore(%arg16 : memref<!tpu.dma_semaphore, #tpu.memory_space<semaphore_mem>>) src(%dma_wait3A_271 : memref<2048x128xi32, #tpu.memory_space<hbm>>) dst(%arg10 : memref<8x128xi32, #tpu.memory_space<vmem>>)
          %dma_start3A_272 = arith.constant 0 : i32
          %dma_start3A_273 = arith.constant 0 : i32
          %dma_start3A_274 = tpu.memref_slice %arg2[%dma_start3A_272, %dma_start3A_273] : memref<10000x3072xf32, #tpu.memory_space<hbm>> -> memref<10000x3072xf32, #tpu.memory_space<hbm>>
          tpu.enqueue_indirect_dma source(%arg9 : memref<8x3072xf32, #tpu.memory_space<vmem>>) target(%dma_start3A_274 : memref<10000x3072xf32, #tpu.memory_space<hbm>>) offsets(%arg15 : memref<8xi32, #tpu.memory_space<vmem>>) semaphore(%arg17 : memref<!tpu.dma_semaphore, #tpu.memory_space<semaphore_mem>>)
          %dma_start3A_275 = arith.constant 0 : i32
          %dma_start3A_276 = arith.constant 0 : i32
          %dma_start3A_277 = tpu.memref_slice %arg3[%dma_start3A_275, %dma_start3A_276] : memref<10000x128xi32, #tpu.memory_space<hbm>> -> memref<10000x128xi32, #tpu.memory_space<hbm>>
          tpu.enqueue_indirect_dma source(%arg10 : memref<8x128xi32, #tpu.memory_space<vmem>>) target(%dma_start3A_277 : memref<10000x128xi32, #tpu.memory_space<hbm>>) offsets(%arg15 : memref<8xi32, #tpu.memory_space<vmem>>) semaphore(%arg17 : memref<!tpu.dma_semaphore, #tpu.memory_space<semaphore_mem>>)
          %dma_wait3A_278 = arith.constant 0 : i32
          %dma_wait3A_279 = arith.constant 0 : i32
          %dma_wait3A_280 = tpu.memref_slice %arg2[%dma_wait3A_278, %dma_wait3A_279] : memref<10000x3072xf32, #tpu.memory_space<hbm>> -> memref<10000x3072xf32, #tpu.memory_space<hbm>>
          tpu.wait_indirect_dma semaphore(%arg17 : memref<!tpu.dma_semaphore, #tpu.memory_space<semaphore_mem>>) src(%arg9 : memref<8x3072xf32, #tpu.memory_space<vmem>>) dst(%dma_wait3A_280 : memref<10000x3072xf32, #tpu.memory_space<hbm>>)
          %dma_wait3A_281 = arith.constant 0 : i32
          %dma_wait3A_282 = arith.constant 0 : i32
          %dma_wait3A_283 = tpu.memref_slice %arg3[%dma_wait3A_281, %dma_wait3A_282] : memref<10000x128xi32, #tpu.memory_space<hbm>> -> memref<10000x128xi32, #tpu.memory_space<hbm>>
          tpu.wait_indirect_dma semaphore(%arg17 : memref<!tpu.dma_semaphore, #tpu.memory_space<semaphore_mem>>) src(%arg10 : memref<8x128xi32, #tpu.memory_space<vmem>>) dst(%dma_wait3A_283 : memref<10000x128xi32, #tpu.memory_space<hbm>>)
        } else {
        }
        %gt3A_240 = arith.constant 7 : i32
        %gt3A_241 = arith.cmpi sgt, %min3A_45, %gt3A_240 : i32
        %convert_element_type3A_242 = arith.extui %gt3A_241 : i1 to i32
        %cond3A_243 = arith.constant 0 : i32
        %cond3A_244 = arith.cmpi ne, %convert_element_type3A_242, %cond3A_243 : i32
        scf.if %cond3A_244 {
          %mul3A_245 = arith.constant 0 : i32
          %mul3A_246 = vector.broadcast %mul3A_245 : i32 to vector<16xi32>
          %mul3A_247 = arith.muli %iota3A, %mul3A_246 : vector<16xi32>
          %slice3A_248 = vector.extract_strided_slice %select_n3A_48 {offsets = [7], sizes = [1], strides = [1]} : vector<16xi32> to vector<1xi32>
          %squeeze3A_249 = vector.extract %slice3A_248[0] : i32 from vector<1xi32>
          %add3A_250 = vector.broadcast %squeeze3A_249 : i32 to vector<16xi32>
          %add3A_251 = arith.addi %mul3A_247, %add3A_250 : vector<16xi32>
          %scatter3A = arith.constant 0 : i32
          %scatter3A_252 = tpu.memref_slice %arg15[%scatter3A] : memref<8xi32, #tpu.memory_space<vmem>> -> memref<8xi32, #tpu.memory_space<vmem>>
          tpu.vector_store_idx %scatter3A_252[%iota3A], %add3A_251 masked %lt3A_28 : memref<8xi32, #tpu.memory_space<vmem>>[vector<16xi32>], vector<16xi32>, vector<16xi1>
          %mul3A_253 = arith.constant 0 : i32
          %mul3A_254 = vector.broadcast %mul3A_253 : i32 to vector<16xi32>
          %mul3A_255 = arith.muli %iota3A, %mul3A_254 : vector<16xi32>
          %slice3A_256 = vector.extract_strided_slice %select_n3A_54 {offsets = [7], sizes = [1], strides = [1]} : vector<16xi32> to vector<1xi32>
          %squeeze3A_257 = vector.extract %slice3A_256[0] : i32 from vector<1xi32>
          %add3A_258 = vector.broadcast %squeeze3A_257 : i32 to vector<16xi32>
          %add3A_259 = arith.addi %mul3A_255, %add3A_258 : vector<16xi32>
          %scatter3A_260 = arith.constant 0 : i32
          %scatter3A_261 = tpu.memref_slice %arg14[%scatter3A_260] : memref<8xi32, #tpu.memory_space<vmem>> -> memref<8xi32, #tpu.memory_space<vmem>>
          tpu.vector_store_idx %scatter3A_261[%iota3A], %add3A_259 masked %lt3A_28 : memref<8xi32, #tpu.memory_space<vmem>>[vector<16xi32>], vector<16xi32>, vector<16xi1>
          %dma_start3A = arith.constant 0 : i32
          %dma_start3A_262 = arith.constant 0 : i32
          %dma_start3A_263 = tpu.memref_slice %arg4[%dma_start3A, %dma_start3A_262] : memref<2048x3072xf32, #tpu.memory_space<hbm>> -> memref<2048x3072xf32, #tpu.memory_space<hbm>>
          tpu.enqueue_indirect_dma source(%dma_start3A_263 : memref<2048x3072xf32, #tpu.memory_space<hbm>>) target(%arg9 : memref<8x3072xf32, #tpu.memory_space<vmem>>) offsets(%arg14 : memref<8xi32, #tpu.memory_space<vmem>>) semaphore(%arg16 : memref<!tpu.dma_semaphore, #tpu.memory_space<semaphore_mem>>)
          %dma_start3A_264 = arith.constant 0 : i32
          %dma_start3A_265 = arith.constant 0 : i32
          %dma_start3A_266 = tpu.memref_slice %arg5[%dma_start3A_264, %dma_start3A_265] : memref<2048x128xi32, #tpu.memory_space<hbm>> -> memref<2048x128xi32, #tpu.memory_space<hbm>>
          tpu.enqueue_indirect_dma source(%dma_start3A_266 : memref<2048x128xi32, #tpu.memory_space<hbm>>) target(%arg10 : memref<8x128xi32, #tpu.memory_space<vmem>>) offsets(%arg14 : memref<8xi32, #tpu.memory_space<vmem>>) semaphore(%arg16 : memref<!tpu.dma_semaphore, #tpu.memory_space<semaphore_mem>>)
          %dma_wait3A = arith.constant 0 : i32
          %dma_wait3A_267 = arith.constant 0 : i32
          %dma_wait3A_268 = tpu.memref_slice %arg4[%dma_wait3A, %dma_wait3A_267] : memref<2048x3072xf32, #tpu.memory_space<hbm>> -> memref<2048x3072xf32, #tpu.memory_space<hbm>>
          tpu.wait_indirect_dma semaphore(%arg16 : memref<!tpu.dma_semaphore, #tpu.memory_space<semaphore_mem>>) src(%dma_wait3A_268 : memref<2048x3072xf32, #tpu.memory_space<hbm>>) dst(%arg9 : memref<8x3072xf32, #tpu.memory_space<vmem>>)
          %dma_wait3A_269 = arith.constant 0 : i32
          %dma_wait3A_270 = arith.constant 0 : i32
          %dma_wait3A_271 = tpu.memref_slice %arg5[%dma_wait3A_269, %dma_wait3A_270] : memref<2048x128xi32, #tpu.memory_space<hbm>> -> memref<2048x128xi32, #tpu.memory_space<hbm>>
          tpu.wait_indirect_dma semaphore(%arg16 : memref<!tpu.dma_semaphore, #tpu.memory_space<semaphore_mem>>) src(%dma_wait3A_271 : memref<2048x128xi32, #tpu.memory_space<hbm>>) dst(%arg10 : memref<8x128xi32, #tpu.memory_space<vmem>>)
          %dma_start3A_272 = arith.constant 0 : i32
          %dma_start3A_273 = arith.constant 0 : i32
          %dma_start3A_274 = tpu.memref_slice %arg2[%dma_start3A_272, %dma_start3A_273] : memref<10000x3072xf32, #tpu.memory_space<hbm>> -> memref<10000x3072xf32, #tpu.memory_space<hbm>>
          tpu.enqueue_indirect_dma source(%arg9 : memref<8x3072xf32, #tpu.memory_space<vmem>>) target(%dma_start3A_274 : memref<10000x3072xf32, #tpu.memory_space<hbm>>) offsets(%arg15 : memref<8xi32, #tpu.memory_space<vmem>>) semaphore(%arg17 : memref<!tpu.dma_semaphore, #tpu.memory_space<semaphore_mem>>)
          %dma_start3A_275 = arith.constant 0 : i32
          %dma_start3A_276 = arith.constant 0 : i32
          %dma_start3A_277 = tpu.memref_slice %arg3[%dma_start3A_275, %dma_start3A_276] : memref<10000x128xi32, #tpu.memory_space<hbm>> -> memref<10000x128xi32, #tpu.memory_space<hbm>>
          tpu.enqueue_indirect_dma source(%arg10 : memref<8x128xi32, #tpu.memory_space<vmem>>) target(%dma_start3A_277 : memref<10000x128xi32, #tpu.memory_space<hbm>>) offsets(%arg15 : memref<8xi32, #tpu.memory_space<vmem>>) semaphore(%arg17 : memref<!tpu.dma_semaphore, #tpu.memory_space<semaphore_mem>>)
          %dma_wait3A_278 = arith.constant 0 : i32
          %dma_wait3A_279 = arith.constant 0 : i32
          %dma_wait3A_280 = tpu.memref_slice %arg2[%dma_wait3A_278, %dma_wait3A_279] : memref<10000x3072xf32, #tpu.memory_space<hbm>> -> memref<10000x3072xf32, #tpu.memory_space<hbm>>
          tpu.wait_indirect_dma semaphore(%arg17 : memref<!tpu.dma_semaphore, #tpu.memory_space<semaphore_mem>>) src(%arg9 : memref<8x3072xf32, #tpu.memory_space<vmem>>) dst(%dma_wait3A_280 : memref<10000x3072xf32, #tpu.memory_space<hbm>>)
          %dma_wait3A_281 = arith.constant 0 : i32
          %dma_wait3A_282 = arith.constant 0 : i32
          %dma_wait3A_283 = tpu.memref_slice %arg3[%dma_wait3A_281, %dma_wait3A_282] : memref<10000x128xi32, #tpu.memory_space<hbm>> -> memref<10000x128xi32, #tpu.memory_space<hbm>>
          tpu.wait_indirect_dma semaphore(%arg17 : memref<!tpu.dma_semaphore, #tpu.memory_space<semaphore_mem>>) src(%arg10 : memref<8x128xi32, #tpu.memory_space<vmem>>) dst(%dma_wait3A_283 : memref<10000x128xi32, #tpu.memory_space<hbm>>)
        } else {
        }
      } else {
      }
    }
    %while3A_37 = arith.constant 1 : i32
    scf.for %while3A_38 = %while3A_35 to %while3A_31 step %while3A_37  : i32 {
      %mul3A_39 = arith.constant 8 : i32
      %mul3A_40 = arith.muli %while3A_38, %mul3A_39 : i32
      %multiple_of3A = tpu.assume_multiple %mul3A_40, 8 : i32
      %get3A = arith.index_cast %multiple_of3A : i32 to index
      %get3A_41 = tpu.vector_load %arg12[%get3A] {strides = array<i32>} : memref<2064xi32, #tpu.memory_space<vmem>>, vector<16xi32>,
      %get3A_42 = arith.index_cast %multiple_of3A : i32 to index
      %get3A_43 = tpu.vector_load %arg13[%get3A_42] {strides = array<i32>} : memref<2064xi32, #tpu.memory_space<vmem>>, vector<16xi32>,
      %sub3A_44 = arith.subi %scan3A_5, %multiple_of3A : i32
      %min3A = arith.constant 8 : i32
      %min3A_45 = arith.minsi %sub3A_44, %min3A : i32
      %lt3A_46 = vector.broadcast %min3A_45 : i32 to vector<16xi32>
      %lt3A_47 = arith.cmpi slt, %iota3A, %lt3A_46 : vector<16xi32>
      %slice3A = vector.extract_strided_slice %get3A_41 {offsets = [0], sizes = [1], strides = [1]} : vector<16xi32> to vector<1xi32>
      %squeeze3A = vector.extract %slice3A[0] : i32 from vector<1xi32>
      %broadcast_in_dim3A = vector.broadcast %squeeze3A : i32 to vector<16xi32>
      %select_n3A_48 = arith.select %lt3A_47, %get3A_41, %broadcast_in_dim3A : vector<16xi1>, vector<16xi32>
      %lt3A_49 = vector.broadcast %min3A_45 : i32 to vector<16xi32>
      %lt3A_50 = arith.cmpi slt, %iota3A, %lt3A_49 : vector<16xi32>
      %slice3A_51 = vector.extract_strided_slice %get3A_43 {offsets = [0], sizes = [1], strides = [1]} : vector<16xi32> to vector<1xi32>
      %squeeze3A_52 = vector.extract %slice3A_51[0] : i32 from vector<1xi32>
      %broadcast_in_dim3A_53 = vector.broadcast %squeeze3A_52 : i32 to vector<16xi32>
      %select_n3A_54 = arith.select %lt3A_50, %get3A_43, %broadcast_in_dim3A_53 : vector<16xi1>, vector<16xi32>
      %lt3A_55 = arith.constant 0 : i32
      %lt3A_56 = vector.broadcast %lt3A_55 : i32 to vector<16xi32>
      %lt3A_57 = arith.cmpi slt, %iota3A, %lt3A_56 : vector<16xi32>
      %mul3A_58 = arith.constant 0 : i32
      %mul3A_59 = vector.broadcast %mul3A_58 : i32 to vector<16xi32>
      %mul3A_60 = arith.muli %iota3A, %mul3A_59 : vector<16xi32>
      %slice3A_61 = vector.extract_strided_slice %get3A_41 {offsets = [0], sizes = [1], strides = [1]} : vector<16xi32> to vector<1xi32>
      %squeeze3A_62 = vector.extract %slice3A_61[0] : i32 from vector<1xi32>
      %add3A_63 = vector.broadcast %squeeze3A_62 : i32 to vector<16xi32>
      %add3A_64 = arith.addi %mul3A_60, %add3A_63 : vector<16xi32>
      %eq3A = arith.cmpi eq, %select_n3A_48, %add3A_64 : vector<16xi32>
      %gt3A = arith.constant 0 : i32
      %gt3A_65 = vector.broadcast %gt3A : i32 to vector<16xi32>
      %gt3A_66 = arith.cmpi sgt, %iota3A, %gt3A_65 : vector<16xi32>
      %and3A_67 = arith.andi %eq3A, %gt3A_66 : vector<16xi1>
      %lt3A_68 = vector.broadcast %min3A_45 : i32 to vector<16xi32>
      %lt3A_69 = arith.cmpi slt, %iota3A, %lt3A_68 : vector<16xi32>
      %and3A_70 = arith.andi %and3A_67, %lt3A_69 : vector<16xi1>
      %gt3A_71 = arith.constant 0 : i32
      %gt3A_72 = arith.cmpi sgt, %min3A_45, %gt3A_71 : i32
      %and3A_73 = vector.broadcast %gt3A_72 : i1 to vector<16xi1>
      %and3A_74 = arith.andi %and3A_70, %and3A_73 : vector<16xi1>
      %or3A = arith.ori %lt3A_57, %and3A_74 : vector<16xi1>
      %mul3A_75 = arith.constant 0 : i32
      %mul3A_76 = vector.broadcast %mul3A_75 : i32 to vector<16xi32>
      %mul3A_77 = arith.muli %iota3A, %mul3A_76 : vector<16xi32>
      %slice3A_78 = vector.extract_strided_slice %get3A_41 {offsets = [1], sizes = [1], strides = [1]} : vector<16xi32> to vector<1xi32>
      %squeeze3A_79 = vector.extract %slice3A_78[0] : i32 from vector<1xi32>
      %add3A_80 = vector.broadcast %squeeze3A_79 : i32 to vector<16xi32>
      %add3A_81 = arith.addi %mul3A_77, %add3A_80 : vector<16xi32>
      %eq3A_82 = arith.cmpi eq, %select_n3A_48, %add3A_81 : vector<16xi32>
      %gt3A_83 = arith.constant 1 : i32
      %gt3A_84 = vector.broadcast %gt3A_83 : i32 to vector<16xi32>
      %gt3A_85 = arith.cmpi sgt, %iota3A, %gt3A_84 : vector<16xi32>
      %and3A_86 = arith.andi %eq3A_82, %gt3A_85 : vector<16xi1>
      %lt3A_87 = vector.broadcast %min3A_45 : i32 to vector<16xi32>
      %lt3A_88 = arith.cmpi slt, %iota3A, %lt3A_87 : vector<16xi32>
      %and3A_89 = arith.andi %and3A_86, %lt3A_88 : vector<16xi1>
      %gt3A_90 = arith.constant 1 : i32
      %gt3A_91 = arith.cmpi sgt, %min3A_45, %gt3A_90 : i32
      %and3A_92 = vector.broadcast %gt3A_91 : i1 to vector<16xi1>
      %and3A_93 = arith.andi %and3A_89, %and3A_92 : vector<16xi1>
      %or3A_94 = arith.ori %or3A, %and3A_93 : vector<16xi1>
      %mul3A_95 = arith.constant 0 : i32
      %mul3A_96 = vector.broadcast %mul3A_95 : i32 to vector<16xi32>
      %mul3A_97 = arith.muli %iota3A, %mul3A_96 : vector<16xi32>
      %slice3A_98 = vector.extract_strided_slice %get3A_41 {offsets = [2], sizes = [1], strides = [1]} : vector<16xi32> to vector<1xi32>
      %squeeze3A_99 = vector.extract %slice3A_98[0] : i32 from vector<1xi32>
      %add3A_100 = vector.broadcast %squeeze3A_99 : i32 to vector<16xi32>
      %add3A_101 = arith.addi %mul3A_97, %add3A_100 : vector<16xi32>
      %eq3A_102 = arith.cmpi eq, %select_n3A_48, %add3A_101 : vector<16xi32>
      %gt3A_103 = arith.constant 2 : i32
      %gt3A_104 = vector.broadcast %gt3A_103 : i32 to vector<16xi32>
      %gt3A_105 = arith.cmpi sgt, %iota3A, %gt3A_104 : vector<16xi32>
      %and3A_106 = arith.andi %eq3A_102, %gt3A_105 : vector<16xi1>
      %lt3A_107 = vector.broadcast %min3A_45 : i32 to vector<16xi32>
      %lt3A_108 = arith.cmpi slt, %iota3A, %lt3A_107 : vector<16xi32>
      %and3A_109 = arith.andi %and3A_106, %lt3A_108 : vector<16xi1>
      %gt3A_110 = arith.constant 2 : i32
      %gt3A_111 = arith.cmpi sgt, %min3A_45, %gt3A_110 : i32
      %and3A_112 = vector.broadcast %gt3A_111 : i1 to vector<16xi1>
      %and3A_113 = arith.andi %and3A_109, %and3A_112 : vector<16xi1>
      %or3A_114 = arith.ori %or3A_94, %and3A_113 : vector<16xi1>
      %mul3A_115 = arith.constant 0 : i32
      %mul3A_116 = vector.broadcast %mul3A_115 : i32 to vector<16xi32>
      %mul3A_117 = arith.muli %iota3A, %mul3A_116 : vector<16xi32>
      %slice3A_118 = vector.extract_strided_slice %get3A_41 {offsets = [3], sizes = [1], strides = [1]} : vector<16xi32> to vector<1xi32>
      %squeeze3A_119 = vector.extract %slice3A_118[0] : i32 from vector<1xi32>
      %add3A_120 = vector.broadcast %squeeze3A_119 : i32 to vector<16xi32>
      %add3A_121 = arith.addi %mul3A_117, %add3A_120 : vector<16xi32>
      %eq3A_122 = arith.cmpi eq, %select_n3A_48, %add3A_121 : vector<16xi32>
      %gt3A_123 = arith.constant 3 : i32
      %gt3A_124 = vector.broadcast %gt3A_123 : i32 to vector<16xi32>
      %gt3A_125 = arith.cmpi sgt, %iota3A, %gt3A_124 : vector<16xi32>
      %and3A_126 = arith.andi %eq3A_122, %gt3A_125 : vector<16xi1>
      %lt3A_127 = vector.broadcast %min3A_45 : i32 to vector<16xi32>
      %lt3A_128 = arith.cmpi slt, %iota3A, %lt3A_127 : vector<16xi32>
      %and3A_129 = arith.andi %and3A_126, %lt3A_128 : vector<16xi1>
      %gt3A_130 = arith.constant 3 : i32
      %gt3A_131 = arith.cmpi sgt, %min3A_45, %gt3A_130 : i32
      %and3A_132 = vector.broadcast %gt3A_131 : i1 to vector<16xi1>
      %and3A_133 = arith.andi %and3A_129, %and3A_132 : vector<16xi1>
      %or3A_134 = arith.ori %or3A_114, %and3A_133 : vector<16xi1>
      %mul3A_135 = arith.constant 0 : i32
      %mul3A_136 = vector.broadcast %mul3A_135 : i32 to vector<16xi32>
      %mul3A_137 = arith.muli %iota3A, %mul3A_136 : vector<16xi32>
      %slice3A_138 = vector.extract_strided_slice %get3A_41 {offsets = [4], sizes = [1], strides = [1]} : vector<16xi32> to vector<1xi32>
      %squeeze3A_139 = vector.extract %slice3A_138[0] : i32 from vector<1xi32>
      %add3A_140 = vector.broadcast %squeeze3A_139 : i32 to vector<16xi32>
      %add3A_141 = arith.addi %mul3A_137, %add3A_140 : vector<16xi32>
      %eq3A_142 = arith.cmpi eq, %select_n3A_48, %add3A_141 : vector<16xi32>
      %gt3A_143 = arith.constant 4 : i32
      %gt3A_144 = vector.broadcast %gt3A_143 : i32 to vector<16xi32>
      %gt3A_145 = arith.cmpi sgt, %iota3A, %gt3A_144 : vector<16xi32>
      %and3A_146 = arith.andi %eq3A_142, %gt3A_145 : vector<16xi1>
      %lt3A_147 = vector.broadcast %min3A_45 : i32 to vector<16xi32>
      %lt3A_148 = arith.cmpi slt, %iota3A, %lt3A_147 : vector<16xi32>
      %and3A_149 = arith.andi %and3A_146, %lt3A_148 : vector<16xi1>
      %gt3A_150 = arith.constant 4 : i32
      %gt3A_151 = arith.cmpi sgt, %min3A_45, %gt3A_150 : i32
      %and3A_152 = vector.broadcast %gt3A_151 : i1 to vector<16xi1>
      %and3A_153 = arith.andi %and3A_149, %and3A_152 : vector<16xi1>
      %or3A_154 = arith.ori %or3A_134, %and3A_153 : vector<16xi1>
      %mul3A_155 = arith.constant 0 : i32
      %mul3A_156 = vector.broadcast %mul3A_155 : i32 to vector<16xi32>
      %mul3A_157 = arith.muli %iota3A, %mul3A_156 : vector<16xi32>
      %slice3A_158 = vector.extract_strided_slice %get3A_41 {offsets = [5], sizes = [1], strides = [1]} : vector<16xi32> to vector<1xi32>
      %squeeze3A_159 = vector.extract %slice3A_158[0] : i32 from vector<1xi32>
      %add3A_160 = vector.broadcast %squeeze3A_159 : i32 to vector<16xi32>
      %add3A_161 = arith.addi %mul3A_157, %add3A_160 : vector<16xi32>
      %eq3A_162 = arith.cmpi eq, %select_n3A_48, %add3A_161 : vector<16xi32>
      %gt3A_163 = arith.constant 5 : i32
      %gt3A_164 = vector.broadcast %gt3A_163 : i32 to vector<16xi32>
      %gt3A_165 = arith.cmpi sgt, %iota3A, %gt3A_164 : vector<16xi32>
      %and3A_166 = arith.andi %eq3A_162, %gt3A_165 : vector<16xi1>
      %lt3A_167 = vector.broadcast %min3A_45 : i32 to vector<16xi32>
      %lt3A_168 = arith.cmpi slt, %iota3A, %lt3A_167 : vector<16xi32>
      %and3A_169 = arith.andi %and3A_166, %lt3A_168 : vector<16xi1>
      %gt3A_170 = arith.constant 5 : i32
      %gt3A_171 = arith.cmpi sgt, %min3A_45, %gt3A_170 : i32
      %and3A_172 = vector.broadcast %gt3A_171 : i1 to vector<16xi1>
      %and3A_173 = arith.andi %and3A_169, %and3A_172 : vector<16xi1>
      %or3A_174 = arith.ori %or3A_154, %and3A_173 : vector<16xi1>
      %mul3A_175 = arith.constant 0 : i32
      %mul3A_176 = vector.broadcast %mul3A_175 : i32 to vector<16xi32>
      %mul3A_177 = arith.muli %iota3A, %mul3A_176 : vector<16xi32>
      %slice3A_178 = vector.extract_strided_slice %get3A_41 {offsets = [6], sizes = [1], strides = [1]} : vector<16xi32> to vector<1xi32>
      %squeeze3A_179 = vector.extract %slice3A_178[0] : i32 from vector<1xi32>
      %add3A_180 = vector.broadcast %squeeze3A_179 : i32 to vector<16xi32>
      %add3A_181 = arith.addi %mul3A_177, %add3A_180 : vector<16xi32>
      %eq3A_182 = arith.cmpi eq, %select_n3A_48, %add3A_181 : vector<16xi32>
      %gt3A_183 = arith.constant 6 : i32
      %gt3A_184 = vector.broadcast %gt3A_183 : i32 to vector<16xi32>
      %gt3A_185 = arith.cmpi sgt, %iota3A, %gt3A_184 : vector<16xi32>
      %and3A_186 = arith.andi %eq3A_182, %gt3A_185 : vector<16xi1>
      %lt3A_187 = vector.broadcast %min3A_45 : i32 to vector<16xi32>
      %lt3A_188 = arith.cmpi slt, %iota3A, %lt3A_187 : vector<16xi32>
      %and3A_189 = arith.andi %and3A_186, %lt3A_188 : vector<16xi1>
      %gt3A_190 = arith.constant 6 : i32
      %gt3A_191 = arith.cmpi sgt, %min3A_45, %gt3A_190 : i32
      %and3A_192 = vector.broadcast %gt3A_191 : i1 to vector<16xi1>
      %and3A_193 = arith.andi %and3A_189, %and3A_192 : vector<16xi1>
      %or3A_194 = arith.ori %or3A_174, %and3A_193 : vector<16xi1>
      %all_reduce_population_count3A = tpu.all_reduce %or3A_194 {dim = 0 : i64, kind = #tpu.reduction_kind<sum>} : vector<16xi1> -> vector<16xi32>
      %slice3A_195 = vector.extract_strided_slice %all_reduce_population_count3A {offsets = [0], sizes = [1], strides = [1]} : vector<16xi32> to vector<1xi32>
      %squeeze3A_196 = vector.extract %slice3A_195[0] : i32 from vector<1xi32>
      %eq3A_197 = arith.constant 0 : i32
      %eq3A_198 = arith.cmpi eq, %squeeze3A_196, %eq3A_197 : i32
      %convert_element_type3A = arith.extui %eq3A_198 : i1 to i32
      %cond3A = arith.constant 0 : i32
      %cond3A_199 = arith.cmpi ne, %convert_element_type3A, %cond3A : i32
      scf.if %cond3A_199 {
        %scatter3A = arith.constant 0 : i32
        %scatter3A_205 = tpu.memref_slice %arg15[%scatter3A] : memref<8xi32, #tpu.memory_space<vmem>> -> memref<8xi32, #tpu.memory_space<vmem>>
        tpu.vector_store_idx %scatter3A_205[%iota3A], %select_n3A_48 masked %lt3A_28 : memref<8xi32, #tpu.memory_space<vmem>>[vector<16xi32>], vector<16xi32>, vector<16xi1>
        %scatter3A_206 = arith.constant 0 : i32
        %scatter3A_207 = tpu.memref_slice %arg14[%scatter3A_206] : memref<8xi32, #tpu.memory_space<vmem>> -> memref<8xi32, #tpu.memory_space<vmem>>
        tpu.vector_store_idx %scatter3A_207[%iota3A], %select_n3A_54 masked %lt3A_28 : memref<8xi32, #tpu.memory_space<vmem>>[vector<16xi32>], vector<16xi32>, vector<16xi1>
        %dma_start3A = arith.constant 0 : i32
        %dma_start3A_208 = arith.constant 0 : i32
        %dma_start3A_209 = tpu.memref_slice %arg4[%dma_start3A, %dma_start3A_208] : memref<2048x3072xf32, #tpu.memory_space<hbm>> -> memref<2048x3072xf32, #tpu.memory_space<hbm>>
        tpu.enqueue_indirect_dma source(%dma_start3A_209 : memref<2048x3072xf32, #tpu.memory_space<hbm>>) target(%arg9 : memref<8x3072xf32, #tpu.memory_space<vmem>>) offsets(%arg14 : memref<8xi32, #tpu.memory_space<vmem>>) semaphore(%arg16 : memref<!tpu.dma_semaphore, #tpu.memory_space<semaphore_mem>>)
        %dma_start3A_210 = arith.constant 0 : i32
        %dma_start3A_211 = arith.constant 0 : i32
        %dma_start3A_212 = tpu.memref_slice %arg5[%dma_start3A_210, %dma_start3A_211] : memref<2048x128xi32, #tpu.memory_space<hbm>> -> memref<2048x128xi32, #tpu.memory_space<hbm>>
        tpu.enqueue_indirect_dma source(%dma_start3A_212 : memref<2048x128xi32, #tpu.memory_space<hbm>>) target(%arg10 : memref<8x128xi32, #tpu.memory_space<vmem>>) offsets(%arg14 : memref<8xi32, #tpu.memory_space<vmem>>) semaphore(%arg16 : memref<!tpu.dma_semaphore, #tpu.memory_space<semaphore_mem>>)
        %dma_wait3A = arith.constant 0 : i32
        %dma_wait3A_213 = arith.constant 0 : i32
        %dma_wait3A_214 = tpu.memref_slice %arg4[%dma_wait3A, %dma_wait3A_213] : memref<2048x3072xf32, #tpu.memory_space<hbm>> -> memref<2048x3072xf32, #tpu.memory_space<hbm>>
        tpu.wait_indirect_dma semaphore(%arg16 : memref<!tpu.dma_semaphore, #tpu.memory_space<semaphore_mem>>) src(%dma_wait3A_214 : memref<2048x3072xf32, #tpu.memory_space<hbm>>) dst(%arg9 : memref<8x3072xf32, #tpu.memory_space<vmem>>)
        %dma_wait3A_215 = arith.constant 0 : i32
        %dma_wait3A_216 = arith.constant 0 : i32
        %dma_wait3A_217 = tpu.memref_slice %arg5[%dma_wait3A_215, %dma_wait3A_216] : memref<2048x128xi32, #tpu.memory_space<hbm>> -> memref<2048x128xi32, #tpu.memory_space<hbm>>
        tpu.wait_indirect_dma semaphore(%arg16 : memref<!tpu.dma_semaphore, #tpu.memory_space<semaphore_mem>>) src(%dma_wait3A_217 : memref<2048x128xi32, #tpu.memory_space<hbm>>) dst(%arg10 : memref<8x128xi32, #tpu.memory_space<vmem>>)
        %dma_start3A_218 = arith.constant 0 : i32
        %dma_start3A_219 = arith.constant 0 : i32
        %dma_start3A_220 = tpu.memref_slice %arg2[%dma_start3A_218, %dma_start3A_219] : memref<10000x3072xf32, #tpu.memory_space<hbm>> -> memref<10000x3072xf32, #tpu.memory_space<hbm>>
        tpu.enqueue_indirect_dma source(%arg9 : memref<8x3072xf32, #tpu.memory_space<vmem>>) target(%dma_start3A_220 : memref<10000x3072xf32, #tpu.memory_space<hbm>>) offsets(%arg15 : memref<8xi32, #tpu.memory_space<vmem>>) semaphore(%arg17 : memref<!tpu.dma_semaphore, #tpu.memory_space<semaphore_mem>>)
        %dma_start3A_221 = arith.constant 0 : i32
        %dma_start3A_222 = arith.constant 0 : i32
        %dma_start3A_223 = tpu.memref_slice %arg3[%dma_start3A_221, %dma_start3A_222] : memref<10000x128xi32, #tpu.memory_space<hbm>> -> memref<10000x128xi32, #tpu.memory_space<hbm>>
        tpu.enqueue_indirect_dma source(%arg10 : memref<8x128xi32, #tpu.memory_space<vmem>>) target(%dma_start3A_223 : memref<10000x128xi32, #tpu.memory_space<hbm>>) offsets(%arg15 : memref<8xi32, #tpu.memory_space<vmem>>) semaphore(%arg17 : memref<!tpu.dma_semaphore, #tpu.memory_space<semaphore_mem>>)
        %dma_wait3A_224 = arith.constant 0 : i32
        %dma_wait3A_225 = arith.constant 0 : i32
        %dma_wait3A_226 = tpu.memref_slice %arg2[%dma_wait3A_224, %dma_wait3A_225] : memref<10000x3072xf32, #tpu.memory_space<hbm>> -> memref<10000x3072xf32, #tpu.memory_space<hbm>>
        tpu.wait_indirect_dma semaphore(%arg17 : memref<!tpu.dma_semaphore, #tpu.memory_space<semaphore_mem>>) src(%arg9 : memref<8x3072xf32, #tpu.memory_space<vmem>>) dst(%dma_wait3A_226 : memref<10000x3072xf32, #tpu.memory_space<hbm>>)
        %dma_wait3A_227 = arith.constant 0 : i32
        %dma_wait3A_228 = arith.constant 0 : i32
        %dma_wait3A_229 = tpu.memref_slice %arg3[%dma_wait3A_227, %dma_wait3A_228] : memref<10000x128xi32, #tpu.memory_space<hbm>> -> memref<10000x128xi32, #tpu.memory_space<hbm>>
        tpu.wait_indirect_dma semaphore(%arg17 : memref<!tpu.dma_semaphore, #tpu.memory_space<semaphore_mem>>) src(%arg10 : memref<8x128xi32, #tpu.memory_space<vmem>>) dst(%dma_wait3A_229 : memref<10000x128xi32, #tpu.memory_space<hbm>>)
      } else {
      }
      %gt3A_200 = arith.constant 0 : i32
      %gt3A_201 = arith.cmpi sgt, %squeeze3A_196, %gt3A_200 : i32
      %convert_element_type3A_202 = arith.extui %gt3A_201 : i1 to i32
      %cond3A_203 = arith.constant 0 : i32
      %cond3A_204 = arith.cmpi ne, %convert_element_type3A_202, %cond3A_203 : i32
      scf.if %cond3A_204 {
        %gt3A_205 = arith.constant 0 : i32
        %gt3A_206 = arith.cmpi sgt, %min3A_45, %gt3A_205 : i32
        %convert_element_type3A_207 = arith.extui %gt3A_206 : i1 to i32
        %cond3A_208 = arith.constant 0 : i32
        %cond3A_209 = arith.cmpi ne, %convert_element_type3A_207, %cond3A_208 : i32
        scf.if %cond3A_209 {
          %mul3A_245 = arith.constant 0 : i32
          %mul3A_246 = vector.broadcast %mul3A_245 : i32 to vector<16xi32>
          %mul3A_247 = arith.muli %iota3A, %mul3A_246 : vector<16xi32>
          %slice3A_248 = vector.extract_strided_slice %select_n3A_48 {offsets = [0], sizes = [1], strides = [1]} : vector<16xi32> to vector<1xi32>
          %squeeze3A_249 = vector.extract %slice3A_248[0] : i32 from vector<1xi32>
          %add3A_250 = vector.broadcast %squeeze3A_249 : i32 to vector<16xi32>
          %add3A_251 = arith.addi %mul3A_247, %add3A_250 : vector<16xi32>
          %scatter3A = arith.constant 0 : i32
          %scatter3A_252 = tpu.memref_slice %arg15[%scatter3A] : memref<8xi32, #tpu.memory_space<vmem>> -> memref<8xi32, #tpu.memory_space<vmem>>
          tpu.vector_store_idx %scatter3A_252[%iota3A], %add3A_251 masked %lt3A_28 : memref<8xi32, #tpu.memory_space<vmem>>[vector<16xi32>], vector<16xi32>, vector<16xi1>
          %mul3A_253 = arith.constant 0 : i32
          %mul3A_254 = vector.broadcast %mul3A_253 : i32 to vector<16xi32>
          %mul3A_255 = arith.muli %iota3A, %mul3A_254 : vector<16xi32>
          %slice3A_256 = vector.extract_strided_slice %select_n3A_54 {offsets = [0], sizes = [1], strides = [1]} : vector<16xi32> to vector<1xi32>
          %squeeze3A_257 = vector.extract %slice3A_256[0] : i32 from vector<1xi32>
          %add3A_258 = vector.broadcast %squeeze3A_257 : i32 to vector<16xi32>
          %add3A_259 = arith.addi %mul3A_255, %add3A_258 : vector<16xi32>
          %scatter3A_260 = arith.constant 0 : i32
          %scatter3A_261 = tpu.memref_slice %arg14[%scatter3A_260] : memref<8xi32, #tpu.memory_space<vmem>> -> memref<8xi32, #tpu.memory_space<vmem>>
          tpu.vector_store_idx %scatter3A_261[%iota3A], %add3A_259 masked %lt3A_28 : memref<8xi32, #tpu.memory_space<vmem>>[vector<16xi32>], vector<16xi32>, vector<16xi1>
          %dma_start3A = arith.constant 0 : i32
          %dma_start3A_262 = arith.constant 0 : i32
          %dma_start3A_263 = tpu.memref_slice %arg4[%dma_start3A, %dma_start3A_262] : memref<2048x3072xf32, #tpu.memory_space<hbm>> -> memref<2048x3072xf32, #tpu.memory_space<hbm>>
          tpu.enqueue_indirect_dma source(%dma_start3A_263 : memref<2048x3072xf32, #tpu.memory_space<hbm>>) target(%arg9 : memref<8x3072xf32, #tpu.memory_space<vmem>>) offsets(%arg14 : memref<8xi32, #tpu.memory_space<vmem>>) semaphore(%arg16 : memref<!tpu.dma_semaphore, #tpu.memory_space<semaphore_mem>>)
          %dma_start3A_264 = arith.constant 0 : i32
          %dma_start3A_265 = arith.constant 0 : i32
          %dma_start3A_266 = tpu.memref_slice %arg5[%dma_start3A_264, %dma_start3A_265] : memref<2048x128xi32, #tpu.memory_space<hbm>> -> memref<2048x128xi32, #tpu.memory_space<hbm>>
          tpu.enqueue_indirect_dma source(%dma_start3A_266 : memref<2048x128xi32, #tpu.memory_space<hbm>>) target(%arg10 : memref<8x128xi32, #tpu.memory_space<vmem>>) offsets(%arg14 : memref<8xi32, #tpu.memory_space<vmem>>) semaphore(%arg16 : memref<!tpu.dma_semaphore, #tpu.memory_space<semaphore_mem>>)
          %dma_wait3A = arith.constant 0 : i32
          %dma_wait3A_267 = arith.constant 0 : i32
          %dma_wait3A_268 = tpu.memref_slice %arg4[%dma_wait3A, %dma_wait3A_267] : memref<2048x3072xf32, #tpu.memory_space<hbm>> -> memref<2048x3072xf32, #tpu.memory_space<hbm>>
          tpu.wait_indirect_dma semaphore(%arg16 : memref<!tpu.dma_semaphore, #tpu.memory_space<semaphore_mem>>) src(%dma_wait3A_268 : memref<2048x3072xf32, #tpu.memory_space<hbm>>) dst(%arg9 : memref<8x3072xf32, #tpu.memory_space<vmem>>)
          %dma_wait3A_269 = arith.constant 0 : i32
          %dma_wait3A_270 = arith.constant 0 : i32
          %dma_wait3A_271 = tpu.memref_slice %arg5[%dma_wait3A_269, %dma_wait3A_270] : memref<2048x128xi32, #tpu.memory_space<hbm>> -> memref<2048x128xi32, #tpu.memory_space<hbm>>
          tpu.wait_indirect_dma semaphore(%arg16 : memref<!tpu.dma_semaphore, #tpu.memory_space<semaphore_mem>>) src(%dma_wait3A_271 : memref<2048x128xi32, #tpu.memory_space<hbm>>) dst(%arg10 : memref<8x128xi32, #tpu.memory_space<vmem>>)
          %dma_start3A_272 = arith.constant 0 : i32
          %dma_start3A_273 = arith.constant 0 : i32
          %dma_start3A_274 = tpu.memref_slice %arg2[%dma_start3A_272, %dma_start3A_273] : memref<10000x3072xf32, #tpu.memory_space<hbm>> -> memref<10000x3072xf32, #tpu.memory_space<hbm>>
          tpu.enqueue_indirect_dma source(%arg9 : memref<8x3072xf32, #tpu.memory_space<vmem>>) target(%dma_start3A_274 : memref<10000x3072xf32, #tpu.memory_space<hbm>>) offsets(%arg15 : memref<8xi32, #tpu.memory_space<vmem>>) semaphore(%arg17 : memref<!tpu.dma_semaphore, #tpu.memory_space<semaphore_mem>>)
          %dma_start3A_275 = arith.constant 0 : i32
          %dma_start3A_276 = arith.constant 0 : i32
          %dma_start3A_277 = tpu.memref_slice %arg3[%dma_start3A_275, %dma_start3A_276] : memref<10000x128xi32, #tpu.memory_space<hbm>> -> memref<10000x128xi32, #tpu.memory_space<hbm>>
          tpu.enqueue_indirect_dma source(%arg10 : memref<8x128xi32, #tpu.memory_space<vmem>>) target(%dma_start3A_277 : memref<10000x128xi32, #tpu.memory_space<hbm>>) offsets(%arg15 : memref<8xi32, #tpu.memory_space<vmem>>) semaphore(%arg17 : memref<!tpu.dma_semaphore, #tpu.memory_space<semaphore_mem>>)
          %dma_wait3A_278 = arith.constant 0 : i32
          %dma_wait3A_279 = arith.constant 0 : i32
          %dma_wait3A_280 = tpu.memref_slice %arg2[%dma_wait3A_278, %dma_wait3A_279] : memref<10000x3072xf32, #tpu.memory_space<hbm>> -> memref<10000x3072xf32, #tpu.memory_space<hbm>>
          tpu.wait_indirect_dma semaphore(%arg17 : memref<!tpu.dma_semaphore, #tpu.memory_space<semaphore_mem>>) src(%arg9 : memref<8x3072xf32, #tpu.memory_space<vmem>>) dst(%dma_wait3A_280 : memref<10000x3072xf32, #tpu.memory_space<hbm>>)
          %dma_wait3A_281 = arith.constant 0 : i32
          %dma_wait3A_282 = arith.constant 0 : i32
          %dma_wait3A_283 = tpu.memref_slice %arg3[%dma_wait3A_281, %dma_wait3A_282] : memref<10000x128xi32, #tpu.memory_space<hbm>> -> memref<10000x128xi32, #tpu.memory_space<hbm>>
          tpu.wait_indirect_dma semaphore(%arg17 : memref<!tpu.dma_semaphore, #tpu.memory_space<semaphore_mem>>) src(%arg10 : memref<8x128xi32, #tpu.memory_space<vmem>>) dst(%dma_wait3A_283 : memref<10000x128xi32, #tpu.memory_space<hbm>>)
        } else {
        }
        %gt3A_210 = arith.constant 1 : i32
        %gt3A_211 = arith.cmpi sgt, %min3A_45, %gt3A_210 : i32
        %convert_element_type3A_212 = arith.extui %gt3A_211 : i1 to i32
        %cond3A_213 = arith.constant 0 : i32
        %cond3A_214 = arith.cmpi ne, %convert_element_type3A_212, %cond3A_213 : i32
        scf.if %cond3A_214 {
          %mul3A_245 = arith.constant 0 : i32
          %mul3A_246 = vector.broadcast %mul3A_245 : i32 to vector<16xi32>
          %mul3A_247 = arith.muli %iota3A, %mul3A_246 : vector<16xi32>
          %slice3A_248 = vector.extract_strided_slice %select_n3A_48 {offsets = [1], sizes = [1], strides = [1]} : vector<16xi32> to vector<1xi32>
          %squeeze3A_249 = vector.extract %slice3A_248[0] : i32 from vector<1xi32>
          %add3A_250 = vector.broadcast %squeeze3A_249 : i32 to vector<16xi32>
          %add3A_251 = arith.addi %mul3A_247, %add3A_250 : vector<16xi32>
          %scatter3A = arith.constant 0 : i32
          %scatter3A_252 = tpu.memref_slice %arg15[%scatter3A] : memref<8xi32, #tpu.memory_space<vmem>> -> memref<8xi32, #tpu.memory_space<vmem>>
          tpu.vector_store_idx %scatter3A_252[%iota3A], %add3A_251 masked %lt3A_28 : memref<8xi32, #tpu.memory_space<vmem>>[vector<16xi32>], vector<16xi32>, vector<16xi1>
          %mul3A_253 = arith.constant 0 : i32
          %mul3A_254 = vector.broadcast %mul3A_253 : i32 to vector<16xi32>
          %mul3A_255 = arith.muli %iota3A, %mul3A_254 : vector<16xi32>
          %slice3A_256 = vector.extract_strided_slice %select_n3A_54 {offsets = [1], sizes = [1], strides = [1]} : vector<16xi32> to vector<1xi32>
          %squeeze3A_257 = vector.extract %slice3A_256[0] : i32 from vector<1xi32>
          %add3A_258 = vector.broadcast %squeeze3A_257 : i32 to vector<16xi32>
          %add3A_259 = arith.addi %mul3A_255, %add3A_258 : vector<16xi32>
          %scatter3A_260 = arith.constant 0 : i32
          %scatter3A_261 = tpu.memref_slice %arg14[%scatter3A_260] : memref<8xi32, #tpu.memory_space<vmem>> -> memref<8xi32, #tpu.memory_space<vmem>>
          tpu.vector_store_idx %scatter3A_261[%iota3A], %add3A_259 masked %lt3A_28 : memref<8xi32, #tpu.memory_space<vmem>>[vector<16xi32>], vector<16xi32>, vector<16xi1>
          %dma_start3A = arith.constant 0 : i32
          %dma_start3A_262 = arith.constant 0 : i32
          %dma_start3A_263 = tpu.memref_slice %arg4[%dma_start3A, %dma_start3A_262] : memref<2048x3072xf32, #tpu.memory_space<hbm>> -> memref<2048x3072xf32, #tpu.memory_space<hbm>>
          tpu.enqueue_indirect_dma source(%dma_start3A_263 : memref<2048x3072xf32, #tpu.memory_space<hbm>>) target(%arg9 : memref<8x3072xf32, #tpu.memory_space<vmem>>) offsets(%arg14 : memref<8xi32, #tpu.memory_space<vmem>>) semaphore(%arg16 : memref<!tpu.dma_semaphore, #tpu.memory_space<semaphore_mem>>)
          %dma_start3A_264 = arith.constant 0 : i32
          %dma_start3A_265 = arith.constant 0 : i32
          %dma_start3A_266 = tpu.memref_slice %arg5[%dma_start3A_264, %dma_start3A_265] : memref<2048x128xi32, #tpu.memory_space<hbm>> -> memref<2048x128xi32, #tpu.memory_space<hbm>>
          tpu.enqueue_indirect_dma source(%dma_start3A_266 : memref<2048x128xi32, #tpu.memory_space<hbm>>) target(%arg10 : memref<8x128xi32, #tpu.memory_space<vmem>>) offsets(%arg14 : memref<8xi32, #tpu.memory_space<vmem>>) semaphore(%arg16 : memref<!tpu.dma_semaphore, #tpu.memory_space<semaphore_mem>>)
          %dma_wait3A = arith.constant 0 : i32
          %dma_wait3A_267 = arith.constant 0 : i32
          %dma_wait3A_268 = tpu.memref_slice %arg4[%dma_wait3A, %dma_wait3A_267] : memref<2048x3072xf32, #tpu.memory_space<hbm>> -> memref<2048x3072xf32, #tpu.memory_space<hbm>>
          tpu.wait_indirect_dma semaphore(%arg16 : memref<!tpu.dma_semaphore, #tpu.memory_space<semaphore_mem>>) src(%dma_wait3A_268 : memref<2048x3072xf32, #tpu.memory_space<hbm>>) dst(%arg9 : memref<8x3072xf32, #tpu.memory_space<vmem>>)
          %dma_wait3A_269 = arith.constant 0 : i32
          %dma_wait3A_270 = arith.constant 0 : i32
          %dma_wait3A_271 = tpu.memref_slice %arg5[%dma_wait3A_269, %dma_wait3A_270] : memref<2048x128xi32, #tpu.memory_space<hbm>> -> memref<2048x128xi32, #tpu.memory_space<hbm>>
          tpu.wait_indirect_dma semaphore(%arg16 : memref<!tpu.dma_semaphore, #tpu.memory_space<semaphore_mem>>) src(%dma_wait3A_271 : memref<2048x128xi32, #tpu.memory_space<hbm>>) dst(%arg10 : memref<8x128xi32, #tpu.memory_space<vmem>>)
          %dma_start3A_272 = arith.constant 0 : i32
          %dma_start3A_273 = arith.constant 0 : i32
          %dma_start3A_274 = tpu.memref_slice %arg2[%dma_start3A_272, %dma_start3A_273] : memref<10000x3072xf32, #tpu.memory_space<hbm>> -> memref<10000x3072xf32, #tpu.memory_space<hbm>>
          tpu.enqueue_indirect_dma source(%arg9 : memref<8x3072xf32, #tpu.memory_space<vmem>>) target(%dma_start3A_274 : memref<10000x3072xf32, #tpu.memory_space<hbm>>) offsets(%arg15 : memref<8xi32, #tpu.memory_space<vmem>>) semaphore(%arg17 : memref<!tpu.dma_semaphore, #tpu.memory_space<semaphore_mem>>)
          %dma_start3A_275 = arith.constant 0 : i32
          %dma_start3A_276 = arith.constant 0 : i32
          %dma_start3A_277 = tpu.memref_slice %arg3[%dma_start3A_275, %dma_start3A_276] : memref<10000x128xi32, #tpu.memory_space<hbm>> -> memref<10000x128xi32, #tpu.memory_space<hbm>>
          tpu.enqueue_indirect_dma source(%arg10 : memref<8x128xi32, #tpu.memory_space<vmem>>) target(%dma_start3A_277 : memref<10000x128xi32, #tpu.memory_space<hbm>>) offsets(%arg15 : memref<8xi32, #tpu.memory_space<vmem>>) semaphore(%arg17 : memref<!tpu.dma_semaphore, #tpu.memory_space<semaphore_mem>>)
          %dma_wait3A_278 = arith.constant 0 : i32
          %dma_wait3A_279 = arith.constant 0 : i32
          %dma_wait3A_280 = tpu.memref_slice %arg2[%dma_wait3A_278, %dma_wait3A_279] : memref<10000x3072xf32, #tpu.memory_space<hbm>> -> memref<10000x3072xf32, #tpu.memory_space<hbm>>
          tpu.wait_indirect_dma semaphore(%arg17 : memref<!tpu.dma_semaphore, #tpu.memory_space<semaphore_mem>>) src(%arg9 : memref<8x3072xf32, #tpu.memory_space<vmem>>) dst(%dma_wait3A_280 : memref<10000x3072xf32, #tpu.memory_space<hbm>>)
          %dma_wait3A_281 = arith.constant 0 : i32
          %dma_wait3A_282 = arith.constant 0 : i32
          %dma_wait3A_283 = tpu.memref_slice %arg3[%dma_wait3A_281, %dma_wait3A_282] : memref<10000x128xi32, #tpu.memory_space<hbm>> -> memref<10000x128xi32, #tpu.memory_space<hbm>>
          tpu.wait_indirect_dma semaphore(%arg17 : memref<!tpu.dma_semaphore, #tpu.memory_space<semaphore_mem>>) src(%arg10 : memref<8x128xi32, #tpu.memory_space<vmem>>) dst(%dma_wait3A_283 : memref<10000x128xi32, #tpu.memory_space<hbm>>)
        } else {
        }
        %gt3A_215 = arith.constant 2 : i32
        %gt3A_216 = arith.cmpi sgt, %min3A_45, %gt3A_215 : i32
        %convert_element_type3A_217 = arith.extui %gt3A_216 : i1 to i32
        %cond3A_218 = arith.constant 0 : i32
        %cond3A_219 = arith.cmpi ne, %convert_element_type3A_217, %cond3A_218 : i32
        scf.if %cond3A_219 {
          %mul3A_245 = arith.constant 0 : i32
          %mul3A_246 = vector.broadcast %mul3A_245 : i32 to vector<16xi32>
          %mul3A_247 = arith.muli %iota3A, %mul3A_246 : vector<16xi32>
          %slice3A_248 = vector.extract_strided_slice %select_n3A_48 {offsets = [2], sizes = [1], strides = [1]} : vector<16xi32> to vector<1xi32>
          %squeeze3A_249 = vector.extract %slice3A_248[0] : i32 from vector<1xi32>
          %add3A_250 = vector.broadcast %squeeze3A_249 : i32 to vector<16xi32>
          %add3A_251 = arith.addi %mul3A_247, %add3A_250 : vector<16xi32>
          %scatter3A = arith.constant 0 : i32
          %scatter3A_252 = tpu.memref_slice %arg15[%scatter3A] : memref<8xi32, #tpu.memory_space<vmem>> -> memref<8xi32, #tpu.memory_space<vmem>>
          tpu.vector_store_idx %scatter3A_252[%iota3A], %add3A_251 masked %lt3A_28 : memref<8xi32, #tpu.memory_space<vmem>>[vector<16xi32>], vector<16xi32>, vector<16xi1>
          %mul3A_253 = arith.constant 0 : i32
          %mul3A_254 = vector.broadcast %mul3A_253 : i32 to vector<16xi32>
          %mul3A_255 = arith.muli %iota3A, %mul3A_254 : vector<16xi32>
          %slice3A_256 = vector.extract_strided_slice %select_n3A_54 {offsets = [2], sizes = [1], strides = [1]} : vector<16xi32> to vector<1xi32>
          %squeeze3A_257 = vector.extract %slice3A_256[0] : i32 from vector<1xi32>
          %add3A_258 = vector.broadcast %squeeze3A_257 : i32 to vector<16xi32>
          %add3A_259 = arith.addi %mul3A_255, %add3A_258 : vector<16xi32>
          %scatter3A_260 = arith.constant 0 : i32
          %scatter3A_261 = tpu.memref_slice %arg14[%scatter3A_260] : memref<8xi32, #tpu.memory_space<vmem>> -> memref<8xi32, #tpu.memory_space<vmem>>
          tpu.vector_store_idx %scatter3A_261[%iota3A], %add3A_259 masked %lt3A_28 : memref<8xi32, #tpu.memory_space<vmem>>[vector<16xi32>], vector<16xi32>, vector<16xi1>
          %dma_start3A = arith.constant 0 : i32
          %dma_start3A_262 = arith.constant 0 : i32
          %dma_start3A_263 = tpu.memref_slice %arg4[%dma_start3A, %dma_start3A_262] : memref<2048x3072xf32, #tpu.memory_space<hbm>> -> memref<2048x3072xf32, #tpu.memory_space<hbm>>
          tpu.enqueue_indirect_dma source(%dma_start3A_263 : memref<2048x3072xf32, #tpu.memory_space<hbm>>) target(%arg9 : memref<8x3072xf32, #tpu.memory_space<vmem>>) offsets(%arg14 : memref<8xi32, #tpu.memory_space<vmem>>) semaphore(%arg16 : memref<!tpu.dma_semaphore, #tpu.memory_space<semaphore_mem>>)
          %dma_start3A_264 = arith.constant 0 : i32
          %dma_start3A_265 = arith.constant 0 : i32
          %dma_start3A_266 = tpu.memref_slice %arg5[%dma_start3A_264, %dma_start3A_265] : memref<2048x128xi32, #tpu.memory_space<hbm>> -> memref<2048x128xi32, #tpu.memory_space<hbm>>
          tpu.enqueue_indirect_dma source(%dma_start3A_266 : memref<2048x128xi32, #tpu.memory_space<hbm>>) target(%arg10 : memref<8x128xi32, #tpu.memory_space<vmem>>) offsets(%arg14 : memref<8xi32, #tpu.memory_space<vmem>>) semaphore(%arg16 : memref<!tpu.dma_semaphore, #tpu.memory_space<semaphore_mem>>)
          %dma_wait3A = arith.constant 0 : i32
          %dma_wait3A_267 = arith.constant 0 : i32
          %dma_wait3A_268 = tpu.memref_slice %arg4[%dma_wait3A, %dma_wait3A_267] : memref<2048x3072xf32, #tpu.memory_space<hbm>> -> memref<2048x3072xf32, #tpu.memory_space<hbm>>
          tpu.wait_indirect_dma semaphore(%arg16 : memref<!tpu.dma_semaphore, #tpu.memory_space<semaphore_mem>>) src(%dma_wait3A_268 : memref<2048x3072xf32, #tpu.memory_space<hbm>>) dst(%arg9 : memref<8x3072xf32, #tpu.memory_space<vmem>>)
          %dma_wait3A_269 = arith.constant 0 : i32
          %dma_wait3A_270 = arith.constant 0 : i32
          %dma_wait3A_271 = tpu.memref_slice %arg5[%dma_wait3A_269, %dma_wait3A_270] : memref<2048x128xi32, #tpu.memory_space<hbm>> -> memref<2048x128xi32, #tpu.memory_space<hbm>>
          tpu.wait_indirect_dma semaphore(%arg16 : memref<!tpu.dma_semaphore, #tpu.memory_space<semaphore_mem>>) src(%dma_wait3A_271 : memref<2048x128xi32, #tpu.memory_space<hbm>>) dst(%arg10 : memref<8x128xi32, #tpu.memory_space<vmem>>)
          %dma_start3A_272 = arith.constant 0 : i32
          %dma_start3A_273 = arith.constant 0 : i32
          %dma_start3A_274 = tpu.memref_slice %arg2[%dma_start3A_272, %dma_start3A_273] : memref<10000x3072xf32, #tpu.memory_space<hbm>> -> memref<10000x3072xf32, #tpu.memory_space<hbm>>
          tpu.enqueue_indirect_dma source(%arg9 : memref<8x3072xf32, #tpu.memory_space<vmem>>) target(%dma_start3A_274 : memref<10000x3072xf32, #tpu.memory_space<hbm>>) offsets(%arg15 : memref<8xi32, #tpu.memory_space<vmem>>) semaphore(%arg17 : memref<!tpu.dma_semaphore, #tpu.memory_space<semaphore_mem>>)
          %dma_start3A_275 = arith.constant 0 : i32
          %dma_start3A_276 = arith.constant 0 : i32
          %dma_start3A_277 = tpu.memref_slice %arg3[%dma_start3A_275, %dma_start3A_276] : memref<10000x128xi32, #tpu.memory_space<hbm>> -> memref<10000x128xi32, #tpu.memory_space<hbm>>
          tpu.enqueue_indirect_dma source(%arg10 : memref<8x128xi32, #tpu.memory_space<vmem>>) target(%dma_start3A_277 : memref<10000x128xi32, #tpu.memory_space<hbm>>) offsets(%arg15 : memref<8xi32, #tpu.memory_space<vmem>>) semaphore(%arg17 : memref<!tpu.dma_semaphore, #tpu.memory_space<semaphore_mem>>)
          %dma_wait3A_278 = arith.constant 0 : i32
          %dma_wait3A_279 = arith.constant 0 : i32
          %dma_wait3A_280 = tpu.memref_slice %arg2[%dma_wait3A_278, %dma_wait3A_279] : memref<10000x3072xf32, #tpu.memory_space<hbm>> -> memref<10000x3072xf32, #tpu.memory_space<hbm>>
          tpu.wait_indirect_dma semaphore(%arg17 : memref<!tpu.dma_semaphore, #tpu.memory_space<semaphore_mem>>) src(%arg9 : memref<8x3072xf32, #tpu.memory_space<vmem>>) dst(%dma_wait3A_280 : memref<10000x3072xf32, #tpu.memory_space<hbm>>)
          %dma_wait3A_281 = arith.constant 0 : i32
          %dma_wait3A_282 = arith.constant 0 : i32
          %dma_wait3A_283 = tpu.memref_slice %arg3[%dma_wait3A_281, %dma_wait3A_282] : memref<10000x128xi32, #tpu.memory_space<hbm>> -> memref<10000x128xi32, #tpu.memory_space<hbm>>
          tpu.wait_indirect_dma semaphore(%arg17 : memref<!tpu.dma_semaphore, #tpu.memory_space<semaphore_mem>>) src(%arg10 : memref<8x128xi32, #tpu.memory_space<vmem>>) dst(%dma_wait3A_283 : memref<10000x128xi32, #tpu.memory_space<hbm>>)
        } else {
        }
        %gt3A_220 = arith.constant 3 : i32
        %gt3A_221 = arith.cmpi sgt, %min3A_45, %gt3A_220 : i32
        %convert_element_type3A_222 = arith.extui %gt3A_221 : i1 to i32
        %cond3A_223 = arith.constant 0 : i32
        %cond3A_224 = arith.cmpi ne, %convert_element_type3A_222, %cond3A_223 : i32
        scf.if %cond3A_224 {
          %mul3A_245 = arith.constant 0 : i32
          %mul3A_246 = vector.broadcast %mul3A_245 : i32 to vector<16xi32>
          %mul3A_247 = arith.muli %iota3A, %mul3A_246 : vector<16xi32>
          %slice3A_248 = vector.extract_strided_slice %select_n3A_48 {offsets = [3], sizes = [1], strides = [1]} : vector<16xi32> to vector<1xi32>
          %squeeze3A_249 = vector.extract %slice3A_248[0] : i32 from vector<1xi32>
          %add3A_250 = vector.broadcast %squeeze3A_249 : i32 to vector<16xi32>
          %add3A_251 = arith.addi %mul3A_247, %add3A_250 : vector<16xi32>
          %scatter3A = arith.constant 0 : i32
          %scatter3A_252 = tpu.memref_slice %arg15[%scatter3A] : memref<8xi32, #tpu.memory_space<vmem>> -> memref<8xi32, #tpu.memory_space<vmem>>
          tpu.vector_store_idx %scatter3A_252[%iota3A], %add3A_251 masked %lt3A_28 : memref<8xi32, #tpu.memory_space<vmem>>[vector<16xi32>], vector<16xi32>, vector<16xi1>
          %mul3A_253 = arith.constant 0 : i32
          %mul3A_254 = vector.broadcast %mul3A_253 : i32 to vector<16xi32>
          %mul3A_255 = arith.muli %iota3A, %mul3A_254 : vector<16xi32>
          %slice3A_256 = vector.extract_strided_slice %select_n3A_54 {offsets = [3], sizes = [1], strides = [1]} : vector<16xi32> to vector<1xi32>
          %squeeze3A_257 = vector.extract %slice3A_256[0] : i32 from vector<1xi32>
          %add3A_258 = vector.broadcast %squeeze3A_257 : i32 to vector<16xi32>
          %add3A_259 = arith.addi %mul3A_255, %add3A_258 : vector<16xi32>
          %scatter3A_260 = arith.constant 0 : i32
          %scatter3A_261 = tpu.memref_slice %arg14[%scatter3A_260] : memref<8xi32, #tpu.memory_space<vmem>> -> memref<8xi32, #tpu.memory_space<vmem>>
          tpu.vector_store_idx %scatter3A_261[%iota3A], %add3A_259 masked %lt3A_28 : memref<8xi32, #tpu.memory_space<vmem>>[vector<16xi32>], vector<16xi32>, vector<16xi1>
          %dma_start3A = arith.constant 0 : i32
          %dma_start3A_262 = arith.constant 0 : i32
          %dma_start3A_263 = tpu.memref_slice %arg4[%dma_start3A, %dma_start3A_262] : memref<2048x3072xf32, #tpu.memory_space<hbm>> -> memref<2048x3072xf32, #tpu.memory_space<hbm>>
          tpu.enqueue_indirect_dma source(%dma_start3A_263 : memref<2048x3072xf32, #tpu.memory_space<hbm>>) target(%arg9 : memref<8x3072xf32, #tpu.memory_space<vmem>>) offsets(%arg14 : memref<8xi32, #tpu.memory_space<vmem>>) semaphore(%arg16 : memref<!tpu.dma_semaphore, #tpu.memory_space<semaphore_mem>>)
          %dma_start3A_264 = arith.constant 0 : i32
          %dma_start3A_265 = arith.constant 0 : i32
          %dma_start3A_266 = tpu.memref_slice %arg5[%dma_start3A_264, %dma_start3A_265] : memref<2048x128xi32, #tpu.memory_space<hbm>> -> memref<2048x128xi32, #tpu.memory_space<hbm>>
          tpu.enqueue_indirect_dma source(%dma_start3A_266 : memref<2048x128xi32, #tpu.memory_space<hbm>>) target(%arg10 : memref<8x128xi32, #tpu.memory_space<vmem>>) offsets(%arg14 : memref<8xi32, #tpu.memory_space<vmem>>) semaphore(%arg16 : memref<!tpu.dma_semaphore, #tpu.memory_space<semaphore_mem>>)
          %dma_wait3A = arith.constant 0 : i32
          %dma_wait3A_267 = arith.constant 0 : i32
          %dma_wait3A_268 = tpu.memref_slice %arg4[%dma_wait3A, %dma_wait3A_267] : memref<2048x3072xf32, #tpu.memory_space<hbm>> -> memref<2048x3072xf32, #tpu.memory_space<hbm>>
          tpu.wait_indirect_dma semaphore(%arg16 : memref<!tpu.dma_semaphore, #tpu.memory_space<semaphore_mem>>) src(%dma_wait3A_268 : memref<2048x3072xf32, #tpu.memory_space<hbm>>) dst(%arg9 : memref<8x3072xf32, #tpu.memory_space<vmem>>)
          %dma_wait3A_269 = arith.constant 0 : i32
          %dma_wait3A_270 = arith.constant 0 : i32
          %dma_wait3A_271 = tpu.memref_slice %arg5[%dma_wait3A_269, %dma_wait3A_270] : memref<2048x128xi32, #tpu.memory_space<hbm>> -> memref<2048x128xi32, #tpu.memory_space<hbm>>
          tpu.wait_indirect_dma semaphore(%arg16 : memref<!tpu.dma_semaphore, #tpu.memory_space<semaphore_mem>>) src(%dma_wait3A_271 : memref<2048x128xi32, #tpu.memory_space<hbm>>) dst(%arg10 : memref<8x128xi32, #tpu.memory_space<vmem>>)
          %dma_start3A_272 = arith.constant 0 : i32
          %dma_start3A_273 = arith.constant 0 : i32
          %dma_start3A_274 = tpu.memref_slice %arg2[%dma_start3A_272, %dma_start3A_273] : memref<10000x3072xf32, #tpu.memory_space<hbm>> -> memref<10000x3072xf32, #tpu.memory_space<hbm>>
          tpu.enqueue_indirect_dma source(%arg9 : memref<8x3072xf32, #tpu.memory_space<vmem>>) target(%dma_start3A_274 : memref<10000x3072xf32, #tpu.memory_space<hbm>>) offsets(%arg15 : memref<8xi32, #tpu.memory_space<vmem>>) semaphore(%arg17 : memref<!tpu.dma_semaphore, #tpu.memory_space<semaphore_mem>>)
          %dma_start3A_275 = arith.constant 0 : i32
          %dma_start3A_276 = arith.constant 0 : i32
          %dma_start3A_277 = tpu.memref_slice %arg3[%dma_start3A_275, %dma_start3A_276] : memref<10000x128xi32, #tpu.memory_space<hbm>> -> memref<10000x128xi32, #tpu.memory_space<hbm>>
          tpu.enqueue_indirect_dma source(%arg10 : memref<8x128xi32, #tpu.memory_space<vmem>>) target(%dma_start3A_277 : memref<10000x128xi32, #tpu.memory_space<hbm>>) offsets(%arg15 : memref<8xi32, #tpu.memory_space<vmem>>) semaphore(%arg17 : memref<!tpu.dma_semaphore, #tpu.memory_space<semaphore_mem>>)
          %dma_wait3A_278 = arith.constant 0 : i32
          %dma_wait3A_279 = arith.constant 0 : i32
          %dma_wait3A_280 = tpu.memref_slice %arg2[%dma_wait3A_278, %dma_wait3A_279] : memref<10000x3072xf32, #tpu.memory_space<hbm>> -> memref<10000x3072xf32, #tpu.memory_space<hbm>>
          tpu.wait_indirect_dma semaphore(%arg17 : memref<!tpu.dma_semaphore, #tpu.memory_space<semaphore_mem>>) src(%arg9 : memref<8x3072xf32, #tpu.memory_space<vmem>>) dst(%dma_wait3A_280 : memref<10000x3072xf32, #tpu.memory_space<hbm>>)
          %dma_wait3A_281 = arith.constant 0 : i32
          %dma_wait3A_282 = arith.constant 0 : i32
          %dma_wait3A_283 = tpu.memref_slice %arg3[%dma_wait3A_281, %dma_wait3A_282] : memref<10000x128xi32, #tpu.memory_space<hbm>> -> memref<10000x128xi32, #tpu.memory_space<hbm>>
          tpu.wait_indirect_dma semaphore(%arg17 : memref<!tpu.dma_semaphore, #tpu.memory_space<semaphore_mem>>) src(%arg10 : memref<8x128xi32, #tpu.memory_space<vmem>>) dst(%dma_wait3A_283 : memref<10000x128xi32, #tpu.memory_space<hbm>>)
        } else {
        }
        %gt3A_225 = arith.constant 4 : i32
        %gt3A_226 = arith.cmpi sgt, %min3A_45, %gt3A_225 : i32
        %convert_element_type3A_227 = arith.extui %gt3A_226 : i1 to i32
        %cond3A_228 = arith.constant 0 : i32
        %cond3A_229 = arith.cmpi ne, %convert_element_type3A_227, %cond3A_228 : i32
        scf.if %cond3A_229 {
          %mul3A_245 = arith.constant 0 : i32
          %mul3A_246 = vector.broadcast %mul3A_245 : i32 to vector<16xi32>
          %mul3A_247 = arith.muli %iota3A, %mul3A_246 : vector<16xi32>
          %slice3A_248 = vector.extract_strided_slice %select_n3A_48 {offsets = [4], sizes = [1], strides = [1]} : vector<16xi32> to vector<1xi32>
          %squeeze3A_249 = vector.extract %slice3A_248[0] : i32 from vector<1xi32>
          %add3A_250 = vector.broadcast %squeeze3A_249 : i32 to vector<16xi32>
          %add3A_251 = arith.addi %mul3A_247, %add3A_250 : vector<16xi32>
          %scatter3A = arith.constant 0 : i32
          %scatter3A_252 = tpu.memref_slice %arg15[%scatter3A] : memref<8xi32, #tpu.memory_space<vmem>> -> memref<8xi32, #tpu.memory_space<vmem>>
          tpu.vector_store_idx %scatter3A_252[%iota3A], %add3A_251 masked %lt3A_28 : memref<8xi32, #tpu.memory_space<vmem>>[vector<16xi32>], vector<16xi32>, vector<16xi1>
          %mul3A_253 = arith.constant 0 : i32
          %mul3A_254 = vector.broadcast %mul3A_253 : i32 to vector<16xi32>
          %mul3A_255 = arith.muli %iota3A, %mul3A_254 : vector<16xi32>
          %slice3A_256 = vector.extract_strided_slice %select_n3A_54 {offsets = [4], sizes = [1], strides = [1]} : vector<16xi32> to vector<1xi32>
          %squeeze3A_257 = vector.extract %slice3A_256[0] : i32 from vector<1xi32>
          %add3A_258 = vector.broadcast %squeeze3A_257 : i32 to vector<16xi32>
          %add3A_259 = arith.addi %mul3A_255, %add3A_258 : vector<16xi32>
          %scatter3A_260 = arith.constant 0 : i32
          %scatter3A_261 = tpu.memref_slice %arg14[%scatter3A_260] : memref<8xi32, #tpu.memory_space<vmem>> -> memref<8xi32, #tpu.memory_space<vmem>>
          tpu.vector_store_idx %scatter3A_261[%iota3A], %add3A_259 masked %lt3A_28 : memref<8xi32, #tpu.memory_space<vmem>>[vector<16xi32>], vector<16xi32>, vector<16xi1>
          %dma_start3A = arith.constant 0 : i32
          %dma_start3A_262 = arith.constant 0 : i32
          %dma_start3A_263 = tpu.memref_slice %arg4[%dma_start3A, %dma_start3A_262] : memref<2048x3072xf32, #tpu.memory_space<hbm>> -> memref<2048x3072xf32, #tpu.memory_space<hbm>>
          tpu.enqueue_indirect_dma source(%dma_start3A_263 : memref<2048x3072xf32, #tpu.memory_space<hbm>>) target(%arg9 : memref<8x3072xf32, #tpu.memory_space<vmem>>) offsets(%arg14 : memref<8xi32, #tpu.memory_space<vmem>>) semaphore(%arg16 : memref<!tpu.dma_semaphore, #tpu.memory_space<semaphore_mem>>)
          %dma_start3A_264 = arith.constant 0 : i32
          %dma_start3A_265 = arith.constant 0 : i32
          %dma_start3A_266 = tpu.memref_slice %arg5[%dma_start3A_264, %dma_start3A_265] : memref<2048x128xi32, #tpu.memory_space<hbm>> -> memref<2048x128xi32, #tpu.memory_space<hbm>>
          tpu.enqueue_indirect_dma source(%dma_start3A_266 : memref<2048x128xi32, #tpu.memory_space<hbm>>) target(%arg10 : memref<8x128xi32, #tpu.memory_space<vmem>>) offsets(%arg14 : memref<8xi32, #tpu.memory_space<vmem>>) semaphore(%arg16 : memref<!tpu.dma_semaphore, #tpu.memory_space<semaphore_mem>>)
          %dma_wait3A = arith.constant 0 : i32
          %dma_wait3A_267 = arith.constant 0 : i32
          %dma_wait3A_268 = tpu.memref_slice %arg4[%dma_wait3A, %dma_wait3A_267] : memref<2048x3072xf32, #tpu.memory_space<hbm>> -> memref<2048x3072xf32, #tpu.memory_space<hbm>>
          tpu.wait_indirect_dma semaphore(%arg16 : memref<!tpu.dma_semaphore, #tpu.memory_space<semaphore_mem>>) src(%dma_wait3A_268 : memref<2048x3072xf32, #tpu.memory_space<hbm>>) dst(%arg9 : memref<8x3072xf32, #tpu.memory_space<vmem>>)
          %dma_wait3A_269 = arith.constant 0 : i32
          %dma_wait3A_270 = arith.constant 0 : i32
          %dma_wait3A_271 = tpu.memref_slice %arg5[%dma_wait3A_269, %dma_wait3A_270] : memref<2048x128xi32, #tpu.memory_space<hbm>> -> memref<2048x128xi32, #tpu.memory_space<hbm>>
          tpu.wait_indirect_dma semaphore(%arg16 : memref<!tpu.dma_semaphore, #tpu.memory_space<semaphore_mem>>) src(%dma_wait3A_271 : memref<2048x128xi32, #tpu.memory_space<hbm>>) dst(%arg10 : memref<8x128xi32, #tpu.memory_space<vmem>>)
          %dma_start3A_272 = arith.constant 0 : i32
          %dma_start3A_273 = arith.constant 0 : i32
          %dma_start3A_274 = tpu.memref_slice %arg2[%dma_start3A_272, %dma_start3A_273] : memref<10000x3072xf32, #tpu.memory_space<hbm>> -> memref<10000x3072xf32, #tpu.memory_space<hbm>>
          tpu.enqueue_indirect_dma source(%arg9 : memref<8x3072xf32, #tpu.memory_space<vmem>>) target(%dma_start3A_274 : memref<10000x3072xf32, #tpu.memory_space<hbm>>) offsets(%arg15 : memref<8xi32, #tpu.memory_space<vmem>>) semaphore(%arg17 : memref<!tpu.dma_semaphore, #tpu.memory_space<semaphore_mem>>)
          %dma_start3A_275 = arith.constant 0 : i32
          %dma_start3A_276 = arith.constant 0 : i32
          %dma_start3A_277 = tpu.memref_slice %arg3[%dma_start3A_275, %dma_start3A_276] : memref<10000x128xi32, #tpu.memory_space<hbm>> -> memref<10000x128xi32, #tpu.memory_space<hbm>>
          tpu.enqueue_indirect_dma source(%arg10 : memref<8x128xi32, #tpu.memory_space<vmem>>) target(%dma_start3A_277 : memref<10000x128xi32, #tpu.memory_space<hbm>>) offsets(%arg15 : memref<8xi32, #tpu.memory_space<vmem>>) semaphore(%arg17 : memref<!tpu.dma_semaphore, #tpu.memory_space<semaphore_mem>>)
          %dma_wait3A_278 = arith.constant 0 : i32
          %dma_wait3A_279 = arith.constant 0 : i32
          %dma_wait3A_280 = tpu.memref_slice %arg2[%dma_wait3A_278, %dma_wait3A_279] : memref<10000x3072xf32, #tpu.memory_space<hbm>> -> memref<10000x3072xf32, #tpu.memory_space<hbm>>
          tpu.wait_indirect_dma semaphore(%arg17 : memref<!tpu.dma_semaphore, #tpu.memory_space<semaphore_mem>>) src(%arg9 : memref<8x3072xf32, #tpu.memory_space<vmem>>) dst(%dma_wait3A_280 : memref<10000x3072xf32, #tpu.memory_space<hbm>>)
          %dma_wait3A_281 = arith.constant 0 : i32
          %dma_wait3A_282 = arith.constant 0 : i32
          %dma_wait3A_283 = tpu.memref_slice %arg3[%dma_wait3A_281, %dma_wait3A_282] : memref<10000x128xi32, #tpu.memory_space<hbm>> -> memref<10000x128xi32, #tpu.memory_space<hbm>>
          tpu.wait_indirect_dma semaphore(%arg17 : memref<!tpu.dma_semaphore, #tpu.memory_space<semaphore_mem>>) src(%arg10 : memref<8x128xi32, #tpu.memory_space<vmem>>) dst(%dma_wait3A_283 : memref<10000x128xi32, #tpu.memory_space<hbm>>)
        } else {
        }
        %gt3A_230 = arith.constant 5 : i32
        %gt3A_231 = arith.cmpi sgt, %min3A_45, %gt3A_230 : i32
        %convert_element_type3A_232 = arith.extui %gt3A_231 : i1 to i32
        %cond3A_233 = arith.constant 0 : i32
        %cond3A_234 = arith.cmpi ne, %convert_element_type3A_232, %cond3A_233 : i32
        scf.if %cond3A_234 {
          %mul3A_245 = arith.constant 0 : i32
          %mul3A_246 = vector.broadcast %mul3A_245 : i32 to vector<16xi32>
          %mul3A_247 = arith.muli %iota3A, %mul3A_246 : vector<16xi32>
          %slice3A_248 = vector.extract_strided_slice %select_n3A_48 {offsets = [5], sizes = [1], strides = [1]} : vector<16xi32> to vector<1xi32>
          %squeeze3A_249 = vector.extract %slice3A_248[0] : i32 from vector<1xi32>
          %add3A_250 = vector.broadcast %squeeze3A_249 : i32 to vector<16xi32>
          %add3A_251 = arith.addi %mul3A_247, %add3A_250 : vector<16xi32>
          %scatter3A = arith.constant 0 : i32
          %scatter3A_252 = tpu.memref_slice %arg15[%scatter3A] : memref<8xi32, #tpu.memory_space<vmem>> -> memref<8xi32, #tpu.memory_space<vmem>>
          tpu.vector_store_idx %scatter3A_252[%iota3A], %add3A_251 masked %lt3A_28 : memref<8xi32, #tpu.memory_space<vmem>>[vector<16xi32>], vector<16xi32>, vector<16xi1>
          %mul3A_253 = arith.constant 0 : i32
          %mul3A_254 = vector.broadcast %mul3A_253 : i32 to vector<16xi32>
          %mul3A_255 = arith.muli %iota3A, %mul3A_254 : vector<16xi32>
          %slice3A_256 = vector.extract_strided_slice %select_n3A_54 {offsets = [5], sizes = [1], strides = [1]} : vector<16xi32> to vector<1xi32>
          %squeeze3A_257 = vector.extract %slice3A_256[0] : i32 from vector<1xi32>
          %add3A_258 = vector.broadcast %squeeze3A_257 : i32 to vector<16xi32>
          %add3A_259 = arith.addi %mul3A_255, %add3A_258 : vector<16xi32>
          %scatter3A_260 = arith.constant 0 : i32
          %scatter3A_261 = tpu.memref_slice %arg14[%scatter3A_260] : memref<8xi32, #tpu.memory_space<vmem>> -> memref<8xi32, #tpu.memory_space<vmem>>
          tpu.vector_store_idx %scatter3A_261[%iota3A], %add3A_259 masked %lt3A_28 : memref<8xi32, #tpu.memory_space<vmem>>[vector<16xi32>], vector<16xi32>, vector<16xi1>
          %dma_start3A = arith.constant 0 : i32
          %dma_start3A_262 = arith.constant 0 : i32
          %dma_start3A_263 = tpu.memref_slice %arg4[%dma_start3A, %dma_start3A_262] : memref<2048x3072xf32, #tpu.memory_space<hbm>> -> memref<2048x3072xf32, #tpu.memory_space<hbm>>
          tpu.enqueue_indirect_dma source(%dma_start3A_263 : memref<2048x3072xf32, #tpu.memory_space<hbm>>) target(%arg9 : memref<8x3072xf32, #tpu.memory_space<vmem>>) offsets(%arg14 : memref<8xi32, #tpu.memory_space<vmem>>) semaphore(%arg16 : memref<!tpu.dma_semaphore, #tpu.memory_space<semaphore_mem>>)
          %dma_start3A_264 = arith.constant 0 : i32
          %dma_start3A_265 = arith.constant 0 : i32
          %dma_start3A_266 = tpu.memref_slice %arg5[%dma_start3A_264, %dma_start3A_265] : memref<2048x128xi32, #tpu.memory_space<hbm>> -> memref<2048x128xi32, #tpu.memory_space<hbm>>
          tpu.enqueue_indirect_dma source(%dma_start3A_266 : memref<2048x128xi32, #tpu.memory_space<hbm>>) target(%arg10 : memref<8x128xi32, #tpu.memory_space<vmem>>) offsets(%arg14 : memref<8xi32, #tpu.memory_space<vmem>>) semaphore(%arg16 : memref<!tpu.dma_semaphore, #tpu.memory_space<semaphore_mem>>)
          %dma_wait3A = arith.constant 0 : i32
          %dma_wait3A_267 = arith.constant 0 : i32
          %dma_wait3A_268 = tpu.memref_slice %arg4[%dma_wait3A, %dma_wait3A_267] : memref<2048x3072xf32, #tpu.memory_space<hbm>> -> memref<2048x3072xf32, #tpu.memory_space<hbm>>
          tpu.wait_indirect_dma semaphore(%arg16 : memref<!tpu.dma_semaphore, #tpu.memory_space<semaphore_mem>>) src(%dma_wait3A_268 : memref<2048x3072xf32, #tpu.memory_space<hbm>>) dst(%arg9 : memref<8x3072xf32, #tpu.memory_space<vmem>>)
          %dma_wait3A_269 = arith.constant 0 : i32
          %dma_wait3A_270 = arith.constant 0 : i32
          %dma_wait3A_271 = tpu.memref_slice %arg5[%dma_wait3A_269, %dma_wait3A_270] : memref<2048x128xi32, #tpu.memory_space<hbm>> -> memref<2048x128xi32, #tpu.memory_space<hbm>>
          tpu.wait_indirect_dma semaphore(%arg16 : memref<!tpu.dma_semaphore, #tpu.memory_space<semaphore_mem>>) src(%dma_wait3A_271 : memref<2048x128xi32, #tpu.memory_space<hbm>>) dst(%arg10 : memref<8x128xi32, #tpu.memory_space<vmem>>)
          %dma_start3A_272 = arith.constant 0 : i32
          %dma_start3A_273 = arith.constant 0 : i32
          %dma_start3A_274 = tpu.memref_slice %arg2[%dma_start3A_272, %dma_start3A_273] : memref<10000x3072xf32, #tpu.memory_space<hbm>> -> memref<10000x3072xf32, #tpu.memory_space<hbm>>
          tpu.enqueue_indirect_dma source(%arg9 : memref<8x3072xf32, #tpu.memory_space<vmem>>) target(%dma_start3A_274 : memref<10000x3072xf32, #tpu.memory_space<hbm>>) offsets(%arg15 : memref<8xi32, #tpu.memory_space<vmem>>) semaphore(%arg17 : memref<!tpu.dma_semaphore, #tpu.memory_space<semaphore_mem>>)
          %dma_start3A_275 = arith.constant 0 : i32
          %dma_start3A_276 = arith.constant 0 : i32
          %dma_start3A_277 = tpu.memref_slice %arg3[%dma_start3A_275, %dma_start3A_276] : memref<10000x128xi32, #tpu.memory_space<hbm>> -> memref<10000x128xi32, #tpu.memory_space<hbm>>
          tpu.enqueue_indirect_dma source(%arg10 : memref<8x128xi32, #tpu.memory_space<vmem>>) target(%dma_start3A_277 : memref<10000x128xi32, #tpu.memory_space<hbm>>) offsets(%arg15 : memref<8xi32, #tpu.memory_space<vmem>>) semaphore(%arg17 : memref<!tpu.dma_semaphore, #tpu.memory_space<semaphore_mem>>)
          %dma_wait3A_278 = arith.constant 0 : i32
          %dma_wait3A_279 = arith.constant 0 : i32
          %dma_wait3A_280 = tpu.memref_slice %arg2[%dma_wait3A_278, %dma_wait3A_279] : memref<10000x3072xf32, #tpu.memory_space<hbm>> -> memref<10000x3072xf32, #tpu.memory_space<hbm>>
          tpu.wait_indirect_dma semaphore(%arg17 : memref<!tpu.dma_semaphore, #tpu.memory_space<semaphore_mem>>) src(%arg9 : memref<8x3072xf32, #tpu.memory_space<vmem>>) dst(%dma_wait3A_280 : memref<10000x3072xf32, #tpu.memory_space<hbm>>)
          %dma_wait3A_281 = arith.constant 0 : i32
          %dma_wait3A_282 = arith.constant 0 : i32
          %dma_wait3A_283 = tpu.memref_slice %arg3[%dma_wait3A_281, %dma_wait3A_282] : memref<10000x128xi32, #tpu.memory_space<hbm>> -> memref<10000x128xi32, #tpu.memory_space<hbm>>
          tpu.wait_indirect_dma semaphore(%arg17 : memref<!tpu.dma_semaphore, #tpu.memory_space<semaphore_mem>>) src(%arg10 : memref<8x128xi32, #tpu.memory_space<vmem>>) dst(%dma_wait3A_283 : memref<10000x128xi32, #tpu.memory_space<hbm>>)
        } else {
        }
        %gt3A_235 = arith.constant 6 : i32
        %gt3A_236 = arith.cmpi sgt, %min3A_45, %gt3A_235 : i32
        %convert_element_type3A_237 = arith.extui %gt3A_236 : i1 to i32
        %cond3A_238 = arith.constant 0 : i32
        %cond3A_239 = arith.cmpi ne, %convert_element_type3A_237, %cond3A_238 : i32
        scf.if %cond3A_239 {
          %mul3A_245 = arith.constant 0 : i32
          %mul3A_246 = vector.broadcast %mul3A_245 : i32 to vector<16xi32>
          %mul3A_247 = arith.muli %iota3A, %mul3A_246 : vector<16xi32>
          %slice3A_248 = vector.extract_strided_slice %select_n3A_48 {offsets = [6], sizes = [1], strides = [1]} : vector<16xi32> to vector<1xi32>
          %squeeze3A_249 = vector.extract %slice3A_248[0] : i32 from vector<1xi32>
          %add3A_250 = vector.broadcast %squeeze3A_249 : i32 to vector<16xi32>
          %add3A_251 = arith.addi %mul3A_247, %add3A_250 : vector<16xi32>
          %scatter3A = arith.constant 0 : i32
          %scatter3A_252 = tpu.memref_slice %arg15[%scatter3A] : memref<8xi32, #tpu.memory_space<vmem>> -> memref<8xi32, #tpu.memory_space<vmem>>
          tpu.vector_store_idx %scatter3A_252[%iota3A], %add3A_251 masked %lt3A_28 : memref<8xi32, #tpu.memory_space<vmem>>[vector<16xi32>], vector<16xi32>, vector<16xi1>
          %mul3A_253 = arith.constant 0 : i32
          %mul3A_254 = vector.broadcast %mul3A_253 : i32 to vector<16xi32>
          %mul3A_255 = arith.muli %iota3A, %mul3A_254 : vector<16xi32>
          %slice3A_256 = vector.extract_strided_slice %select_n3A_54 {offsets = [6], sizes = [1], strides = [1]} : vector<16xi32> to vector<1xi32>
          %squeeze3A_257 = vector.extract %slice3A_256[0] : i32 from vector<1xi32>
          %add3A_258 = vector.broadcast %squeeze3A_257 : i32 to vector<16xi32>
          %add3A_259 = arith.addi %mul3A_255, %add3A_258 : vector<16xi32>
          %scatter3A_260 = arith.constant 0 : i32
          %scatter3A_261 = tpu.memref_slice %arg14[%scatter3A_260] : memref<8xi32, #tpu.memory_space<vmem>> -> memref<8xi32, #tpu.memory_space<vmem>>
          tpu.vector_store_idx %scatter3A_261[%iota3A], %add3A_259 masked %lt3A_28 : memref<8xi32, #tpu.memory_space<vmem>>[vector<16xi32>], vector<16xi32>, vector<16xi1>
          %dma_start3A = arith.constant 0 : i32
          %dma_start3A_262 = arith.constant 0 : i32
          %dma_start3A_263 = tpu.memref_slice %arg4[%dma_start3A, %dma_start3A_262] : memref<2048x3072xf32, #tpu.memory_space<hbm>> -> memref<2048x3072xf32, #tpu.memory_space<hbm>>
          tpu.enqueue_indirect_dma source(%dma_start3A_263 : memref<2048x3072xf32, #tpu.memory_space<hbm>>) target(%arg9 : memref<8x3072xf32, #tpu.memory_space<vmem>>) offsets(%arg14 : memref<8xi32, #tpu.memory_space<vmem>>) semaphore(%arg16 : memref<!tpu.dma_semaphore, #tpu.memory_space<semaphore_mem>>)
          %dma_start3A_264 = arith.constant 0 : i32
          %dma_start3A_265 = arith.constant 0 : i32
          %dma_start3A_266 = tpu.memref_slice %arg5[%dma_start3A_264, %dma_start3A_265] : memref<2048x128xi32, #tpu.memory_space<hbm>> -> memref<2048x128xi32, #tpu.memory_space<hbm>>
          tpu.enqueue_indirect_dma source(%dma_start3A_266 : memref<2048x128xi32, #tpu.memory_space<hbm>>) target(%arg10 : memref<8x128xi32, #tpu.memory_space<vmem>>) offsets(%arg14 : memref<8xi32, #tpu.memory_space<vmem>>) semaphore(%arg16 : memref<!tpu.dma_semaphore, #tpu.memory_space<semaphore_mem>>)
          %dma_wait3A = arith.constant 0 : i32
          %dma_wait3A_267 = arith.constant 0 : i32
          %dma_wait3A_268 = tpu.memref_slice %arg4[%dma_wait3A, %dma_wait3A_267] : memref<2048x3072xf32, #tpu.memory_space<hbm>> -> memref<2048x3072xf32, #tpu.memory_space<hbm>>
          tpu.wait_indirect_dma semaphore(%arg16 : memref<!tpu.dma_semaphore, #tpu.memory_space<semaphore_mem>>) src(%dma_wait3A_268 : memref<2048x3072xf32, #tpu.memory_space<hbm>>) dst(%arg9 : memref<8x3072xf32, #tpu.memory_space<vmem>>)
          %dma_wait3A_269 = arith.constant 0 : i32
          %dma_wait3A_270 = arith.constant 0 : i32
          %dma_wait3A_271 = tpu.memref_slice %arg5[%dma_wait3A_269, %dma_wait3A_270] : memref<2048x128xi32, #tpu.memory_space<hbm>> -> memref<2048x128xi32, #tpu.memory_space<hbm>>
          tpu.wait_indirect_dma semaphore(%arg16 : memref<!tpu.dma_semaphore, #tpu.memory_space<semaphore_mem>>) src(%dma_wait3A_271 : memref<2048x128xi32, #tpu.memory_space<hbm>>) dst(%arg10 : memref<8x128xi32, #tpu.memory_space<vmem>>)
          %dma_start3A_272 = arith.constant 0 : i32
          %dma_start3A_273 = arith.constant 0 : i32
          %dma_start3A_274 = tpu.memref_slice %arg2[%dma_start3A_272, %dma_start3A_273] : memref<10000x3072xf32, #tpu.memory_space<hbm>> -> memref<10000x3072xf32, #tpu.memory_space<hbm>>
          tpu.enqueue_indirect_dma source(%arg9 : memref<8x3072xf32, #tpu.memory_space<vmem>>) target(%dma_start3A_274 : memref<10000x3072xf32, #tpu.memory_space<hbm>>) offsets(%arg15 : memref<8xi32, #tpu.memory_space<vmem>>) semaphore(%arg17 : memref<!tpu.dma_semaphore, #tpu.memory_space<semaphore_mem>>)
          %dma_start3A_275 = arith.constant 0 : i32
          %dma_start3A_276 = arith.constant 0 : i32
          %dma_start3A_277 = tpu.memref_slice %arg3[%dma_start3A_275, %dma_start3A_276] : memref<10000x128xi32, #tpu.memory_space<hbm>> -> memref<10000x128xi32, #tpu.memory_space<hbm>>
          tpu.enqueue_indirect_dma source(%arg10 : memref<8x128xi32, #tpu.memory_space<vmem>>) target(%dma_start3A_277 : memref<10000x128xi32, #tpu.memory_space<hbm>>) offsets(%arg15 : memref<8xi32, #tpu.memory_space<vmem>>) semaphore(%arg17 : memref<!tpu.dma_semaphore, #tpu.memory_space<semaphore_mem>>)
          %dma_wait3A_278 = arith.constant 0 : i32
          %dma_wait3A_279 = arith.constant 0 : i32
          %dma_wait3A_280 = tpu.memref_slice %arg2[%dma_wait3A_278, %dma_wait3A_279] : memref<10000x3072xf32, #tpu.memory_space<hbm>> -> memref<10000x3072xf32, #tpu.memory_space<hbm>>
          tpu.wait_indirect_dma semaphore(%arg17 : memref<!tpu.dma_semaphore, #tpu.memory_space<semaphore_mem>>) src(%arg9 : memref<8x3072xf32, #tpu.memory_space<vmem>>) dst(%dma_wait3A_280 : memref<10000x3072xf32, #tpu.memory_space<hbm>>)
          %dma_wait3A_281 = arith.constant 0 : i32
          %dma_wait3A_282 = arith.constant 0 : i32
          %dma_wait3A_283 = tpu.memref_slice %arg3[%dma_wait3A_281, %dma_wait3A_282] : memref<10000x128xi32, #tpu.memory_space<hbm>> -> memref<10000x128xi32, #tpu.memory_space<hbm>>
          tpu.wait_indirect_dma semaphore(%arg17 : memref<!tpu.dma_semaphore, #tpu.memory_space<semaphore_mem>>) src(%arg10 : memref<8x128xi32, #tpu.memory_space<vmem>>) dst(%dma_wait3A_283 : memref<10000x128xi32, #tpu.memory_space<hbm>>)
        } else {
        }
        %gt3A_240 = arith.constant 7 : i32
        %gt3A_241 = arith.cmpi sgt, %min3A_45, %gt3A_240 : i32
        %convert_element_type3A_242 = arith.extui %gt3A_241 : i1 to i32
        %cond3A_243 = arith.constant 0 : i32
        %cond3A_244 = arith.cmpi ne, %convert_element_type3A_242, %cond3A_243 : i32
        scf.if %cond3A_244 {
          %mul3A_245 = arith.constant 0 : i32
          %mul3A_246 = vector.broadcast %mul3A_245 : i32 to vector<16xi32>
          %mul3A_247 = arith.muli %iota3A, %mul3A_246 : vector<16xi32>
          %slice3A_248 = vector.extract_strided_slice %select_n3A_48 {offsets = [7], sizes = [1], strides = [1]} : vector<16xi32> to vector<1xi32>
          %squeeze3A_249 = vector.extract %slice3A_248[0] : i32 from vector<1xi32>
          %add3A_250 = vector.broadcast %squeeze3A_249 : i32 to vector<16xi32>
          %add3A_251 = arith.addi %mul3A_247, %add3A_250 : vector<16xi32>
          %scatter3A = arith.constant 0 : i32
          %scatter3A_252 = tpu.memref_slice %arg15[%scatter3A] : memref<8xi32, #tpu.memory_space<vmem>> -> memref<8xi32, #tpu.memory_space<vmem>>
          tpu.vector_store_idx %scatter3A_252[%iota3A], %add3A_251 masked %lt3A_28 : memref<8xi32, #tpu.memory_space<vmem>>[vector<16xi32>], vector<16xi32>, vector<16xi1>
          %mul3A_253 = arith.constant 0 : i32
          %mul3A_254 = vector.broadcast %mul3A_253 : i32 to vector<16xi32>
          %mul3A_255 = arith.muli %iota3A, %mul3A_254 : vector<16xi32>
          %slice3A_256 = vector.extract_strided_slice %select_n3A_54 {offsets = [7], sizes = [1], strides = [1]} : vector<16xi32> to vector<1xi32>
          %squeeze3A_257 = vector.extract %slice3A_256[0] : i32 from vector<1xi32>
          %add3A_258 = vector.broadcast %squeeze3A_257 : i32 to vector<16xi32>
          %add3A_259 = arith.addi %mul3A_255, %add3A_258 : vector<16xi32>
          %scatter3A_260 = arith.constant 0 : i32
          %scatter3A_261 = tpu.memref_slice %arg14[%scatter3A_260] : memref<8xi32, #tpu.memory_space<vmem>> -> memref<8xi32, #tpu.memory_space<vmem>>
          tpu.vector_store_idx %scatter3A_261[%iota3A], %add3A_259 masked %lt3A_28 : memref<8xi32, #tpu.memory_space<vmem>>[vector<16xi32>], vector<16xi32>, vector<16xi1>
          %dma_start3A = arith.constant 0 : i32
          %dma_start3A_262 = arith.constant 0 : i32
          %dma_start3A_263 = tpu.memref_slice %arg4[%dma_start3A, %dma_start3A_262] : memref<2048x3072xf32, #tpu.memory_space<hbm>> -> memref<2048x3072xf32, #tpu.memory_space<hbm>>
          tpu.enqueue_indirect_dma source(%dma_start3A_263 : memref<2048x3072xf32, #tpu.memory_space<hbm>>) target(%arg9 : memref<8x3072xf32, #tpu.memory_space<vmem>>) offsets(%arg14 : memref<8xi32, #tpu.memory_space<vmem>>) semaphore(%arg16 : memref<!tpu.dma_semaphore, #tpu.memory_space<semaphore_mem>>)
          %dma_start3A_264 = arith.constant 0 : i32
          %dma_start3A_265 = arith.constant 0 : i32
          %dma_start3A_266 = tpu.memref_slice %arg5[%dma_start3A_264, %dma_start3A_265] : memref<2048x128xi32, #tpu.memory_space<hbm>> -> memref<2048x128xi32, #tpu.memory_space<hbm>>
          tpu.enqueue_indirect_dma source(%dma_start3A_266 : memref<2048x128xi32, #tpu.memory_space<hbm>>) target(%arg10 : memref<8x128xi32, #tpu.memory_space<vmem>>) offsets(%arg14 : memref<8xi32, #tpu.memory_space<vmem>>) semaphore(%arg16 : memref<!tpu.dma_semaphore, #tpu.memory_space<semaphore_mem>>)
          %dma_wait3A = arith.constant 0 : i32
          %dma_wait3A_267 = arith.constant 0 : i32
          %dma_wait3A_268 = tpu.memref_slice %arg4[%dma_wait3A, %dma_wait3A_267] : memref<2048x3072xf32, #tpu.memory_space<hbm>> -> memref<2048x3072xf32, #tpu.memory_space<hbm>>
          tpu.wait_indirect_dma semaphore(%arg16 : memref<!tpu.dma_semaphore, #tpu.memory_space<semaphore_mem>>) src(%dma_wait3A_268 : memref<2048x3072xf32, #tpu.memory_space<hbm>>) dst(%arg9 : memref<8x3072xf32, #tpu.memory_space<vmem>>)
          %dma_wait3A_269 = arith.constant 0 : i32
          %dma_wait3A_270 = arith.constant 0 : i32
          %dma_wait3A_271 = tpu.memref_slice %arg5[%dma_wait3A_269, %dma_wait3A_270] : memref<2048x128xi32, #tpu.memory_space<hbm>> -> memref<2048x128xi32, #tpu.memory_space<hbm>>
          tpu.wait_indirect_dma semaphore(%arg16 : memref<!tpu.dma_semaphore, #tpu.memory_space<semaphore_mem>>) src(%dma_wait3A_271 : memref<2048x128xi32, #tpu.memory_space<hbm>>) dst(%arg10 : memref<8x128xi32, #tpu.memory_space<vmem>>)
          %dma_start3A_272 = arith.constant 0 : i32
          %dma_start3A_273 = arith.constant 0 : i32
          %dma_start3A_274 = tpu.memref_slice %arg2[%dma_start3A_272, %dma_start3A_273] : memref<10000x3072xf32, #tpu.memory_space<hbm>> -> memref<10000x3072xf32, #tpu.memory_space<hbm>>
          tpu.enqueue_indirect_dma source(%arg9 : memref<8x3072xf32, #tpu.memory_space<vmem>>) target(%dma_start3A_274 : memref<10000x3072xf32, #tpu.memory_space<hbm>>) offsets(%arg15 : memref<8xi32, #tpu.memory_space<vmem>>) semaphore(%arg17 : memref<!tpu.dma_semaphore, #tpu.memory_space<semaphore_mem>>)
          %dma_start3A_275 = arith.constant 0 : i32
          %dma_start3A_276 = arith.constant 0 : i32
          %dma_start3A_277 = tpu.memref_slice %arg3[%dma_start3A_275, %dma_start3A_276] : memref<10000x128xi32, #tpu.memory_space<hbm>> -> memref<10000x128xi32, #tpu.memory_space<hbm>>
          tpu.enqueue_indirect_dma source(%arg10 : memref<8x128xi32, #tpu.memory_space<vmem>>) target(%dma_start3A_277 : memref<10000x128xi32, #tpu.memory_space<hbm>>) offsets(%arg15 : memref<8xi32, #tpu.memory_space<vmem>>) semaphore(%arg17 : memref<!tpu.dma_semaphore, #tpu.memory_space<semaphore_mem>>)
          %dma_wait3A_278 = arith.constant 0 : i32
          %dma_wait3A_279 = arith.constant 0 : i32
          %dma_wait3A_280 = tpu.memref_slice %arg2[%dma_wait3A_278, %dma_wait3A_279] : memref<10000x3072xf32, #tpu.memory_space<hbm>> -> memref<10000x3072xf32, #tpu.memory_space<hbm>>
          tpu.wait_indirect_dma semaphore(%arg17 : memref<!tpu.dma_semaphore, #tpu.memory_space<semaphore_mem>>) src(%arg9 : memref<8x3072xf32, #tpu.memory_space<vmem>>) dst(%dma_wait3A_280 : memref<10000x3072xf32, #tpu.memory_space<hbm>>)
          %dma_wait3A_281 = arith.constant 0 : i32
          %dma_wait3A_282 = arith.constant 0 : i32
          %dma_wait3A_283 = tpu.memref_slice %arg3[%dma_wait3A_281, %dma_wait3A_282] : memref<10000x128xi32, #tpu.memory_space<hbm>> -> memref<10000x128xi32, #tpu.memory_space<hbm>>
          tpu.wait_indirect_dma semaphore(%arg17 : memref<!tpu.dma_semaphore, #tpu.memory_space<semaphore_mem>>) src(%arg10 : memref<8x128xi32, #tpu.memory_space<vmem>>) dst(%dma_wait3A_283 : memref<10000x128xi32, #tpu.memory_space<hbm>>)
        } else {
        }
      } else {
      }
    }
    return
  }
}

#map = affine_map<(d0, d1) -> (0, 0)>
#map1 = affine_map<(d0, d1) -> (0)>
module attributes {stable_mosaic.version = 14 : i64} {
  func.func @new_body(%arg0: i32, %arg1: i32, %arg2: memref<10000x3072xf32, #tpu.memory_space<hbm>>, %arg3: memref<2048x3072xf32, #tpu.memory_space<hbm>>, %arg4: memref<2048xi32, #tpu.memory_space<hbm>>, %arg5: memref<10000x3072xf32, #tpu.memory_space<hbm>>, %arg6: memref<8x3072xf32, #tpu.memory_space<vmem>>, %arg7: memref<2048xi32, #tpu.memory_space<vmem>>, %arg8: memref<2064xi32, #tpu.memory_space<vmem>>, %arg9: memref<2064xi32, #tpu.memory_space<vmem>>, %arg10: memref<8xi32, #tpu.memory_space<vmem>>, %arg11: memref<8xi32, #tpu.memory_space<vmem>>, %arg12: memref<!tpu.dma_semaphore, #tpu.memory_space<semaphore_mem>>, %arg13: memref<!tpu.dma_semaphore, #tpu.memory_space<semaphore_mem>>) attributes {dimension_semantics = [#tpu.dimension_semantics<core_parallel>, #tpu.dimension_semantics<subcore_parallel>], iteration_bounds = array<i64: 2, 16>, scalar_prefetch = 0 : i64, scratch_operands = 8 : i64, tpu.core_type = #tpu.core_type<sc_vector_subcore>, window_params = [{transform_indices = #map}, {transform_indices = #map}, {transform_indices = #map1}, {transform_indices = #map}]} {
    %mul3A = arith.constant 2 : i32
    %mul3A_0 = arith.muli %arg1, %mul3A : i32
    %add3A = arith.addi %mul3A_0, %arg0 : i32
    "tpu.region"() ({
      %run_scoped3A = tpu.sem_alloc : memref<!tpu.dma_semaphore, #tpu.memory_space<semaphore_mem>>
      tpu.enqueue_dma source(%arg4 : memref<2048xi32, #tpu.memory_space<hbm>>) target(%arg7 : memref<2048xi32, #tpu.memory_space<vmem>>) target_semaphore(%run_scoped3A : memref<!tpu.dma_semaphore, #tpu.memory_space<semaphore_mem>>)
      tpu.wait_dma2 semaphore(%run_scoped3A : memref<!tpu.dma_semaphore, #tpu.memory_space<semaphore_mem>>) src(%arg4 : memref<2048xi32, #tpu.memory_space<hbm>>) dst(%arg7 : memref<2048xi32, #tpu.memory_space<vmem>>)
      tpu.yield
    }) : () -> ()
    %iota3A = tpu.iota {dimensions = array<i32: 0>} : vector<16xi32>
    %scan3A = arith.constant 0 : i32
    %scan3A_1 = arith.constant 0 : i32
    %scan3A_2 = arith.constant 128 : i32
    %scan3A_3 = arith.addi %scan3A_1, %scan3A_2 : i32
    %scan3A_4 = arith.constant 1 : i32
    %scan3A_5 = scf.for %scan3A_38 = %scan3A_1 to %scan3A_3 step %scan3A_4 iter_args(%scan3A_39 = %scan3A) -> (i32)  : i32 {
      %mul3A_40 = arith.constant 16 : i32
      %mul3A_41 = arith.muli %scan3A_38, %mul3A_40 : i32
      %multiple_of3A = tpu.assume_multiple %mul3A_41, 16 : i32
      %get3A = arith.index_cast %multiple_of3A : i32 to index
      %get3A_42 = tpu.vector_load %arg7[%get3A] {strides = array<i32>} : memref<2048xi32, #tpu.memory_space<vmem>>, vector<16xi32>,
      %lt3A_43 = arith.constant 10000 : i32
      %lt3A_44 = vector.broadcast %lt3A_43 : i32 to vector<16xi32>
      %lt3A_45 = arith.cmpi slt, %get3A_42, %lt3A_44 : vector<16xi32>
      %shift_right_arithmetic3A = arith.constant 4 : i32
      %shift_right_arithmetic3A_46 = vector.broadcast %shift_right_arithmetic3A : i32 to vector<16xi32>
      %shift_right_arithmetic3A_47 = arith.shrsi %get3A_42, %shift_right_arithmetic3A_46 : vector<16xi32>
      %and3A_48 = arith.constant 31 : i32
      %and3A_49 = vector.broadcast %and3A_48 : i32 to vector<16xi32>
      %and3A_50 = arith.andi %shift_right_arithmetic3A_47, %and3A_49 : vector<16xi32>
      %eq3A = vector.broadcast %add3A : i32 to vector<16xi32>
      %eq3A_51 = arith.cmpi eq, %and3A_50, %eq3A : vector<16xi32>
      %and3A_52 = arith.andi %lt3A_45, %eq3A_51 : vector<16xi1>
      %all_reduce_population_count3A = tpu.all_reduce %and3A_52 {dim = 0 : i64, kind = #tpu.reduction_kind<sum>} : vector<16xi1> -> vector<16xi32>
      %slice3A = vector.extract_strided_slice %all_reduce_population_count3A {offsets = [0], sizes = [1], strides = [1]} : vector<16xi32> to vector<1xi32>
      %squeeze3A = vector.extract %slice3A[0] : i32 from vector<1xi32>
      %gt3A = arith.constant 0 : i32
      %gt3A_53 = arith.cmpi sgt, %squeeze3A, %gt3A : i32
      %convert_element_type3A = arith.extui %gt3A_53 : i1 to i32
      %cond3A = arith.constant 0 : i32
      %cond3A_54 = arith.cmpi ne, %convert_element_type3A, %cond3A : i32
      scf.if %cond3A_54 {
        %jit3A_56 = arith.constant 1 : i32
        %jit3A_57 = arith.constant 0 : i32
        %broadcast_in_dim3A = vector.broadcast %jit3A_56 : i32 to vector<16xi32>
        %broadcast_in_dim3A_58 = vector.broadcast %jit3A_57 : i32 to vector<16xi32>
        %select_n3A_59 = arith.select %and3A_52, %broadcast_in_dim3A, %broadcast_in_dim3A_58 : vector<16xi1>, vector<16xi32>
        %mul3A_60 = arith.constant 0 : i32
        %mul3A_61 = vector.broadcast %mul3A_60 : i32 to vector<16xi32>
        %mul3A_62 = arith.muli %iota3A, %mul3A_61 : vector<16xi32>
        %gt3A_63 = arith.constant 0 : i32
        %gt3A_64 = vector.broadcast %gt3A_63 : i32 to vector<16xi32>
        %gt3A_65 = arith.cmpi sgt, %iota3A, %gt3A_64 : vector<16xi32>
        %slice3A_66 = vector.extract_strided_slice %select_n3A_59 {offsets = [0], sizes = [1], strides = [1]} : vector<16xi32> to vector<1xi32>
        %squeeze3A_67 = vector.extract %slice3A_66[0] : i32 from vector<1xi32>
        %gt3A_68 = arith.constant 0 : i32
        %gt3A_69 = arith.cmpi sgt, %squeeze3A_67, %gt3A_68 : i32
        %and3A_70 = vector.broadcast %gt3A_69 : i1 to vector<16xi1>
        %and3A_71 = arith.andi %gt3A_65, %and3A_70 : vector<16xi1>
        %jit3A_72 = arith.constant 1 : i32
        %jit3A_73 = arith.constant 0 : i32
        %broadcast_in_dim3A_74 = vector.broadcast %jit3A_72 : i32 to vector<16xi32>
        %broadcast_in_dim3A_75 = vector.broadcast %jit3A_73 : i32 to vector<16xi32>
        %select_n3A_76 = arith.select %and3A_71, %broadcast_in_dim3A_74, %broadcast_in_dim3A_75 : vector<16xi1>, vector<16xi32>
        %add3A_77 = arith.addi %mul3A_62, %select_n3A_76 : vector<16xi32>
        %gt3A_78 = arith.constant 1 : i32
        %gt3A_79 = vector.broadcast %gt3A_78 : i32 to vector<16xi32>
        %gt3A_80 = arith.cmpi sgt, %iota3A, %gt3A_79 : vector<16xi32>
        %slice3A_81 = vector.extract_strided_slice %select_n3A_59 {offsets = [1], sizes = [1], strides = [1]} : vector<16xi32> to vector<1xi32>
        %squeeze3A_82 = vector.extract %slice3A_81[0] : i32 from vector<1xi32>
        %gt3A_83 = arith.constant 0 : i32
        %gt3A_84 = arith.cmpi sgt, %squeeze3A_82, %gt3A_83 : i32
        %and3A_85 = vector.broadcast %gt3A_84 : i1 to vector<16xi1>
        %and3A_86 = arith.andi %gt3A_80, %and3A_85 : vector<16xi1>
        %jit3A_87 = arith.constant 1 : i32
        %jit3A_88 = arith.constant 0 : i32
        %broadcast_in_dim3A_89 = vector.broadcast %jit3A_87 : i32 to vector<16xi32>
        %broadcast_in_dim3A_90 = vector.broadcast %jit3A_88 : i32 to vector<16xi32>
        %select_n3A_91 = arith.select %and3A_86, %broadcast_in_dim3A_89, %broadcast_in_dim3A_90 : vector<16xi1>, vector<16xi32>
        %add3A_92 = arith.addi %add3A_77, %select_n3A_91 : vector<16xi32>
        %gt3A_93 = arith.constant 2 : i32
        %gt3A_94 = vector.broadcast %gt3A_93 : i32 to vector<16xi32>
        %gt3A_95 = arith.cmpi sgt, %iota3A, %gt3A_94 : vector<16xi32>
        %slice3A_96 = vector.extract_strided_slice %select_n3A_59 {offsets = [2], sizes = [1], strides = [1]} : vector<16xi32> to vector<1xi32>
        %squeeze3A_97 = vector.extract %slice3A_96[0] : i32 from vector<1xi32>
        %gt3A_98 = arith.constant 0 : i32
        %gt3A_99 = arith.cmpi sgt, %squeeze3A_97, %gt3A_98 : i32
        %and3A_100 = vector.broadcast %gt3A_99 : i1 to vector<16xi1>
        %and3A_101 = arith.andi %gt3A_95, %and3A_100 : vector<16xi1>
        %jit3A_102 = arith.constant 1 : i32
        %jit3A_103 = arith.constant 0 : i32
        %broadcast_in_dim3A_104 = vector.broadcast %jit3A_102 : i32 to vector<16xi32>
        %broadcast_in_dim3A_105 = vector.broadcast %jit3A_103 : i32 to vector<16xi32>
        %select_n3A_106 = arith.select %and3A_101, %broadcast_in_dim3A_104, %broadcast_in_dim3A_105 : vector<16xi1>, vector<16xi32>
        %add3A_107 = arith.addi %add3A_92, %select_n3A_106 : vector<16xi32>
        %gt3A_108 = arith.constant 3 : i32
        %gt3A_109 = vector.broadcast %gt3A_108 : i32 to vector<16xi32>
        %gt3A_110 = arith.cmpi sgt, %iota3A, %gt3A_109 : vector<16xi32>
        %slice3A_111 = vector.extract_strided_slice %select_n3A_59 {offsets = [3], sizes = [1], strides = [1]} : vector<16xi32> to vector<1xi32>
        %squeeze3A_112 = vector.extract %slice3A_111[0] : i32 from vector<1xi32>
        %gt3A_113 = arith.constant 0 : i32
        %gt3A_114 = arith.cmpi sgt, %squeeze3A_112, %gt3A_113 : i32
        %and3A_115 = vector.broadcast %gt3A_114 : i1 to vector<16xi1>
        %and3A_116 = arith.andi %gt3A_110, %and3A_115 : vector<16xi1>
        %jit3A_117 = arith.constant 1 : i32
        %jit3A_118 = arith.constant 0 : i32
        %broadcast_in_dim3A_119 = vector.broadcast %jit3A_117 : i32 to vector<16xi32>
        %broadcast_in_dim3A_120 = vector.broadcast %jit3A_118 : i32 to vector<16xi32>
        %select_n3A_121 = arith.select %and3A_116, %broadcast_in_dim3A_119, %broadcast_in_dim3A_120 : vector<16xi1>, vector<16xi32>
        %add3A_122 = arith.addi %add3A_107, %select_n3A_121 : vector<16xi32>
        %gt3A_123 = arith.constant 4 : i32
        %gt3A_124 = vector.broadcast %gt3A_123 : i32 to vector<16xi32>
        %gt3A_125 = arith.cmpi sgt, %iota3A, %gt3A_124 : vector<16xi32>
        %slice3A_126 = vector.extract_strided_slice %select_n3A_59 {offsets = [4], sizes = [1], strides = [1]} : vector<16xi32> to vector<1xi32>
        %squeeze3A_127 = vector.extract %slice3A_126[0] : i32 from vector<1xi32>
        %gt3A_128 = arith.constant 0 : i32
        %gt3A_129 = arith.cmpi sgt, %squeeze3A_127, %gt3A_128 : i32
        %and3A_130 = vector.broadcast %gt3A_129 : i1 to vector<16xi1>
        %and3A_131 = arith.andi %gt3A_125, %and3A_130 : vector<16xi1>
        %jit3A_132 = arith.constant 1 : i32
        %jit3A_133 = arith.constant 0 : i32
        %broadcast_in_dim3A_134 = vector.broadcast %jit3A_132 : i32 to vector<16xi32>
        %broadcast_in_dim3A_135 = vector.broadcast %jit3A_133 : i32 to vector<16xi32>
        %select_n3A_136 = arith.select %and3A_131, %broadcast_in_dim3A_134, %broadcast_in_dim3A_135 : vector<16xi1>, vector<16xi32>
        %add3A_137 = arith.addi %add3A_122, %select_n3A_136 : vector<16xi32>
        %gt3A_138 = arith.constant 5 : i32
        %gt3A_139 = vector.broadcast %gt3A_138 : i32 to vector<16xi32>
        %gt3A_140 = arith.cmpi sgt, %iota3A, %gt3A_139 : vector<16xi32>
        %slice3A_141 = vector.extract_strided_slice %select_n3A_59 {offsets = [5], sizes = [1], strides = [1]} : vector<16xi32> to vector<1xi32>
        %squeeze3A_142 = vector.extract %slice3A_141[0] : i32 from vector<1xi32>
        %gt3A_143 = arith.constant 0 : i32
        %gt3A_144 = arith.cmpi sgt, %squeeze3A_142, %gt3A_143 : i32
        %and3A_145 = vector.broadcast %gt3A_144 : i1 to vector<16xi1>
        %and3A_146 = arith.andi %gt3A_140, %and3A_145 : vector<16xi1>
        %jit3A_147 = arith.constant 1 : i32
        %jit3A_148 = arith.constant 0 : i32
        %broadcast_in_dim3A_149 = vector.broadcast %jit3A_147 : i32 to vector<16xi32>
        %broadcast_in_dim3A_150 = vector.broadcast %jit3A_148 : i32 to vector<16xi32>
        %select_n3A_151 = arith.select %and3A_146, %broadcast_in_dim3A_149, %broadcast_in_dim3A_150 : vector<16xi1>, vector<16xi32>
        %add3A_152 = arith.addi %add3A_137, %select_n3A_151 : vector<16xi32>
        %gt3A_153 = arith.constant 6 : i32
        %gt3A_154 = vector.broadcast %gt3A_153 : i32 to vector<16xi32>
        %gt3A_155 = arith.cmpi sgt, %iota3A, %gt3A_154 : vector<16xi32>
        %slice3A_156 = vector.extract_strided_slice %select_n3A_59 {offsets = [6], sizes = [1], strides = [1]} : vector<16xi32> to vector<1xi32>
        %squeeze3A_157 = vector.extract %slice3A_156[0] : i32 from vector<1xi32>
        %gt3A_158 = arith.constant 0 : i32
        %gt3A_159 = arith.cmpi sgt, %squeeze3A_157, %gt3A_158 : i32
        %and3A_160 = vector.broadcast %gt3A_159 : i1 to vector<16xi1>
        %and3A_161 = arith.andi %gt3A_155, %and3A_160 : vector<16xi1>
        %jit3A_162 = arith.constant 1 : i32
        %jit3A_163 = arith.constant 0 : i32
        %broadcast_in_dim3A_164 = vector.broadcast %jit3A_162 : i32 to vector<16xi32>
        %broadcast_in_dim3A_165 = vector.broadcast %jit3A_163 : i32 to vector<16xi32>
        %select_n3A_166 = arith.select %and3A_161, %broadcast_in_dim3A_164, %broadcast_in_dim3A_165 : vector<16xi1>, vector<16xi32>
        %add3A_167 = arith.addi %add3A_152, %select_n3A_166 : vector<16xi32>
        %gt3A_168 = arith.constant 7 : i32
        %gt3A_169 = vector.broadcast %gt3A_168 : i32 to vector<16xi32>
        %gt3A_170 = arith.cmpi sgt, %iota3A, %gt3A_169 : vector<16xi32>
        %slice3A_171 = vector.extract_strided_slice %select_n3A_59 {offsets = [7], sizes = [1], strides = [1]} : vector<16xi32> to vector<1xi32>
        %squeeze3A_172 = vector.extract %slice3A_171[0] : i32 from vector<1xi32>
        %gt3A_173 = arith.constant 0 : i32
        %gt3A_174 = arith.cmpi sgt, %squeeze3A_172, %gt3A_173 : i32
        %and3A_175 = vector.broadcast %gt3A_174 : i1 to vector<16xi1>
        %and3A_176 = arith.andi %gt3A_170, %and3A_175 : vector<16xi1>
        %jit3A_177 = arith.constant 1 : i32
        %jit3A_178 = arith.constant 0 : i32
        %broadcast_in_dim3A_179 = vector.broadcast %jit3A_177 : i32 to vector<16xi32>
        %broadcast_in_dim3A_180 = vector.broadcast %jit3A_178 : i32 to vector<16xi32>
        %select_n3A_181 = arith.select %and3A_176, %broadcast_in_dim3A_179, %broadcast_in_dim3A_180 : vector<16xi1>, vector<16xi32>
        %add3A_182 = arith.addi %add3A_167, %select_n3A_181 : vector<16xi32>
        %gt3A_183 = arith.constant 8 : i32
        %gt3A_184 = vector.broadcast %gt3A_183 : i32 to vector<16xi32>
        %gt3A_185 = arith.cmpi sgt, %iota3A, %gt3A_184 : vector<16xi32>
        %slice3A_186 = vector.extract_strided_slice %select_n3A_59 {offsets = [8], sizes = [1], strides = [1]} : vector<16xi32> to vector<1xi32>
        %squeeze3A_187 = vector.extract %slice3A_186[0] : i32 from vector<1xi32>
        %gt3A_188 = arith.constant 0 : i32
        %gt3A_189 = arith.cmpi sgt, %squeeze3A_187, %gt3A_188 : i32
        %and3A_190 = vector.broadcast %gt3A_189 : i1 to vector<16xi1>
        %and3A_191 = arith.andi %gt3A_185, %and3A_190 : vector<16xi1>
        %jit3A_192 = arith.constant 1 : i32
        %jit3A_193 = arith.constant 0 : i32
        %broadcast_in_dim3A_194 = vector.broadcast %jit3A_192 : i32 to vector<16xi32>
        %broadcast_in_dim3A_195 = vector.broadcast %jit3A_193 : i32 to vector<16xi32>
        %select_n3A_196 = arith.select %and3A_191, %broadcast_in_dim3A_194, %broadcast_in_dim3A_195 : vector<16xi1>, vector<16xi32>
        %add3A_197 = arith.addi %add3A_182, %select_n3A_196 : vector<16xi32>
        %gt3A_198 = arith.constant 9 : i32
        %gt3A_199 = vector.broadcast %gt3A_198 : i32 to vector<16xi32>
        %gt3A_200 = arith.cmpi sgt, %iota3A, %gt3A_199 : vector<16xi32>
        %slice3A_201 = vector.extract_strided_slice %select_n3A_59 {offsets = [9], sizes = [1], strides = [1]} : vector<16xi32> to vector<1xi32>
        %squeeze3A_202 = vector.extract %slice3A_201[0] : i32 from vector<1xi32>
        %gt3A_203 = arith.constant 0 : i32
        %gt3A_204 = arith.cmpi sgt, %squeeze3A_202, %gt3A_203 : i32
        %and3A_205 = vector.broadcast %gt3A_204 : i1 to vector<16xi1>
        %and3A_206 = arith.andi %gt3A_200, %and3A_205 : vector<16xi1>
        %jit3A_207 = arith.constant 1 : i32
        %jit3A_208 = arith.constant 0 : i32
        %broadcast_in_dim3A_209 = vector.broadcast %jit3A_207 : i32 to vector<16xi32>
        %broadcast_in_dim3A_210 = vector.broadcast %jit3A_208 : i32 to vector<16xi32>
        %select_n3A_211 = arith.select %and3A_206, %broadcast_in_dim3A_209, %broadcast_in_dim3A_210 : vector<16xi1>, vector<16xi32>
        %add3A_212 = arith.addi %add3A_197, %select_n3A_211 : vector<16xi32>
        %gt3A_213 = arith.constant 10 : i32
        %gt3A_214 = vector.broadcast %gt3A_213 : i32 to vector<16xi32>
        %gt3A_215 = arith.cmpi sgt, %iota3A, %gt3A_214 : vector<16xi32>
        %slice3A_216 = vector.extract_strided_slice %select_n3A_59 {offsets = [10], sizes = [1], strides = [1]} : vector<16xi32> to vector<1xi32>
        %squeeze3A_217 = vector.extract %slice3A_216[0] : i32 from vector<1xi32>
        %gt3A_218 = arith.constant 0 : i32
        %gt3A_219 = arith.cmpi sgt, %squeeze3A_217, %gt3A_218 : i32
        %and3A_220 = vector.broadcast %gt3A_219 : i1 to vector<16xi1>
        %and3A_221 = arith.andi %gt3A_215, %and3A_220 : vector<16xi1>
        %jit3A_222 = arith.constant 1 : i32
        %jit3A_223 = arith.constant 0 : i32
        %broadcast_in_dim3A_224 = vector.broadcast %jit3A_222 : i32 to vector<16xi32>
        %broadcast_in_dim3A_225 = vector.broadcast %jit3A_223 : i32 to vector<16xi32>
        %select_n3A_226 = arith.select %and3A_221, %broadcast_in_dim3A_224, %broadcast_in_dim3A_225 : vector<16xi1>, vector<16xi32>
        %add3A_227 = arith.addi %add3A_212, %select_n3A_226 : vector<16xi32>
        %gt3A_228 = arith.constant 11 : i32
        %gt3A_229 = vector.broadcast %gt3A_228 : i32 to vector<16xi32>
        %gt3A_230 = arith.cmpi sgt, %iota3A, %gt3A_229 : vector<16xi32>
        %slice3A_231 = vector.extract_strided_slice %select_n3A_59 {offsets = [11], sizes = [1], strides = [1]} : vector<16xi32> to vector<1xi32>
        %squeeze3A_232 = vector.extract %slice3A_231[0] : i32 from vector<1xi32>
        %gt3A_233 = arith.constant 0 : i32
        %gt3A_234 = arith.cmpi sgt, %squeeze3A_232, %gt3A_233 : i32
        %and3A_235 = vector.broadcast %gt3A_234 : i1 to vector<16xi1>
        %and3A_236 = arith.andi %gt3A_230, %and3A_235 : vector<16xi1>
        %jit3A_237 = arith.constant 1 : i32
        %jit3A_238 = arith.constant 0 : i32
        %broadcast_in_dim3A_239 = vector.broadcast %jit3A_237 : i32 to vector<16xi32>
        %broadcast_in_dim3A_240 = vector.broadcast %jit3A_238 : i32 to vector<16xi32>
        %select_n3A_241 = arith.select %and3A_236, %broadcast_in_dim3A_239, %broadcast_in_dim3A_240 : vector<16xi1>, vector<16xi32>
        %add3A_242 = arith.addi %add3A_227, %select_n3A_241 : vector<16xi32>
        %gt3A_243 = arith.constant 12 : i32
        %gt3A_244 = vector.broadcast %gt3A_243 : i32 to vector<16xi32>
        %gt3A_245 = arith.cmpi sgt, %iota3A, %gt3A_244 : vector<16xi32>
        %slice3A_246 = vector.extract_strided_slice %select_n3A_59 {offsets = [12], sizes = [1], strides = [1]} : vector<16xi32> to vector<1xi32>
        %squeeze3A_247 = vector.extract %slice3A_246[0] : i32 from vector<1xi32>
        %gt3A_248 = arith.constant 0 : i32
        %gt3A_249 = arith.cmpi sgt, %squeeze3A_247, %gt3A_248 : i32
        %and3A_250 = vector.broadcast %gt3A_249 : i1 to vector<16xi1>
        %and3A_251 = arith.andi %gt3A_245, %and3A_250 : vector<16xi1>
        %jit3A_252 = arith.constant 1 : i32
        %jit3A_253 = arith.constant 0 : i32
        %broadcast_in_dim3A_254 = vector.broadcast %jit3A_252 : i32 to vector<16xi32>
        %broadcast_in_dim3A_255 = vector.broadcast %jit3A_253 : i32 to vector<16xi32>
        %select_n3A_256 = arith.select %and3A_251, %broadcast_in_dim3A_254, %broadcast_in_dim3A_255 : vector<16xi1>, vector<16xi32>
        %add3A_257 = arith.addi %add3A_242, %select_n3A_256 : vector<16xi32>
        %gt3A_258 = arith.constant 13 : i32
        %gt3A_259 = vector.broadcast %gt3A_258 : i32 to vector<16xi32>
        %gt3A_260 = arith.cmpi sgt, %iota3A, %gt3A_259 : vector<16xi32>
        %slice3A_261 = vector.extract_strided_slice %select_n3A_59 {offsets = [13], sizes = [1], strides = [1]} : vector<16xi32> to vector<1xi32>
        %squeeze3A_262 = vector.extract %slice3A_261[0] : i32 from vector<1xi32>
        %gt3A_263 = arith.constant 0 : i32
        %gt3A_264 = arith.cmpi sgt, %squeeze3A_262, %gt3A_263 : i32
        %and3A_265 = vector.broadcast %gt3A_264 : i1 to vector<16xi1>
        %and3A_266 = arith.andi %gt3A_260, %and3A_265 : vector<16xi1>
        %jit3A_267 = arith.constant 1 : i32
        %jit3A_268 = arith.constant 0 : i32
        %broadcast_in_dim3A_269 = vector.broadcast %jit3A_267 : i32 to vector<16xi32>
        %broadcast_in_dim3A_270 = vector.broadcast %jit3A_268 : i32 to vector<16xi32>
        %select_n3A_271 = arith.select %and3A_266, %broadcast_in_dim3A_269, %broadcast_in_dim3A_270 : vector<16xi1>, vector<16xi32>
        %add3A_272 = arith.addi %add3A_257, %select_n3A_271 : vector<16xi32>
        %gt3A_273 = arith.constant 14 : i32
        %gt3A_274 = vector.broadcast %gt3A_273 : i32 to vector<16xi32>
        %gt3A_275 = arith.cmpi sgt, %iota3A, %gt3A_274 : vector<16xi32>
        %slice3A_276 = vector.extract_strided_slice %select_n3A_59 {offsets = [14], sizes = [1], strides = [1]} : vector<16xi32> to vector<1xi32>
        %squeeze3A_277 = vector.extract %slice3A_276[0] : i32 from vector<1xi32>
        %gt3A_278 = arith.constant 0 : i32
        %gt3A_279 = arith.cmpi sgt, %squeeze3A_277, %gt3A_278 : i32
        %and3A_280 = vector.broadcast %gt3A_279 : i1 to vector<16xi1>
        %and3A_281 = arith.andi %gt3A_275, %and3A_280 : vector<16xi1>
        %jit3A_282 = arith.constant 1 : i32
        %jit3A_283 = arith.constant 0 : i32
        %broadcast_in_dim3A_284 = vector.broadcast %jit3A_282 : i32 to vector<16xi32>
        %broadcast_in_dim3A_285 = vector.broadcast %jit3A_283 : i32 to vector<16xi32>
        %select_n3A_286 = arith.select %and3A_281, %broadcast_in_dim3A_284, %broadcast_in_dim3A_285 : vector<16xi1>, vector<16xi32>
        %add3A_287 = arith.addi %add3A_272, %select_n3A_286 : vector<16xi32>
        %add3A_288 = vector.broadcast %scan3A_39 : i32 to vector<16xi32>
        %add3A_289 = arith.addi %add3A_288, %add3A_287 : vector<16xi32>
        %scatter3A = arith.constant 0 : i32
        %scatter3A_290 = tpu.memref_slice %arg8[%scatter3A] : memref<2064xi32, #tpu.memory_space<vmem>> -> memref<2064xi32, #tpu.memory_space<vmem>>
        tpu.vector_store_idx %scatter3A_290[%add3A_289], %get3A_42 masked %and3A_52 : memref<2064xi32, #tpu.memory_space<vmem>>[vector<16xi32>], vector<16xi32>, vector<16xi1>
        %add3A_291 = vector.broadcast %scan3A_39 : i32 to vector<16xi32>
        %add3A_292 = arith.addi %add3A_291, %add3A_287 : vector<16xi32>
        %mul3A_293 = arith.constant 16 : i32
        %mul3A_294 = arith.muli %scan3A_38, %mul3A_293 : i32
        %add3A_295 = vector.broadcast %mul3A_294 : i32 to vector<16xi32>
        %add3A_296 = arith.addi %iota3A, %add3A_295 : vector<16xi32>
        %scatter3A_297 = arith.constant 0 : i32
        %scatter3A_298 = tpu.memref_slice %arg9[%scatter3A_297] : memref<2064xi32, #tpu.memory_space<vmem>> -> memref<2064xi32, #tpu.memory_space<vmem>>
        tpu.vector_store_idx %scatter3A_298[%add3A_292], %add3A_296 masked %and3A_52 : memref<2064xi32, #tpu.memory_space<vmem>>[vector<16xi32>], vector<16xi32>, vector<16xi1>
      } else {
      }
      %add3A_55 = arith.addi %scan3A_39, %squeeze3A : i32
      scf.yield %add3A_55 : i32
    }
    %scan3A_6 = arith.constant 128 : i32
    %add3A_7 = arith.constant 8 : i32
    %add3A_8 = arith.addi %scan3A_5, %add3A_7 : i32
    %sub3A = arith.constant 1 : i32
    %sub3A_9 = arith.subi %add3A_8, %sub3A : i32
    %jit3A = arith.constant 8 : i32
    %div3A = arith.divsi %sub3A_9, %jit3A : i32
    %sign3A = arith.constant 0 : i32
    %sign3A_10 = arith.cmpi sgt, %sub3A_9, %sign3A : i32
    %sign3A_11 = arith.extui %sign3A_10 : i1 to i32
    %sign3A_12 = arith.constant 0 : i32
    %sign3A_13 = arith.cmpi slt, %sub3A_9, %sign3A_12 : i32
    %sign3A_14 = arith.extui %sign3A_13 : i1 to i32
    %sign3A_15 = arith.subi %sign3A_11, %sign3A_14 : i32
    %sign3A_16 = arith.constant 0 : i32
    %sign3A_17 = arith.cmpi sgt, %jit3A, %sign3A_16 : i32
    %sign3A_18 = arith.extui %sign3A_17 : i1 to i32
    %sign3A_19 = arith.constant 0 : i32
    %sign3A_20 = arith.cmpi slt, %jit3A, %sign3A_19 : i32
    %sign3A_21 = arith.extui %sign3A_20 : i1 to i32
    %sign3A_22 = arith.subi %sign3A_18, %sign3A_21 : i32
    %ne3A = arith.cmpi ne, %sign3A_15, %sign3A_22 : i32
    %rem3A = arith.remsi %sub3A_9, %jit3A : i32
    %ne3A_23 = arith.constant 0 : i32
    %ne3A_24 = arith.cmpi ne, %rem3A, %ne3A_23 : i32
    %and3A = arith.andi %ne3A, %ne3A_24 : i1
    %sub3A_25 = arith.constant 1 : i32
    %sub3A_26 = arith.subi %div3A, %sub3A_25 : i32
    %select_n3A = arith.select %and3A, %sub3A_26, %div3A : i32
    %lt3A = arith.constant 8 : i32
    %lt3A_27 = vector.broadcast %lt3A : i32 to vector<16xi32>
    %lt3A_28 = arith.cmpi slt, %iota3A, %lt3A_27 : vector<16xi32>
    %while3A = arith.constant 0 : i32
    %while3A_29 = arith.constant 0 : i32
    %while3A_30 = arith.subi %select_n3A, %while3A_29 : i32
    %while3A_31 = arith.addi %while3A_29, %while3A_30 : i32
    %while3A_32 = arith.constant 1 : i32
    %while3A_33 = arith.divsi %while3A_30, %while3A_32 : i32
    %while3A_34 = arith.muli %while3A_33, %while3A_32 : i32
    %while3A_35 = arith.addi %while3A_29, %while3A_34 : i32
    %while3A_36 = arith.constant 1 : i32
    scf.for %while3A_38 = %while3A_29 to %while3A_35 step %while3A_36  : i32 {
      %mul3A_39 = arith.constant 8 : i32
      %mul3A_40 = arith.muli %while3A_38, %mul3A_39 : i32
      %multiple_of3A = tpu.assume_multiple %mul3A_40, 8 : i32
      %get3A = arith.index_cast %multiple_of3A : i32 to index
      %get3A_41 = tpu.vector_load %arg8[%get3A] {strides = array<i32>} : memref<2064xi32, #tpu.memory_space<vmem>>, vector<16xi32>,
      %get3A_42 = arith.index_cast %multiple_of3A : i32 to index
      %get3A_43 = tpu.vector_load %arg9[%get3A_42] {strides = array<i32>} : memref<2064xi32, #tpu.memory_space<vmem>>, vector<16xi32>,
      %sub3A_44 = arith.subi %scan3A_5, %multiple_of3A : i32
      %min3A = arith.constant 8 : i32
      %min3A_45 = arith.minsi %sub3A_44, %min3A : i32
      %lt3A_46 = vector.broadcast %min3A_45 : i32 to vector<16xi32>
      %lt3A_47 = arith.cmpi slt, %iota3A, %lt3A_46 : vector<16xi32>
      %slice3A = vector.extract_strided_slice %get3A_41 {offsets = [0], sizes = [1], strides = [1]} : vector<16xi32> to vector<1xi32>
      %squeeze3A = vector.extract %slice3A[0] : i32 from vector<1xi32>
      %broadcast_in_dim3A = vector.broadcast %squeeze3A : i32 to vector<16xi32>
      %select_n3A_48 = arith.select %lt3A_47, %get3A_41, %broadcast_in_dim3A : vector<16xi1>, vector<16xi32>
      %lt3A_49 = vector.broadcast %min3A_45 : i32 to vector<16xi32>
      %lt3A_50 = arith.cmpi slt, %iota3A, %lt3A_49 : vector<16xi32>
      %slice3A_51 = vector.extract_strided_slice %get3A_43 {offsets = [0], sizes = [1], strides = [1]} : vector<16xi32> to vector<1xi32>
      %squeeze3A_52 = vector.extract %slice3A_51[0] : i32 from vector<1xi32>
      %broadcast_in_dim3A_53 = vector.broadcast %squeeze3A_52 : i32 to vector<16xi32>
      %select_n3A_54 = arith.select %lt3A_50, %get3A_43, %broadcast_in_dim3A_53 : vector<16xi1>, vector<16xi32>
      %lt3A_55 = arith.constant 0 : i32
      %lt3A_56 = vector.broadcast %lt3A_55 : i32 to vector<16xi32>
      %lt3A_57 = arith.cmpi slt, %iota3A, %lt3A_56 : vector<16xi32>
      %mul3A_58 = arith.constant 0 : i32
      %mul3A_59 = vector.broadcast %mul3A_58 : i32 to vector<16xi32>
      %mul3A_60 = arith.muli %iota3A, %mul3A_59 : vector<16xi32>
      %slice3A_61 = vector.extract_strided_slice %get3A_41 {offsets = [0], sizes = [1], strides = [1]} : vector<16xi32> to vector<1xi32>
      %squeeze3A_62 = vector.extract %slice3A_61[0] : i32 from vector<1xi32>
      %add3A_63 = vector.broadcast %squeeze3A_62 : i32 to vector<16xi32>
      %add3A_64 = arith.addi %mul3A_60, %add3A_63 : vector<16xi32>
      %eq3A = arith.cmpi eq, %select_n3A_48, %add3A_64 : vector<16xi32>
      %gt3A = arith.constant 0 : i32
      %gt3A_65 = vector.broadcast %gt3A : i32 to vector<16xi32>
      %gt3A_66 = arith.cmpi sgt, %iota3A, %gt3A_65 : vector<16xi32>
      %and3A_67 = arith.andi %eq3A, %gt3A_66 : vector<16xi1>
      %lt3A_68 = vector.broadcast %min3A_45 : i32 to vector<16xi32>
      %lt3A_69 = arith.cmpi slt, %iota3A, %lt3A_68 : vector<16xi32>
      %and3A_70 = arith.andi %and3A_67, %lt3A_69 : vector<16xi1>
      %gt3A_71 = arith.constant 0 : i32
      %gt3A_72 = arith.cmpi sgt, %min3A_45, %gt3A_71 : i32
      %and3A_73 = vector.broadcast %gt3A_72 : i1 to vector<16xi1>
      %and3A_74 = arith.andi %and3A_70, %and3A_73 : vector<16xi1>
      %or3A = arith.ori %lt3A_57, %and3A_74 : vector<16xi1>
      %mul3A_75 = arith.constant 0 : i32
      %mul3A_76 = vector.broadcast %mul3A_75 : i32 to vector<16xi32>
      %mul3A_77 = arith.muli %iota3A, %mul3A_76 : vector<16xi32>
      %slice3A_78 = vector.extract_strided_slice %get3A_41 {offsets = [1], sizes = [1], strides = [1]} : vector<16xi32> to vector<1xi32>
      %squeeze3A_79 = vector.extract %slice3A_78[0] : i32 from vector<1xi32>
      %add3A_80 = vector.broadcast %squeeze3A_79 : i32 to vector<16xi32>
      %add3A_81 = arith.addi %mul3A_77, %add3A_80 : vector<16xi32>
      %eq3A_82 = arith.cmpi eq, %select_n3A_48, %add3A_81 : vector<16xi32>
      %gt3A_83 = arith.constant 1 : i32
      %gt3A_84 = vector.broadcast %gt3A_83 : i32 to vector<16xi32>
      %gt3A_85 = arith.cmpi sgt, %iota3A, %gt3A_84 : vector<16xi32>
      %and3A_86 = arith.andi %eq3A_82, %gt3A_85 : vector<16xi1>
      %lt3A_87 = vector.broadcast %min3A_45 : i32 to vector<16xi32>
      %lt3A_88 = arith.cmpi slt, %iota3A, %lt3A_87 : vector<16xi32>
      %and3A_89 = arith.andi %and3A_86, %lt3A_88 : vector<16xi1>
      %gt3A_90 = arith.constant 1 : i32
      %gt3A_91 = arith.cmpi sgt, %min3A_45, %gt3A_90 : i32
      %and3A_92 = vector.broadcast %gt3A_91 : i1 to vector<16xi1>
      %and3A_93 = arith.andi %and3A_89, %and3A_92 : vector<16xi1>
      %or3A_94 = arith.ori %or3A, %and3A_93 : vector<16xi1>
      %mul3A_95 = arith.constant 0 : i32
      %mul3A_96 = vector.broadcast %mul3A_95 : i32 to vector<16xi32>
      %mul3A_97 = arith.muli %iota3A, %mul3A_96 : vector<16xi32>
      %slice3A_98 = vector.extract_strided_slice %get3A_41 {offsets = [2], sizes = [1], strides = [1]} : vector<16xi32> to vector<1xi32>
      %squeeze3A_99 = vector.extract %slice3A_98[0] : i32 from vector<1xi32>
      %add3A_100 = vector.broadcast %squeeze3A_99 : i32 to vector<16xi32>
      %add3A_101 = arith.addi %mul3A_97, %add3A_100 : vector<16xi32>
      %eq3A_102 = arith.cmpi eq, %select_n3A_48, %add3A_101 : vector<16xi32>
      %gt3A_103 = arith.constant 2 : i32
      %gt3A_104 = vector.broadcast %gt3A_103 : i32 to vector<16xi32>
      %gt3A_105 = arith.cmpi sgt, %iota3A, %gt3A_104 : vector<16xi32>
      %and3A_106 = arith.andi %eq3A_102, %gt3A_105 : vector<16xi1>
      %lt3A_107 = vector.broadcast %min3A_45 : i32 to vector<16xi32>
      %lt3A_108 = arith.cmpi slt, %iota3A, %lt3A_107 : vector<16xi32>
      %and3A_109 = arith.andi %and3A_106, %lt3A_108 : vector<16xi1>
      %gt3A_110 = arith.constant 2 : i32
      %gt3A_111 = arith.cmpi sgt, %min3A_45, %gt3A_110 : i32
      %and3A_112 = vector.broadcast %gt3A_111 : i1 to vector<16xi1>
      %and3A_113 = arith.andi %and3A_109, %and3A_112 : vector<16xi1>
      %or3A_114 = arith.ori %or3A_94, %and3A_113 : vector<16xi1>
      %mul3A_115 = arith.constant 0 : i32
      %mul3A_116 = vector.broadcast %mul3A_115 : i32 to vector<16xi32>
      %mul3A_117 = arith.muli %iota3A, %mul3A_116 : vector<16xi32>
      %slice3A_118 = vector.extract_strided_slice %get3A_41 {offsets = [3], sizes = [1], strides = [1]} : vector<16xi32> to vector<1xi32>
      %squeeze3A_119 = vector.extract %slice3A_118[0] : i32 from vector<1xi32>
      %add3A_120 = vector.broadcast %squeeze3A_119 : i32 to vector<16xi32>
      %add3A_121 = arith.addi %mul3A_117, %add3A_120 : vector<16xi32>
      %eq3A_122 = arith.cmpi eq, %select_n3A_48, %add3A_121 : vector<16xi32>
      %gt3A_123 = arith.constant 3 : i32
      %gt3A_124 = vector.broadcast %gt3A_123 : i32 to vector<16xi32>
      %gt3A_125 = arith.cmpi sgt, %iota3A, %gt3A_124 : vector<16xi32>
      %and3A_126 = arith.andi %eq3A_122, %gt3A_125 : vector<16xi1>
      %lt3A_127 = vector.broadcast %min3A_45 : i32 to vector<16xi32>
      %lt3A_128 = arith.cmpi slt, %iota3A, %lt3A_127 : vector<16xi32>
      %and3A_129 = arith.andi %and3A_126, %lt3A_128 : vector<16xi1>
      %gt3A_130 = arith.constant 3 : i32
      %gt3A_131 = arith.cmpi sgt, %min3A_45, %gt3A_130 : i32
      %and3A_132 = vector.broadcast %gt3A_131 : i1 to vector<16xi1>
      %and3A_133 = arith.andi %and3A_129, %and3A_132 : vector<16xi1>
      %or3A_134 = arith.ori %or3A_114, %and3A_133 : vector<16xi1>
      %mul3A_135 = arith.constant 0 : i32
      %mul3A_136 = vector.broadcast %mul3A_135 : i32 to vector<16xi32>
      %mul3A_137 = arith.muli %iota3A, %mul3A_136 : vector<16xi32>
      %slice3A_138 = vector.extract_strided_slice %get3A_41 {offsets = [4], sizes = [1], strides = [1]} : vector<16xi32> to vector<1xi32>
      %squeeze3A_139 = vector.extract %slice3A_138[0] : i32 from vector<1xi32>
      %add3A_140 = vector.broadcast %squeeze3A_139 : i32 to vector<16xi32>
      %add3A_141 = arith.addi %mul3A_137, %add3A_140 : vector<16xi32>
      %eq3A_142 = arith.cmpi eq, %select_n3A_48, %add3A_141 : vector<16xi32>
      %gt3A_143 = arith.constant 4 : i32
      %gt3A_144 = vector.broadcast %gt3A_143 : i32 to vector<16xi32>
      %gt3A_145 = arith.cmpi sgt, %iota3A, %gt3A_144 : vector<16xi32>
      %and3A_146 = arith.andi %eq3A_142, %gt3A_145 : vector<16xi1>
      %lt3A_147 = vector.broadcast %min3A_45 : i32 to vector<16xi32>
      %lt3A_148 = arith.cmpi slt, %iota3A, %lt3A_147 : vector<16xi32>
      %and3A_149 = arith.andi %and3A_146, %lt3A_148 : vector<16xi1>
      %gt3A_150 = arith.constant 4 : i32
      %gt3A_151 = arith.cmpi sgt, %min3A_45, %gt3A_150 : i32
      %and3A_152 = vector.broadcast %gt3A_151 : i1 to vector<16xi1>
      %and3A_153 = arith.andi %and3A_149, %and3A_152 : vector<16xi1>
      %or3A_154 = arith.ori %or3A_134, %and3A_153 : vector<16xi1>
      %mul3A_155 = arith.constant 0 : i32
      %mul3A_156 = vector.broadcast %mul3A_155 : i32 to vector<16xi32>
      %mul3A_157 = arith.muli %iota3A, %mul3A_156 : vector<16xi32>
      %slice3A_158 = vector.extract_strided_slice %get3A_41 {offsets = [5], sizes = [1], strides = [1]} : vector<16xi32> to vector<1xi32>
      %squeeze3A_159 = vector.extract %slice3A_158[0] : i32 from vector<1xi32>
      %add3A_160 = vector.broadcast %squeeze3A_159 : i32 to vector<16xi32>
      %add3A_161 = arith.addi %mul3A_157, %add3A_160 : vector<16xi32>
      %eq3A_162 = arith.cmpi eq, %select_n3A_48, %add3A_161 : vector<16xi32>
      %gt3A_163 = arith.constant 5 : i32
      %gt3A_164 = vector.broadcast %gt3A_163 : i32 to vector<16xi32>
      %gt3A_165 = arith.cmpi sgt, %iota3A, %gt3A_164 : vector<16xi32>
      %and3A_166 = arith.andi %eq3A_162, %gt3A_165 : vector<16xi1>
      %lt3A_167 = vector.broadcast %min3A_45 : i32 to vector<16xi32>
      %lt3A_168 = arith.cmpi slt, %iota3A, %lt3A_167 : vector<16xi32>
      %and3A_169 = arith.andi %and3A_166, %lt3A_168 : vector<16xi1>
      %gt3A_170 = arith.constant 5 : i32
      %gt3A_171 = arith.cmpi sgt, %min3A_45, %gt3A_170 : i32
      %and3A_172 = vector.broadcast %gt3A_171 : i1 to vector<16xi1>
      %and3A_173 = arith.andi %and3A_169, %and3A_172 : vector<16xi1>
      %or3A_174 = arith.ori %or3A_154, %and3A_173 : vector<16xi1>
      %mul3A_175 = arith.constant 0 : i32
      %mul3A_176 = vector.broadcast %mul3A_175 : i32 to vector<16xi32>
      %mul3A_177 = arith.muli %iota3A, %mul3A_176 : vector<16xi32>
      %slice3A_178 = vector.extract_strided_slice %get3A_41 {offsets = [6], sizes = [1], strides = [1]} : vector<16xi32> to vector<1xi32>
      %squeeze3A_179 = vector.extract %slice3A_178[0] : i32 from vector<1xi32>
      %add3A_180 = vector.broadcast %squeeze3A_179 : i32 to vector<16xi32>
      %add3A_181 = arith.addi %mul3A_177, %add3A_180 : vector<16xi32>
      %eq3A_182 = arith.cmpi eq, %select_n3A_48, %add3A_181 : vector<16xi32>
      %gt3A_183 = arith.constant 6 : i32
      %gt3A_184 = vector.broadcast %gt3A_183 : i32 to vector<16xi32>
      %gt3A_185 = arith.cmpi sgt, %iota3A, %gt3A_184 : vector<16xi32>
      %and3A_186 = arith.andi %eq3A_182, %gt3A_185 : vector<16xi1>
      %lt3A_187 = vector.broadcast %min3A_45 : i32 to vector<16xi32>
      %lt3A_188 = arith.cmpi slt, %iota3A, %lt3A_187 : vector<16xi32>
      %and3A_189 = arith.andi %and3A_186, %lt3A_188 : vector<16xi1>
      %gt3A_190 = arith.constant 6 : i32
      %gt3A_191 = arith.cmpi sgt, %min3A_45, %gt3A_190 : i32
      %and3A_192 = vector.broadcast %gt3A_191 : i1 to vector<16xi1>
      %and3A_193 = arith.andi %and3A_189, %and3A_192 : vector<16xi1>
      %or3A_194 = arith.ori %or3A_174, %and3A_193 : vector<16xi1>
      %all_reduce_population_count3A = tpu.all_reduce %or3A_194 {dim = 0 : i64, kind = #tpu.reduction_kind<sum>} : vector<16xi1> -> vector<16xi32>
      %slice3A_195 = vector.extract_strided_slice %all_reduce_population_count3A {offsets = [0], sizes = [1], strides = [1]} : vector<16xi32> to vector<1xi32>
      %squeeze3A_196 = vector.extract %slice3A_195[0] : i32 from vector<1xi32>
      %eq3A_197 = arith.constant 0 : i32
      %eq3A_198 = arith.cmpi eq, %squeeze3A_196, %eq3A_197 : i32
      %convert_element_type3A = arith.extui %eq3A_198 : i1 to i32
      %cond3A = arith.constant 0 : i32
      %cond3A_199 = arith.cmpi ne, %convert_element_type3A, %cond3A : i32
      scf.if %cond3A_199 {
        %scatter3A = arith.constant 0 : i32
        %scatter3A_205 = tpu.memref_slice %arg11[%scatter3A] : memref<8xi32, #tpu.memory_space<vmem>> -> memref<8xi32, #tpu.memory_space<vmem>>
        tpu.vector_store_idx %scatter3A_205[%iota3A], %select_n3A_48 masked %lt3A_28 : memref<8xi32, #tpu.memory_space<vmem>>[vector<16xi32>], vector<16xi32>, vector<16xi1>
        %scatter3A_206 = arith.constant 0 : i32
        %scatter3A_207 = tpu.memref_slice %arg10[%scatter3A_206] : memref<8xi32, #tpu.memory_space<vmem>> -> memref<8xi32, #tpu.memory_space<vmem>>
        tpu.vector_store_idx %scatter3A_207[%iota3A], %select_n3A_54 masked %lt3A_28 : memref<8xi32, #tpu.memory_space<vmem>>[vector<16xi32>], vector<16xi32>, vector<16xi1>
        %dma_start3A = arith.constant 0 : i32
        %dma_start3A_208 = arith.constant 0 : i32
        %dma_start3A_209 = tpu.memref_slice %arg3[%dma_start3A, %dma_start3A_208] : memref<2048x3072xf32, #tpu.memory_space<hbm>> -> memref<2048x3072xf32, #tpu.memory_space<hbm>>
        tpu.enqueue_indirect_dma source(%dma_start3A_209 : memref<2048x3072xf32, #tpu.memory_space<hbm>>) target(%arg6 : memref<8x3072xf32, #tpu.memory_space<vmem>>) offsets(%arg10 : memref<8xi32, #tpu.memory_space<vmem>>) semaphore(%arg12 : memref<!tpu.dma_semaphore, #tpu.memory_space<semaphore_mem>>)
        %dma_wait3A = arith.constant 0 : i32
        %dma_wait3A_210 = arith.constant 0 : i32
        %dma_wait3A_211 = tpu.memref_slice %arg3[%dma_wait3A, %dma_wait3A_210] : memref<2048x3072xf32, #tpu.memory_space<hbm>> -> memref<2048x3072xf32, #tpu.memory_space<hbm>>
        tpu.wait_indirect_dma semaphore(%arg12 : memref<!tpu.dma_semaphore, #tpu.memory_space<semaphore_mem>>) src(%dma_wait3A_211 : memref<2048x3072xf32, #tpu.memory_space<hbm>>) dst(%arg6 : memref<8x3072xf32, #tpu.memory_space<vmem>>)
        %dma_start3A_212 = arith.constant 0 : i32
        %dma_start3A_213 = arith.constant 0 : i32
        %dma_start3A_214 = tpu.memref_slice %arg2[%dma_start3A_212, %dma_start3A_213] : memref<10000x3072xf32, #tpu.memory_space<hbm>> -> memref<10000x3072xf32, #tpu.memory_space<hbm>>
        tpu.enqueue_indirect_dma source(%arg6 : memref<8x3072xf32, #tpu.memory_space<vmem>>) target(%dma_start3A_214 : memref<10000x3072xf32, #tpu.memory_space<hbm>>) offsets(%arg11 : memref<8xi32, #tpu.memory_space<vmem>>) semaphore(%arg13 : memref<!tpu.dma_semaphore, #tpu.memory_space<semaphore_mem>>)
        %dma_wait3A_215 = arith.constant 0 : i32
        %dma_wait3A_216 = arith.constant 0 : i32
        %dma_wait3A_217 = tpu.memref_slice %arg2[%dma_wait3A_215, %dma_wait3A_216] : memref<10000x3072xf32, #tpu.memory_space<hbm>> -> memref<10000x3072xf32, #tpu.memory_space<hbm>>
        tpu.wait_indirect_dma semaphore(%arg13 : memref<!tpu.dma_semaphore, #tpu.memory_space<semaphore_mem>>) src(%arg6 : memref<8x3072xf32, #tpu.memory_space<vmem>>) dst(%dma_wait3A_217 : memref<10000x3072xf32, #tpu.memory_space<hbm>>)
      } else {
      }
      %gt3A_200 = arith.constant 0 : i32
      %gt3A_201 = arith.cmpi sgt, %squeeze3A_196, %gt3A_200 : i32
      %convert_element_type3A_202 = arith.extui %gt3A_201 : i1 to i32
      %cond3A_203 = arith.constant 0 : i32
      %cond3A_204 = arith.cmpi ne, %convert_element_type3A_202, %cond3A_203 : i32
      scf.if %cond3A_204 {
        %gt3A_205 = arith.constant 0 : i32
        %gt3A_206 = arith.cmpi sgt, %min3A_45, %gt3A_205 : i32
        %convert_element_type3A_207 = arith.extui %gt3A_206 : i1 to i32
        %cond3A_208 = arith.constant 0 : i32
        %cond3A_209 = arith.cmpi ne, %convert_element_type3A_207, %cond3A_208 : i32
        scf.if %cond3A_209 {
          %mul3A_245 = arith.constant 0 : i32
          %mul3A_246 = vector.broadcast %mul3A_245 : i32 to vector<16xi32>
          %mul3A_247 = arith.muli %iota3A, %mul3A_246 : vector<16xi32>
          %slice3A_248 = vector.extract_strided_slice %select_n3A_48 {offsets = [0], sizes = [1], strides = [1]} : vector<16xi32> to vector<1xi32>
          %squeeze3A_249 = vector.extract %slice3A_248[0] : i32 from vector<1xi32>
          %add3A_250 = vector.broadcast %squeeze3A_249 : i32 to vector<16xi32>
          %add3A_251 = arith.addi %mul3A_247, %add3A_250 : vector<16xi32>
          %scatter3A = arith.constant 0 : i32
          %scatter3A_252 = tpu.memref_slice %arg11[%scatter3A] : memref<8xi32, #tpu.memory_space<vmem>> -> memref<8xi32, #tpu.memory_space<vmem>>
          tpu.vector_store_idx %scatter3A_252[%iota3A], %add3A_251 masked %lt3A_28 : memref<8xi32, #tpu.memory_space<vmem>>[vector<16xi32>], vector<16xi32>, vector<16xi1>
          %mul3A_253 = arith.constant 0 : i32
          %mul3A_254 = vector.broadcast %mul3A_253 : i32 to vector<16xi32>
          %mul3A_255 = arith.muli %iota3A, %mul3A_254 : vector<16xi32>
          %slice3A_256 = vector.extract_strided_slice %select_n3A_54 {offsets = [0], sizes = [1], strides = [1]} : vector<16xi32> to vector<1xi32>
          %squeeze3A_257 = vector.extract %slice3A_256[0] : i32 from vector<1xi32>
          %add3A_258 = vector.broadcast %squeeze3A_257 : i32 to vector<16xi32>
          %add3A_259 = arith.addi %mul3A_255, %add3A_258 : vector<16xi32>
          %scatter3A_260 = arith.constant 0 : i32
          %scatter3A_261 = tpu.memref_slice %arg10[%scatter3A_260] : memref<8xi32, #tpu.memory_space<vmem>> -> memref<8xi32, #tpu.memory_space<vmem>>
          tpu.vector_store_idx %scatter3A_261[%iota3A], %add3A_259 masked %lt3A_28 : memref<8xi32, #tpu.memory_space<vmem>>[vector<16xi32>], vector<16xi32>, vector<16xi1>
          %dma_start3A = arith.constant 0 : i32
          %dma_start3A_262 = arith.constant 0 : i32
          %dma_start3A_263 = tpu.memref_slice %arg3[%dma_start3A, %dma_start3A_262] : memref<2048x3072xf32, #tpu.memory_space<hbm>> -> memref<2048x3072xf32, #tpu.memory_space<hbm>>
          tpu.enqueue_indirect_dma source(%dma_start3A_263 : memref<2048x3072xf32, #tpu.memory_space<hbm>>) target(%arg6 : memref<8x3072xf32, #tpu.memory_space<vmem>>) offsets(%arg10 : memref<8xi32, #tpu.memory_space<vmem>>) semaphore(%arg12 : memref<!tpu.dma_semaphore, #tpu.memory_space<semaphore_mem>>)
          %dma_wait3A = arith.constant 0 : i32
          %dma_wait3A_264 = arith.constant 0 : i32
          %dma_wait3A_265 = tpu.memref_slice %arg3[%dma_wait3A, %dma_wait3A_264] : memref<2048x3072xf32, #tpu.memory_space<hbm>> -> memref<2048x3072xf32, #tpu.memory_space<hbm>>
          tpu.wait_indirect_dma semaphore(%arg12 : memref<!tpu.dma_semaphore, #tpu.memory_space<semaphore_mem>>) src(%dma_wait3A_265 : memref<2048x3072xf32, #tpu.memory_space<hbm>>) dst(%arg6 : memref<8x3072xf32, #tpu.memory_space<vmem>>)
          %dma_start3A_266 = arith.constant 0 : i32
          %dma_start3A_267 = arith.constant 0 : i32
          %dma_start3A_268 = tpu.memref_slice %arg2[%dma_start3A_266, %dma_start3A_267] : memref<10000x3072xf32, #tpu.memory_space<hbm>> -> memref<10000x3072xf32, #tpu.memory_space<hbm>>
          tpu.enqueue_indirect_dma source(%arg6 : memref<8x3072xf32, #tpu.memory_space<vmem>>) target(%dma_start3A_268 : memref<10000x3072xf32, #tpu.memory_space<hbm>>) offsets(%arg11 : memref<8xi32, #tpu.memory_space<vmem>>) semaphore(%arg13 : memref<!tpu.dma_semaphore, #tpu.memory_space<semaphore_mem>>)
          %dma_wait3A_269 = arith.constant 0 : i32
          %dma_wait3A_270 = arith.constant 0 : i32
          %dma_wait3A_271 = tpu.memref_slice %arg2[%dma_wait3A_269, %dma_wait3A_270] : memref<10000x3072xf32, #tpu.memory_space<hbm>> -> memref<10000x3072xf32, #tpu.memory_space<hbm>>
          tpu.wait_indirect_dma semaphore(%arg13 : memref<!tpu.dma_semaphore, #tpu.memory_space<semaphore_mem>>) src(%arg6 : memref<8x3072xf32, #tpu.memory_space<vmem>>) dst(%dma_wait3A_271 : memref<10000x3072xf32, #tpu.memory_space<hbm>>)
        } else {
        }
        %gt3A_210 = arith.constant 1 : i32
        %gt3A_211 = arith.cmpi sgt, %min3A_45, %gt3A_210 : i32
        %convert_element_type3A_212 = arith.extui %gt3A_211 : i1 to i32
        %cond3A_213 = arith.constant 0 : i32
        %cond3A_214 = arith.cmpi ne, %convert_element_type3A_212, %cond3A_213 : i32
        scf.if %cond3A_214 {
          %mul3A_245 = arith.constant 0 : i32
          %mul3A_246 = vector.broadcast %mul3A_245 : i32 to vector<16xi32>
          %mul3A_247 = arith.muli %iota3A, %mul3A_246 : vector<16xi32>
          %slice3A_248 = vector.extract_strided_slice %select_n3A_48 {offsets = [1], sizes = [1], strides = [1]} : vector<16xi32> to vector<1xi32>
          %squeeze3A_249 = vector.extract %slice3A_248[0] : i32 from vector<1xi32>
          %add3A_250 = vector.broadcast %squeeze3A_249 : i32 to vector<16xi32>
          %add3A_251 = arith.addi %mul3A_247, %add3A_250 : vector<16xi32>
          %scatter3A = arith.constant 0 : i32
          %scatter3A_252 = tpu.memref_slice %arg11[%scatter3A] : memref<8xi32, #tpu.memory_space<vmem>> -> memref<8xi32, #tpu.memory_space<vmem>>
          tpu.vector_store_idx %scatter3A_252[%iota3A], %add3A_251 masked %lt3A_28 : memref<8xi32, #tpu.memory_space<vmem>>[vector<16xi32>], vector<16xi32>, vector<16xi1>
          %mul3A_253 = arith.constant 0 : i32
          %mul3A_254 = vector.broadcast %mul3A_253 : i32 to vector<16xi32>
          %mul3A_255 = arith.muli %iota3A, %mul3A_254 : vector<16xi32>
          %slice3A_256 = vector.extract_strided_slice %select_n3A_54 {offsets = [1], sizes = [1], strides = [1]} : vector<16xi32> to vector<1xi32>
          %squeeze3A_257 = vector.extract %slice3A_256[0] : i32 from vector<1xi32>
          %add3A_258 = vector.broadcast %squeeze3A_257 : i32 to vector<16xi32>
          %add3A_259 = arith.addi %mul3A_255, %add3A_258 : vector<16xi32>
          %scatter3A_260 = arith.constant 0 : i32
          %scatter3A_261 = tpu.memref_slice %arg10[%scatter3A_260] : memref<8xi32, #tpu.memory_space<vmem>> -> memref<8xi32, #tpu.memory_space<vmem>>
          tpu.vector_store_idx %scatter3A_261[%iota3A], %add3A_259 masked %lt3A_28 : memref<8xi32, #tpu.memory_space<vmem>>[vector<16xi32>], vector<16xi32>, vector<16xi1>
          %dma_start3A = arith.constant 0 : i32
          %dma_start3A_262 = arith.constant 0 : i32
          %dma_start3A_263 = tpu.memref_slice %arg3[%dma_start3A, %dma_start3A_262] : memref<2048x3072xf32, #tpu.memory_space<hbm>> -> memref<2048x3072xf32, #tpu.memory_space<hbm>>
          tpu.enqueue_indirect_dma source(%dma_start3A_263 : memref<2048x3072xf32, #tpu.memory_space<hbm>>) target(%arg6 : memref<8x3072xf32, #tpu.memory_space<vmem>>) offsets(%arg10 : memref<8xi32, #tpu.memory_space<vmem>>) semaphore(%arg12 : memref<!tpu.dma_semaphore, #tpu.memory_space<semaphore_mem>>)
          %dma_wait3A = arith.constant 0 : i32
          %dma_wait3A_264 = arith.constant 0 : i32
          %dma_wait3A_265 = tpu.memref_slice %arg3[%dma_wait3A, %dma_wait3A_264] : memref<2048x3072xf32, #tpu.memory_space<hbm>> -> memref<2048x3072xf32, #tpu.memory_space<hbm>>
          tpu.wait_indirect_dma semaphore(%arg12 : memref<!tpu.dma_semaphore, #tpu.memory_space<semaphore_mem>>) src(%dma_wait3A_265 : memref<2048x3072xf32, #tpu.memory_space<hbm>>) dst(%arg6 : memref<8x3072xf32, #tpu.memory_space<vmem>>)
          %dma_start3A_266 = arith.constant 0 : i32
          %dma_start3A_267 = arith.constant 0 : i32
          %dma_start3A_268 = tpu.memref_slice %arg2[%dma_start3A_266, %dma_start3A_267] : memref<10000x3072xf32, #tpu.memory_space<hbm>> -> memref<10000x3072xf32, #tpu.memory_space<hbm>>
          tpu.enqueue_indirect_dma source(%arg6 : memref<8x3072xf32, #tpu.memory_space<vmem>>) target(%dma_start3A_268 : memref<10000x3072xf32, #tpu.memory_space<hbm>>) offsets(%arg11 : memref<8xi32, #tpu.memory_space<vmem>>) semaphore(%arg13 : memref<!tpu.dma_semaphore, #tpu.memory_space<semaphore_mem>>)
          %dma_wait3A_269 = arith.constant 0 : i32
          %dma_wait3A_270 = arith.constant 0 : i32
          %dma_wait3A_271 = tpu.memref_slice %arg2[%dma_wait3A_269, %dma_wait3A_270] : memref<10000x3072xf32, #tpu.memory_space<hbm>> -> memref<10000x3072xf32, #tpu.memory_space<hbm>>
          tpu.wait_indirect_dma semaphore(%arg13 : memref<!tpu.dma_semaphore, #tpu.memory_space<semaphore_mem>>) src(%arg6 : memref<8x3072xf32, #tpu.memory_space<vmem>>) dst(%dma_wait3A_271 : memref<10000x3072xf32, #tpu.memory_space<hbm>>)
        } else {
        }
        %gt3A_215 = arith.constant 2 : i32
        %gt3A_216 = arith.cmpi sgt, %min3A_45, %gt3A_215 : i32
        %convert_element_type3A_217 = arith.extui %gt3A_216 : i1 to i32
        %cond3A_218 = arith.constant 0 : i32
        %cond3A_219 = arith.cmpi ne, %convert_element_type3A_217, %cond3A_218 : i32
        scf.if %cond3A_219 {
          %mul3A_245 = arith.constant 0 : i32
          %mul3A_246 = vector.broadcast %mul3A_245 : i32 to vector<16xi32>
          %mul3A_247 = arith.muli %iota3A, %mul3A_246 : vector<16xi32>
          %slice3A_248 = vector.extract_strided_slice %select_n3A_48 {offsets = [2], sizes = [1], strides = [1]} : vector<16xi32> to vector<1xi32>
          %squeeze3A_249 = vector.extract %slice3A_248[0] : i32 from vector<1xi32>
          %add3A_250 = vector.broadcast %squeeze3A_249 : i32 to vector<16xi32>
          %add3A_251 = arith.addi %mul3A_247, %add3A_250 : vector<16xi32>
          %scatter3A = arith.constant 0 : i32
          %scatter3A_252 = tpu.memref_slice %arg11[%scatter3A] : memref<8xi32, #tpu.memory_space<vmem>> -> memref<8xi32, #tpu.memory_space<vmem>>
          tpu.vector_store_idx %scatter3A_252[%iota3A], %add3A_251 masked %lt3A_28 : memref<8xi32, #tpu.memory_space<vmem>>[vector<16xi32>], vector<16xi32>, vector<16xi1>
          %mul3A_253 = arith.constant 0 : i32
          %mul3A_254 = vector.broadcast %mul3A_253 : i32 to vector<16xi32>
          %mul3A_255 = arith.muli %iota3A, %mul3A_254 : vector<16xi32>
          %slice3A_256 = vector.extract_strided_slice %select_n3A_54 {offsets = [2], sizes = [1], strides = [1]} : vector<16xi32> to vector<1xi32>
          %squeeze3A_257 = vector.extract %slice3A_256[0] : i32 from vector<1xi32>
          %add3A_258 = vector.broadcast %squeeze3A_257 : i32 to vector<16xi32>
          %add3A_259 = arith.addi %mul3A_255, %add3A_258 : vector<16xi32>
          %scatter3A_260 = arith.constant 0 : i32
          %scatter3A_261 = tpu.memref_slice %arg10[%scatter3A_260] : memref<8xi32, #tpu.memory_space<vmem>> -> memref<8xi32, #tpu.memory_space<vmem>>
          tpu.vector_store_idx %scatter3A_261[%iota3A], %add3A_259 masked %lt3A_28 : memref<8xi32, #tpu.memory_space<vmem>>[vector<16xi32>], vector<16xi32>, vector<16xi1>
          %dma_start3A = arith.constant 0 : i32
          %dma_start3A_262 = arith.constant 0 : i32
          %dma_start3A_263 = tpu.memref_slice %arg3[%dma_start3A, %dma_start3A_262] : memref<2048x3072xf32, #tpu.memory_space<hbm>> -> memref<2048x3072xf32, #tpu.memory_space<hbm>>
          tpu.enqueue_indirect_dma source(%dma_start3A_263 : memref<2048x3072xf32, #tpu.memory_space<hbm>>) target(%arg6 : memref<8x3072xf32, #tpu.memory_space<vmem>>) offsets(%arg10 : memref<8xi32, #tpu.memory_space<vmem>>) semaphore(%arg12 : memref<!tpu.dma_semaphore, #tpu.memory_space<semaphore_mem>>)
          %dma_wait3A = arith.constant 0 : i32
          %dma_wait3A_264 = arith.constant 0 : i32
          %dma_wait3A_265 = tpu.memref_slice %arg3[%dma_wait3A, %dma_wait3A_264] : memref<2048x3072xf32, #tpu.memory_space<hbm>> -> memref<2048x3072xf32, #tpu.memory_space<hbm>>
          tpu.wait_indirect_dma semaphore(%arg12 : memref<!tpu.dma_semaphore, #tpu.memory_space<semaphore_mem>>) src(%dma_wait3A_265 : memref<2048x3072xf32, #tpu.memory_space<hbm>>) dst(%arg6 : memref<8x3072xf32, #tpu.memory_space<vmem>>)
          %dma_start3A_266 = arith.constant 0 : i32
          %dma_start3A_267 = arith.constant 0 : i32
          %dma_start3A_268 = tpu.memref_slice %arg2[%dma_start3A_266, %dma_start3A_267] : memref<10000x3072xf32, #tpu.memory_space<hbm>> -> memref<10000x3072xf32, #tpu.memory_space<hbm>>
          tpu.enqueue_indirect_dma source(%arg6 : memref<8x3072xf32, #tpu.memory_space<vmem>>) target(%dma_start3A_268 : memref<10000x3072xf32, #tpu.memory_space<hbm>>) offsets(%arg11 : memref<8xi32, #tpu.memory_space<vmem>>) semaphore(%arg13 : memref<!tpu.dma_semaphore, #tpu.memory_space<semaphore_mem>>)
          %dma_wait3A_269 = arith.constant 0 : i32
          %dma_wait3A_270 = arith.constant 0 : i32
          %dma_wait3A_271 = tpu.memref_slice %arg2[%dma_wait3A_269, %dma_wait3A_270] : memref<10000x3072xf32, #tpu.memory_space<hbm>> -> memref<10000x3072xf32, #tpu.memory_space<hbm>>
          tpu.wait_indirect_dma semaphore(%arg13 : memref<!tpu.dma_semaphore, #tpu.memory_space<semaphore_mem>>) src(%arg6 : memref<8x3072xf32, #tpu.memory_space<vmem>>) dst(%dma_wait3A_271 : memref<10000x3072xf32, #tpu.memory_space<hbm>>)
        } else {
        }
        %gt3A_220 = arith.constant 3 : i32
        %gt3A_221 = arith.cmpi sgt, %min3A_45, %gt3A_220 : i32
        %convert_element_type3A_222 = arith.extui %gt3A_221 : i1 to i32
        %cond3A_223 = arith.constant 0 : i32
        %cond3A_224 = arith.cmpi ne, %convert_element_type3A_222, %cond3A_223 : i32
        scf.if %cond3A_224 {
          %mul3A_245 = arith.constant 0 : i32
          %mul3A_246 = vector.broadcast %mul3A_245 : i32 to vector<16xi32>
          %mul3A_247 = arith.muli %iota3A, %mul3A_246 : vector<16xi32>
          %slice3A_248 = vector.extract_strided_slice %select_n3A_48 {offsets = [3], sizes = [1], strides = [1]} : vector<16xi32> to vector<1xi32>
          %squeeze3A_249 = vector.extract %slice3A_248[0] : i32 from vector<1xi32>
          %add3A_250 = vector.broadcast %squeeze3A_249 : i32 to vector<16xi32>
          %add3A_251 = arith.addi %mul3A_247, %add3A_250 : vector<16xi32>
          %scatter3A = arith.constant 0 : i32
          %scatter3A_252 = tpu.memref_slice %arg11[%scatter3A] : memref<8xi32, #tpu.memory_space<vmem>> -> memref<8xi32, #tpu.memory_space<vmem>>
          tpu.vector_store_idx %scatter3A_252[%iota3A], %add3A_251 masked %lt3A_28 : memref<8xi32, #tpu.memory_space<vmem>>[vector<16xi32>], vector<16xi32>, vector<16xi1>
          %mul3A_253 = arith.constant 0 : i32
          %mul3A_254 = vector.broadcast %mul3A_253 : i32 to vector<16xi32>
          %mul3A_255 = arith.muli %iota3A, %mul3A_254 : vector<16xi32>
          %slice3A_256 = vector.extract_strided_slice %select_n3A_54 {offsets = [3], sizes = [1], strides = [1]} : vector<16xi32> to vector<1xi32>
          %squeeze3A_257 = vector.extract %slice3A_256[0] : i32 from vector<1xi32>
          %add3A_258 = vector.broadcast %squeeze3A_257 : i32 to vector<16xi32>
          %add3A_259 = arith.addi %mul3A_255, %add3A_258 : vector<16xi32>
          %scatter3A_260 = arith.constant 0 : i32
          %scatter3A_261 = tpu.memref_slice %arg10[%scatter3A_260] : memref<8xi32, #tpu.memory_space<vmem>> -> memref<8xi32, #tpu.memory_space<vmem>>
          tpu.vector_store_idx %scatter3A_261[%iota3A], %add3A_259 masked %lt3A_28 : memref<8xi32, #tpu.memory_space<vmem>>[vector<16xi32>], vector<16xi32>, vector<16xi1>
          %dma_start3A = arith.constant 0 : i32
          %dma_start3A_262 = arith.constant 0 : i32
          %dma_start3A_263 = tpu.memref_slice %arg3[%dma_start3A, %dma_start3A_262] : memref<2048x3072xf32, #tpu.memory_space<hbm>> -> memref<2048x3072xf32, #tpu.memory_space<hbm>>
          tpu.enqueue_indirect_dma source(%dma_start3A_263 : memref<2048x3072xf32, #tpu.memory_space<hbm>>) target(%arg6 : memref<8x3072xf32, #tpu.memory_space<vmem>>) offsets(%arg10 : memref<8xi32, #tpu.memory_space<vmem>>) semaphore(%arg12 : memref<!tpu.dma_semaphore, #tpu.memory_space<semaphore_mem>>)
          %dma_wait3A = arith.constant 0 : i32
          %dma_wait3A_264 = arith.constant 0 : i32
          %dma_wait3A_265 = tpu.memref_slice %arg3[%dma_wait3A, %dma_wait3A_264] : memref<2048x3072xf32, #tpu.memory_space<hbm>> -> memref<2048x3072xf32, #tpu.memory_space<hbm>>
          tpu.wait_indirect_dma semaphore(%arg12 : memref<!tpu.dma_semaphore, #tpu.memory_space<semaphore_mem>>) src(%dma_wait3A_265 : memref<2048x3072xf32, #tpu.memory_space<hbm>>) dst(%arg6 : memref<8x3072xf32, #tpu.memory_space<vmem>>)
          %dma_start3A_266 = arith.constant 0 : i32
          %dma_start3A_267 = arith.constant 0 : i32
          %dma_start3A_268 = tpu.memref_slice %arg2[%dma_start3A_266, %dma_start3A_267] : memref<10000x3072xf32, #tpu.memory_space<hbm>> -> memref<10000x3072xf32, #tpu.memory_space<hbm>>
          tpu.enqueue_indirect_dma source(%arg6 : memref<8x3072xf32, #tpu.memory_space<vmem>>) target(%dma_start3A_268 : memref<10000x3072xf32, #tpu.memory_space<hbm>>) offsets(%arg11 : memref<8xi32, #tpu.memory_space<vmem>>) semaphore(%arg13 : memref<!tpu.dma_semaphore, #tpu.memory_space<semaphore_mem>>)
          %dma_wait3A_269 = arith.constant 0 : i32
          %dma_wait3A_270 = arith.constant 0 : i32
          %dma_wait3A_271 = tpu.memref_slice %arg2[%dma_wait3A_269, %dma_wait3A_270] : memref<10000x3072xf32, #tpu.memory_space<hbm>> -> memref<10000x3072xf32, #tpu.memory_space<hbm>>
          tpu.wait_indirect_dma semaphore(%arg13 : memref<!tpu.dma_semaphore, #tpu.memory_space<semaphore_mem>>) src(%arg6 : memref<8x3072xf32, #tpu.memory_space<vmem>>) dst(%dma_wait3A_271 : memref<10000x3072xf32, #tpu.memory_space<hbm>>)
        } else {
        }
        %gt3A_225 = arith.constant 4 : i32
        %gt3A_226 = arith.cmpi sgt, %min3A_45, %gt3A_225 : i32
        %convert_element_type3A_227 = arith.extui %gt3A_226 : i1 to i32
        %cond3A_228 = arith.constant 0 : i32
        %cond3A_229 = arith.cmpi ne, %convert_element_type3A_227, %cond3A_228 : i32
        scf.if %cond3A_229 {
          %mul3A_245 = arith.constant 0 : i32
          %mul3A_246 = vector.broadcast %mul3A_245 : i32 to vector<16xi32>
          %mul3A_247 = arith.muli %iota3A, %mul3A_246 : vector<16xi32>
          %slice3A_248 = vector.extract_strided_slice %select_n3A_48 {offsets = [4], sizes = [1], strides = [1]} : vector<16xi32> to vector<1xi32>
          %squeeze3A_249 = vector.extract %slice3A_248[0] : i32 from vector<1xi32>
          %add3A_250 = vector.broadcast %squeeze3A_249 : i32 to vector<16xi32>
          %add3A_251 = arith.addi %mul3A_247, %add3A_250 : vector<16xi32>
          %scatter3A = arith.constant 0 : i32
          %scatter3A_252 = tpu.memref_slice %arg11[%scatter3A] : memref<8xi32, #tpu.memory_space<vmem>> -> memref<8xi32, #tpu.memory_space<vmem>>
          tpu.vector_store_idx %scatter3A_252[%iota3A], %add3A_251 masked %lt3A_28 : memref<8xi32, #tpu.memory_space<vmem>>[vector<16xi32>], vector<16xi32>, vector<16xi1>
          %mul3A_253 = arith.constant 0 : i32
          %mul3A_254 = vector.broadcast %mul3A_253 : i32 to vector<16xi32>
          %mul3A_255 = arith.muli %iota3A, %mul3A_254 : vector<16xi32>
          %slice3A_256 = vector.extract_strided_slice %select_n3A_54 {offsets = [4], sizes = [1], strides = [1]} : vector<16xi32> to vector<1xi32>
          %squeeze3A_257 = vector.extract %slice3A_256[0] : i32 from vector<1xi32>
          %add3A_258 = vector.broadcast %squeeze3A_257 : i32 to vector<16xi32>
          %add3A_259 = arith.addi %mul3A_255, %add3A_258 : vector<16xi32>
          %scatter3A_260 = arith.constant 0 : i32
          %scatter3A_261 = tpu.memref_slice %arg10[%scatter3A_260] : memref<8xi32, #tpu.memory_space<vmem>> -> memref<8xi32, #tpu.memory_space<vmem>>
          tpu.vector_store_idx %scatter3A_261[%iota3A], %add3A_259 masked %lt3A_28 : memref<8xi32, #tpu.memory_space<vmem>>[vector<16xi32>], vector<16xi32>, vector<16xi1>
          %dma_start3A = arith.constant 0 : i32
          %dma_start3A_262 = arith.constant 0 : i32
          %dma_start3A_263 = tpu.memref_slice %arg3[%dma_start3A, %dma_start3A_262] : memref<2048x3072xf32, #tpu.memory_space<hbm>> -> memref<2048x3072xf32, #tpu.memory_space<hbm>>
          tpu.enqueue_indirect_dma source(%dma_start3A_263 : memref<2048x3072xf32, #tpu.memory_space<hbm>>) target(%arg6 : memref<8x3072xf32, #tpu.memory_space<vmem>>) offsets(%arg10 : memref<8xi32, #tpu.memory_space<vmem>>) semaphore(%arg12 : memref<!tpu.dma_semaphore, #tpu.memory_space<semaphore_mem>>)
          %dma_wait3A = arith.constant 0 : i32
          %dma_wait3A_264 = arith.constant 0 : i32
          %dma_wait3A_265 = tpu.memref_slice %arg3[%dma_wait3A, %dma_wait3A_264] : memref<2048x3072xf32, #tpu.memory_space<hbm>> -> memref<2048x3072xf32, #tpu.memory_space<hbm>>
          tpu.wait_indirect_dma semaphore(%arg12 : memref<!tpu.dma_semaphore, #tpu.memory_space<semaphore_mem>>) src(%dma_wait3A_265 : memref<2048x3072xf32, #tpu.memory_space<hbm>>) dst(%arg6 : memref<8x3072xf32, #tpu.memory_space<vmem>>)
          %dma_start3A_266 = arith.constant 0 : i32
          %dma_start3A_267 = arith.constant 0 : i32
          %dma_start3A_268 = tpu.memref_slice %arg2[%dma_start3A_266, %dma_start3A_267] : memref<10000x3072xf32, #tpu.memory_space<hbm>> -> memref<10000x3072xf32, #tpu.memory_space<hbm>>
          tpu.enqueue_indirect_dma source(%arg6 : memref<8x3072xf32, #tpu.memory_space<vmem>>) target(%dma_start3A_268 : memref<10000x3072xf32, #tpu.memory_space<hbm>>) offsets(%arg11 : memref<8xi32, #tpu.memory_space<vmem>>) semaphore(%arg13 : memref<!tpu.dma_semaphore, #tpu.memory_space<semaphore_mem>>)
          %dma_wait3A_269 = arith.constant 0 : i32
          %dma_wait3A_270 = arith.constant 0 : i32
          %dma_wait3A_271 = tpu.memref_slice %arg2[%dma_wait3A_269, %dma_wait3A_270] : memref<10000x3072xf32, #tpu.memory_space<hbm>> -> memref<10000x3072xf32, #tpu.memory_space<hbm>>
          tpu.wait_indirect_dma semaphore(%arg13 : memref<!tpu.dma_semaphore, #tpu.memory_space<semaphore_mem>>) src(%arg6 : memref<8x3072xf32, #tpu.memory_space<vmem>>) dst(%dma_wait3A_271 : memref<10000x3072xf32, #tpu.memory_space<hbm>>)
        } else {
        }
        %gt3A_230 = arith.constant 5 : i32
        %gt3A_231 = arith.cmpi sgt, %min3A_45, %gt3A_230 : i32
        %convert_element_type3A_232 = arith.extui %gt3A_231 : i1 to i32
        %cond3A_233 = arith.constant 0 : i32
        %cond3A_234 = arith.cmpi ne, %convert_element_type3A_232, %cond3A_233 : i32
        scf.if %cond3A_234 {
          %mul3A_245 = arith.constant 0 : i32
          %mul3A_246 = vector.broadcast %mul3A_245 : i32 to vector<16xi32>
          %mul3A_247 = arith.muli %iota3A, %mul3A_246 : vector<16xi32>
          %slice3A_248 = vector.extract_strided_slice %select_n3A_48 {offsets = [5], sizes = [1], strides = [1]} : vector<16xi32> to vector<1xi32>
          %squeeze3A_249 = vector.extract %slice3A_248[0] : i32 from vector<1xi32>
          %add3A_250 = vector.broadcast %squeeze3A_249 : i32 to vector<16xi32>
          %add3A_251 = arith.addi %mul3A_247, %add3A_250 : vector<16xi32>
          %scatter3A = arith.constant 0 : i32
          %scatter3A_252 = tpu.memref_slice %arg11[%scatter3A] : memref<8xi32, #tpu.memory_space<vmem>> -> memref<8xi32, #tpu.memory_space<vmem>>
          tpu.vector_store_idx %scatter3A_252[%iota3A], %add3A_251 masked %lt3A_28 : memref<8xi32, #tpu.memory_space<vmem>>[vector<16xi32>], vector<16xi32>, vector<16xi1>
          %mul3A_253 = arith.constant 0 : i32
          %mul3A_254 = vector.broadcast %mul3A_253 : i32 to vector<16xi32>
          %mul3A_255 = arith.muli %iota3A, %mul3A_254 : vector<16xi32>
          %slice3A_256 = vector.extract_strided_slice %select_n3A_54 {offsets = [5], sizes = [1], strides = [1]} : vector<16xi32> to vector<1xi32>
          %squeeze3A_257 = vector.extract %slice3A_256[0] : i32 from vector<1xi32>
          %add3A_258 = vector.broadcast %squeeze3A_257 : i32 to vector<16xi32>
          %add3A_259 = arith.addi %mul3A_255, %add3A_258 : vector<16xi32>
          %scatter3A_260 = arith.constant 0 : i32
          %scatter3A_261 = tpu.memref_slice %arg10[%scatter3A_260] : memref<8xi32, #tpu.memory_space<vmem>> -> memref<8xi32, #tpu.memory_space<vmem>>
          tpu.vector_store_idx %scatter3A_261[%iota3A], %add3A_259 masked %lt3A_28 : memref<8xi32, #tpu.memory_space<vmem>>[vector<16xi32>], vector<16xi32>, vector<16xi1>
          %dma_start3A = arith.constant 0 : i32
          %dma_start3A_262 = arith.constant 0 : i32
          %dma_start3A_263 = tpu.memref_slice %arg3[%dma_start3A, %dma_start3A_262] : memref<2048x3072xf32, #tpu.memory_space<hbm>> -> memref<2048x3072xf32, #tpu.memory_space<hbm>>
          tpu.enqueue_indirect_dma source(%dma_start3A_263 : memref<2048x3072xf32, #tpu.memory_space<hbm>>) target(%arg6 : memref<8x3072xf32, #tpu.memory_space<vmem>>) offsets(%arg10 : memref<8xi32, #tpu.memory_space<vmem>>) semaphore(%arg12 : memref<!tpu.dma_semaphore, #tpu.memory_space<semaphore_mem>>)
          %dma_wait3A = arith.constant 0 : i32
          %dma_wait3A_264 = arith.constant 0 : i32
          %dma_wait3A_265 = tpu.memref_slice %arg3[%dma_wait3A, %dma_wait3A_264] : memref<2048x3072xf32, #tpu.memory_space<hbm>> -> memref<2048x3072xf32, #tpu.memory_space<hbm>>
          tpu.wait_indirect_dma semaphore(%arg12 : memref<!tpu.dma_semaphore, #tpu.memory_space<semaphore_mem>>) src(%dma_wait3A_265 : memref<2048x3072xf32, #tpu.memory_space<hbm>>) dst(%arg6 : memref<8x3072xf32, #tpu.memory_space<vmem>>)
          %dma_start3A_266 = arith.constant 0 : i32
          %dma_start3A_267 = arith.constant 0 : i32
          %dma_start3A_268 = tpu.memref_slice %arg2[%dma_start3A_266, %dma_start3A_267] : memref<10000x3072xf32, #tpu.memory_space<hbm>> -> memref<10000x3072xf32, #tpu.memory_space<hbm>>
          tpu.enqueue_indirect_dma source(%arg6 : memref<8x3072xf32, #tpu.memory_space<vmem>>) target(%dma_start3A_268 : memref<10000x3072xf32, #tpu.memory_space<hbm>>) offsets(%arg11 : memref<8xi32, #tpu.memory_space<vmem>>) semaphore(%arg13 : memref<!tpu.dma_semaphore, #tpu.memory_space<semaphore_mem>>)
          %dma_wait3A_269 = arith.constant 0 : i32
          %dma_wait3A_270 = arith.constant 0 : i32
          %dma_wait3A_271 = tpu.memref_slice %arg2[%dma_wait3A_269, %dma_wait3A_270] : memref<10000x3072xf32, #tpu.memory_space<hbm>> -> memref<10000x3072xf32, #tpu.memory_space<hbm>>
          tpu.wait_indirect_dma semaphore(%arg13 : memref<!tpu.dma_semaphore, #tpu.memory_space<semaphore_mem>>) src(%arg6 : memref<8x3072xf32, #tpu.memory_space<vmem>>) dst(%dma_wait3A_271 : memref<10000x3072xf32, #tpu.memory_space<hbm>>)
        } else {
        }
        %gt3A_235 = arith.constant 6 : i32
        %gt3A_236 = arith.cmpi sgt, %min3A_45, %gt3A_235 : i32
        %convert_element_type3A_237 = arith.extui %gt3A_236 : i1 to i32
        %cond3A_238 = arith.constant 0 : i32
        %cond3A_239 = arith.cmpi ne, %convert_element_type3A_237, %cond3A_238 : i32
        scf.if %cond3A_239 {
          %mul3A_245 = arith.constant 0 : i32
          %mul3A_246 = vector.broadcast %mul3A_245 : i32 to vector<16xi32>
          %mul3A_247 = arith.muli %iota3A, %mul3A_246 : vector<16xi32>
          %slice3A_248 = vector.extract_strided_slice %select_n3A_48 {offsets = [6], sizes = [1], strides = [1]} : vector<16xi32> to vector<1xi32>
          %squeeze3A_249 = vector.extract %slice3A_248[0] : i32 from vector<1xi32>
          %add3A_250 = vector.broadcast %squeeze3A_249 : i32 to vector<16xi32>
          %add3A_251 = arith.addi %mul3A_247, %add3A_250 : vector<16xi32>
          %scatter3A = arith.constant 0 : i32
          %scatter3A_252 = tpu.memref_slice %arg11[%scatter3A] : memref<8xi32, #tpu.memory_space<vmem>> -> memref<8xi32, #tpu.memory_space<vmem>>
          tpu.vector_store_idx %scatter3A_252[%iota3A], %add3A_251 masked %lt3A_28 : memref<8xi32, #tpu.memory_space<vmem>>[vector<16xi32>], vector<16xi32>, vector<16xi1>
          %mul3A_253 = arith.constant 0 : i32
          %mul3A_254 = vector.broadcast %mul3A_253 : i32 to vector<16xi32>
          %mul3A_255 = arith.muli %iota3A, %mul3A_254 : vector<16xi32>
          %slice3A_256 = vector.extract_strided_slice %select_n3A_54 {offsets = [6], sizes = [1], strides = [1]} : vector<16xi32> to vector<1xi32>
          %squeeze3A_257 = vector.extract %slice3A_256[0] : i32 from vector<1xi32>
          %add3A_258 = vector.broadcast %squeeze3A_257 : i32 to vector<16xi32>
          %add3A_259 = arith.addi %mul3A_255, %add3A_258 : vector<16xi32>
          %scatter3A_260 = arith.constant 0 : i32
          %scatter3A_261 = tpu.memref_slice %arg10[%scatter3A_260] : memref<8xi32, #tpu.memory_space<vmem>> -> memref<8xi32, #tpu.memory_space<vmem>>
          tpu.vector_store_idx %scatter3A_261[%iota3A], %add3A_259 masked %lt3A_28 : memref<8xi32, #tpu.memory_space<vmem>>[vector<16xi32>], vector<16xi32>, vector<16xi1>
          %dma_start3A = arith.constant 0 : i32
          %dma_start3A_262 = arith.constant 0 : i32
          %dma_start3A_263 = tpu.memref_slice %arg3[%dma_start3A, %dma_start3A_262] : memref<2048x3072xf32, #tpu.memory_space<hbm>> -> memref<2048x3072xf32, #tpu.memory_space<hbm>>
          tpu.enqueue_indirect_dma source(%dma_start3A_263 : memref<2048x3072xf32, #tpu.memory_space<hbm>>) target(%arg6 : memref<8x3072xf32, #tpu.memory_space<vmem>>) offsets(%arg10 : memref<8xi32, #tpu.memory_space<vmem>>) semaphore(%arg12 : memref<!tpu.dma_semaphore, #tpu.memory_space<semaphore_mem>>)
          %dma_wait3A = arith.constant 0 : i32
          %dma_wait3A_264 = arith.constant 0 : i32
          %dma_wait3A_265 = tpu.memref_slice %arg3[%dma_wait3A, %dma_wait3A_264] : memref<2048x3072xf32, #tpu.memory_space<hbm>> -> memref<2048x3072xf32, #tpu.memory_space<hbm>>
          tpu.wait_indirect_dma semaphore(%arg12 : memref<!tpu.dma_semaphore, #tpu.memory_space<semaphore_mem>>) src(%dma_wait3A_265 : memref<2048x3072xf32, #tpu.memory_space<hbm>>) dst(%arg6 : memref<8x3072xf32, #tpu.memory_space<vmem>>)
          %dma_start3A_266 = arith.constant 0 : i32
          %dma_start3A_267 = arith.constant 0 : i32
          %dma_start3A_268 = tpu.memref_slice %arg2[%dma_start3A_266, %dma_start3A_267] : memref<10000x3072xf32, #tpu.memory_space<hbm>> -> memref<10000x3072xf32, #tpu.memory_space<hbm>>
          tpu.enqueue_indirect_dma source(%arg6 : memref<8x3072xf32, #tpu.memory_space<vmem>>) target(%dma_start3A_268 : memref<10000x3072xf32, #tpu.memory_space<hbm>>) offsets(%arg11 : memref<8xi32, #tpu.memory_space<vmem>>) semaphore(%arg13 : memref<!tpu.dma_semaphore, #tpu.memory_space<semaphore_mem>>)
          %dma_wait3A_269 = arith.constant 0 : i32
          %dma_wait3A_270 = arith.constant 0 : i32
          %dma_wait3A_271 = tpu.memref_slice %arg2[%dma_wait3A_269, %dma_wait3A_270] : memref<10000x3072xf32, #tpu.memory_space<hbm>> -> memref<10000x3072xf32, #tpu.memory_space<hbm>>
          tpu.wait_indirect_dma semaphore(%arg13 : memref<!tpu.dma_semaphore, #tpu.memory_space<semaphore_mem>>) src(%arg6 : memref<8x3072xf32, #tpu.memory_space<vmem>>) dst(%dma_wait3A_271 : memref<10000x3072xf32, #tpu.memory_space<hbm>>)
        } else {
        }
        %gt3A_240 = arith.constant 7 : i32
        %gt3A_241 = arith.cmpi sgt, %min3A_45, %gt3A_240 : i32
        %convert_element_type3A_242 = arith.extui %gt3A_241 : i1 to i32
        %cond3A_243 = arith.constant 0 : i32
        %cond3A_244 = arith.cmpi ne, %convert_element_type3A_242, %cond3A_243 : i32
        scf.if %cond3A_244 {
          %mul3A_245 = arith.constant 0 : i32
          %mul3A_246 = vector.broadcast %mul3A_245 : i32 to vector<16xi32>
          %mul3A_247 = arith.muli %iota3A, %mul3A_246 : vector<16xi32>
          %slice3A_248 = vector.extract_strided_slice %select_n3A_48 {offsets = [7], sizes = [1], strides = [1]} : vector<16xi32> to vector<1xi32>
          %squeeze3A_249 = vector.extract %slice3A_248[0] : i32 from vector<1xi32>
          %add3A_250 = vector.broadcast %squeeze3A_249 : i32 to vector<16xi32>
          %add3A_251 = arith.addi %mul3A_247, %add3A_250 : vector<16xi32>
          %scatter3A = arith.constant 0 : i32
          %scatter3A_252 = tpu.memref_slice %arg11[%scatter3A] : memref<8xi32, #tpu.memory_space<vmem>> -> memref<8xi32, #tpu.memory_space<vmem>>
          tpu.vector_store_idx %scatter3A_252[%iota3A], %add3A_251 masked %lt3A_28 : memref<8xi32, #tpu.memory_space<vmem>>[vector<16xi32>], vector<16xi32>, vector<16xi1>
          %mul3A_253 = arith.constant 0 : i32
          %mul3A_254 = vector.broadcast %mul3A_253 : i32 to vector<16xi32>
          %mul3A_255 = arith.muli %iota3A, %mul3A_254 : vector<16xi32>
          %slice3A_256 = vector.extract_strided_slice %select_n3A_54 {offsets = [7], sizes = [1], strides = [1]} : vector<16xi32> to vector<1xi32>
          %squeeze3A_257 = vector.extract %slice3A_256[0] : i32 from vector<1xi32>
          %add3A_258 = vector.broadcast %squeeze3A_257 : i32 to vector<16xi32>
          %add3A_259 = arith.addi %mul3A_255, %add3A_258 : vector<16xi32>
          %scatter3A_260 = arith.constant 0 : i32
          %scatter3A_261 = tpu.memref_slice %arg10[%scatter3A_260] : memref<8xi32, #tpu.memory_space<vmem>> -> memref<8xi32, #tpu.memory_space<vmem>>
          tpu.vector_store_idx %scatter3A_261[%iota3A], %add3A_259 masked %lt3A_28 : memref<8xi32, #tpu.memory_space<vmem>>[vector<16xi32>], vector<16xi32>, vector<16xi1>
          %dma_start3A = arith.constant 0 : i32
          %dma_start3A_262 = arith.constant 0 : i32
          %dma_start3A_263 = tpu.memref_slice %arg3[%dma_start3A, %dma_start3A_262] : memref<2048x3072xf32, #tpu.memory_space<hbm>> -> memref<2048x3072xf32, #tpu.memory_space<hbm>>
          tpu.enqueue_indirect_dma source(%dma_start3A_263 : memref<2048x3072xf32, #tpu.memory_space<hbm>>) target(%arg6 : memref<8x3072xf32, #tpu.memory_space<vmem>>) offsets(%arg10 : memref<8xi32, #tpu.memory_space<vmem>>) semaphore(%arg12 : memref<!tpu.dma_semaphore, #tpu.memory_space<semaphore_mem>>)
          %dma_wait3A = arith.constant 0 : i32
          %dma_wait3A_264 = arith.constant 0 : i32
          %dma_wait3A_265 = tpu.memref_slice %arg3[%dma_wait3A, %dma_wait3A_264] : memref<2048x3072xf32, #tpu.memory_space<hbm>> -> memref<2048x3072xf32, #tpu.memory_space<hbm>>
          tpu.wait_indirect_dma semaphore(%arg12 : memref<!tpu.dma_semaphore, #tpu.memory_space<semaphore_mem>>) src(%dma_wait3A_265 : memref<2048x3072xf32, #tpu.memory_space<hbm>>) dst(%arg6 : memref<8x3072xf32, #tpu.memory_space<vmem>>)
          %dma_start3A_266 = arith.constant 0 : i32
          %dma_start3A_267 = arith.constant 0 : i32
          %dma_start3A_268 = tpu.memref_slice %arg2[%dma_start3A_266, %dma_start3A_267] : memref<10000x3072xf32, #tpu.memory_space<hbm>> -> memref<10000x3072xf32, #tpu.memory_space<hbm>>
          tpu.enqueue_indirect_dma source(%arg6 : memref<8x3072xf32, #tpu.memory_space<vmem>>) target(%dma_start3A_268 : memref<10000x3072xf32, #tpu.memory_space<hbm>>) offsets(%arg11 : memref<8xi32, #tpu.memory_space<vmem>>) semaphore(%arg13 : memref<!tpu.dma_semaphore, #tpu.memory_space<semaphore_mem>>)
          %dma_wait3A_269 = arith.constant 0 : i32
          %dma_wait3A_270 = arith.constant 0 : i32
          %dma_wait3A_271 = tpu.memref_slice %arg2[%dma_wait3A_269, %dma_wait3A_270] : memref<10000x3072xf32, #tpu.memory_space<hbm>> -> memref<10000x3072xf32, #tpu.memory_space<hbm>>
          tpu.wait_indirect_dma semaphore(%arg13 : memref<!tpu.dma_semaphore, #tpu.memory_space<semaphore_mem>>) src(%arg6 : memref<8x3072xf32, #tpu.memory_space<vmem>>) dst(%dma_wait3A_271 : memref<10000x3072xf32, #tpu.memory_space<hbm>>)
        } else {
        }
      } else {
      }
    }
    %while3A_37 = arith.constant 1 : i32
    scf.for %while3A_38 = %while3A_35 to %while3A_31 step %while3A_37  : i32 {
      %mul3A_39 = arith.constant 8 : i32
      %mul3A_40 = arith.muli %while3A_38, %mul3A_39 : i32
      %multiple_of3A = tpu.assume_multiple %mul3A_40, 8 : i32
      %get3A = arith.index_cast %multiple_of3A : i32 to index
      %get3A_41 = tpu.vector_load %arg8[%get3A] {strides = array<i32>} : memref<2064xi32, #tpu.memory_space<vmem>>, vector<16xi32>,
      %get3A_42 = arith.index_cast %multiple_of3A : i32 to index
      %get3A_43 = tpu.vector_load %arg9[%get3A_42] {strides = array<i32>} : memref<2064xi32, #tpu.memory_space<vmem>>, vector<16xi32>,
      %sub3A_44 = arith.subi %scan3A_5, %multiple_of3A : i32
      %min3A = arith.constant 8 : i32
      %min3A_45 = arith.minsi %sub3A_44, %min3A : i32
      %lt3A_46 = vector.broadcast %min3A_45 : i32 to vector<16xi32>
      %lt3A_47 = arith.cmpi slt, %iota3A, %lt3A_46 : vector<16xi32>
      %slice3A = vector.extract_strided_slice %get3A_41 {offsets = [0], sizes = [1], strides = [1]} : vector<16xi32> to vector<1xi32>
      %squeeze3A = vector.extract %slice3A[0] : i32 from vector<1xi32>
      %broadcast_in_dim3A = vector.broadcast %squeeze3A : i32 to vector<16xi32>
      %select_n3A_48 = arith.select %lt3A_47, %get3A_41, %broadcast_in_dim3A : vector<16xi1>, vector<16xi32>
      %lt3A_49 = vector.broadcast %min3A_45 : i32 to vector<16xi32>
      %lt3A_50 = arith.cmpi slt, %iota3A, %lt3A_49 : vector<16xi32>
      %slice3A_51 = vector.extract_strided_slice %get3A_43 {offsets = [0], sizes = [1], strides = [1]} : vector<16xi32> to vector<1xi32>
      %squeeze3A_52 = vector.extract %slice3A_51[0] : i32 from vector<1xi32>
      %broadcast_in_dim3A_53 = vector.broadcast %squeeze3A_52 : i32 to vector<16xi32>
      %select_n3A_54 = arith.select %lt3A_50, %get3A_43, %broadcast_in_dim3A_53 : vector<16xi1>, vector<16xi32>
      %lt3A_55 = arith.constant 0 : i32
      %lt3A_56 = vector.broadcast %lt3A_55 : i32 to vector<16xi32>
      %lt3A_57 = arith.cmpi slt, %iota3A, %lt3A_56 : vector<16xi32>
      %mul3A_58 = arith.constant 0 : i32
      %mul3A_59 = vector.broadcast %mul3A_58 : i32 to vector<16xi32>
      %mul3A_60 = arith.muli %iota3A, %mul3A_59 : vector<16xi32>
      %slice3A_61 = vector.extract_strided_slice %get3A_41 {offsets = [0], sizes = [1], strides = [1]} : vector<16xi32> to vector<1xi32>
      %squeeze3A_62 = vector.extract %slice3A_61[0] : i32 from vector<1xi32>
      %add3A_63 = vector.broadcast %squeeze3A_62 : i32 to vector<16xi32>
      %add3A_64 = arith.addi %mul3A_60, %add3A_63 : vector<16xi32>
      %eq3A = arith.cmpi eq, %select_n3A_48, %add3A_64 : vector<16xi32>
      %gt3A = arith.constant 0 : i32
      %gt3A_65 = vector.broadcast %gt3A : i32 to vector<16xi32>
      %gt3A_66 = arith.cmpi sgt, %iota3A, %gt3A_65 : vector<16xi32>
      %and3A_67 = arith.andi %eq3A, %gt3A_66 : vector<16xi1>
      %lt3A_68 = vector.broadcast %min3A_45 : i32 to vector<16xi32>
      %lt3A_69 = arith.cmpi slt, %iota3A, %lt3A_68 : vector<16xi32>
      %and3A_70 = arith.andi %and3A_67, %lt3A_69 : vector<16xi1>
      %gt3A_71 = arith.constant 0 : i32
      %gt3A_72 = arith.cmpi sgt, %min3A_45, %gt3A_71 : i32
      %and3A_73 = vector.broadcast %gt3A_72 : i1 to vector<16xi1>
      %and3A_74 = arith.andi %and3A_70, %and3A_73 : vector<16xi1>
      %or3A = arith.ori %lt3A_57, %and3A_74 : vector<16xi1>
      %mul3A_75 = arith.constant 0 : i32
      %mul3A_76 = vector.broadcast %mul3A_75 : i32 to vector<16xi32>
      %mul3A_77 = arith.muli %iota3A, %mul3A_76 : vector<16xi32>
      %slice3A_78 = vector.extract_strided_slice %get3A_41 {offsets = [1], sizes = [1], strides = [1]} : vector<16xi32> to vector<1xi32>
      %squeeze3A_79 = vector.extract %slice3A_78[0] : i32 from vector<1xi32>
      %add3A_80 = vector.broadcast %squeeze3A_79 : i32 to vector<16xi32>
      %add3A_81 = arith.addi %mul3A_77, %add3A_80 : vector<16xi32>
      %eq3A_82 = arith.cmpi eq, %select_n3A_48, %add3A_81 : vector<16xi32>
      %gt3A_83 = arith.constant 1 : i32
      %gt3A_84 = vector.broadcast %gt3A_83 : i32 to vector<16xi32>
      %gt3A_85 = arith.cmpi sgt, %iota3A, %gt3A_84 : vector<16xi32>
      %and3A_86 = arith.andi %eq3A_82, %gt3A_85 : vector<16xi1>
      %lt3A_87 = vector.broadcast %min3A_45 : i32 to vector<16xi32>
      %lt3A_88 = arith.cmpi slt, %iota3A, %lt3A_87 : vector<16xi32>
      %and3A_89 = arith.andi %and3A_86, %lt3A_88 : vector<16xi1>
      %gt3A_90 = arith.constant 1 : i32
      %gt3A_91 = arith.cmpi sgt, %min3A_45, %gt3A_90 : i32
      %and3A_92 = vector.broadcast %gt3A_91 : i1 to vector<16xi1>
      %and3A_93 = arith.andi %and3A_89, %and3A_92 : vector<16xi1>
      %or3A_94 = arith.ori %or3A, %and3A_93 : vector<16xi1>
      %mul3A_95 = arith.constant 0 : i32
      %mul3A_96 = vector.broadcast %mul3A_95 : i32 to vector<16xi32>
      %mul3A_97 = arith.muli %iota3A, %mul3A_96 : vector<16xi32>
      %slice3A_98 = vector.extract_strided_slice %get3A_41 {offsets = [2], sizes = [1], strides = [1]} : vector<16xi32> to vector<1xi32>
      %squeeze3A_99 = vector.extract %slice3A_98[0] : i32 from vector<1xi32>
      %add3A_100 = vector.broadcast %squeeze3A_99 : i32 to vector<16xi32>
      %add3A_101 = arith.addi %mul3A_97, %add3A_100 : vector<16xi32>
      %eq3A_102 = arith.cmpi eq, %select_n3A_48, %add3A_101 : vector<16xi32>
      %gt3A_103 = arith.constant 2 : i32
      %gt3A_104 = vector.broadcast %gt3A_103 : i32 to vector<16xi32>
      %gt3A_105 = arith.cmpi sgt, %iota3A, %gt3A_104 : vector<16xi32>
      %and3A_106 = arith.andi %eq3A_102, %gt3A_105 : vector<16xi1>
      %lt3A_107 = vector.broadcast %min3A_45 : i32 to vector<16xi32>
      %lt3A_108 = arith.cmpi slt, %iota3A, %lt3A_107 : vector<16xi32>
      %and3A_109 = arith.andi %and3A_106, %lt3A_108 : vector<16xi1>
      %gt3A_110 = arith.constant 2 : i32
      %gt3A_111 = arith.cmpi sgt, %min3A_45, %gt3A_110 : i32
      %and3A_112 = vector.broadcast %gt3A_111 : i1 to vector<16xi1>
      %and3A_113 = arith.andi %and3A_109, %and3A_112 : vector<16xi1>
      %or3A_114 = arith.ori %or3A_94, %and3A_113 : vector<16xi1>
      %mul3A_115 = arith.constant 0 : i32
      %mul3A_116 = vector.broadcast %mul3A_115 : i32 to vector<16xi32>
      %mul3A_117 = arith.muli %iota3A, %mul3A_116 : vector<16xi32>
      %slice3A_118 = vector.extract_strided_slice %get3A_41 {offsets = [3], sizes = [1], strides = [1]} : vector<16xi32> to vector<1xi32>
      %squeeze3A_119 = vector.extract %slice3A_118[0] : i32 from vector<1xi32>
      %add3A_120 = vector.broadcast %squeeze3A_119 : i32 to vector<16xi32>
      %add3A_121 = arith.addi %mul3A_117, %add3A_120 : vector<16xi32>
      %eq3A_122 = arith.cmpi eq, %select_n3A_48, %add3A_121 : vector<16xi32>
      %gt3A_123 = arith.constant 3 : i32
      %gt3A_124 = vector.broadcast %gt3A_123 : i32 to vector<16xi32>
      %gt3A_125 = arith.cmpi sgt, %iota3A, %gt3A_124 : vector<16xi32>
      %and3A_126 = arith.andi %eq3A_122, %gt3A_125 : vector<16xi1>
      %lt3A_127 = vector.broadcast %min3A_45 : i32 to vector<16xi32>
      %lt3A_128 = arith.cmpi slt, %iota3A, %lt3A_127 : vector<16xi32>
      %and3A_129 = arith.andi %and3A_126, %lt3A_128 : vector<16xi1>
      %gt3A_130 = arith.constant 3 : i32
      %gt3A_131 = arith.cmpi sgt, %min3A_45, %gt3A_130 : i32
      %and3A_132 = vector.broadcast %gt3A_131 : i1 to vector<16xi1>
      %and3A_133 = arith.andi %and3A_129, %and3A_132 : vector<16xi1>
      %or3A_134 = arith.ori %or3A_114, %and3A_133 : vector<16xi1>
      %mul3A_135 = arith.constant 0 : i32
      %mul3A_136 = vector.broadcast %mul3A_135 : i32 to vector<16xi32>
      %mul3A_137 = arith.muli %iota3A, %mul3A_136 : vector<16xi32>
      %slice3A_138 = vector.extract_strided_slice %get3A_41 {offsets = [4], sizes = [1], strides = [1]} : vector<16xi32> to vector<1xi32>
      %squeeze3A_139 = vector.extract %slice3A_138[0] : i32 from vector<1xi32>
      %add3A_140 = vector.broadcast %squeeze3A_139 : i32 to vector<16xi32>
      %add3A_141 = arith.addi %mul3A_137, %add3A_140 : vector<16xi32>
      %eq3A_142 = arith.cmpi eq, %select_n3A_48, %add3A_141 : vector<16xi32>
      %gt3A_143 = arith.constant 4 : i32
      %gt3A_144 = vector.broadcast %gt3A_143 : i32 to vector<16xi32>
      %gt3A_145 = arith.cmpi sgt, %iota3A, %gt3A_144 : vector<16xi32>
      %and3A_146 = arith.andi %eq3A_142, %gt3A_145 : vector<16xi1>
      %lt3A_147 = vector.broadcast %min3A_45 : i32 to vector<16xi32>
      %lt3A_148 = arith.cmpi slt, %iota3A, %lt3A_147 : vector<16xi32>
      %and3A_149 = arith.andi %and3A_146, %lt3A_148 : vector<16xi1>
      %gt3A_150 = arith.constant 4 : i32
      %gt3A_151 = arith.cmpi sgt, %min3A_45, %gt3A_150 : i32
      %and3A_152 = vector.broadcast %gt3A_151 : i1 to vector<16xi1>
      %and3A_153 = arith.andi %and3A_149, %and3A_152 : vector<16xi1>
      %or3A_154 = arith.ori %or3A_134, %and3A_153 : vector<16xi1>
      %mul3A_155 = arith.constant 0 : i32
      %mul3A_156 = vector.broadcast %mul3A_155 : i32 to vector<16xi32>
      %mul3A_157 = arith.muli %iota3A, %mul3A_156 : vector<16xi32>
      %slice3A_158 = vector.extract_strided_slice %get3A_41 {offsets = [5], sizes = [1], strides = [1]} : vector<16xi32> to vector<1xi32>
      %squeeze3A_159 = vector.extract %slice3A_158[0] : i32 from vector<1xi32>
      %add3A_160 = vector.broadcast %squeeze3A_159 : i32 to vector<16xi32>
      %add3A_161 = arith.addi %mul3A_157, %add3A_160 : vector<16xi32>
      %eq3A_162 = arith.cmpi eq, %select_n3A_48, %add3A_161 : vector<16xi32>
      %gt3A_163 = arith.constant 5 : i32
      %gt3A_164 = vector.broadcast %gt3A_163 : i32 to vector<16xi32>
      %gt3A_165 = arith.cmpi sgt, %iota3A, %gt3A_164 : vector<16xi32>
      %and3A_166 = arith.andi %eq3A_162, %gt3A_165 : vector<16xi1>
      %lt3A_167 = vector.broadcast %min3A_45 : i32 to vector<16xi32>
      %lt3A_168 = arith.cmpi slt, %iota3A, %lt3A_167 : vector<16xi32>
      %and3A_169 = arith.andi %and3A_166, %lt3A_168 : vector<16xi1>
      %gt3A_170 = arith.constant 5 : i32
      %gt3A_171 = arith.cmpi sgt, %min3A_45, %gt3A_170 : i32
      %and3A_172 = vector.broadcast %gt3A_171 : i1 to vector<16xi1>
      %and3A_173 = arith.andi %and3A_169, %and3A_172 : vector<16xi1>
      %or3A_174 = arith.ori %or3A_154, %and3A_173 : vector<16xi1>
      %mul3A_175 = arith.constant 0 : i32
      %mul3A_176 = vector.broadcast %mul3A_175 : i32 to vector<16xi32>
      %mul3A_177 = arith.muli %iota3A, %mul3A_176 : vector<16xi32>
      %slice3A_178 = vector.extract_strided_slice %get3A_41 {offsets = [6], sizes = [1], strides = [1]} : vector<16xi32> to vector<1xi32>
      %squeeze3A_179 = vector.extract %slice3A_178[0] : i32 from vector<1xi32>
      %add3A_180 = vector.broadcast %squeeze3A_179 : i32 to vector<16xi32>
      %add3A_181 = arith.addi %mul3A_177, %add3A_180 : vector<16xi32>
      %eq3A_182 = arith.cmpi eq, %select_n3A_48, %add3A_181 : vector<16xi32>
      %gt3A_183 = arith.constant 6 : i32
      %gt3A_184 = vector.broadcast %gt3A_183 : i32 to vector<16xi32>
      %gt3A_185 = arith.cmpi sgt, %iota3A, %gt3A_184 : vector<16xi32>
      %and3A_186 = arith.andi %eq3A_182, %gt3A_185 : vector<16xi1>
      %lt3A_187 = vector.broadcast %min3A_45 : i32 to vector<16xi32>
      %lt3A_188 = arith.cmpi slt, %iota3A, %lt3A_187 : vector<16xi32>
      %and3A_189 = arith.andi %and3A_186, %lt3A_188 : vector<16xi1>
      %gt3A_190 = arith.constant 6 : i32
      %gt3A_191 = arith.cmpi sgt, %min3A_45, %gt3A_190 : i32
      %and3A_192 = vector.broadcast %gt3A_191 : i1 to vector<16xi1>
      %and3A_193 = arith.andi %and3A_189, %and3A_192 : vector<16xi1>
      %or3A_194 = arith.ori %or3A_174, %and3A_193 : vector<16xi1>
      %all_reduce_population_count3A = tpu.all_reduce %or3A_194 {dim = 0 : i64, kind = #tpu.reduction_kind<sum>} : vector<16xi1> -> vector<16xi32>
      %slice3A_195 = vector.extract_strided_slice %all_reduce_population_count3A {offsets = [0], sizes = [1], strides = [1]} : vector<16xi32> to vector<1xi32>
      %squeeze3A_196 = vector.extract %slice3A_195[0] : i32 from vector<1xi32>
      %eq3A_197 = arith.constant 0 : i32
      %eq3A_198 = arith.cmpi eq, %squeeze3A_196, %eq3A_197 : i32
      %convert_element_type3A = arith.extui %eq3A_198 : i1 to i32
      %cond3A = arith.constant 0 : i32
      %cond3A_199 = arith.cmpi ne, %convert_element_type3A, %cond3A : i32
      scf.if %cond3A_199 {
        %scatter3A = arith.constant 0 : i32
        %scatter3A_205 = tpu.memref_slice %arg11[%scatter3A] : memref<8xi32, #tpu.memory_space<vmem>> -> memref<8xi32, #tpu.memory_space<vmem>>
        tpu.vector_store_idx %scatter3A_205[%iota3A], %select_n3A_48 masked %lt3A_28 : memref<8xi32, #tpu.memory_space<vmem>>[vector<16xi32>], vector<16xi32>, vector<16xi1>
        %scatter3A_206 = arith.constant 0 : i32
        %scatter3A_207 = tpu.memref_slice %arg10[%scatter3A_206] : memref<8xi32, #tpu.memory_space<vmem>> -> memref<8xi32, #tpu.memory_space<vmem>>
        tpu.vector_store_idx %scatter3A_207[%iota3A], %select_n3A_54 masked %lt3A_28 : memref<8xi32, #tpu.memory_space<vmem>>[vector<16xi32>], vector<16xi32>, vector<16xi1>
        %dma_start3A = arith.constant 0 : i32
        %dma_start3A_208 = arith.constant 0 : i32
        %dma_start3A_209 = tpu.memref_slice %arg3[%dma_start3A, %dma_start3A_208] : memref<2048x3072xf32, #tpu.memory_space<hbm>> -> memref<2048x3072xf32, #tpu.memory_space<hbm>>
        tpu.enqueue_indirect_dma source(%dma_start3A_209 : memref<2048x3072xf32, #tpu.memory_space<hbm>>) target(%arg6 : memref<8x3072xf32, #tpu.memory_space<vmem>>) offsets(%arg10 : memref<8xi32, #tpu.memory_space<vmem>>) semaphore(%arg12 : memref<!tpu.dma_semaphore, #tpu.memory_space<semaphore_mem>>)
        %dma_wait3A = arith.constant 0 : i32
        %dma_wait3A_210 = arith.constant 0 : i32
        %dma_wait3A_211 = tpu.memref_slice %arg3[%dma_wait3A, %dma_wait3A_210] : memref<2048x3072xf32, #tpu.memory_space<hbm>> -> memref<2048x3072xf32, #tpu.memory_space<hbm>>
        tpu.wait_indirect_dma semaphore(%arg12 : memref<!tpu.dma_semaphore, #tpu.memory_space<semaphore_mem>>) src(%dma_wait3A_211 : memref<2048x3072xf32, #tpu.memory_space<hbm>>) dst(%arg6 : memref<8x3072xf32, #tpu.memory_space<vmem>>)
        %dma_start3A_212 = arith.constant 0 : i32
        %dma_start3A_213 = arith.constant 0 : i32
        %dma_start3A_214 = tpu.memref_slice %arg2[%dma_start3A_212, %dma_start3A_213] : memref<10000x3072xf32, #tpu.memory_space<hbm>> -> memref<10000x3072xf32, #tpu.memory_space<hbm>>
        tpu.enqueue_indirect_dma source(%arg6 : memref<8x3072xf32, #tpu.memory_space<vmem>>) target(%dma_start3A_214 : memref<10000x3072xf32, #tpu.memory_space<hbm>>) offsets(%arg11 : memref<8xi32, #tpu.memory_space<vmem>>) semaphore(%arg13 : memref<!tpu.dma_semaphore, #tpu.memory_space<semaphore_mem>>)
        %dma_wait3A_215 = arith.constant 0 : i32
        %dma_wait3A_216 = arith.constant 0 : i32
        %dma_wait3A_217 = tpu.memref_slice %arg2[%dma_wait3A_215, %dma_wait3A_216] : memref<10000x3072xf32, #tpu.memory_space<hbm>> -> memref<10000x3072xf32, #tpu.memory_space<hbm>>
        tpu.wait_indirect_dma semaphore(%arg13 : memref<!tpu.dma_semaphore, #tpu.memory_space<semaphore_mem>>) src(%arg6 : memref<8x3072xf32, #tpu.memory_space<vmem>>) dst(%dma_wait3A_217 : memref<10000x3072xf32, #tpu.memory_space<hbm>>)
      } else {
      }
      %gt3A_200 = arith.constant 0 : i32
      %gt3A_201 = arith.cmpi sgt, %squeeze3A_196, %gt3A_200 : i32
      %convert_element_type3A_202 = arith.extui %gt3A_201 : i1 to i32
      %cond3A_203 = arith.constant 0 : i32
      %cond3A_204 = arith.cmpi ne, %convert_element_type3A_202, %cond3A_203 : i32
      scf.if %cond3A_204 {
        %gt3A_205 = arith.constant 0 : i32
        %gt3A_206 = arith.cmpi sgt, %min3A_45, %gt3A_205 : i32
        %convert_element_type3A_207 = arith.extui %gt3A_206 : i1 to i32
        %cond3A_208 = arith.constant 0 : i32
        %cond3A_209 = arith.cmpi ne, %convert_element_type3A_207, %cond3A_208 : i32
        scf.if %cond3A_209 {
          %mul3A_245 = arith.constant 0 : i32
          %mul3A_246 = vector.broadcast %mul3A_245 : i32 to vector<16xi32>
          %mul3A_247 = arith.muli %iota3A, %mul3A_246 : vector<16xi32>
          %slice3A_248 = vector.extract_strided_slice %select_n3A_48 {offsets = [0], sizes = [1], strides = [1]} : vector<16xi32> to vector<1xi32>
          %squeeze3A_249 = vector.extract %slice3A_248[0] : i32 from vector<1xi32>
          %add3A_250 = vector.broadcast %squeeze3A_249 : i32 to vector<16xi32>
          %add3A_251 = arith.addi %mul3A_247, %add3A_250 : vector<16xi32>
          %scatter3A = arith.constant 0 : i32
          %scatter3A_252 = tpu.memref_slice %arg11[%scatter3A] : memref<8xi32, #tpu.memory_space<vmem>> -> memref<8xi32, #tpu.memory_space<vmem>>
          tpu.vector_store_idx %scatter3A_252[%iota3A], %add3A_251 masked %lt3A_28 : memref<8xi32, #tpu.memory_space<vmem>>[vector<16xi32>], vector<16xi32>, vector<16xi1>
          %mul3A_253 = arith.constant 0 : i32
          %mul3A_254 = vector.broadcast %mul3A_253 : i32 to vector<16xi32>
          %mul3A_255 = arith.muli %iota3A, %mul3A_254 : vector<16xi32>
          %slice3A_256 = vector.extract_strided_slice %select_n3A_54 {offsets = [0], sizes = [1], strides = [1]} : vector<16xi32> to vector<1xi32>
          %squeeze3A_257 = vector.extract %slice3A_256[0] : i32 from vector<1xi32>
          %add3A_258 = vector.broadcast %squeeze3A_257 : i32 to vector<16xi32>
          %add3A_259 = arith.addi %mul3A_255, %add3A_258 : vector<16xi32>
          %scatter3A_260 = arith.constant 0 : i32
          %scatter3A_261 = tpu.memref_slice %arg10[%scatter3A_260] : memref<8xi32, #tpu.memory_space<vmem>> -> memref<8xi32, #tpu.memory_space<vmem>>
          tpu.vector_store_idx %scatter3A_261[%iota3A], %add3A_259 masked %lt3A_28 : memref<8xi32, #tpu.memory_space<vmem>>[vector<16xi32>], vector<16xi32>, vector<16xi1>
          %dma_start3A = arith.constant 0 : i32
          %dma_start3A_262 = arith.constant 0 : i32
          %dma_start3A_263 = tpu.memref_slice %arg3[%dma_start3A, %dma_start3A_262] : memref<2048x3072xf32, #tpu.memory_space<hbm>> -> memref<2048x3072xf32, #tpu.memory_space<hbm>>
          tpu.enqueue_indirect_dma source(%dma_start3A_263 : memref<2048x3072xf32, #tpu.memory_space<hbm>>) target(%arg6 : memref<8x3072xf32, #tpu.memory_space<vmem>>) offsets(%arg10 : memref<8xi32, #tpu.memory_space<vmem>>) semaphore(%arg12 : memref<!tpu.dma_semaphore, #tpu.memory_space<semaphore_mem>>)
          %dma_wait3A = arith.constant 0 : i32
          %dma_wait3A_264 = arith.constant 0 : i32
          %dma_wait3A_265 = tpu.memref_slice %arg3[%dma_wait3A, %dma_wait3A_264] : memref<2048x3072xf32, #tpu.memory_space<hbm>> -> memref<2048x3072xf32, #tpu.memory_space<hbm>>
          tpu.wait_indirect_dma semaphore(%arg12 : memref<!tpu.dma_semaphore, #tpu.memory_space<semaphore_mem>>) src(%dma_wait3A_265 : memref<2048x3072xf32, #tpu.memory_space<hbm>>) dst(%arg6 : memref<8x3072xf32, #tpu.memory_space<vmem>>)
          %dma_start3A_266 = arith.constant 0 : i32
          %dma_start3A_267 = arith.constant 0 : i32
          %dma_start3A_268 = tpu.memref_slice %arg2[%dma_start3A_266, %dma_start3A_267] : memref<10000x3072xf32, #tpu.memory_space<hbm>> -> memref<10000x3072xf32, #tpu.memory_space<hbm>>
          tpu.enqueue_indirect_dma source(%arg6 : memref<8x3072xf32, #tpu.memory_space<vmem>>) target(%dma_start3A_268 : memref<10000x3072xf32, #tpu.memory_space<hbm>>) offsets(%arg11 : memref<8xi32, #tpu.memory_space<vmem>>) semaphore(%arg13 : memref<!tpu.dma_semaphore, #tpu.memory_space<semaphore_mem>>)
          %dma_wait3A_269 = arith.constant 0 : i32
          %dma_wait3A_270 = arith.constant 0 : i32
          %dma_wait3A_271 = tpu.memref_slice %arg2[%dma_wait3A_269, %dma_wait3A_270] : memref<10000x3072xf32, #tpu.memory_space<hbm>> -> memref<10000x3072xf32, #tpu.memory_space<hbm>>
          tpu.wait_indirect_dma semaphore(%arg13 : memref<!tpu.dma_semaphore, #tpu.memory_space<semaphore_mem>>) src(%arg6 : memref<8x3072xf32, #tpu.memory_space<vmem>>) dst(%dma_wait3A_271 : memref<10000x3072xf32, #tpu.memory_space<hbm>>)
        } else {
        }
        %gt3A_210 = arith.constant 1 : i32
        %gt3A_211 = arith.cmpi sgt, %min3A_45, %gt3A_210 : i32
        %convert_element_type3A_212 = arith.extui %gt3A_211 : i1 to i32
        %cond3A_213 = arith.constant 0 : i32
        %cond3A_214 = arith.cmpi ne, %convert_element_type3A_212, %cond3A_213 : i32
        scf.if %cond3A_214 {
          %mul3A_245 = arith.constant 0 : i32
          %mul3A_246 = vector.broadcast %mul3A_245 : i32 to vector<16xi32>
          %mul3A_247 = arith.muli %iota3A, %mul3A_246 : vector<16xi32>
          %slice3A_248 = vector.extract_strided_slice %select_n3A_48 {offsets = [1], sizes = [1], strides = [1]} : vector<16xi32> to vector<1xi32>
          %squeeze3A_249 = vector.extract %slice3A_248[0] : i32 from vector<1xi32>
          %add3A_250 = vector.broadcast %squeeze3A_249 : i32 to vector<16xi32>
          %add3A_251 = arith.addi %mul3A_247, %add3A_250 : vector<16xi32>
          %scatter3A = arith.constant 0 : i32
          %scatter3A_252 = tpu.memref_slice %arg11[%scatter3A] : memref<8xi32, #tpu.memory_space<vmem>> -> memref<8xi32, #tpu.memory_space<vmem>>
          tpu.vector_store_idx %scatter3A_252[%iota3A], %add3A_251 masked %lt3A_28 : memref<8xi32, #tpu.memory_space<vmem>>[vector<16xi32>], vector<16xi32>, vector<16xi1>
          %mul3A_253 = arith.constant 0 : i32
          %mul3A_254 = vector.broadcast %mul3A_253 : i32 to vector<16xi32>
          %mul3A_255 = arith.muli %iota3A, %mul3A_254 : vector<16xi32>
          %slice3A_256 = vector.extract_strided_slice %select_n3A_54 {offsets = [1], sizes = [1], strides = [1]} : vector<16xi32> to vector<1xi32>
          %squeeze3A_257 = vector.extract %slice3A_256[0] : i32 from vector<1xi32>
          %add3A_258 = vector.broadcast %squeeze3A_257 : i32 to vector<16xi32>
          %add3A_259 = arith.addi %mul3A_255, %add3A_258 : vector<16xi32>
          %scatter3A_260 = arith.constant 0 : i32
          %scatter3A_261 = tpu.memref_slice %arg10[%scatter3A_260] : memref<8xi32, #tpu.memory_space<vmem>> -> memref<8xi32, #tpu.memory_space<vmem>>
          tpu.vector_store_idx %scatter3A_261[%iota3A], %add3A_259 masked %lt3A_28 : memref<8xi32, #tpu.memory_space<vmem>>[vector<16xi32>], vector<16xi32>, vector<16xi1>
          %dma_start3A = arith.constant 0 : i32
          %dma_start3A_262 = arith.constant 0 : i32
          %dma_start3A_263 = tpu.memref_slice %arg3[%dma_start3A, %dma_start3A_262] : memref<2048x3072xf32, #tpu.memory_space<hbm>> -> memref<2048x3072xf32, #tpu.memory_space<hbm>>
          tpu.enqueue_indirect_dma source(%dma_start3A_263 : memref<2048x3072xf32, #tpu.memory_space<hbm>>) target(%arg6 : memref<8x3072xf32, #tpu.memory_space<vmem>>) offsets(%arg10 : memref<8xi32, #tpu.memory_space<vmem>>) semaphore(%arg12 : memref<!tpu.dma_semaphore, #tpu.memory_space<semaphore_mem>>)
          %dma_wait3A = arith.constant 0 : i32
          %dma_wait3A_264 = arith.constant 0 : i32
          %dma_wait3A_265 = tpu.memref_slice %arg3[%dma_wait3A, %dma_wait3A_264] : memref<2048x3072xf32, #tpu.memory_space<hbm>> -> memref<2048x3072xf32, #tpu.memory_space<hbm>>
          tpu.wait_indirect_dma semaphore(%arg12 : memref<!tpu.dma_semaphore, #tpu.memory_space<semaphore_mem>>) src(%dma_wait3A_265 : memref<2048x3072xf32, #tpu.memory_space<hbm>>) dst(%arg6 : memref<8x3072xf32, #tpu.memory_space<vmem>>)
          %dma_start3A_266 = arith.constant 0 : i32
          %dma_start3A_267 = arith.constant 0 : i32
          %dma_start3A_268 = tpu.memref_slice %arg2[%dma_start3A_266, %dma_start3A_267] : memref<10000x3072xf32, #tpu.memory_space<hbm>> -> memref<10000x3072xf32, #tpu.memory_space<hbm>>
          tpu.enqueue_indirect_dma source(%arg6 : memref<8x3072xf32, #tpu.memory_space<vmem>>) target(%dma_start3A_268 : memref<10000x3072xf32, #tpu.memory_space<hbm>>) offsets(%arg11 : memref<8xi32, #tpu.memory_space<vmem>>) semaphore(%arg13 : memref<!tpu.dma_semaphore, #tpu.memory_space<semaphore_mem>>)
          %dma_wait3A_269 = arith.constant 0 : i32
          %dma_wait3A_270 = arith.constant 0 : i32
          %dma_wait3A_271 = tpu.memref_slice %arg2[%dma_wait3A_269, %dma_wait3A_270] : memref<10000x3072xf32, #tpu.memory_space<hbm>> -> memref<10000x3072xf32, #tpu.memory_space<hbm>>
          tpu.wait_indirect_dma semaphore(%arg13 : memref<!tpu.dma_semaphore, #tpu.memory_space<semaphore_mem>>) src(%arg6 : memref<8x3072xf32, #tpu.memory_space<vmem>>) dst(%dma_wait3A_271 : memref<10000x3072xf32, #tpu.memory_space<hbm>>)
        } else {
        }
        %gt3A_215 = arith.constant 2 : i32
        %gt3A_216 = arith.cmpi sgt, %min3A_45, %gt3A_215 : i32
        %convert_element_type3A_217 = arith.extui %gt3A_216 : i1 to i32
        %cond3A_218 = arith.constant 0 : i32
        %cond3A_219 = arith.cmpi ne, %convert_element_type3A_217, %cond3A_218 : i32
        scf.if %cond3A_219 {
          %mul3A_245 = arith.constant 0 : i32
          %mul3A_246 = vector.broadcast %mul3A_245 : i32 to vector<16xi32>
          %mul3A_247 = arith.muli %iota3A, %mul3A_246 : vector<16xi32>
          %slice3A_248 = vector.extract_strided_slice %select_n3A_48 {offsets = [2], sizes = [1], strides = [1]} : vector<16xi32> to vector<1xi32>
          %squeeze3A_249 = vector.extract %slice3A_248[0] : i32 from vector<1xi32>
          %add3A_250 = vector.broadcast %squeeze3A_249 : i32 to vector<16xi32>
          %add3A_251 = arith.addi %mul3A_247, %add3A_250 : vector<16xi32>
          %scatter3A = arith.constant 0 : i32
          %scatter3A_252 = tpu.memref_slice %arg11[%scatter3A] : memref<8xi32, #tpu.memory_space<vmem>> -> memref<8xi32, #tpu.memory_space<vmem>>
          tpu.vector_store_idx %scatter3A_252[%iota3A], %add3A_251 masked %lt3A_28 : memref<8xi32, #tpu.memory_space<vmem>>[vector<16xi32>], vector<16xi32>, vector<16xi1>
          %mul3A_253 = arith.constant 0 : i32
          %mul3A_254 = vector.broadcast %mul3A_253 : i32 to vector<16xi32>
          %mul3A_255 = arith.muli %iota3A, %mul3A_254 : vector<16xi32>
          %slice3A_256 = vector.extract_strided_slice %select_n3A_54 {offsets = [2], sizes = [1], strides = [1]} : vector<16xi32> to vector<1xi32>
          %squeeze3A_257 = vector.extract %slice3A_256[0] : i32 from vector<1xi32>
          %add3A_258 = vector.broadcast %squeeze3A_257 : i32 to vector<16xi32>
          %add3A_259 = arith.addi %mul3A_255, %add3A_258 : vector<16xi32>
          %scatter3A_260 = arith.constant 0 : i32
          %scatter3A_261 = tpu.memref_slice %arg10[%scatter3A_260] : memref<8xi32, #tpu.memory_space<vmem>> -> memref<8xi32, #tpu.memory_space<vmem>>
          tpu.vector_store_idx %scatter3A_261[%iota3A], %add3A_259 masked %lt3A_28 : memref<8xi32, #tpu.memory_space<vmem>>[vector<16xi32>], vector<16xi32>, vector<16xi1>
          %dma_start3A = arith.constant 0 : i32
          %dma_start3A_262 = arith.constant 0 : i32
          %dma_start3A_263 = tpu.memref_slice %arg3[%dma_start3A, %dma_start3A_262] : memref<2048x3072xf32, #tpu.memory_space<hbm>> -> memref<2048x3072xf32, #tpu.memory_space<hbm>>
          tpu.enqueue_indirect_dma source(%dma_start3A_263 : memref<2048x3072xf32, #tpu.memory_space<hbm>>) target(%arg6 : memref<8x3072xf32, #tpu.memory_space<vmem>>) offsets(%arg10 : memref<8xi32, #tpu.memory_space<vmem>>) semaphore(%arg12 : memref<!tpu.dma_semaphore, #tpu.memory_space<semaphore_mem>>)
          %dma_wait3A = arith.constant 0 : i32
          %dma_wait3A_264 = arith.constant 0 : i32
          %dma_wait3A_265 = tpu.memref_slice %arg3[%dma_wait3A, %dma_wait3A_264] : memref<2048x3072xf32, #tpu.memory_space<hbm>> -> memref<2048x3072xf32, #tpu.memory_space<hbm>>
          tpu.wait_indirect_dma semaphore(%arg12 : memref<!tpu.dma_semaphore, #tpu.memory_space<semaphore_mem>>) src(%dma_wait3A_265 : memref<2048x3072xf32, #tpu.memory_space<hbm>>) dst(%arg6 : memref<8x3072xf32, #tpu.memory_space<vmem>>)
          %dma_start3A_266 = arith.constant 0 : i32
          %dma_start3A_267 = arith.constant 0 : i32
          %dma_start3A_268 = tpu.memref_slice %arg2[%dma_start3A_266, %dma_start3A_267] : memref<10000x3072xf32, #tpu.memory_space<hbm>> -> memref<10000x3072xf32, #tpu.memory_space<hbm>>
          tpu.enqueue_indirect_dma source(%arg6 : memref<8x3072xf32, #tpu.memory_space<vmem>>) target(%dma_start3A_268 : memref<10000x3072xf32, #tpu.memory_space<hbm>>) offsets(%arg11 : memref<8xi32, #tpu.memory_space<vmem>>) semaphore(%arg13 : memref<!tpu.dma_semaphore, #tpu.memory_space<semaphore_mem>>)
          %dma_wait3A_269 = arith.constant 0 : i32
          %dma_wait3A_270 = arith.constant 0 : i32
          %dma_wait3A_271 = tpu.memref_slice %arg2[%dma_wait3A_269, %dma_wait3A_270] : memref<10000x3072xf32, #tpu.memory_space<hbm>> -> memref<10000x3072xf32, #tpu.memory_space<hbm>>
          tpu.wait_indirect_dma semaphore(%arg13 : memref<!tpu.dma_semaphore, #tpu.memory_space<semaphore_mem>>) src(%arg6 : memref<8x3072xf32, #tpu.memory_space<vmem>>) dst(%dma_wait3A_271 : memref<10000x3072xf32, #tpu.memory_space<hbm>>)
        } else {
        }
        %gt3A_220 = arith.constant 3 : i32
        %gt3A_221 = arith.cmpi sgt, %min3A_45, %gt3A_220 : i32
        %convert_element_type3A_222 = arith.extui %gt3A_221 : i1 to i32
        %cond3A_223 = arith.constant 0 : i32
        %cond3A_224 = arith.cmpi ne, %convert_element_type3A_222, %cond3A_223 : i32
        scf.if %cond3A_224 {
          %mul3A_245 = arith.constant 0 : i32
          %mul3A_246 = vector.broadcast %mul3A_245 : i32 to vector<16xi32>
          %mul3A_247 = arith.muli %iota3A, %mul3A_246 : vector<16xi32>
          %slice3A_248 = vector.extract_strided_slice %select_n3A_48 {offsets = [3], sizes = [1], strides = [1]} : vector<16xi32> to vector<1xi32>
          %squeeze3A_249 = vector.extract %slice3A_248[0] : i32 from vector<1xi32>
          %add3A_250 = vector.broadcast %squeeze3A_249 : i32 to vector<16xi32>
          %add3A_251 = arith.addi %mul3A_247, %add3A_250 : vector<16xi32>
          %scatter3A = arith.constant 0 : i32
          %scatter3A_252 = tpu.memref_slice %arg11[%scatter3A] : memref<8xi32, #tpu.memory_space<vmem>> -> memref<8xi32, #tpu.memory_space<vmem>>
          tpu.vector_store_idx %scatter3A_252[%iota3A], %add3A_251 masked %lt3A_28 : memref<8xi32, #tpu.memory_space<vmem>>[vector<16xi32>], vector<16xi32>, vector<16xi1>
          %mul3A_253 = arith.constant 0 : i32
          %mul3A_254 = vector.broadcast %mul3A_253 : i32 to vector<16xi32>
          %mul3A_255 = arith.muli %iota3A, %mul3A_254 : vector<16xi32>
          %slice3A_256 = vector.extract_strided_slice %select_n3A_54 {offsets = [3], sizes = [1], strides = [1]} : vector<16xi32> to vector<1xi32>
          %squeeze3A_257 = vector.extract %slice3A_256[0] : i32 from vector<1xi32>
          %add3A_258 = vector.broadcast %squeeze3A_257 : i32 to vector<16xi32>
          %add3A_259 = arith.addi %mul3A_255, %add3A_258 : vector<16xi32>
          %scatter3A_260 = arith.constant 0 : i32
          %scatter3A_261 = tpu.memref_slice %arg10[%scatter3A_260] : memref<8xi32, #tpu.memory_space<vmem>> -> memref<8xi32, #tpu.memory_space<vmem>>
          tpu.vector_store_idx %scatter3A_261[%iota3A], %add3A_259 masked %lt3A_28 : memref<8xi32, #tpu.memory_space<vmem>>[vector<16xi32>], vector<16xi32>, vector<16xi1>
          %dma_start3A = arith.constant 0 : i32
          %dma_start3A_262 = arith.constant 0 : i32
          %dma_start3A_263 = tpu.memref_slice %arg3[%dma_start3A, %dma_start3A_262] : memref<2048x3072xf32, #tpu.memory_space<hbm>> -> memref<2048x3072xf32, #tpu.memory_space<hbm>>
          tpu.enqueue_indirect_dma source(%dma_start3A_263 : memref<2048x3072xf32, #tpu.memory_space<hbm>>) target(%arg6 : memref<8x3072xf32, #tpu.memory_space<vmem>>) offsets(%arg10 : memref<8xi32, #tpu.memory_space<vmem>>) semaphore(%arg12 : memref<!tpu.dma_semaphore, #tpu.memory_space<semaphore_mem>>)
          %dma_wait3A = arith.constant 0 : i32
          %dma_wait3A_264 = arith.constant 0 : i32
          %dma_wait3A_265 = tpu.memref_slice %arg3[%dma_wait3A, %dma_wait3A_264] : memref<2048x3072xf32, #tpu.memory_space<hbm>> -> memref<2048x3072xf32, #tpu.memory_space<hbm>>
          tpu.wait_indirect_dma semaphore(%arg12 : memref<!tpu.dma_semaphore, #tpu.memory_space<semaphore_mem>>) src(%dma_wait3A_265 : memref<2048x3072xf32, #tpu.memory_space<hbm>>) dst(%arg6 : memref<8x3072xf32, #tpu.memory_space<vmem>>)
          %dma_start3A_266 = arith.constant 0 : i32
          %dma_start3A_267 = arith.constant 0 : i32
          %dma_start3A_268 = tpu.memref_slice %arg2[%dma_start3A_266, %dma_start3A_267] : memref<10000x3072xf32, #tpu.memory_space<hbm>> -> memref<10000x3072xf32, #tpu.memory_space<hbm>>
          tpu.enqueue_indirect_dma source(%arg6 : memref<8x3072xf32, #tpu.memory_space<vmem>>) target(%dma_start3A_268 : memref<10000x3072xf32, #tpu.memory_space<hbm>>) offsets(%arg11 : memref<8xi32, #tpu.memory_space<vmem>>) semaphore(%arg13 : memref<!tpu.dma_semaphore, #tpu.memory_space<semaphore_mem>>)
          %dma_wait3A_269 = arith.constant 0 : i32
          %dma_wait3A_270 = arith.constant 0 : i32
          %dma_wait3A_271 = tpu.memref_slice %arg2[%dma_wait3A_269, %dma_wait3A_270] : memref<10000x3072xf32, #tpu.memory_space<hbm>> -> memref<10000x3072xf32, #tpu.memory_space<hbm>>
          tpu.wait_indirect_dma semaphore(%arg13 : memref<!tpu.dma_semaphore, #tpu.memory_space<semaphore_mem>>) src(%arg6 : memref<8x3072xf32, #tpu.memory_space<vmem>>) dst(%dma_wait3A_271 : memref<10000x3072xf32, #tpu.memory_space<hbm>>)
        } else {
        }
        %gt3A_225 = arith.constant 4 : i32
        %gt3A_226 = arith.cmpi sgt, %min3A_45, %gt3A_225 : i32
        %convert_element_type3A_227 = arith.extui %gt3A_226 : i1 to i32
        %cond3A_228 = arith.constant 0 : i32
        %cond3A_229 = arith.cmpi ne, %convert_element_type3A_227, %cond3A_228 : i32
        scf.if %cond3A_229 {
          %mul3A_245 = arith.constant 0 : i32
          %mul3A_246 = vector.broadcast %mul3A_245 : i32 to vector<16xi32>
          %mul3A_247 = arith.muli %iota3A, %mul3A_246 : vector<16xi32>
          %slice3A_248 = vector.extract_strided_slice %select_n3A_48 {offsets = [4], sizes = [1], strides = [1]} : vector<16xi32> to vector<1xi32>
          %squeeze3A_249 = vector.extract %slice3A_248[0] : i32 from vector<1xi32>
          %add3A_250 = vector.broadcast %squeeze3A_249 : i32 to vector<16xi32>
          %add3A_251 = arith.addi %mul3A_247, %add3A_250 : vector<16xi32>
          %scatter3A = arith.constant 0 : i32
          %scatter3A_252 = tpu.memref_slice %arg11[%scatter3A] : memref<8xi32, #tpu.memory_space<vmem>> -> memref<8xi32, #tpu.memory_space<vmem>>
          tpu.vector_store_idx %scatter3A_252[%iota3A], %add3A_251 masked %lt3A_28 : memref<8xi32, #tpu.memory_space<vmem>>[vector<16xi32>], vector<16xi32>, vector<16xi1>
          %mul3A_253 = arith.constant 0 : i32
          %mul3A_254 = vector.broadcast %mul3A_253 : i32 to vector<16xi32>
          %mul3A_255 = arith.muli %iota3A, %mul3A_254 : vector<16xi32>
          %slice3A_256 = vector.extract_strided_slice %select_n3A_54 {offsets = [4], sizes = [1], strides = [1]} : vector<16xi32> to vector<1xi32>
          %squeeze3A_257 = vector.extract %slice3A_256[0] : i32 from vector<1xi32>
          %add3A_258 = vector.broadcast %squeeze3A_257 : i32 to vector<16xi32>
          %add3A_259 = arith.addi %mul3A_255, %add3A_258 : vector<16xi32>
          %scatter3A_260 = arith.constant 0 : i32
          %scatter3A_261 = tpu.memref_slice %arg10[%scatter3A_260] : memref<8xi32, #tpu.memory_space<vmem>> -> memref<8xi32, #tpu.memory_space<vmem>>
          tpu.vector_store_idx %scatter3A_261[%iota3A], %add3A_259 masked %lt3A_28 : memref<8xi32, #tpu.memory_space<vmem>>[vector<16xi32>], vector<16xi32>, vector<16xi1>
          %dma_start3A = arith.constant 0 : i32
          %dma_start3A_262 = arith.constant 0 : i32
          %dma_start3A_263 = tpu.memref_slice %arg3[%dma_start3A, %dma_start3A_262] : memref<2048x3072xf32, #tpu.memory_space<hbm>> -> memref<2048x3072xf32, #tpu.memory_space<hbm>>
          tpu.enqueue_indirect_dma source(%dma_start3A_263 : memref<2048x3072xf32, #tpu.memory_space<hbm>>) target(%arg6 : memref<8x3072xf32, #tpu.memory_space<vmem>>) offsets(%arg10 : memref<8xi32, #tpu.memory_space<vmem>>) semaphore(%arg12 : memref<!tpu.dma_semaphore, #tpu.memory_space<semaphore_mem>>)
          %dma_wait3A = arith.constant 0 : i32
          %dma_wait3A_264 = arith.constant 0 : i32
          %dma_wait3A_265 = tpu.memref_slice %arg3[%dma_wait3A, %dma_wait3A_264] : memref<2048x3072xf32, #tpu.memory_space<hbm>> -> memref<2048x3072xf32, #tpu.memory_space<hbm>>
          tpu.wait_indirect_dma semaphore(%arg12 : memref<!tpu.dma_semaphore, #tpu.memory_space<semaphore_mem>>) src(%dma_wait3A_265 : memref<2048x3072xf32, #tpu.memory_space<hbm>>) dst(%arg6 : memref<8x3072xf32, #tpu.memory_space<vmem>>)
          %dma_start3A_266 = arith.constant 0 : i32
          %dma_start3A_267 = arith.constant 0 : i32
          %dma_start3A_268 = tpu.memref_slice %arg2[%dma_start3A_266, %dma_start3A_267] : memref<10000x3072xf32, #tpu.memory_space<hbm>> -> memref<10000x3072xf32, #tpu.memory_space<hbm>>
          tpu.enqueue_indirect_dma source(%arg6 : memref<8x3072xf32, #tpu.memory_space<vmem>>) target(%dma_start3A_268 : memref<10000x3072xf32, #tpu.memory_space<hbm>>) offsets(%arg11 : memref<8xi32, #tpu.memory_space<vmem>>) semaphore(%arg13 : memref<!tpu.dma_semaphore, #tpu.memory_space<semaphore_mem>>)
          %dma_wait3A_269 = arith.constant 0 : i32
          %dma_wait3A_270 = arith.constant 0 : i32
          %dma_wait3A_271 = tpu.memref_slice %arg2[%dma_wait3A_269, %dma_wait3A_270] : memref<10000x3072xf32, #tpu.memory_space<hbm>> -> memref<10000x3072xf32, #tpu.memory_space<hbm>>
          tpu.wait_indirect_dma semaphore(%arg13 : memref<!tpu.dma_semaphore, #tpu.memory_space<semaphore_mem>>) src(%arg6 : memref<8x3072xf32, #tpu.memory_space<vmem>>) dst(%dma_wait3A_271 : memref<10000x3072xf32, #tpu.memory_space<hbm>>)
        } else {
        }
        %gt3A_230 = arith.constant 5 : i32
        %gt3A_231 = arith.cmpi sgt, %min3A_45, %gt3A_230 : i32
        %convert_element_type3A_232 = arith.extui %gt3A_231 : i1 to i32
        %cond3A_233 = arith.constant 0 : i32
        %cond3A_234 = arith.cmpi ne, %convert_element_type3A_232, %cond3A_233 : i32
        scf.if %cond3A_234 {
          %mul3A_245 = arith.constant 0 : i32
          %mul3A_246 = vector.broadcast %mul3A_245 : i32 to vector<16xi32>
          %mul3A_247 = arith.muli %iota3A, %mul3A_246 : vector<16xi32>
          %slice3A_248 = vector.extract_strided_slice %select_n3A_48 {offsets = [5], sizes = [1], strides = [1]} : vector<16xi32> to vector<1xi32>
          %squeeze3A_249 = vector.extract %slice3A_248[0] : i32 from vector<1xi32>
          %add3A_250 = vector.broadcast %squeeze3A_249 : i32 to vector<16xi32>
          %add3A_251 = arith.addi %mul3A_247, %add3A_250 : vector<16xi32>
          %scatter3A = arith.constant 0 : i32
          %scatter3A_252 = tpu.memref_slice %arg11[%scatter3A] : memref<8xi32, #tpu.memory_space<vmem>> -> memref<8xi32, #tpu.memory_space<vmem>>
          tpu.vector_store_idx %scatter3A_252[%iota3A], %add3A_251 masked %lt3A_28 : memref<8xi32, #tpu.memory_space<vmem>>[vector<16xi32>], vector<16xi32>, vector<16xi1>
          %mul3A_253 = arith.constant 0 : i32
          %mul3A_254 = vector.broadcast %mul3A_253 : i32 to vector<16xi32>
          %mul3A_255 = arith.muli %iota3A, %mul3A_254 : vector<16xi32>
          %slice3A_256 = vector.extract_strided_slice %select_n3A_54 {offsets = [5], sizes = [1], strides = [1]} : vector<16xi32> to vector<1xi32>
          %squeeze3A_257 = vector.extract %slice3A_256[0] : i32 from vector<1xi32>
          %add3A_258 = vector.broadcast %squeeze3A_257 : i32 to vector<16xi32>
          %add3A_259 = arith.addi %mul3A_255, %add3A_258 : vector<16xi32>
          %scatter3A_260 = arith.constant 0 : i32
          %scatter3A_261 = tpu.memref_slice %arg10[%scatter3A_260] : memref<8xi32, #tpu.memory_space<vmem>> -> memref<8xi32, #tpu.memory_space<vmem>>
          tpu.vector_store_idx %scatter3A_261[%iota3A], %add3A_259 masked %lt3A_28 : memref<8xi32, #tpu.memory_space<vmem>>[vector<16xi32>], vector<16xi32>, vector<16xi1>
          %dma_start3A = arith.constant 0 : i32
          %dma_start3A_262 = arith.constant 0 : i32
          %dma_start3A_263 = tpu.memref_slice %arg3[%dma_start3A, %dma_start3A_262] : memref<2048x3072xf32, #tpu.memory_space<hbm>> -> memref<2048x3072xf32, #tpu.memory_space<hbm>>
          tpu.enqueue_indirect_dma source(%dma_start3A_263 : memref<2048x3072xf32, #tpu.memory_space<hbm>>) target(%arg6 : memref<8x3072xf32, #tpu.memory_space<vmem>>) offsets(%arg10 : memref<8xi32, #tpu.memory_space<vmem>>) semaphore(%arg12 : memref<!tpu.dma_semaphore, #tpu.memory_space<semaphore_mem>>)
          %dma_wait3A = arith.constant 0 : i32
          %dma_wait3A_264 = arith.constant 0 : i32
          %dma_wait3A_265 = tpu.memref_slice %arg3[%dma_wait3A, %dma_wait3A_264] : memref<2048x3072xf32, #tpu.memory_space<hbm>> -> memref<2048x3072xf32, #tpu.memory_space<hbm>>
          tpu.wait_indirect_dma semaphore(%arg12 : memref<!tpu.dma_semaphore, #tpu.memory_space<semaphore_mem>>) src(%dma_wait3A_265 : memref<2048x3072xf32, #tpu.memory_space<hbm>>) dst(%arg6 : memref<8x3072xf32, #tpu.memory_space<vmem>>)
          %dma_start3A_266 = arith.constant 0 : i32
          %dma_start3A_267 = arith.constant 0 : i32
          %dma_start3A_268 = tpu.memref_slice %arg2[%dma_start3A_266, %dma_start3A_267] : memref<10000x3072xf32, #tpu.memory_space<hbm>> -> memref<10000x3072xf32, #tpu.memory_space<hbm>>
          tpu.enqueue_indirect_dma source(%arg6 : memref<8x3072xf32, #tpu.memory_space<vmem>>) target(%dma_start3A_268 : memref<10000x3072xf32, #tpu.memory_space<hbm>>) offsets(%arg11 : memref<8xi32, #tpu.memory_space<vmem>>) semaphore(%arg13 : memref<!tpu.dma_semaphore, #tpu.memory_space<semaphore_mem>>)
          %dma_wait3A_269 = arith.constant 0 : i32
          %dma_wait3A_270 = arith.constant 0 : i32
          %dma_wait3A_271 = tpu.memref_slice %arg2[%dma_wait3A_269, %dma_wait3A_270] : memref<10000x3072xf32, #tpu.memory_space<hbm>> -> memref<10000x3072xf32, #tpu.memory_space<hbm>>
          tpu.wait_indirect_dma semaphore(%arg13 : memref<!tpu.dma_semaphore, #tpu.memory_space<semaphore_mem>>) src(%arg6 : memref<8x3072xf32, #tpu.memory_space<vmem>>) dst(%dma_wait3A_271 : memref<10000x3072xf32, #tpu.memory_space<hbm>>)
        } else {
        }
        %gt3A_235 = arith.constant 6 : i32
        %gt3A_236 = arith.cmpi sgt, %min3A_45, %gt3A_235 : i32
        %convert_element_type3A_237 = arith.extui %gt3A_236 : i1 to i32
        %cond3A_238 = arith.constant 0 : i32
        %cond3A_239 = arith.cmpi ne, %convert_element_type3A_237, %cond3A_238 : i32
        scf.if %cond3A_239 {
          %mul3A_245 = arith.constant 0 : i32
          %mul3A_246 = vector.broadcast %mul3A_245 : i32 to vector<16xi32>
          %mul3A_247 = arith.muli %iota3A, %mul3A_246 : vector<16xi32>
          %slice3A_248 = vector.extract_strided_slice %select_n3A_48 {offsets = [6], sizes = [1], strides = [1]} : vector<16xi32> to vector<1xi32>
          %squeeze3A_249 = vector.extract %slice3A_248[0] : i32 from vector<1xi32>
          %add3A_250 = vector.broadcast %squeeze3A_249 : i32 to vector<16xi32>
          %add3A_251 = arith.addi %mul3A_247, %add3A_250 : vector<16xi32>
          %scatter3A = arith.constant 0 : i32
          %scatter3A_252 = tpu.memref_slice %arg11[%scatter3A] : memref<8xi32, #tpu.memory_space<vmem>> -> memref<8xi32, #tpu.memory_space<vmem>>
          tpu.vector_store_idx %scatter3A_252[%iota3A], %add3A_251 masked %lt3A_28 : memref<8xi32, #tpu.memory_space<vmem>>[vector<16xi32>], vector<16xi32>, vector<16xi1>
          %mul3A_253 = arith.constant 0 : i32
          %mul3A_254 = vector.broadcast %mul3A_253 : i32 to vector<16xi32>
          %mul3A_255 = arith.muli %iota3A, %mul3A_254 : vector<16xi32>
          %slice3A_256 = vector.extract_strided_slice %select_n3A_54 {offsets = [6], sizes = [1], strides = [1]} : vector<16xi32> to vector<1xi32>
          %squeeze3A_257 = vector.extract %slice3A_256[0] : i32 from vector<1xi32>
          %add3A_258 = vector.broadcast %squeeze3A_257 : i32 to vector<16xi32>
          %add3A_259 = arith.addi %mul3A_255, %add3A_258 : vector<16xi32>
          %scatter3A_260 = arith.constant 0 : i32
          %scatter3A_261 = tpu.memref_slice %arg10[%scatter3A_260] : memref<8xi32, #tpu.memory_space<vmem>> -> memref<8xi32, #tpu.memory_space<vmem>>
          tpu.vector_store_idx %scatter3A_261[%iota3A], %add3A_259 masked %lt3A_28 : memref<8xi32, #tpu.memory_space<vmem>>[vector<16xi32>], vector<16xi32>, vector<16xi1>
          %dma_start3A = arith.constant 0 : i32
          %dma_start3A_262 = arith.constant 0 : i32
          %dma_start3A_263 = tpu.memref_slice %arg3[%dma_start3A, %dma_start3A_262] : memref<2048x3072xf32, #tpu.memory_space<hbm>> -> memref<2048x3072xf32, #tpu.memory_space<hbm>>
          tpu.enqueue_indirect_dma source(%dma_start3A_263 : memref<2048x3072xf32, #tpu.memory_space<hbm>>) target(%arg6 : memref<8x3072xf32, #tpu.memory_space<vmem>>) offsets(%arg10 : memref<8xi32, #tpu.memory_space<vmem>>) semaphore(%arg12 : memref<!tpu.dma_semaphore, #tpu.memory_space<semaphore_mem>>)
          %dma_wait3A = arith.constant 0 : i32
          %dma_wait3A_264 = arith.constant 0 : i32
          %dma_wait3A_265 = tpu.memref_slice %arg3[%dma_wait3A, %dma_wait3A_264] : memref<2048x3072xf32, #tpu.memory_space<hbm>> -> memref<2048x3072xf32, #tpu.memory_space<hbm>>
          tpu.wait_indirect_dma semaphore(%arg12 : memref<!tpu.dma_semaphore, #tpu.memory_space<semaphore_mem>>) src(%dma_wait3A_265 : memref<2048x3072xf32, #tpu.memory_space<hbm>>) dst(%arg6 : memref<8x3072xf32, #tpu.memory_space<vmem>>)
          %dma_start3A_266 = arith.constant 0 : i32
          %dma_start3A_267 = arith.constant 0 : i32
          %dma_start3A_268 = tpu.memref_slice %arg2[%dma_start3A_266, %dma_start3A_267] : memref<10000x3072xf32, #tpu.memory_space<hbm>> -> memref<10000x3072xf32, #tpu.memory_space<hbm>>
          tpu.enqueue_indirect_dma source(%arg6 : memref<8x3072xf32, #tpu.memory_space<vmem>>) target(%dma_start3A_268 : memref<10000x3072xf32, #tpu.memory_space<hbm>>) offsets(%arg11 : memref<8xi32, #tpu.memory_space<vmem>>) semaphore(%arg13 : memref<!tpu.dma_semaphore, #tpu.memory_space<semaphore_mem>>)
          %dma_wait3A_269 = arith.constant 0 : i32
          %dma_wait3A_270 = arith.constant 0 : i32
          %dma_wait3A_271 = tpu.memref_slice %arg2[%dma_wait3A_269, %dma_wait3A_270] : memref<10000x3072xf32, #tpu.memory_space<hbm>> -> memref<10000x3072xf32, #tpu.memory_space<hbm>>
          tpu.wait_indirect_dma semaphore(%arg13 : memref<!tpu.dma_semaphore, #tpu.memory_space<semaphore_mem>>) src(%arg6 : memref<8x3072xf32, #tpu.memory_space<vmem>>) dst(%dma_wait3A_271 : memref<10000x3072xf32, #tpu.memory_space<hbm>>)
        } else {
        }
        %gt3A_240 = arith.constant 7 : i32
        %gt3A_241 = arith.cmpi sgt, %min3A_45, %gt3A_240 : i32
        %convert_element_type3A_242 = arith.extui %gt3A_241 : i1 to i32
        %cond3A_243 = arith.constant 0 : i32
        %cond3A_244 = arith.cmpi ne, %convert_element_type3A_242, %cond3A_243 : i32
        scf.if %cond3A_244 {
          %mul3A_245 = arith.constant 0 : i32
          %mul3A_246 = vector.broadcast %mul3A_245 : i32 to vector<16xi32>
          %mul3A_247 = arith.muli %iota3A, %mul3A_246 : vector<16xi32>
          %slice3A_248 = vector.extract_strided_slice %select_n3A_48 {offsets = [7], sizes = [1], strides = [1]} : vector<16xi32> to vector<1xi32>
          %squeeze3A_249 = vector.extract %slice3A_248[0] : i32 from vector<1xi32>
          %add3A_250 = vector.broadcast %squeeze3A_249 : i32 to vector<16xi32>
          %add3A_251 = arith.addi %mul3A_247, %add3A_250 : vector<16xi32>
          %scatter3A = arith.constant 0 : i32
          %scatter3A_252 = tpu.memref_slice %arg11[%scatter3A] : memref<8xi32, #tpu.memory_space<vmem>> -> memref<8xi32, #tpu.memory_space<vmem>>
          tpu.vector_store_idx %scatter3A_252[%iota3A], %add3A_251 masked %lt3A_28 : memref<8xi32, #tpu.memory_space<vmem>>[vector<16xi32>], vector<16xi32>, vector<16xi1>
          %mul3A_253 = arith.constant 0 : i32
          %mul3A_254 = vector.broadcast %mul3A_253 : i32 to vector<16xi32>
          %mul3A_255 = arith.muli %iota3A, %mul3A_254 : vector<16xi32>
          %slice3A_256 = vector.extract_strided_slice %select_n3A_54 {offsets = [7], sizes = [1], strides = [1]} : vector<16xi32> to vector<1xi32>
          %squeeze3A_257 = vector.extract %slice3A_256[0] : i32 from vector<1xi32>
          %add3A_258 = vector.broadcast %squeeze3A_257 : i32 to vector<16xi32>
          %add3A_259 = arith.addi %mul3A_255, %add3A_258 : vector<16xi32>
          %scatter3A_260 = arith.constant 0 : i32
          %scatter3A_261 = tpu.memref_slice %arg10[%scatter3A_260] : memref<8xi32, #tpu.memory_space<vmem>> -> memref<8xi32, #tpu.memory_space<vmem>>
          tpu.vector_store_idx %scatter3A_261[%iota3A], %add3A_259 masked %lt3A_28 : memref<8xi32, #tpu.memory_space<vmem>>[vector<16xi32>], vector<16xi32>, vector<16xi1>
          %dma_start3A = arith.constant 0 : i32
          %dma_start3A_262 = arith.constant 0 : i32
          %dma_start3A_263 = tpu.memref_slice %arg3[%dma_start3A, %dma_start3A_262] : memref<2048x3072xf32, #tpu.memory_space<hbm>> -> memref<2048x3072xf32, #tpu.memory_space<hbm>>
          tpu.enqueue_indirect_dma source(%dma_start3A_263 : memref<2048x3072xf32, #tpu.memory_space<hbm>>) target(%arg6 : memref<8x3072xf32, #tpu.memory_space<vmem>>) offsets(%arg10 : memref<8xi32, #tpu.memory_space<vmem>>) semaphore(%arg12 : memref<!tpu.dma_semaphore, #tpu.memory_space<semaphore_mem>>)
          %dma_wait3A = arith.constant 0 : i32
          %dma_wait3A_264 = arith.constant 0 : i32
          %dma_wait3A_265 = tpu.memref_slice %arg3[%dma_wait3A, %dma_wait3A_264] : memref<2048x3072xf32, #tpu.memory_space<hbm>> -> memref<2048x3072xf32, #tpu.memory_space<hbm>>
          tpu.wait_indirect_dma semaphore(%arg12 : memref<!tpu.dma_semaphore, #tpu.memory_space<semaphore_mem>>) src(%dma_wait3A_265 : memref<2048x3072xf32, #tpu.memory_space<hbm>>) dst(%arg6 : memref<8x3072xf32, #tpu.memory_space<vmem>>)
          %dma_start3A_266 = arith.constant 0 : i32
          %dma_start3A_267 = arith.constant 0 : i32
          %dma_start3A_268 = tpu.memref_slice %arg2[%dma_start3A_266, %dma_start3A_267] : memref<10000x3072xf32, #tpu.memory_space<hbm>> -> memref<10000x3072xf32, #tpu.memory_space<hbm>>
          tpu.enqueue_indirect_dma source(%arg6 : memref<8x3072xf32, #tpu.memory_space<vmem>>) target(%dma_start3A_268 : memref<10000x3072xf32, #tpu.memory_space<hbm>>) offsets(%arg11 : memref<8xi32, #tpu.memory_space<vmem>>) semaphore(%arg13 : memref<!tpu.dma_semaphore, #tpu.memory_space<semaphore_mem>>)
          %dma_wait3A_269 = arith.constant 0 : i32
          %dma_wait3A_270 = arith.constant 0 : i32
          %dma_wait3A_271 = tpu.memref_slice %arg2[%dma_wait3A_269, %dma_wait3A_270] : memref<10000x3072xf32, #tpu.memory_space<hbm>> -> memref<10000x3072xf32, #tpu.memory_space<hbm>>
          tpu.wait_indirect_dma semaphore(%arg13 : memref<!tpu.dma_semaphore, #tpu.memory_space<semaphore_mem>>) src(%arg6 : memref<8x3072xf32, #tpu.memory_space<vmem>>) dst(%dma_wait3A_271 : memref<10000x3072xf32, #tpu.memory_space<hbm>>)
        } else {
        }
      } else {
      }
    }
    return
  }
}

</mosaic_0001>

<sc_bundles>
// kernel: kernel.4.cloned.1.call-start
scs
__scs_entry_jumppad:
0x0: {  	(pc) =	sbr.rel $0x88, $3  }
0x1: {  	(tag) =	ssettag $0x0;
	lr =	simm.s32 $0x1  }
0x2: {  	[smem:$0x3F94] =	sst lr;
	_ =	strace $0xD0000000  }
0x3: {  	_ = 	snop  }
0x4: {  	_ = 	snop  }
0x5: {  	_ = 	snop  }
0x6: {  	_ = 	snop  }
0x7: {  	_ = 	snop  }
__scs_overlays_trampoline_lowered:
0x8: {  	[smem:$0x3FA3] =	sst s0  }
0x9: {  	[smem:$0x3FA4] =	sst s1  }
0xa: {  	[smem:$0x3FA5] =	sst s2  }
0xb: {  	[smem:$0x3FA6] =	sst s3  }
0xc: {  	[smem:$0x3FA7] =	sst s4  }
0xd: {  	[smem:$0x3FA8] =	sst s5  }
0xe: {  	[smem:$0x3FA9] =	sst s6  }
0xf: {  	[smem:$0x3FAA] =	sst s7  }
0x10: {  	[smem:$0x3FAB] =	sst s8  }
0x11: {  	[smem:$0x3FAC] =	sst s9;
	s0 =	simm.s32 @!p0 $0x0  }
0x12: {  	s1 =	sld [smem:$0x3F92];
	s0 =	simm.s32 @p0 $0x1  }
0x13: {  	[smem:$0x3FAD] =	sst s0;
	s0 =	simm.s32 @!p1 $0x0  }
0x14: {  	s2 =	sld [smem:$0x3F91];
	s0 =	simm.s32 @p1 $0x1  }
0x15: {  	[smem:$0x3FAE] =	sst s0;
	s0 =	simm.s32 @!p2 $0x0  }
0x16: {  	s3 =	sld [smem:$0x3FDB];
	s0 =	simm.s32 @p2 $0x1  }
0x17: {  	s4 =	simm.s32 $0x1BF5;
	[smem:$0x3FB0] =	sst s0  }
0x18: {  	s0 =	sld [smem:$0x3F93];
	_ =	swait.ge [sflag:s4], $0x0  }
0x19: {  	s7 =	sld [smem:$0x3F94]  }
0x1a: {  	s8 =	sadd.s32 $0xFFFFE003, lr  }
0x1b: {  	s9 =	sadd.s32 $0xFFFFFEF7, lr;
	s5 =	simm.s32 $0xFFFFFFFF;
	p2 =	slt.u32 s8, $0xFFFFF086  }
0x1c: {  	p1 =	slt.u32 s9, $0xF7A;
	s5 =	simm.s32 @!p2 $0x0  }
0x1d: {  	s5 =	simm.s32 @p1 $0x1;
	p0 =	seq.s32 s7, s2  }
0x1e: {  	s7 =	smul.u32 @!p0 $0xF7A, s2;
	p2 =	seq.s32 @!p0 s5, $0x0  }
0x1f: {  	s9 =	smul.u32 $0xF7A, s1;
	s8 =	simm.s32 @!p0 $0x1BF5;
	p2 =	por !p2, p0  }
0x20: {  	[sflag:s8] =	ssyncset.s32 @!p0 $0xFFFFF086;
	s6 =	sadd.s32 @!p0 s3, s7;
	s7 =	simm.s32 @!p0 $0x108  }
0x21: {  	s3 =	sadd.s32 s3, s9;
	s6 =	sadd.s32 @!p0 $0x88, s6;
	s7 =	simm.s32 @p2 $0x1082  }
0x22: {  	[simem:s7], [sflag:s8] =	dma.local @!p0 [hbm:s6], $0xF7A  }
0x23: {  	s9 =	sor.u32 $0xD0000000, s2;
	s6 =	simm.s32 $0x108;
	_ =	swait.ge @!p0 [sflag:s8], $0x0  }
0x24: {  	s3 =	sadd.s32 $0x88, s3;
	s6 =	simm.s32 @!p1 $0x1082;
	[sflag:s4] =	ssyncset.s32 $0xFFFFF086  }
0x25: {  	[simem:s6], [sflag:s4] =	dma.local [hbm:s3], $0xF7A  }
0x26: {  	[smem:$0x3F94] =	sst s1;
	(tag) =	ssettag s2;
	_ =	strace s9  }
0x27: {  	s1 =	sld [smem:$0x3FA4]  }
0x28: {  	s2 =	sld [smem:$0x3FA5]  }
0x29: {  	s4 =	sld [smem:$0x3FA7]  }
0x2a: {  	p0 =	seq.s32 s5, $0x0;
	s5 =	sld [smem:$0x3FA8]  }
0x2b: {  	s6 =	sld [smem:$0x3FA9]  }
0x2c: {  	s7 =	sld [smem:$0x3FAA]  }
0x2d: {  	s3 =	simm.s32 $0x108;
	s8 =	sld [smem:$0x3FAB]  }
0x2e: {  	s3 =	simm.s32 @!p0 $0x1082;
	s9 =	sld [smem:$0x3FAC]  }
0x2f: {  	lr =	sadd.s32 s0, s3;
	s0 =	sld [smem:$0x3FA3]  }
0x30: {  	s3 =	sld [smem:$0x3FA6]  }
0x31: {  	[smem:$0x3FAF] =	sst s10  }
0x32: {  	s10 =	sld [smem:$0x3FAD];
	_ =	sdelay $0x3  }
0x33: {  	p0 =	seq.s32 s10, $0x1;
	s10 =	sld [smem:$0x3FAF];
	_ =	sdelay $0x3  }
0x34: {  	[smem:$0x3FAF] =	sst s10  }
0x35: {  	s10 =	sld [smem:$0x3FAE];
	_ =	sdelay $0x3  }
0x36: {  	p1 =	seq.s32 s10, $0x1;
	s10 =	sld [smem:$0x3FAF];
	_ =	sdelay $0x3  }
0x37: {  	[smem:$0x3FAF] =	sst s10  }
0x38: {  	s10 =	sld [smem:$0x3FB0]  }
0x39: {  	_ = 	snop;
	(pc) =	sbr.ind lr, $3  }
0x3a: {  	_ = 	snop  }
0x3b: {  	_ = 	snop  }
0x3c: {  	p2 =	seq.s32 s10, $0x1;
	s10 =	sld [smem:$0x3FAF]  }
0x3d: {  	_ =	shalt  }
0x3e: {  	_ =	shalt  }
0x3f: {  	_ =	shalt  }
0x40: {  	_ =	shalt  }
0x41: {  	_ =	shalt  }
0x42: {  	_ =	shalt  }
0x43: {  	_ =	shalt  }
0x44: {  	_ =	shalt  }
0x45: {  	_ =	shalt  }
0x46: {  	_ =	shalt  }
0x47: {  	_ =	shalt  }
0x48: {  	_ =	shalt  }
0x49: {  	_ =	shalt  }
0x4a: {  	_ =	shalt  }
0x4b: {  	_ =	shalt  }
0x4c: {  	_ =	shalt  }
0x4d: {  	_ =	shalt  }
0x4e: {  	_ =	shalt  }
0x4f: {  	_ =	shalt  }
0x50: {  	_ =	shalt  }
0x51: {  	_ =	shalt  }
0x52: {  	_ =	shalt  }
0x53: {  	_ =	shalt  }
0x54: {  	_ =	shalt  }
0x55: {  	_ =	shalt  }
0x56: {  	_ =	shalt  }
0x57: {  	_ =	shalt  }
0x58: {  	_ =	shalt  }
0x59: {  	_ =	shalt  }
0x5a: {  	_ =	shalt  }
0x5b: {  	_ =	shalt  }
0x5c: {  	_ =	shalt  }
0x5d: {  	_ =	shalt  }
0x5e: {  	_ =	shalt  }
0x5f: {  	_ =	shalt  }
0x60: {  	_ =	shalt  }
0x61: {  	_ =	shalt  }
0x62: {  	_ =	shalt  }
0x63: {  	_ =	shalt  }
0x64: {  	_ =	shalt  }
0x65: {  	_ =	shalt  }
0x66: {  	_ =	shalt  }
0x67: {  	_ =	shalt  }
0x68: {  	_ =	shalt  }
0x69: {  	_ =	shalt  }
0x6a: {  	_ =	shalt  }
0x6b: {  	_ =	shalt  }
0x6c: {  	_ =	shalt  }
0x6d: {  	_ =	shalt  }
0x6e: {  	_ =	shalt  }
0x6f: {  	_ =	shalt  }
0x70: {  	_ =	shalt  }
0x71: {  	_ =	shalt  }
0x72: {  	_ =	shalt  }
0x73: {  	_ =	shalt  }
0x74: {  	_ =	shalt  }
0x75: {  	_ =	shalt  }
0x76: {  	_ =	shalt  }
0x77: {  	_ =	shalt  }
0x78: {  	_ =	shalt  }
0x79: {  	_ =	shalt  }
0x7a: {  	_ =	shalt  }
0x7b: {  	_ =	shalt  }
0x7c: {  	_ =	shalt  }
0x7d: {  	_ =	shalt  }
0x7e: {  	_ =	shalt  }
0x7f: {  	_ =	shalt  }
0x80: {  	_ =	shalt  }
0x81: {  	_ =	shalt  }
0x82: {  	_ =	shalt  }
0x83: {  	_ =	shalt  }
0x84: {  	_ =	shalt  }
0x85: {  	_ =	shalt  }
0x86: {  	_ =	shalt  }
0x87: {  	_ =	shalt  }
.Lfunc_end0:
.L_simem_size_0:
called_computation_lowered:
.L_overlay_start_0:
0x88: {  	s2 =	sld [smem:$0x3FD9]  }
0x89: {  	s3 =	sld [smem:$0x3FFE];
	_ =	sdelay $0x1  }
0x8a: {  	s1 =	srdreg.scid  }
0x8b: {  	s0 =	sand.u32 $0x1, s1  }
0x8c: {  	s17 =	sshll.u32 s0, $0xA;
	s2 =	sadd.s32 s3, s2  }
0x8d: {  	s2 =	sadd.s32 s2, s17  }
0x8e: {  	[smem:$0x3FBB] =	sst s2  }
0x8f: {  	_ = 	snop  }
0x90: {  	s18 =	sld [smem:$0x3FBD];
	(tm) =	ssettm $0x1  }
0x91: {  	s19 =	sld [smem:$0x3FFB];
	_ =	sdelay $0x3  }
0x92: {  	_ =	strace s19  }
0x93: {  	s2 =	sld [smem:$0x3FFC];
	_ =	sdelay $0x3  }
0x94: {  	_ =	strace s2  }
0x95: {  	s2 =	sld [smem:$0x3FFD];
	_ =	sdelay $0x3  }
0x96: {  	_ =	strace s2  }
0x97: {  	_ =	strace $0x8FFFFFFF  }
0x98: {  	s20 =	sld [smem:$0x3FDB];
	_ =	sdelay $0x1  }
0x99: {  	s4 =	simm.s32 $_scs_section_size  }
0x9a: {  	s5 =	simm.s32 $_size__tile_overlayer_lowered;
	s6 =	simm.s32 $_tile_overlayer_lowered  }
0x9b: {  	s7 =	simm.s32 $0x1BFF;
	s21 =	sshll.u32 s6, $0x1;
	s4 =	sadd.s32 s4, s20  }
0x9c: {  	s22 =	simm.s32 $0x0;
	s5 =	sshll.u32 s5, $0x1;
	s6 =	sadd.s32 s21, s4  }
0x9d: {  	[timem:s22], [sflag:s7] =	dma.local [hbm:s6], s5  }
0x9e: {  	_ =	swait.ge [sflag:s7], s5  }
0x9f: {  	s5 =	ssub.s32 $0x0, s5;
	[sflag:s7] =	ssyncset.done $0x0  }
0xa0: {  	[sflag:s7] =	ssyncadd.s32 s5;
	_ =	sdelay $0x1  }
0xa1: {  	s23 =	simm.s32 $0x1B8B  }
0xa2: {  	_ =	swait.ge [sflag:s23], $0x1  }
0xa3: {  	[sflag:s23] =	ssyncset.done $0x0  }
0xa4: {  	[sflag:s23] =	ssyncadd.s32 $0xFFFFFFFF  }
0xa5: {  	s5 =	sld [smem:$0x0]  }
0xa6: {  	s6 =	sand.u32 $0xFFFFFFFE, s1  }
0xa7: {  	p0 =	sne.s32 s1, s6  }
0xa8: {  	s6 =	sshll.u32 @p0 s6, $0xE  }
0xa9: {  	s6 =	sadd.s32 @p0 $0x11B8D, s6;
	s7 =	sshll.u32 @p0 s5, $0x11  }
0xaa: {  	s6 =	sor.u32 @p0 s7, s6  }
0xab: {  	[sflag:s6] =	ssyncadd.remote.s32 @p0 $0x1;
	_ =	sdelay $0x1  }
0xac: {  	s6 =	simm.s32 @p0 $0x1B8D  }
0xad: {  	_ =	swait.eq @p0 [sflag:s6], $0x1  }
0xae: {  	[sflag:s6] =	ssyncadd.s32 @p0 $0xFFFFFFFF  }
0xaf: {  	s7 =	sshll.u32 @!p0 s1, $0xE  }
0xb0: {  	s7 =	sor.u32 @!p0 $0x4000, s7;
	s6 =	simm.s32 @!p0 $0x1B8D  }
0xb1: {  	s5 =	sshll.u32 @!p0 s5, $0x11;
	s7 =	sadd.s32 @!p0 $0x11B8D, s7;
	_ =	swait.eq @!p0 [sflag:s6], $0x1  }
0xb2: {  	s5 =	sor.u32 @!p0 s5, s7;
	[sflag:s6] =	ssyncadd.s32 @!p0 $0xFFFFFFFF  }
0xb3: {  	s25 =	simm.s32 $0x1B8E;
	s24 =	sld [smem:$0x3FFE];
	[sflag:s5] =	ssyncadd.remote.s32 @!p0 $0x1  }
0xb4: {  	s26 =	simm.s32 $execute0_lowered;
	[smem:$0x3FD2] =	sst s25  }
0xb5: {  	s6 =	sshll.u32 s26, $0x1;
	_ =	strace $0x80000049;
	[dreg:$0x1] =	wrdreg $0xFFFFFFFF  }
0xb6: {  	s28 =	simm.s32 $_size_execute0_lowered;
	s4 =	sadd.s32 s4, s6;
	[dreg:$0x0] =	wrdreg $0x0  }
0xb7: {  	s6 =	sshll.u32 s28, $0x1;
	[dreg:$0x2] =	wrdreg s4  }
0xb8: {  	[dreg:$0x3] =	wrdreg s6  }
0xb9: {  	[dreg:$0x4] =	wrdreg $0xC0  }
0xba: {  	_ =	task [dreg:s22], $0x5FFFF  }
0xbb: {  	[dreg:$0x1] =	wrdreg $0xFFFFFFFF  }
0xbc: {  	[dreg:$0x0] =	wrdreg $0x60  }
0xbd: {  	[dreg:$0x2] =	wrdreg s24  }
0xbe: {  	[dreg:$0x3] =	wrdreg s18  }
0xbf: {  	[dreg:$0x4] =	wrdreg $0x9  }
0xc0: {  	_ =	task.clear_ibuf [dreg:s22], $0x5FFFF;
	_ =	strace $0x90000049  }
0xc1: {  	s29 =	simm.s32 $0x9;
	_ =	strace $0x8000004B  }
0xc2: {  	_ =	swait.ge [sflag:s29], $0x1  }
0xc3: {  	[sflag:s29] =	ssyncadd.s32 $0xFFFFFFFF  }
0xc4: {  	_ =	strace $0x9000004B  }
0xc5: {  	_ =	sfence  }
0xc6: {  	s30 =	sld [smem:$0x0];
	_ =	sdelay $0x2  }
0xc7: {  	s31 =	sshll.u32 s1, $0xD;
	s1 =	sshrl.u32 s1, $0x2  }
0xc8: {  	s4 =	sand.u32 $0x4000, s31;
	s1 =	sadd.s32 s1, s30  }
0xc9: {  	s0 =	sor.u32 s4, s0;
	s1 =	sshll.u32 s1, $0x11  }
0xca: {  	s0 =	sor.u32 s1, s0  }
0xcb: {  	s0 =	sadd.s32 $0x8F2B, s0  }
0xcc: {  	[sflag:s0] =	ssyncadd.remote.s32 $0x1  }
0xcd: {  	_ =	sfence.sel $0xFFFF  }
0xce: {  	[dreg:$0x0] =	wrdreg $0xFFFFFFFF;
	(pc) =	sbr.abs _section_cstart, $3  }
0xcf: {  	[dreg:$0x1] =	wrdreg $0xFFFFFFFF  }
0xd0: {  	_ =	task.clear_ibuf [dreg:s22], $0x2FFFF;
	_ =	strace $0x9FFFFFFF  }
0xd1: {  	(tm) =	ssettm $0x7FFFFFFF  }
tec
execute0_lowered:
.L_overlay_start_1:
0x0: {  	(tag) =	ssettag $0x1  }
0x1: {  	s0 =	rddreg [dreg:$0x0]  }
0x2: {  	s1 =	sadd.s32 $0x76E00, s0  }
0x3: {  	_ =	strace $0x8000004A;
	s2 =	sadd.s32 $0x420600, s0;
	[dreg:$0x3] =	wrdreg s1  }
0x4: {  	s4 =	sadd.s32 $0x420700, s0;
	[dreg:$0x4] =	wrdreg s2  }
0x5: {  	s10 =	sadd.s32 $0x420800, s0;
	[dreg:$0x5] =	wrdreg s4  }
0x6: {  	s11 =	sadd.s32 $0x420900, s0;
	[dreg:$0x6] =	wrdreg s10  }
0x7: {  	s12 =	sadd.s32 $0x420A00, s0;
	[dreg:$0x7] =	wrdreg s11  }
0x8: {  	s13 =	sadd.s32 $0x420B00, s0;
	[dreg:$0x8] =	wrdreg s12  }
0x9: {  	s14 =	sadd.s32 $0x420C00, s0;
	[dreg:$0x9] =	wrdreg s13  }
0xa: {  	s15 =	sadd.s32 $0x420D00, s0;
	[dreg:$0xa] =	wrdreg s14  }
0xb: {  	s16 =	sadd.s32 $0x420E00, s0;
	[dreg:$0xb] =	wrdreg s15  }
0xc: {  	s17 =	sadd.s32 $0x420F00, s0;
	[dreg:$0xc] =	wrdreg s16  }
0xd: {  	s18 =	sadd.s32 $0x421000, s0;
	[dreg:$0xd] =	wrdreg s17  }
0xe: {  	s19 =	sadd.s32 $0x421100, s0;
	[dreg:$0xe] =	wrdreg s18  }
0xf: {  	s20 =	sadd.s32 $0x76F00, s0;
	[dreg:$0xf] =	wrdreg s19  }
0x10: {  	s21 =	sadd.s32 $0x77000, s0;
	[dreg:$0x10] =	wrdreg s20  }
0x11: {  	s22 =	sadd.s32 $0x77100, s0;
	[dreg:$0x11] =	wrdreg s21  }
0x12: {  	s7 =	srdreg.scid;
	s23 =	sadd.s32 $0x77200, s0;
	[dreg:$0x12] =	wrdreg s22  }
0x13: {  	s3 =	stileid.u32;
	s24 =	sadd.s32 $0x77300, s0;
	[dreg:$0x13] =	wrdreg s23  }
0x14: {  	s25 =	sadd.s32 $0x77400, s0;
	s26 =	sadd.s32 $0x77500, s0;
	[dreg:$0x14] =	wrdreg s24  }
0x15: {  	s28 =	sadd.s32 $0x77600, s0;
	s29 =	sadd.s32 $0x77700, s0;
	[dreg:$0x15] =	wrdreg s25  }
0x16: {  	s30 =	sadd.s32 $0x77800, s0;
	s1 =	sand.u32 $0x1, s7;
	[dreg:$0x16] =	wrdreg s26  }
.Ltmp0:
0x17: {  	v1 =	vimm.s32 $0x0;
	vm14 =	vmxor vm14, vm14;
	vm1 =	vcmask $0x3F04;
	[dreg:$0x17] =	wrdreg s28;
	s8 =	ssub.s32 $0x2, s1;
	(pc) =	sbr.rel .LBB2_1-.Ltmp0, $4  }
0x18: {  	vm2 =	vcmask $0x3F08;
	vm3 =	vcmask $0x3F0C;
	vm4 =	vcmask $0x3F10;
	s0 =	sadd.s32 $0x77900, s0;
	[dreg:$0x18] =	wrdreg s29;
	s9 =	sshrl.u32 s8, $0x1  }
0x19: {  	vm5 =	vcmask $0x3F14;
	vm6 =	vcmask $0x3F18;
	v2 =	vlaneseq.u32;
	s13 =	sshll.u32 s3, $0x1;
	[dreg:$0x19] =	wrdreg s30;
	s2 =	ssub.s32 s8, s9  }
0x1a: {  	vm7 =	vcmask $0x3F1C;
	vm8 =	vmmov $0xffff;
	v4 =	vshrl.u32 v2, $0x3;
	[dreg:$0x1a] =	wrdreg s0;
	s1 =	sor.u32 s1, s13;
	s31 =	smax.u32 s2, $0x1  }
0x1b: {  	v3 =	vand.u32 $0x7, v2;
	v4 =	vmul.u32 $0x8, v4;
	v0 =	vmov s1;
	s1 =	simm.s32 $0x0;
	[dreg:$0x1b] =	wrdreg s31  }
.LBB2_13:
0x1c: {  	s1 =	rddreg [dreg:$0x1c]  }
0x1d: {  	s0 =	rddreg [dreg:$0x1b];
	s1 =	sadd.s32 $0x1, s1  }
0x1e: {  	p0 =	sne.s32 s1, s0  }
.Ltmp1:
0x1f: {  	_ = 	snop;
	(pc) =	sbr.rel @!p0 .LBB2_14-.Ltmp1, $1  }
0x20: {  	_ =	sdelay $0x3  }
.LBB2_1:
0x21: {  	[dreg:$0x1c] =	wrdreg s1  }
0x22: {  	s28 =	simm.s32 $0x6000;
	s0 =	rddreg [dreg:$0x1]  }
.Ltmp2:
0x23: {  	s26 =	simm.s32 $0x0;
	s29 =	simm.s32 $0x3;
	(pc) =	sbr.rel .LBB2_2-.Ltmp2, $4  }
0x24: {  	[tilespmem:s28], [sflag:$0x3] =	stream.linear.gather [hbm4b:s0+s26], $0x800, $0x38;
	[tilespmem:$0x7A00] =	vst v63  }
0x25: {  	_ =	swait.ge [sflag:s29], $0x800  }
0x26: {  	[sflag:s29] =	ssyncset.done $0x0  }
0x27: {  	s31 =	simm.s32 $0x0;
	s30 =	simm.s32 $0x0;
	[sflag:s29] =	ssyncadd.s32 $0xFFFFF800  }
.LBB2_4:
0x28: {  	s31 =	sadd.s32 $0x10, s31  }
0x29: {  	p0 =	sne.s32 s31, $0x800  }
.Ltmp3:
0x2a: {  	_ = 	snop;
	(pc) =	sbr.rel @!p0 .LBB2_5-.Ltmp3, $2  }
0x2b: {  	_ =	sdelay $0x2  }
0x2c: {  	s30 =	sadd.s32 s2, s0;
	s28 =	sadd.s32 $0x10, s28  }
.LBB2_2:
0x2d: {  	v5 =	vld [tilespmem:s28+$0x0];
	_ =	sdelay $0x4  }
0x2e: {  	v6 =	vshrl.u32 v5, $0x4  }
0x2f: {  	v6 =	vand.u32 $0x1F, v6  }
0x30: {  	vm9 =	vlt.s32 v5, $0x2710;
	vm10 =	veq.s32 v6, v0  }
0x31: {  	vm9 =	vmand vm9, vm10  }
0x32: {  	v6 =	vmpcnt.ones.xlane vm9;
	_ =	sdelay $0x1  }
0x33: {  	(v2sf) =	vpush v6, $0x0;
	_ =	sdelay $0xe  }
0x34: {  	s0 =	spop (v2sf)  }
0x35: {  	p0 =	slt.s32 s0, $0x1  }
.Ltmp4:
0x36: {  	_ = 	snop;
	(pc) =	sbr.rel @p0 .LBB2_4-.Ltmp4, $2  }
0x37: {  	_ =	sdelay $0x2  }
0x38: {  	s2 =	smov.u32 s30  }
0x39: {  	v6 =	vsel vm9, $0x1, v1  }
0x3a: {  	(v2sf) =	vpush v6, $0x0  }
0x3b: {  	(v2sf) =	vpush v6, $0x1  }
0x3c: {  	(v2sf) =	vpush v6, $0x2  }
0x3d: {  	(v2sf) =	vpush v6, $0x3;
	_ =	sdelay $0x1  }
0x3e: {  	(v2sf) =	vpush v6, $0x4;
	_ =	sdelay $0x2  }
0x3f: {  	(v2sf) =	vpush v6, $0x5  }
0x40: {  	(v2sf) =	vpush v6, $0x6;
	_ =	sdelay $0x1  }
0x41: {  	(v2sf) =	vpush v6, $0x7  }
0x42: {  	(v2sf) =	vpush v6, $0x8  }
0x43: {  	(v2sf) =	vpush v6, $0x9  }
0x44: {  	(v2sf) =	vpush v6, $0xA  }
0x45: {  	(v2sf) =	vpush v6, $0xB;
	s30 =	spop (v2sf)  }
0x46: {  	vm10 =	vmmov vm14;
	vm0 =	vmmov vm14;
	(v2sf) =	vpush v6, $0xC;
	p0 =	sne.s32 s30, $0x0;
	s14 =	spop (v2sf)  }
0x47: {  	vm11 =	vmmov vm14;
	(v2sf) =	vpush v6, $0xD;
	vm10 =	vmneg @p0 vm10;
	p0 =	sne.s32 s14, $0x0;
	s15 =	spop (v2sf)  }
0x48: {  	(v2sf) =	vpush v6, $0xE;
	vm10 =	vmand vm10, vm1;
	vm0 =	vmneg @p0 vm0;
	p0 =	sne.s32 s15, $0x0;
	s16 =	spop (v2sf)  }
0x49: {  	vm11 =	vmneg @p0 vm11;
	p0 =	sne.s32 s16, $0x0;
	v6 =	vsel vm10, $0x1, v1;
	vm10 =	vmmov vm14  }
0x4a: {  	s17 =	spop (v2sf);
	vm0 =	vmand vm0, vm2;
	vm10 =	vmneg @p0 vm10  }
0x4b: {  	p0 =	sne.s32 s17, $0x0;
	v7 =	vsel vm0, $0x1, v1;
	vm0 =	vmand vm11, vm3;
	vm11 =	vmmov vm14  }
0x4c: {  	vm11 =	vmneg @p0 vm11  }
0x4d: {  	s18 =	spop (v2sf);
	v8 =	vsel vm0, $0x1, v1;
	vm0 =	vmand vm10, vm4;
	vm10 =	vmmov vm14  }
0x4e: {  	p0 =	sne.s32 s18, $0x0;
	s19 =	spop (v2sf);
	v7 =	vadd.s32 s2, v7;
	v9 =	vsel vm0, $0x1, v1;
	vm0 =	vmand vm11, vm5  }
0x4f: {  	vm10 =	vmneg @p0 vm10;
	p0 =	sne.s32 s19, $0x0;
	vm11 =	vmmov vm14;
	v6 =	vadd.s32 v6, v7  }
0x50: {  	s20 =	spop (v2sf);
	v10 =	vsel vm0, $0x1, v1;
	vm0 =	vmand vm10, vm6;
	vm11 =	vmneg @p0 vm11  }
0x51: {  	p0 =	sne.s32 s20, $0x0;
	vm10 =	vmmov vm14;
	v6 =	vadd.s32 v8, v6;
	v11 =	vsel vm0, $0x1, v1  }
0x52: {  	vm0 =	vmand vm11, vm7;
	vm10 =	vmneg @p0 vm10;
	vm11 =	vcmask $0x3F20  }
0x53: {  	s21 =	spop (v2sf);
	v6 =	vadd.s32 v9, v6;
	v12 =	vsel vm0, $0x1, v1;
	vm0 =	vmmov vm14  }
0x54: {  	p0 =	sne.s32 s21, $0x0;
	vm10 =	vmand vm10, vm11;
	v6 =	vadd.s32 v10, v6;
	vm11 =	vcmask $0x3F28  }
0x55: {  	s22 =	spop (v2sf);
	vm0 =	vmneg @p0 vm0;
	v7 =	vsel vm10, $0x1, v1;
	vm10 =	vcmask $0x3F24  }
0x56: {  	p0 =	sne.s32 s22, $0x0;
	v6 =	vadd.s32 v11, v6;
	vm0 =	vmand vm0, vm10;
	vm10 =	vmmov vm14  }
0x57: {  	s23 =	spop (v2sf);
	v6 =	vadd.s32 v12, v6;
	v59 =	vsel vm0, $0x1, v1;
	vm10 =	vmneg @p0 vm10  }
0x58: {  	p0 =	sne.s32 s23, $0x0;
	vm0 =	vmmov vm14;
	v6 =	vadd.s32 v7, v6;
	vm10 =	vmand vm10, vm11  }
0x59: {  	s24 =	spop (v2sf);
	vm0 =	vmneg @p0 vm0;
	v60 =	vsel vm10, $0x1, v1;
	vm10 =	vcmask $0x3F2C  }
0x5a: {  	p0 =	sne.s32 s24, $0x0;
	v6 =	vadd.s32 v59, v6;
	vm0 =	vmand vm0, vm10;
	vm10 =	vmmov vm14  }
0x5b: {  	vm11 =	vcmask $0x3F30;
	s25 =	spop (v2sf);
	v6 =	vadd.s32 v60, v6;
	vm10 =	vmneg @p0 vm10  }
0x5c: {  	v61 =	vsel vm0, $0x1, v1;
	p0 =	sne.s32 s25, $0x0;
	vm0 =	vmmov vm14;
	vm10 =	vmand vm10, vm11  }
0x5d: {  	s26 =	spop (v2sf);
	vm0 =	vmneg @p0 vm0;
	v7 =	vsel vm10, $0x1, v1;
	vm10 =	vcmask $0x3F34  }
0x5e: {  	p0 =	sne.s32 s26, $0x0;
	v6 =	vadd.s32 v61, v6;
	vm0 =	vmand vm0, vm10;
	vm10 =	vmmov vm14  }
0x5f: {  	s29 =	spop (v2sf);
	vm11 =	vcmask $0x3F38;
	v6 =	vadd.s32 v7, v6;
	vm10 =	vmneg @p0 vm10  }
0x60: {  	v62 =	vsel vm0, $0x1, v1;
	p0 =	sne.s32 s29, $0x0;
	vm0 =	vmmov vm14;
	vm10 =	vmand vm10, vm11  }
0x61: {  	vm0 =	vmneg @p0 vm0;
	v7 =	vsel vm10, $0x1, v1;
	vm10 =	vcmask $0x3F3C  }
0x62: {  	v6 =	vadd.s32 v62, v6;
	vm0 =	vmand vm0, vm10  }
0x63: {  	v6 =	vadd.s32 v7, v6;
	v63 =	vsel vm0, $0x1, v1  }
0x64: {  	v6 =	vadd.s32 v63, v6;
	_ =	sdelay $0x1  }
.Ltmp5:
0x65: {  	_ = 	snop;
	(pc) =	sbr.rel .LBB2_4-.Ltmp5, $4  }
0x66: {  	_ = 	snop  }
0x67: {  	s1 =	simm.s32 $0x6800  }
0x68: {  	s30 =	simm.s32 $0x7080;
	[tilespmem:v6+s1+$0x0] =	vst.idx.msk vm9, v5;
	v5 =	vor.u32 s31, v2  }
0x69: {  	[tilespmem:v6+s30+$0x0] =	vst.idx.msk vm9, v5  }
.LBB2_5:
0x6a: {  	s28 =	sadd.s32 $0x7, s30  }
0x6b: {  	s30 =	sand.u32 $0x7, s28  }
0x6c: {  	s31 =	sshra.s32 s28, $0x1F;
	p0 =	slt.s32 s28, $0x1;
	p1 =	sne.s32 s30, $0x0  }
0x6d: {  	s31 =	sshrl.u32 s31, $0x1D;
	p0 =	por !p0, !p1  }
0x6e: {  	s30 =	simm.s32 $0x1;
	s28 =	sadd.s32 s31, s28;
	p0 =	por !p0, !p0  }
0x6f: {  	s28 =	sshra.s32 s28, $0x3;
	s30 =	simm.s32 @!p0 $0x0  }
0x70: {  	s14 =	ssub.s32 s28, s30  }
0x71: {  	p0 =	slt.s32 s14, $0x1  }
.Ltmp6:
0x72: {  	_ = 	snop;
	(pc) =	sbr.rel @p0 .LBB2_13-.Ltmp6, $1  }
0x73: {  	_ =	sdelay $0x3  }
.Ltmp7:
0x74: {  	(pc) =	sbr.rel .LBB2_7-.Ltmp7, $2  }
0x75: {  	_ =	sdelay $0x2  }
0x76: {  	s31 =	sadd.s32 s2, s0;
	s15 =	simm.s32 $0x6800;
	s16 =	simm.s32 $0x7080  }
.LBB2_8:
0x77: {  	_ =	sdelay $0x2  }
0x78: {  	s0 =	simm.s32 $0x7980  }
0x79: {  	s19 =	simm.s32 $0x7900;
	[tilespmem:v2+s0+$0x0] =	vst.idx.msk $0xff, v5  }
0x7a: {  	[tilespmem:v2+s19+$0x0] =	vst.idx.msk $0xff, v6  }
0x7b: {  	v5 =	vld.msk [tilespmem:$0x7900], $0xff;
	_ =	sdelay $0x4  }
0x7c: {  	v6 =	vshrl.u32 v5, $0x3  }
0x7d: {  	v6 =	vmul.u32 $0xC0, v6  }
0x7e: {  	v5 =	vand.u32 $0x7, v5  }
0x7f: {  	v5 =	vor.u32 v5, v6  }
0x80: {  	v5 =	vperm.xlane v5, v3;
	_ =	sdelay $0x1  }
0x81: {  	v5 =	vadd.s32 v4, v5;
	_ =	sdelay $0x3  }
0x82: {  	s1 =	rddreg [dreg:$0x4];
	s2 =	simm.s32 $0x0  }
0x83: {  	[tilespmem:s2], [sflag:$0x1] =	stream.indirect_vreg.gather [hbm4b:s1+s2], $0x80, v5, vm8, $0xb8;
	[tilespmem:$0x7A00] =	vst v63  }
0x84: {  	s20 =	rddreg [dreg:$0x5];
	s3 =	simm.s32 $0x800  }
0x85: {  	[tilespmem:s3], [sflag:$0x1] =	stream.indirect_vreg.gather [hbm4b:s20+s2], $0x80, v5, vm8, $0xb8;
	[tilespmem:$0x7A00] =	vst v63  }
0x86: {  	s21 =	rddreg [dreg:$0x6];
	s4 =	simm.s32 $0x1000  }
0x87: {  	[tilespmem:s4], [sflag:$0x1] =	stream.indirect_vreg.gather [hbm4b:s21+s2], $0x80, v5, vm8, $0xb8;
	[tilespmem:$0x7A00] =	vst v63  }
0x88: {  	s22 =	rddreg [dreg:$0x7];
	s5 =	simm.s32 $0x1800  }
0x89: {  	[tilespmem:s5], [sflag:$0x1] =	stream.indirect_vreg.gather [hbm4b:s22+s2], $0x80, v5, vm8, $0xb8;
	[tilespmem:$0x7A00] =	vst v63  }
0x8a: {  	s23 =	rddreg [dreg:$0x8];
	s6 =	simm.s32 $0x2000  }
0x8b: {  	[tilespmem:s6], [sflag:$0x1] =	stream.indirect_vreg.gather [hbm4b:s23+s2], $0x80, v5, vm8, $0xb8;
	[tilespmem:$0x7A00] =	vst v63  }
0x8c: {  	s24 =	rddreg [dreg:$0x9];
	s7 =	simm.s32 $0x2800  }
0x8d: {  	[tilespmem:s7], [sflag:$0x1] =	stream.indirect_vreg.gather [hbm4b:s24+s2], $0x80, v5, vm8, $0xb8;
	[tilespmem:$0x7A00] =	vst v63  }
0x8e: {  	s25 =	rddreg [dreg:$0xa];
	s8 =	simm.s32 $0x3000  }
0x8f: {  	[tilespmem:s8], [sflag:$0x1] =	stream.indirect_vreg.gather [hbm4b:s25+s2], $0x80, v5, vm8, $0xb8;
	[tilespmem:$0x7A00] =	vst v63  }
0x90: {  	s26 =	rddreg [dreg:$0xb];
	s9 =	simm.s32 $0x3800  }
0x91: {  	[tilespmem:s9], [sflag:$0x1] =	stream.indirect_vreg.gather [hbm4b:s26+s2], $0x80, v5, vm8, $0xb8;
	[tilespmem:$0x7A00] =	vst v63  }
0x92: {  	s28 =	rddreg [dreg:$0xc];
	s10 =	simm.s32 $0x4000  }
0x93: {  	[tilespmem:s10], [sflag:$0x1] =	stream.indirect_vreg.gather [hbm4b:s28+s2], $0x80, v5, vm8, $0xb8;
	[tilespmem:$0x7A00] =	vst v63  }
0x94: {  	s29 =	rddreg [dreg:$0xd];
	s11 =	simm.s32 $0x4800  }
0x95: {  	[tilespmem:s11], [sflag:$0x1] =	stream.indirect_vreg.gather [hbm4b:s29+s2], $0x80, v5, vm8, $0xb8;
	[tilespmem:$0x7A00] =	vst v63  }
0x96: {  	s30 =	rddreg [dreg:$0xe];
	s12 =	simm.s32 $0x5000  }
0x97: {  	[tilespmem:s12], [sflag:$0x1] =	stream.indirect_vreg.gather [hbm4b:s30+s2], $0x80, v5, vm8, $0xb8;
	[tilespmem:$0x7A00] =	vst v63  }
0x98: {  	s13 =	simm.s32 $0x5800;
	s17 =	simm.s32 $0x1;
	s0 =	rddreg [dreg:$0xf]  }
0x99: {  	[tilespmem:s13], [sflag:$0x1] =	stream.indirect_vreg.gather [hbm4b:s0+s2], $0x80, v5, vm8, $0xb8;
	[tilespmem:$0x7A00] =	vst v63  }
0x9a: {  	_ =	swait.ge [sflag:s17], $0x6000  }
0x9b: {  	[sflag:s17] =	ssyncset.done $0x0  }
0x9c: {  	[sflag:s17] =	ssyncadd.s32 $0xFFFFA000  }
0x9d: {  	v5 =	vld.msk [tilespmem:$0x7980], $0xff;
	_ =	sdelay $0x4  }
0x9e: {  	v6 =	vshrl.u32 v5, $0x3  }
0x9f: {  	v6 =	vmul.u32 $0xC0, v6  }
0xa0: {  	v5 =	vand.u32 $0x7, v5  }
0xa1: {  	v5 =	vor.u32 v5, v6  }
0xa2: {  	v5 =	vperm.xlane v5, v3;
	_ =	sdelay $0x1  }
0xa3: {  	v5 =	vadd.s32 v4, v5;
	_ =	sdelay $0x3  }
0xa4: {  	s18 =	rddreg [dreg:$0x3]  }
0xa5: {  	[hbm4b:s18+s2] =	stream.indirect_vreg.scatter [tilespmem:s2], [sflag:$0x2], $0x80, v5, vm8, $0xb8;
	[tilespmem:$0x7A00] =	vst v63  }
0xa6: {  	s19 =	rddreg [dreg:$0x10]  }
0xa7: {  	[hbm4b:s19+s2] =	stream.indirect_vreg.scatter [tilespmem:s3], [sflag:$0x2], $0x80, v5, vm8, $0xb8;
	[tilespmem:$0x7A00] =	vst v63  }
0xa8: {  	s20 =	rddreg [dreg:$0x11]  }
0xa9: {  	[hbm4b:s20+s2] =	stream.indirect_vreg.scatter [tilespmem:s4], [sflag:$0x2], $0x80, v5, vm8, $0xb8;
	[tilespmem:$0x7A00] =	vst v63  }
0xaa: {  	s21 =	rddreg [dreg:$0x12]  }
0xab: {  	[hbm4b:s21+s2] =	stream.indirect_vreg.scatter [tilespmem:s5], [sflag:$0x2], $0x80, v5, vm8, $0xb8;
	[tilespmem:$0x7A00] =	vst v63  }
0xac: {  	s22 =	rddreg [dreg:$0x13]  }
0xad: {  	[hbm4b:s22+s2] =	stream.indirect_vreg.scatter [tilespmem:s6], [sflag:$0x2], $0x80, v5, vm8, $0xb8;
	[tilespmem:$0x7A00] =	vst v63  }
0xae: {  	s23 =	rddreg [dreg:$0x14]  }
0xaf: {  	[hbm4b:s23+s2] =	stream.indirect_vreg.scatter [tilespmem:s7], [sflag:$0x2], $0x80, v5, vm8, $0xb8;
	[tilespmem:$0x7A00] =	vst v63  }
0xb0: {  	s24 =	rddreg [dreg:$0x15]  }
0xb1: {  	[hbm4b:s24+s2] =	stream.indirect_vreg.scatter [tilespmem:s8], [sflag:$0x2], $0x80, v5, vm8, $0xb8;
	[tilespmem:$0x7A00] =	vst v63  }
0xb2: {  	s25 =	rddreg [dreg:$0x16]  }
0xb3: {  	[hbm4b:s25+s2] =	stream.indirect_vreg.scatter [tilespmem:s9], [sflag:$0x2], $0x80, v5, vm8, $0xb8;
	[tilespmem:$0x7A00] =	vst v63  }
0xb4: {  	s26 =	rddreg [dreg:$0x17]  }
0xb5: {  	[hbm4b:s26+s2] =	stream.indirect_vreg.scatter [tilespmem:s10], [sflag:$0x2], $0x80, v5, vm8, $0xb8;
	[tilespmem:$0x7A00] =	vst v63  }
0xb6: {  	s28 =	rddreg [dreg:$0x18]  }
0xb7: {  	[hbm4b:s28+s2] =	stream.indirect_vreg.scatter [tilespmem:s11], [sflag:$0x2], $0x80, v5, vm8, $0xb8;
	[tilespmem:$0x7A00] =	vst v63  }
0xb8: {  	s29 =	rddreg [dreg:$0x19]  }
0xb9: {  	[hbm4b:s29+s2] =	stream.indirect_vreg.scatter [tilespmem:s12], [sflag:$0x2], $0x80, v5, vm8, $0xb8;
	[tilespmem:$0x7A00] =	vst v63  }
0xba: {  	s30 =	rddreg [dreg:$0x1a]  }
0xbb: {  	[hbm4b:s30+s2] =	stream.indirect_vreg.scatter [tilespmem:s13], [sflag:$0x2], $0x80, v5, vm8, $0xb8;
	[tilespmem:$0x7A00] =	vst v63  }
.LBB2_11:
0xbc: {  	s0 =	simm.s32 $0x2  }
0xbd: {  	_ =	swait.ge [sflag:s0], $0x6000  }
0xbe: {  	[sflag:s0] =	ssyncset.done $0x0  }
0xbf: {  	[sflag:s0] =	ssyncadd.s32 $0xFFFFA000  }
.LBB2_12:
0xc0: {  	s14 =	sadd.s32 $0xFFFFFFFF, s14  }
0xc1: {  	p0 =	sne.s32 s14, $0x0  }
.Ltmp8:
0xc2: {  	_ = 	snop;
	(pc) =	sbr.rel @!p0 .LBB2_13-.Ltmp8, $2  }
0xc3: {  	_ =	sdelay $0x2  }
0xc4: {  	s15 =	sadd.s32 $0x8, s15;
	s16 =	sadd.s32 $0x8, s16;
	s31 =	sadd.s32 $0xFFFFFFF8, s31  }
.LBB2_7:
0xc5: {  	v6 =	vld [tilespmem:s15+$0x0];
	_ =	sdelay $0x2  }
0xc6: {  	p0 =	slt.s32 s31, $0x8;
	s2 =	smov.u32 s31  }
0xc7: {  	s2 =	simm.s32 @!p0 $0x8  }
0xc8: {  	v5 =	vmov s2;
	v7 =	vbroadcast v6, $0x0  }
0xc9: {  	vm9 =	vgt.s32 v5, v2  }
0xca: {  	vm0 =	vmmov vm14;
	vm12 =	vmmov vm14;
	p0 =	sgt.s32 s31, $0x0;
	v5 =	vsel vm9, v6, v7  }
0xcb: {  	vm0 =	vmneg @p0 vm0;
	vm10 =	veq.s32 v5, v7;
	v7 =	vbroadcast v6, $0x1  }
0xcc: {  	vm13 =	vmmov vm14;
	p0 =	sgt.s32 s31, $0x1;
	vm0 =	vmand vm10, vm0;
	vm10 =	vmmov vm14  }
0xcd: {  	v8 =	vbroadcast v6, $0x2;
	vm11 =	veq.s32 v5, v7;
	vm10 =	vmneg @p0 vm10  }
0xce: {  	vm0 =	vmand vm0, vm1;
	p0 =	sgt.s32 s31, $0x2;
	v7 =	vbroadcast v6, $0x3;
	vm10 =	vmand vm11, vm10  }
0xcf: {  	vm11 =	veq.s32 v5, v8;
	vm12 =	vmneg @p0 vm12;
	v8 =	vbroadcast v6, $0x5  }
0xd0: {  	vm10 =	vmand vm10, vm2;
	vm11 =	vmand vm11, vm12;
	vm12 =	veq.s32 v5, v7  }
0xd1: {  	p0 =	sgt.s32 s31, $0x3;
	vm0 =	vmor vm0, vm10;
	vm10 =	vmand vm11, vm3;
	vm11 =	vmmov vm14  }
0xd2: {  	v7 =	vbroadcast v6, $0x4;
	v6 =	vbroadcast v6, $0x6;
	vm11 =	vmneg @p0 vm11  }
0xd3: {  	vm0 =	vmor vm10, vm0;
	p0 =	sgt.s32 s31, $0x4;
	vm10 =	vmand vm12, vm11;
	vm11 =	vmmov vm14  }
0xd4: {  	vm15 =	veq.s32 v5, v8;
	vm10 =	vmand vm10, vm4;
	vm11 =	vmneg @p0 vm11;
	p0 =	sgt.s32 s31, $0x5  }
0xd5: {  	vm12 =	veq.s32 v5, v7;
	vm13 =	vmneg @p0 vm13;
	vm0 =	vmor vm10, vm0  }
0xd6: {  	vm10 =	vmand vm12, vm11;
	p0 =	sgt.s32 s31, $0x6;
	vm12 =	vmmov vm14;
	vm11 =	vmand vm15, vm13  }
0xd7: {  	vm10 =	vmand vm10, vm5;
	vm13 =	veq.s32 v5, v6;
	vm12 =	vmneg @p0 vm12  }
0xd8: {  	vm0 =	vmor vm10, vm0;
	vm10 =	vmand vm13, vm12;
	vm11 =	vmand vm11, vm6  }
0xd9: {  	vm0 =	vmor vm11, vm0;
	vm10 =	vmand vm10, vm7  }
0xda: {  	vm0 =	vmor vm10, vm0  }
0xdb: {  	vm0 =	vmand vm9, vm0  }
0xdc: {  	v6 =	vmpcnt.ones.xlane vm0;
	_ =	sdelay $0x1  }
0xdd: {  	(v2sf) =	vpush v6, $0x0;
	_ =	sdelay $0xd  }
0xde: {  	v6 =	vld [tilespmem:s16+$0x0]  }
0xdf: {  	s2 =	spop (v2sf)  }
0xe0: {  	p0 =	sne.s32 s2, $0x0  }
.Ltmp9:
0xe1: {  	_ = 	snop;
	(pc) =	sbr.rel @!p0 .LBB2_8-.Ltmp9, $3  }
0xe2: {  	_ = 	snop  }
0xe3: {  	v7 =	vbroadcast v6, $0x0;
	_ =	sdelay $0x1  }
0xe4: {  	v6 =	vsel vm9, v6, v7  }
0xe5: {  	p0 =	slt.s32 s2, $0x1  }
0xe6: {  	p1 =	slt.s32 @!p0 s31, $0x1  }
0xe7: {  	p1 =	por p0, p1  }
0xe8: {  	v7 =	vlaneseq.u32 @!p1;
	_ =	sdelay $0x2  }
0xe9: {  	v8 =	vbroadcast @!p1 v5, $0x0  }
0xea: {  	s2 =	simm.s32 @!p1 $0x7980;
	v9 =	vbroadcast @!p1 v6, $0x0  }
0xeb: {  	[tilespmem:v7+s2+$0x0] =	vst.idx.msk @!p1 $0xff, v8;
	s2 =	simm.s32 @!p1 $0x7900  }
0xec: {  	[tilespmem:v7+s2+$0x0] =	vst.idx.msk @!p1 $0xff, v9  }
0xed: {  	v8 =	vld.msk @!p1 [tilespmem:$0x7900], $0xff;
	_ =	sdelay $0x4  }
0xee: {  	v9 =	vshrl.u32 @!p1 v8, $0x3  }
0xef: {  	v9 =	vmul.u32 @!p1 $0xC0, v9  }
0xf0: {  	v8 =	vand.u32 @!p1 $0x7, v8  }
0xf1: {  	v8 =	vor.u32 @!p1 v8, v9;
	v9 =	vand.u32 @!p1 $0x7, v7;
	v7 =	vshrl.u32 @!p1 v7, $0x3  }
0xf2: {  	v8 =	vperm.xlane @!p1 v8, v9;
	v7 =	vmul.u32 @!p1 $0x8, v7;
	_ =	sdelay $0x1  }
0xf3: {  	v8 =	vadd.s32 @!p1 v7, v8;
	_ =	sdelay $0x1  }
0xf4: {  	[dreg:$0x1e] =	wrdreg s15  }
0xf5: {  	s0 =	rddreg [dreg:$0x4]  }
0xf6: {  	[dreg:$0x1f] =	wrdreg s16;
	vm9 =	vmmov @!p1 $0xffff;
	s2 =	simm.s32 @!p1 $0x0  }
0xf7: {  	[tilespmem:s2], [sflag:$0x1] =	stream.indirect_vreg.gather @!p1 [hbm4b:s0+s2], $0x80, v8, vm9, $0xb8;
	[tilespmem:$0x7A00] =	vst v63  }
0xf8: {  	s18 =	rddreg [dreg:$0x5];
	s21 =	simm.s32 @!p1 $0x800  }
0xf9: {  	[tilespmem:s21], [sflag:$0x1] =	stream.indirect_vreg.gather @!p1 [hbm4b:s18+s2], $0x80, v8, vm9, $0xb8;
	[tilespmem:$0x7A00] =	vst v63  }
0xfa: {  	s19 =	smov.u32 s0;
	s3 =	simm.s32 @!p1 $0x1000;
	s0 =	rddreg [dreg:$0x6]  }
0xfb: {  	[tilespmem:s3], [sflag:$0x1] =	stream.indirect_vreg.gather @!p1 [hbm4b:s0+s2], $0x80, v8, vm9, $0xb8;
	[tilespmem:$0x7A00] =	vst v63  }
0xfc: {  	s24 =	rddreg [dreg:$0x7];
	s23 =	simm.s32 @!p1 $0x1800  }
0xfd: {  	[tilespmem:s23], [sflag:$0x1] =	stream.indirect_vreg.gather @!p1 [hbm4b:s24+s2], $0x80, v8, vm9, $0xb8;
	[tilespmem:$0x7A00] =	vst v63  }
0xfe: {  	s4 =	rddreg [dreg:$0x8];
	s25 =	simm.s32 @!p1 $0x2000  }
0xff: {  	[tilespmem:s25], [sflag:$0x1] =	stream.indirect_vreg.gather @!p1 [hbm4b:s4+s2], $0x80, v8, vm9, $0xb8;
	[tilespmem:$0x7A00] =	vst v63  }
0x100: {  	s5 =	rddreg [dreg:$0x9];
	s26 =	simm.s32 @!p1 $0x2800  }
0x101: {  	[tilespmem:s26], [sflag:$0x1] =	stream.indirect_vreg.gather @!p1 [hbm4b:s5+s2], $0x80, v8, vm9, $0xb8;
	[tilespmem:$0x7A00] =	vst v63  }
0x102: {  	s6 =	rddreg [dreg:$0xa];
	s28 =	simm.s32 @!p1 $0x3000  }
0x103: {  	[tilespmem:s28], [sflag:$0x1] =	stream.indirect_vreg.gather @!p1 [hbm4b:s6+s2], $0x80, v8, vm9, $0xb8;
	[tilespmem:$0x7A00] =	vst v63  }
0x104: {  	s7 =	rddreg [dreg:$0xb];
	s8 =	simm.s32 @!p1 $0x3800  }
0x105: {  	[tilespmem:s8], [sflag:$0x1] =	stream.indirect_vreg.gather @!p1 [hbm4b:s7+s2], $0x80, v8, vm9, $0xb8;
	[tilespmem:$0x7A00] =	vst v63  }
0x106: {  	s15 =	rddreg [dreg:$0xc];
	s1 =	simm.s32 @!p1 $0x4000  }
0x107: {  	[tilespmem:s1], [sflag:$0x1] =	stream.indirect_vreg.gather @!p1 [hbm4b:s15+s2], $0x80, v8, vm9, $0xb8;
	[tilespmem:$0x7A00] =	vst v63  }
0x108: {  	s16 =	rddreg [dreg:$0xd];
	s10 =	simm.s32 @!p1 $0x4800  }
0x109: {  	[tilespmem:s10], [sflag:$0x1] =	stream.indirect_vreg.gather @!p1 [hbm4b:s16+s2], $0x80, v8, vm9, $0xb8;
	[tilespmem:$0x7A00] =	vst v63  }
0x10a: {  	s9 =	rddreg [dreg:$0xe];
	s11 =	simm.s32 @!p1 $0x5000;
	s12 =	simm.s32 @!p1 $0x5800  }
0x10b: {  	[tilespmem:s11], [sflag:$0x1] =	stream.indirect_vreg.gather @!p1 [hbm4b:s9+s2], $0x80, v8, vm9, $0xb8;
	[tilespmem:$0x7A00] =	vst v63  }
0x10c: {  	s13 =	simm.s32 @!p1 $0x1;
	s17 =	smov.u32 s0;
	s0 =	rddreg [dreg:$0xf]  }
0x10d: {  	[tilespmem:s12], [sflag:$0x1] =	stream.indirect_vreg.gather @!p1 [hbm4b:s0+s2], $0x80, v8, vm9, $0xb8;
	[tilespmem:$0x7A00] =	vst v63  }
0x10e: {  	_ =	swait.ge @!p1 [sflag:s13], $0x6000  }
0x10f: {  	[sflag:s13] =	ssyncset.done @!p1 $0x0  }
0x110: {  	[sflag:s13] =	ssyncadd.s32 @!p1 $0xFFFFA000  }
0x111: {  	v8 =	vld.msk @!p1 [tilespmem:$0x7980], $0xff;
	_ =	sdelay $0x4  }
0x112: {  	v10 =	vshrl.u32 @!p1 v8, $0x3  }
0x113: {  	v10 =	vmul.u32 @!p1 $0xC0, v10  }
0x114: {  	v8 =	vand.u32 @!p1 $0x7, v8  }
0x115: {  	v8 =	vor.u32 @!p1 v8, v10  }
0x116: {  	v8 =	vperm.xlane @!p1 v8, v9;
	_ =	sdelay $0x1  }
0x117: {  	v7 =	vadd.s32 @!p1 v7, v8;
	_ =	sdelay $0x3  }
0x118: {  	s30 =	rddreg [dreg:$0x3]  }
0x119: {  	[hbm4b:s30+s2] =	stream.indirect_vreg.scatter @!p1 [tilespmem:s2], [sflag:$0x2], $0x80, v7, vm9, $0xb8;
	[tilespmem:$0x7A00] =	vst v63  }
0x11a: {  	s22 =	rddreg [dreg:$0x10]  }
0x11b: {  	[hbm4b:s22+s2] =	stream.indirect_vreg.scatter @!p1 [tilespmem:s21], [sflag:$0x2], $0x80, v7, vm9, $0xb8;
	[tilespmem:$0x7A00] =	vst v63  }
0x11c: {  	s21 =	rddreg [dreg:$0x11]  }
0x11d: {  	[hbm4b:s21+s2] =	stream.indirect_vreg.scatter @!p1 [tilespmem:s3], [sflag:$0x2], $0x80, v7, vm9, $0xb8;
	[tilespmem:$0x7A00] =	vst v63  }
0x11e: {  	s29 =	rddreg [dreg:$0x12]  }
0x11f: {  	[hbm4b:s29+s2] =	stream.indirect_vreg.scatter @!p1 [tilespmem:s23], [sflag:$0x2], $0x80, v7, vm9, $0xb8;
	[tilespmem:$0x7A00] =	vst v63  }
0x120: {  	s3 =	rddreg [dreg:$0x13]  }
0x121: {  	[hbm4b:s3+s2] =	stream.indirect_vreg.scatter @!p1 [tilespmem:s25], [sflag:$0x2], $0x80, v7, vm9, $0xb8;
	[tilespmem:$0x7A00] =	vst v63  }
0x122: {  	s20 =	smov.u32 s0;
	s0 =	rddreg [dreg:$0x14]  }
0x123: {  	[hbm4b:s0+s2] =	stream.indirect_vreg.scatter @!p1 [tilespmem:s26], [sflag:$0x2], $0x80, v7, vm9, $0xb8;
	[tilespmem:$0x7A00] =	vst v63  }
0x124: {  	s0 =	rddreg [dreg:$0x15]  }
0x125: {  	[hbm4b:s0+s2] =	stream.indirect_vreg.scatter @!p1 [tilespmem:s28], [sflag:$0x2], $0x80, v7, vm9, $0xb8;
	[tilespmem:$0x7A00] =	vst v63  }
0x126: {  	s0 =	rddreg [dreg:$0x16]  }
0x127: {  	[hbm4b:s0+s2] =	stream.indirect_vreg.scatter @!p1 [tilespmem:s8], [sflag:$0x2], $0x80, v7, vm9, $0xb8;
	[tilespmem:$0x7A00] =	vst v63  }
0x128: {  	s28 =	rddreg [dreg:$0x17]  }
0x129: {  	[hbm4b:s28+s2] =	stream.indirect_vreg.scatter @!p1 [tilespmem:s1], [sflag:$0x2], $0x80, v7, vm9, $0xb8;
	[tilespmem:$0x7A00] =	vst v63  }
0x12a: {  	s0 =	rddreg [dreg:$0x18]  }
0x12b: {  	[hbm4b:s0+s2] =	stream.indirect_vreg.scatter @!p1 [tilespmem:s10], [sflag:$0x2], $0x80, v7, vm9, $0xb8;
	[tilespmem:$0x7A00] =	vst v63  }
0x12c: {  	p0 =	slt.s32 @!p1 s31, $0x2;
	s8 =	rddreg [dreg:$0x19]  }
0x12d: {  	[hbm4b:s8+s2] =	stream.indirect_vreg.scatter @!p1 [tilespmem:s11], [sflag:$0x2], $0x80, v7, vm9, $0xb8;
	[tilespmem:$0x7A00] =	vst v63  }
0x12e: {  	p0 =	por p1, p0;
	s0 =	rddreg [dreg:$0x1a]  }
0x12f: {  	[hbm4b:s0+s2] =	stream.indirect_vreg.scatter @!p1 [tilespmem:s12], [sflag:$0x2], $0x80, v7, vm9, $0xb8;
	v7 =	vlaneseq.u32 @!p0;
	[tilespmem:$0x7A00] =	vst v63  }
0x130: {  	[dreg:$0x1d] =	wrdreg s14;
	s1 =	simm.s32 @!p1 $0x2  }
0x131: {  	_ =	swait.ge @!p1 [sflag:s1], $0x6000  }
0x132: {  	v8 =	vbroadcast @!p0 v5, $0x1;
	[sflag:s1] =	ssyncset.done @!p1 $0x0  }
0x133: {  	v9 =	vbroadcast @!p0 v6, $0x1;
	[sflag:s1] =	ssyncadd.s32 @!p1 $0xFFFFA000;
	s1 =	simm.s32 @!p0 $0x7980  }
0x134: {  	[tilespmem:v7+s1+$0x0] =	vst.idx.msk @!p0 $0xff, v8;
	s1 =	simm.s32 @!p0 $0x7900  }
0x135: {  	[tilespmem:v7+s1+$0x0] =	vst.idx.msk @!p0 $0xff, v9  }
0x136: {  	v8 =	vld.msk @!p0 [tilespmem:$0x7900], $0xff;
	_ =	sdelay $0x4  }
0x137: {  	v9 =	vshrl.u32 @!p0 v8, $0x3  }
0x138: {  	v9 =	vmul.u32 @!p0 $0xC0, v9  }
0x139: {  	v8 =	vand.u32 @!p0 $0x7, v8  }
0x13a: {  	v8 =	vor.u32 @!p0 v8, v9;
	v9 =	vand.u32 @!p0 $0x7, v7;
	v7 =	vshrl.u32 @!p0 v7, $0x3  }
0x13b: {  	v8 =	vperm.xlane @!p0 v8, v9;
	v7 =	vmul.u32 @!p0 $0x8, v7;
	_ =	sdelay $0x1  }
0x13c: {  	v8 =	vadd.s32 @!p0 v7, v8;
	_ =	sdelay $0x3  }
0x13d: {  	vm9 =	vmmov @!p0 $0xffff;
	s1 =	simm.s32 @!p0 $0x0  }
0x13e: {  	[tilespmem:s1], [sflag:$0x1] =	stream.indirect_vreg.gather @!p0 [hbm4b:s19+s1], $0x80, v8, vm9, $0xb8;
	[tilespmem:$0x7A00] =	vst v63  }
0x13f: {  	s26 =	simm.s32 @!p0 $0x800  }
0x140: {  	[tilespmem:s26], [sflag:$0x1] =	stream.indirect_vreg.gather @!p0 [hbm4b:s18+s1], $0x80, v8, vm9, $0xb8;
	[tilespmem:$0x7A00] =	vst v63  }
0x141: {  	s25 =	simm.s32 @!p0 $0x1000  }
0x142: {  	[tilespmem:s25], [sflag:$0x1] =	stream.indirect_vreg.gather @!p0 [hbm4b:s17+s1], $0x80, v8, vm9, $0xb8;
	[tilespmem:$0x7A00] =	vst v63  }
0x143: {  	s23 =	simm.s32 @!p0 $0x1800  }
0x144: {  	[tilespmem:s23], [sflag:$0x1] =	stream.indirect_vreg.gather @!p0 [hbm4b:s24+s1], $0x80, v8, vm9, $0xb8;
	[tilespmem:$0x7A00] =	vst v63  }
0x145: {  	s14 =	smov.u32 s19;
	s19 =	simm.s32 @!p0 $0x2000  }
0x146: {  	[tilespmem:s19], [sflag:$0x1] =	stream.indirect_vreg.gather @!p0 [hbm4b:s4+s1], $0x80, v8, vm9, $0xb8;
	[tilespmem:$0x7A00] =	vst v63  }
0x147: {  	s4 =	simm.s32 @!p0 $0x2800  }
0x148: {  	[tilespmem:s4], [sflag:$0x1] =	stream.indirect_vreg.gather @!p0 [hbm4b:s5+s1], $0x80, v8, vm9, $0xb8;
	[tilespmem:$0x7A00] =	vst v63  }
0x149: {  	s5 =	simm.s32 @!p0 $0x3000  }
0x14a: {  	[tilespmem:s5], [sflag:$0x1] =	stream.indirect_vreg.gather @!p0 [hbm4b:s6+s1], $0x80, v8, vm9, $0xb8;
	[tilespmem:$0x7A00] =	vst v63  }
0x14b: {  	s6 =	simm.s32 @!p0 $0x3800  }
0x14c: {  	[tilespmem:s6], [sflag:$0x1] =	stream.indirect_vreg.gather @!p0 [hbm4b:s7+s1], $0x80, v8, vm9, $0xb8;
	[tilespmem:$0x7A00] =	vst v63  }
0x14d: {  	s7 =	simm.s32 @!p0 $0x4000  }
0x14e: {  	[tilespmem:s7], [sflag:$0x1] =	stream.indirect_vreg.gather @!p0 [hbm4b:s15+s1], $0x80, v8, vm9, $0xb8;
	[tilespmem:$0x7A00] =	vst v63  }
0x14f: {  	s10 =	simm.s32 @!p0 $0x4800  }
0x150: {  	[tilespmem:s10], [sflag:$0x1] =	stream.indirect_vreg.gather @!p0 [hbm4b:s16+s1], $0x80, v8, vm9, $0xb8;
	[tilespmem:$0x7A00] =	vst v63  }
0x151: {  	s11 =	simm.s32 @!p0 $0x5000  }
0x152: {  	[tilespmem:s11], [sflag:$0x1] =	stream.indirect_vreg.gather @!p0 [hbm4b:s9+s1], $0x80, v8, vm9, $0xb8;
	[tilespmem:$0x7A00] =	vst v63  }
0x153: {  	s13 =	simm.s32 @!p0 $0x1;
	s12 =	simm.s32 @!p0 $0x5800  }
0x154: {  	[tilespmem:s12], [sflag:$0x1] =	stream.indirect_vreg.gather @!p0 [hbm4b:s20+s1], $0x80, v8, vm9, $0xb8;
	[tilespmem:$0x7A00] =	vst v63  }
0x155: {  	_ =	swait.ge @!p0 [sflag:s13], $0x6000  }
0x156: {  	[sflag:s13] =	ssyncset.done @!p0 $0x0  }
0x157: {  	[sflag:s13] =	ssyncadd.s32 @!p0 $0xFFFFA000  }
0x158: {  	v8 =	vld.msk @!p0 [tilespmem:$0x7980], $0xff;
	_ =	sdelay $0x4  }
0x159: {  	v10 =	vshrl.u32 @!p0 v8, $0x3  }
0x15a: {  	v10 =	vmul.u32 @!p0 $0xC0, v10  }
0x15b: {  	v8 =	vand.u32 @!p0 $0x7, v8  }
0x15c: {  	v8 =	vor.u32 @!p0 v8, v10  }
0x15d: {  	v8 =	vperm.xlane @!p0 v8, v9;
	_ =	sdelay $0x1  }
0x15e: {  	v7 =	vadd.s32 @!p0 v7, v8;
	_ =	sdelay $0x4  }
0x15f: {  	[hbm4b:s30+s1] =	stream.indirect_vreg.scatter @!p0 [tilespmem:s1], [sflag:$0x2], $0x80, v7, vm9, $0xb8;
	[tilespmem:$0x7A00] =	vst v63  }
0x160: {  	_ = 	snop  }
0x161: {  	[hbm4b:s22+s1] =	stream.indirect_vreg.scatter @!p0 [tilespmem:s26], [sflag:$0x2], $0x80, v7, vm9, $0xb8;
	[tilespmem:$0x7A00] =	vst v63  }
0x162: {  	_ = 	snop  }
0x163: {  	[hbm4b:s21+s1] =	stream.indirect_vreg.scatter @!p0 [tilespmem:s25], [sflag:$0x2], $0x80, v7, vm9, $0xb8;
	[tilespmem:$0x7A00] =	vst v63  }
0x164: {  	_ = 	snop  }
0x165: {  	[hbm4b:s29+s1] =	stream.indirect_vreg.scatter @!p0 [tilespmem:s23], [sflag:$0x2], $0x80, v7, vm9, $0xb8;
	[tilespmem:$0x7A00] =	vst v63  }
0x166: {  	_ = 	snop  }
0x167: {  	[hbm4b:s3+s1] =	stream.indirect_vreg.scatter @!p0 [tilespmem:s19], [sflag:$0x2], $0x80, v7, vm9, $0xb8;
	[tilespmem:$0x7A00] =	vst v63  }
0x168: {  	s3 =	rddreg [dreg:$0x14]  }
0x169: {  	[hbm4b:s3+s1] =	stream.indirect_vreg.scatter @!p0 [tilespmem:s4], [sflag:$0x2], $0x80, v7, vm9, $0xb8;
	[tilespmem:$0x7A00] =	vst v63  }
0x16a: {  	s2 =	smov.u32 s15;
	s25 =	rddreg [dreg:$0x15]  }
0x16b: {  	[hbm4b:s25+s1] =	stream.indirect_vreg.scatter @!p0 [tilespmem:s5], [sflag:$0x2], $0x80, v7, vm9, $0xb8;
	[tilespmem:$0x7A00] =	vst v63  }
0x16c: {  	s15 =	smov.u32 s30;
	s30 =	smov.u32 s21;
	s21 =	rddreg [dreg:$0x16]  }
0x16d: {  	[hbm4b:s21+s1] =	stream.indirect_vreg.scatter @!p0 [tilespmem:s6], [sflag:$0x2], $0x80, v7, vm9, $0xb8;
	[tilespmem:$0x7A00] =	vst v63  }
0x16e: {  	_ = 	snop  }
0x16f: {  	[hbm4b:s28+s1] =	stream.indirect_vreg.scatter @!p0 [tilespmem:s7], [sflag:$0x2], $0x80, v7, vm9, $0xb8;
	[tilespmem:$0x7A00] =	vst v63  }
0x170: {  	s24 =	smov.u32 s20;
	s20 =	rddreg [dreg:$0x18]  }
0x171: {  	[hbm4b:s20+s1] =	stream.indirect_vreg.scatter @!p0 [tilespmem:s10], [sflag:$0x2], $0x80, v7, vm9, $0xb8;
	[tilespmem:$0x7A00] =	vst v63  }
0x172: {  	p1 =	slt.s32 @!p0 s31, $0x3  }
0x173: {  	[hbm4b:s8+s1] =	stream.indirect_vreg.scatter @!p0 [tilespmem:s11], [sflag:$0x2], $0x80, v7, vm9, $0xb8;
	[tilespmem:$0x7A00] =	vst v63  }
0x174: {  	p1 =	por p0, p1  }
0x175: {  	[hbm4b:s0+s1] =	stream.indirect_vreg.scatter @!p0 [tilespmem:s12], [sflag:$0x2], $0x80, v7, vm9, $0xb8;
	v7 =	vlaneseq.u32 @!p1;
	[tilespmem:$0x7A00] =	vst v63  }
0x176: {  	s1 =	simm.s32 @!p0 $0x2  }
0x177: {  	_ =	swait.ge @!p0 [sflag:s1], $0x6000  }
0x178: {  	v8 =	vbroadcast @!p1 v5, $0x2;
	[sflag:s1] =	ssyncset.done @!p0 $0x0  }
0x179: {  	v9 =	vbroadcast @!p1 v6, $0x2;
	[sflag:s1] =	ssyncadd.s32 @!p0 $0xFFFFA000;
	s1 =	simm.s32 @!p1 $0x7980  }
0x17a: {  	[tilespmem:v7+s1+$0x0] =	vst.idx.msk @!p1 $0xff, v8;
	s1 =	simm.s32 @!p1 $0x7900  }
0x17b: {  	[tilespmem:v7+s1+$0x0] =	vst.idx.msk @!p1 $0xff, v9  }
0x17c: {  	v8 =	vld.msk @!p1 [tilespmem:$0x7900], $0xff;
	_ =	sdelay $0x4  }
0x17d: {  	v9 =	vshrl.u32 @!p1 v8, $0x3  }
0x17e: {  	v9 =	vmul.u32 @!p1 $0xC0, v9  }
0x17f: {  	v8 =	vand.u32 @!p1 $0x7, v8  }
0x180: {  	v8 =	vor.u32 @!p1 v8, v9;
	v9 =	vand.u32 @!p1 $0x7, v7;
	v7 =	vshrl.u32 @!p1 v7, $0x3  }
0x181: {  	v8 =	vperm.xlane @!p1 v8, v9;
	v7 =	vmul.u32 @!p1 $0x8, v7;
	_ =	sdelay $0x1  }
0x182: {  	v8 =	vadd.s32 @!p1 v7, v8;
	_ =	sdelay $0x3  }
0x183: {  	vm9 =	vmmov @!p1 $0xffff;
	s1 =	simm.s32 @!p1 $0x0  }
0x184: {  	[tilespmem:s1], [sflag:$0x1] =	stream.indirect_vreg.gather @!p1 [hbm4b:s14+s1], $0x80, v8, vm9, $0xb8;
	[tilespmem:$0x7A00] =	vst v63  }
0x185: {  	s26 =	simm.s32 @!p1 $0x800  }
0x186: {  	[tilespmem:s26], [sflag:$0x1] =	stream.indirect_vreg.gather @!p1 [hbm4b:s18+s1], $0x80, v8, vm9, $0xb8;
	[tilespmem:$0x7A00] =	vst v63  }
0x187: {  	s29 =	simm.s32 @!p1 $0x1000  }
0x188: {  	[tilespmem:s29], [sflag:$0x1] =	stream.indirect_vreg.gather @!p1 [hbm4b:s17+s1], $0x80, v8, vm9, $0xb8;
	[tilespmem:$0x7A00] =	vst v63  }
0x189: {  	s4 =	simm.s32 @!p1 $0x1800;
	s18 =	rddreg [dreg:$0x7]  }
0x18a: {  	[tilespmem:s4], [sflag:$0x1] =	stream.indirect_vreg.gather @!p1 [hbm4b:s18+s1], $0x80, v8, vm9, $0xb8;
	[tilespmem:$0x7A00] =	vst v63  }
0x18b: {  	s5 =	simm.s32 @!p1 $0x2000;
	s19 =	rddreg [dreg:$0x8]  }
0x18c: {  	[tilespmem:s5], [sflag:$0x1] =	stream.indirect_vreg.gather @!p1 [hbm4b:s19+s1], $0x80, v8, vm9, $0xb8;
	[tilespmem:$0x7A00] =	vst v63  }
0x18d: {  	s6 =	simm.s32 @!p1 $0x2800;
	s0 =	rddreg [dreg:$0x9]  }
0x18e: {  	[tilespmem:s6], [sflag:$0x1] =	stream.indirect_vreg.gather @!p1 [hbm4b:s0+s1], $0x80, v8, vm9, $0xb8;
	[tilespmem:$0x7A00] =	vst v63  }
0x18f: {  	s7 =	simm.s32 @!p1 $0x3000;
	s14 =	rddreg [dreg:$0xa]  }
0x190: {  	[tilespmem:s7], [sflag:$0x1] =	stream.indirect_vreg.gather @!p1 [hbm4b:s14+s1], $0x80, v8, vm9, $0xb8;
	[tilespmem:$0x7A00] =	vst v63  }
0x191: {  	s8 =	simm.s32 @!p1 $0x3800;
	s17 =	rddreg [dreg:$0xb]  }
0x192: {  	[tilespmem:s8], [sflag:$0x1] =	stream.indirect_vreg.gather @!p1 [hbm4b:s17+s1], $0x80, v8, vm9, $0xb8;
	[tilespmem:$0x7A00] =	vst v63  }
0x193: {  	s9 =	simm.s32 @!p1 $0x4000  }
0x194: {  	[tilespmem:s9], [sflag:$0x1] =	stream.indirect_vreg.gather @!p1 [hbm4b:s2+s1], $0x80, v8, vm9, $0xb8;
	[tilespmem:$0x7A00] =	vst v63  }
0x195: {  	s10 =	simm.s32 @!p1 $0x4800  }
0x196: {  	[tilespmem:s10], [sflag:$0x1] =	stream.indirect_vreg.gather @!p1 [hbm4b:s16+s1], $0x80, v8, vm9, $0xb8;
	[tilespmem:$0x7A00] =	vst v63  }
0x197: {  	s11 =	simm.s32 @!p1 $0x5000;
	s23 =	rddreg [dreg:$0xe]  }
0x198: {  	[tilespmem:s11], [sflag:$0x1] =	stream.indirect_vreg.gather @!p1 [hbm4b:s23+s1], $0x80, v8, vm9, $0xb8;
	[tilespmem:$0x7A00] =	vst v63  }
0x199: {  	s13 =	simm.s32 @!p1 $0x1;
	s12 =	simm.s32 @!p1 $0x5800  }
0x19a: {  	[tilespmem:s12], [sflag:$0x1] =	stream.indirect_vreg.gather @!p1 [hbm4b:s24+s1], $0x80, v8, vm9, $0xb8;
	[tilespmem:$0x7A00] =	vst v63  }
0x19b: {  	_ =	swait.ge @!p1 [sflag:s13], $0x6000  }
0x19c: {  	[sflag:s13] =	ssyncset.done @!p1 $0x0  }
0x19d: {  	[sflag:s13] =	ssyncadd.s32 @!p1 $0xFFFFA000  }
0x19e: {  	v8 =	vld.msk @!p1 [tilespmem:$0x7980], $0xff;
	_ =	sdelay $0x4  }
0x19f: {  	v10 =	vshrl.u32 @!p1 v8, $0x3  }
0x1a0: {  	v10 =	vmul.u32 @!p1 $0xC0, v10  }
0x1a1: {  	v8 =	vand.u32 @!p1 $0x7, v8  }
0x1a2: {  	v8 =	vor.u32 @!p1 v8, v10  }
0x1a3: {  	v8 =	vperm.xlane @!p1 v8, v9;
	_ =	sdelay $0x1  }
0x1a4: {  	v7 =	vadd.s32 @!p1 v7, v8;
	_ =	sdelay $0x4  }
0x1a5: {  	[hbm4b:s15+s1] =	stream.indirect_vreg.scatter @!p1 [tilespmem:s1], [sflag:$0x2], $0x80, v7, vm9, $0xb8;
	[tilespmem:$0x7A00] =	vst v63  }
0x1a6: {  	_ = 	snop  }
0x1a7: {  	[hbm4b:s22+s1] =	stream.indirect_vreg.scatter @!p1 [tilespmem:s26], [sflag:$0x2], $0x80, v7, vm9, $0xb8;
	[tilespmem:$0x7A00] =	vst v63  }
0x1a8: {  	_ = 	snop  }
0x1a9: {  	[hbm4b:s30+s1] =	stream.indirect_vreg.scatter @!p1 [tilespmem:s29], [sflag:$0x2], $0x80, v7, vm9, $0xb8;
	[tilespmem:$0x7A00] =	vst v63  }
0x1aa: {  	s26 =	rddreg [dreg:$0x12]  }
0x1ab: {  	[hbm4b:s26+s1] =	stream.indirect_vreg.scatter @!p1 [tilespmem:s4], [sflag:$0x2], $0x80, v7, vm9, $0xb8;
	[tilespmem:$0x7A00] =	vst v63  }
0x1ac: {  	s29 =	rddreg [dreg:$0x13]  }
0x1ad: {  	[hbm4b:s29+s1] =	stream.indirect_vreg.scatter @!p1 [tilespmem:s5], [sflag:$0x2], $0x80, v7, vm9, $0xb8;
	[tilespmem:$0x7A00] =	vst v63  }
0x1ae: {  	_ = 	snop  }
0x1af: {  	[hbm4b:s3+s1] =	stream.indirect_vreg.scatter @!p1 [tilespmem:s6], [sflag:$0x2], $0x80, v7, vm9, $0xb8;
	[tilespmem:$0x7A00] =	vst v63  }
0x1b0: {  	_ = 	snop  }
0x1b1: {  	[hbm4b:s25+s1] =	stream.indirect_vreg.scatter @!p1 [tilespmem:s7], [sflag:$0x2], $0x80, v7, vm9, $0xb8;
	[tilespmem:$0x7A00] =	vst v63  }
0x1b2: {  	_ = 	snop  }
0x1b3: {  	[hbm4b:s21+s1] =	stream.indirect_vreg.scatter @!p1 [tilespmem:s8], [sflag:$0x2], $0x80, v7, vm9, $0xb8;
	[tilespmem:$0x7A00] =	vst v63  }
0x1b4: {  	_ = 	snop  }
0x1b5: {  	[hbm4b:s28+s1] =	stream.indirect_vreg.scatter @!p1 [tilespmem:s9], [sflag:$0x2], $0x80, v7, vm9, $0xb8;
	[tilespmem:$0x7A00] =	vst v63  }
0x1b6: {  	_ = 	snop  }
0x1b7: {  	[hbm4b:s20+s1] =	stream.indirect_vreg.scatter @!p1 [tilespmem:s10], [sflag:$0x2], $0x80, v7, vm9, $0xb8;
	[tilespmem:$0x7A00] =	vst v63  }
0x1b8: {  	p0 =	slt.s32 @!p1 s31, $0x4;
	s16 =	smov.u32 s30;
	s30 =	rddreg [dreg:$0x19]  }
0x1b9: {  	[hbm4b:s30+s1] =	stream.indirect_vreg.scatter @!p1 [tilespmem:s11], [sflag:$0x2], $0x80, v7, vm9, $0xb8;
	[tilespmem:$0x7A00] =	vst v63  }
0x1ba: {  	p0 =	por p1, p0;
	s20 =	rddreg [dreg:$0x1a]  }
0x1bb: {  	[hbm4b:s20+s1] =	stream.indirect_vreg.scatter @!p1 [tilespmem:s12], [sflag:$0x2], $0x80, v7, vm9, $0xb8;
	v7 =	vlaneseq.u32 @!p0;
	[tilespmem:$0x7A00] =	vst v63  }
0x1bc: {  	s1 =	simm.s32 @!p1 $0x2  }
0x1bd: {  	_ =	swait.ge @!p1 [sflag:s1], $0x6000  }
0x1be: {  	v8 =	vbroadcast @!p0 v5, $0x3;
	[sflag:s1] =	ssyncset.done @!p1 $0x0  }
0x1bf: {  	v9 =	vbroadcast @!p0 v6, $0x3;
	[sflag:s1] =	ssyncadd.s32 @!p1 $0xFFFFA000;
	s1 =	simm.s32 @!p0 $0x7980  }
0x1c0: {  	[tilespmem:v7+s1+$0x0] =	vst.idx.msk @!p0 $0xff, v8;
	s1 =	simm.s32 @!p0 $0x7900  }
0x1c1: {  	[tilespmem:v7+s1+$0x0] =	vst.idx.msk @!p0 $0xff, v9  }
0x1c2: {  	v8 =	vld.msk @!p0 [tilespmem:$0x7900], $0xff;
	_ =	sdelay $0x4  }
0x1c3: {  	v9 =	vshrl.u32 @!p0 v8, $0x3  }
0x1c4: {  	v9 =	vmul.u32 @!p0 $0xC0, v9  }
0x1c5: {  	v8 =	vand.u32 @!p0 $0x7, v8  }
0x1c6: {  	v8 =	vor.u32 @!p0 v8, v9;
	v9 =	vand.u32 @!p0 $0x7, v7;
	v7 =	vshrl.u32 @!p0 v7, $0x3  }
0x1c7: {  	v8 =	vperm.xlane @!p0 v8, v9;
	v7 =	vmul.u32 @!p0 $0x8, v7;
	_ =	sdelay $0x1  }
0x1c8: {  	v8 =	vadd.s32 @!p0 v7, v8;
	_ =	sdelay $0x3  }
0x1c9: {  	vm9 =	vmmov @!p0 $0xffff;
	s4 =	rddreg [dreg:$0x4];
	s1 =	simm.s32 @!p0 $0x0  }
0x1ca: {  	[tilespmem:s1], [sflag:$0x1] =	stream.indirect_vreg.gather @!p0 [hbm4b:s4+s1], $0x80, v8, vm9, $0xb8;
	[tilespmem:$0x7A00] =	vst v63  }
0x1cb: {  	s3 =	simm.s32 @!p0 $0x800;
	s5 =	rddreg [dreg:$0x5]  }
0x1cc: {  	[tilespmem:s3], [sflag:$0x1] =	stream.indirect_vreg.gather @!p0 [hbm4b:s5+s1], $0x80, v8, vm9, $0xb8;
	[tilespmem:$0x7A00] =	vst v63  }
0x1cd: {  	s28 =	simm.s32 @!p0 $0x1000;
	s3 =	rddreg [dreg:$0x6]  }
0x1ce: {  	[tilespmem:s28], [sflag:$0x1] =	stream.indirect_vreg.gather @!p0 [hbm4b:s3+s1], $0x80, v8, vm9, $0xb8;
	[tilespmem:$0x7A00] =	vst v63  }
0x1cf: {  	s21 =	simm.s32 @!p0 $0x1800  }
0x1d0: {  	[tilespmem:s21], [sflag:$0x1] =	stream.indirect_vreg.gather @!p0 [hbm4b:s18+s1], $0x80, v8, vm9, $0xb8;
	[tilespmem:$0x7A00] =	vst v63  }
0x1d1: {  	s18 =	simm.s32 @!p0 $0x2000  }
0x1d2: {  	[tilespmem:s18], [sflag:$0x1] =	stream.indirect_vreg.gather @!p0 [hbm4b:s19+s1], $0x80, v8, vm9, $0xb8;
	[tilespmem:$0x7A00] =	vst v63  }
0x1d3: {  	s6 =	simm.s32 @!p0 $0x2800  }
0x1d4: {  	[tilespmem:s6], [sflag:$0x1] =	stream.indirect_vreg.gather @!p0 [hbm4b:s0+s1], $0x80, v8, vm9, $0xb8;
	[tilespmem:$0x7A00] =	vst v63  }
0x1d5: {  	s7 =	simm.s32 @!p0 $0x3000  }
0x1d6: {  	[tilespmem:s7], [sflag:$0x1] =	stream.indirect_vreg.gather @!p0 [hbm4b:s14+s1], $0x80, v8, vm9, $0xb8;
	[tilespmem:$0x7A00] =	vst v63  }
0x1d7: {  	s8 =	simm.s32 @!p0 $0x3800  }
0x1d8: {  	[tilespmem:s8], [sflag:$0x1] =	stream.indirect_vreg.gather @!p0 [hbm4b:s17+s1], $0x80, v8, vm9, $0xb8;
	[tilespmem:$0x7A00] =	vst v63  }
0x1d9: {  	s19 =	simm.s32 @!p0 $0x4000  }
0x1da: {  	[tilespmem:s19], [sflag:$0x1] =	stream.indirect_vreg.gather @!p0 [hbm4b:s2+s1], $0x80, v8, vm9, $0xb8;
	[tilespmem:$0x7A00] =	vst v63  }
0x1db: {  	s10 =	simm.s32 @!p0 $0x4800;
	s25 =	rddreg [dreg:$0xd]  }
0x1dc: {  	[tilespmem:s10], [sflag:$0x1] =	stream.indirect_vreg.gather @!p0 [hbm4b:s25+s1], $0x80, v8, vm9, $0xb8;
	[tilespmem:$0x7A00] =	vst v63  }
0x1dd: {  	s11 =	simm.s32 @!p0 $0x5000  }
0x1de: {  	[tilespmem:s11], [sflag:$0x1] =	stream.indirect_vreg.gather @!p0 [hbm4b:s23+s1], $0x80, v8, vm9, $0xb8;
	[tilespmem:$0x7A00] =	vst v63  }
0x1df: {  	s13 =	simm.s32 @!p0 $0x1;
	s12 =	simm.s32 @!p0 $0x5800  }
0x1e0: {  	[tilespmem:s12], [sflag:$0x1] =	stream.indirect_vreg.gather @!p0 [hbm4b:s24+s1], $0x80, v8, vm9, $0xb8;
	[tilespmem:$0x7A00] =	vst v63  }
0x1e1: {  	_ =	swait.ge @!p0 [sflag:s13], $0x6000  }
0x1e2: {  	[sflag:s13] =	ssyncset.done @!p0 $0x0  }
0x1e3: {  	[sflag:s13] =	ssyncadd.s32 @!p0 $0xFFFFA000  }
0x1e4: {  	v8 =	vld.msk @!p0 [tilespmem:$0x7980], $0xff;
	_ =	sdelay $0x4  }
0x1e5: {  	v10 =	vshrl.u32 @!p0 v8, $0x3  }
0x1e6: {  	v10 =	vmul.u32 @!p0 $0xC0, v10  }
0x1e7: {  	v8 =	vand.u32 @!p0 $0x7, v8  }
0x1e8: {  	v8 =	vor.u32 @!p0 v8, v10  }
0x1e9: {  	v8 =	vperm.xlane @!p0 v8, v9;
	_ =	sdelay $0x1  }
0x1ea: {  	v7 =	vadd.s32 @!p0 v7, v8;
	_ =	sdelay $0x4  }
0x1eb: {  	[hbm4b:s15+s1] =	stream.indirect_vreg.scatter @!p0 [tilespmem:s1], [sflag:$0x2], $0x80, v7, vm9, $0xb8;
	[tilespmem:$0x7A00] =	vst v63  }
0x1ec: {  	s0 =	simm.s32 @!p0 $0x800  }
0x1ed: {  	[hbm4b:s22+s1] =	stream.indirect_vreg.scatter @!p0 [tilespmem:s0], [sflag:$0x2], $0x80, v7, vm9, $0xb8;
	[tilespmem:$0x7A00] =	vst v63  }
0x1ee: {  	_ = 	snop  }
0x1ef: {  	[hbm4b:s16+s1] =	stream.indirect_vreg.scatter @!p0 [tilespmem:s28], [sflag:$0x2], $0x80, v7, vm9, $0xb8;
	[tilespmem:$0x7A00] =	vst v63  }
0x1f0: {  	_ = 	snop  }
0x1f1: {  	[hbm4b:s26+s1] =	stream.indirect_vreg.scatter @!p0 [tilespmem:s21], [sflag:$0x2], $0x80, v7, vm9, $0xb8;
	[tilespmem:$0x7A00] =	vst v63  }
0x1f2: {  	_ = 	snop  }
0x1f3: {  	[hbm4b:s29+s1] =	stream.indirect_vreg.scatter @!p0 [tilespmem:s18], [sflag:$0x2], $0x80, v7, vm9, $0xb8;
	[tilespmem:$0x7A00] =	vst v63  }
0x1f4: {  	s0 =	rddreg [dreg:$0x14]  }
0x1f5: {  	[hbm4b:s0+s1] =	stream.indirect_vreg.scatter @!p0 [tilespmem:s6], [sflag:$0x2], $0x80, v7, vm9, $0xb8;
	[tilespmem:$0x7A00] =	vst v63  }
0x1f6: {  	s14 =	rddreg [dreg:$0x15]  }
0x1f7: {  	[hbm4b:s14+s1] =	stream.indirect_vreg.scatter @!p0 [tilespmem:s7], [sflag:$0x2], $0x80, v7, vm9, $0xb8;
	[tilespmem:$0x7A00] =	vst v63  }
0x1f8: {  	s17 =	rddreg [dreg:$0x16]  }
0x1f9: {  	[hbm4b:s17+s1] =	stream.indirect_vreg.scatter @!p0 [tilespmem:s8], [sflag:$0x2], $0x80, v7, vm9, $0xb8;
	[tilespmem:$0x7A00] =	vst v63  }
0x1fa: {  	s18 =	rddreg [dreg:$0x17]  }
0x1fb: {  	[hbm4b:s18+s1] =	stream.indirect_vreg.scatter @!p0 [tilespmem:s19], [sflag:$0x2], $0x80, v7, vm9, $0xb8;
	[tilespmem:$0x7A00] =	vst v63  }
0x1fc: {  	s19 =	rddreg [dreg:$0x18]  }
0x1fd: {  	[hbm4b:s19+s1] =	stream.indirect_vreg.scatter @!p0 [tilespmem:s10], [sflag:$0x2], $0x80, v7, vm9, $0xb8;
	[tilespmem:$0x7A00] =	vst v63  }
0x1fe: {  	p1 =	slt.s32 @!p0 s31, $0x5  }
0x1ff: {  	[hbm4b:s30+s1] =	stream.indirect_vreg.scatter @!p0 [tilespmem:s11], [sflag:$0x2], $0x80, v7, vm9, $0xb8;
	[tilespmem:$0x7A00] =	vst v63  }
0x200: {  	p1 =	por p0, p1  }
0x201: {  	[hbm4b:s20+s1] =	stream.indirect_vreg.scatter @!p0 [tilespmem:s12], [sflag:$0x2], $0x80, v7, vm9, $0xb8;
	v7 =	vlaneseq.u32 @!p1;
	[tilespmem:$0x7A00] =	vst v63  }
0x202: {  	s1 =	simm.s32 @!p0 $0x2  }
0x203: {  	_ =	swait.ge @!p0 [sflag:s1], $0x6000  }
0x204: {  	v8 =	vbroadcast @!p1 v5, $0x4;
	[sflag:s1] =	ssyncset.done @!p0 $0x0  }
0x205: {  	v9 =	vbroadcast @!p1 v6, $0x4;
	[sflag:s1] =	ssyncadd.s32 @!p0 $0xFFFFA000;
	s1 =	simm.s32 @!p1 $0x7980  }
0x206: {  	[tilespmem:v7+s1+$0x0] =	vst.idx.msk @!p1 $0xff, v8;
	s1 =	simm.s32 @!p1 $0x7900  }
0x207: {  	[tilespmem:v7+s1+$0x0] =	vst.idx.msk @!p1 $0xff, v9  }
0x208: {  	v8 =	vld.msk @!p1 [tilespmem:$0x7900], $0xff;
	_ =	sdelay $0x4  }
0x209: {  	v9 =	vshrl.u32 @!p1 v8, $0x3  }
0x20a: {  	v9 =	vmul.u32 @!p1 $0xC0, v9  }
0x20b: {  	v8 =	vand.u32 @!p1 $0x7, v8  }
0x20c: {  	v8 =	vor.u32 @!p1 v8, v9;
	v9 =	vand.u32 @!p1 $0x7, v7;
	v7 =	vshrl.u32 @!p1 v7, $0x3  }
0x20d: {  	v8 =	vperm.xlane @!p1 v8, v9;
	v7 =	vmul.u32 @!p1 $0x8, v7;
	_ =	sdelay $0x1  }
0x20e: {  	v8 =	vadd.s32 @!p1 v7, v8;
	_ =	sdelay $0x3  }
0x20f: {  	vm9 =	vmmov @!p1 $0xffff;
	s1 =	simm.s32 @!p1 $0x0  }
0x210: {  	[tilespmem:s1], [sflag:$0x1] =	stream.indirect_vreg.gather @!p1 [hbm4b:s4+s1], $0x80, v8, vm9, $0xb8;
	[tilespmem:$0x7A00] =	vst v63  }
0x211: {  	s2 =	simm.s32 @!p1 $0x800  }
0x212: {  	[tilespmem:s2], [sflag:$0x1] =	stream.indirect_vreg.gather @!p1 [hbm4b:s5+s1], $0x80, v8, vm9, $0xb8;
	[tilespmem:$0x7A00] =	vst v63  }
0x213: {  	s9 =	smov.u32 s15;
	s23 =	smov.u32 s16;
	s29 =	simm.s32 @!p1 $0x1000  }
0x214: {  	[tilespmem:s29], [sflag:$0x1] =	stream.indirect_vreg.gather @!p1 [hbm4b:s3+s1], $0x80, v8, vm9, $0xb8;
	[tilespmem:$0x7A00] =	vst v63  }
0x215: {  	s28 =	rddreg [dreg:$0x7];
	s2 =	smov.u32 s3;
	s3 =	simm.s32 @!p1 $0x1800  }
0x216: {  	[tilespmem:s3], [sflag:$0x1] =	stream.indirect_vreg.gather @!p1 [hbm4b:s28+s1], $0x80, v8, vm9, $0xb8;
	[tilespmem:$0x7A00] =	vst v63  }
0x217: {  	s15 =	smov.u32 s4;
	s4 =	simm.s32 @!p1 $0x2000;
	s3 =	rddreg [dreg:$0x8]  }
0x218: {  	[tilespmem:s4], [sflag:$0x1] =	stream.indirect_vreg.gather @!p1 [hbm4b:s3+s1], $0x80, v8, vm9, $0xb8;
	[tilespmem:$0x7A00] =	vst v63  }
0x219: {  	s16 =	smov.u32 s5;
	s5 =	simm.s32 @!p1 $0x2800;
	s4 =	rddreg [dreg:$0x9]  }
0x21a: {  	[tilespmem:s5], [sflag:$0x1] =	stream.indirect_vreg.gather @!p1 [hbm4b:s4+s1], $0x80, v8, vm9, $0xb8;
	[tilespmem:$0x7A00] =	vst v63  }
0x21b: {  	s30 =	simm.s32 @!p1 $0x3000;
	s5 =	rddreg [dreg:$0xa]  }
0x21c: {  	[tilespmem:s30], [sflag:$0x1] =	stream.indirect_vreg.gather @!p1 [hbm4b:s5+s1], $0x80, v8, vm9, $0xb8;
	[tilespmem:$0x7A00] =	vst v63  }
0x21d: {  	s24 =	simm.s32 @!p1 $0x3800;
	s6 =	rddreg [dreg:$0xb]  }
0x21e: {  	[tilespmem:s24], [sflag:$0x1] =	stream.indirect_vreg.gather @!p1 [hbm4b:s6+s1], $0x80, v8, vm9, $0xb8;
	[tilespmem:$0x7A00] =	vst v63  }
0x21f: {  	s21 =	simm.s32 @!p1 $0x4000;
	s8 =	rddreg [dreg:$0xc]  }
0x220: {  	[tilespmem:s21], [sflag:$0x1] =	stream.indirect_vreg.gather @!p1 [hbm4b:s8+s1], $0x80, v8, vm9, $0xb8;
	[tilespmem:$0x7A00] =	vst v63  }
0x221: {  	s10 =	simm.s32 @!p1 $0x4800  }
0x222: {  	[tilespmem:s10], [sflag:$0x1] =	stream.indirect_vreg.gather @!p1 [hbm4b:s25+s1], $0x80, v8, vm9, $0xb8;
	[tilespmem:$0x7A00] =	vst v63  }
0x223: {  	s11 =	simm.s32 @!p1 $0x5000;
	s26 =	rddreg [dreg:$0xe]  }
0x224: {  	[tilespmem:s11], [sflag:$0x1] =	stream.indirect_vreg.gather @!p1 [hbm4b:s26+s1], $0x80, v8, vm9, $0xb8;
	[tilespmem:$0x7A00] =	vst v63  }
0x225: {  	s13 =	simm.s32 @!p1 $0x1;
	s12 =	simm.s32 @!p1 $0x5800;
	s7 =	rddreg [dreg:$0xf]  }
0x226: {  	[tilespmem:s12], [sflag:$0x1] =	stream.indirect_vreg.gather @!p1 [hbm4b:s7+s1], $0x80, v8, vm9, $0xb8;
	[tilespmem:$0x7A00] =	vst v63  }
0x227: {  	_ =	swait.ge @!p1 [sflag:s13], $0x6000  }
0x228: {  	[sflag:s13] =	ssyncset.done @!p1 $0x0  }
0x229: {  	[sflag:s13] =	ssyncadd.s32 @!p1 $0xFFFFA000  }
0x22a: {  	v8 =	vld.msk @!p1 [tilespmem:$0x7980], $0xff;
	_ =	sdelay $0x4  }
0x22b: {  	v10 =	vshrl.u32 @!p1 v8, $0x3  }
0x22c: {  	v10 =	vmul.u32 @!p1 $0xC0, v10  }
0x22d: {  	v8 =	vand.u32 @!p1 $0x7, v8  }
0x22e: {  	v8 =	vor.u32 @!p1 v8, v10  }
0x22f: {  	v8 =	vperm.xlane @!p1 v8, v9;
	_ =	sdelay $0x1  }
0x230: {  	v7 =	vadd.s32 @!p1 v7, v8;
	_ =	sdelay $0x4  }
0x231: {  	[hbm4b:s9+s1] =	stream.indirect_vreg.scatter @!p1 [tilespmem:s1], [sflag:$0x2], $0x80, v7, vm9, $0xb8;
	[tilespmem:$0x7A00] =	vst v63  }
0x232: {  	s9 =	simm.s32 @!p1 $0x800  }
0x233: {  	[hbm4b:s22+s1] =	stream.indirect_vreg.scatter @!p1 [tilespmem:s9], [sflag:$0x2], $0x80, v7, vm9, $0xb8;
	[tilespmem:$0x7A00] =	vst v63  }
0x234: {  	_ = 	snop  }
0x235: {  	[hbm4b:s23+s1] =	stream.indirect_vreg.scatter @!p1 [tilespmem:s29], [sflag:$0x2], $0x80, v7, vm9, $0xb8;
	[tilespmem:$0x7A00] =	vst v63  }
0x236: {  	s9 =	simm.s32 @!p1 $0x1800;
	s29 =	rddreg [dreg:$0x12]  }
0x237: {  	[hbm4b:s29+s1] =	stream.indirect_vreg.scatter @!p1 [tilespmem:s9], [sflag:$0x2], $0x80, v7, vm9, $0xb8;
	[tilespmem:$0x7A00] =	vst v63  }
0x238: {  	s13 =	simm.s32 @!p1 $0x2000;
	s9 =	rddreg [dreg:$0x13]  }
0x239: {  	[hbm4b:s9+s1] =	stream.indirect_vreg.scatter @!p1 [tilespmem:s13], [sflag:$0x2], $0x80, v7, vm9, $0xb8;
	[tilespmem:$0x7A00] =	vst v63  }
0x23a: {  	s13 =	simm.s32 @!p1 $0x2800  }
0x23b: {  	[hbm4b:s0+s1] =	stream.indirect_vreg.scatter @!p1 [tilespmem:s13], [sflag:$0x2], $0x80, v7, vm9, $0xb8;
	[tilespmem:$0x7A00] =	vst v63  }
0x23c: {  	_ = 	snop  }
0x23d: {  	[hbm4b:s14+s1] =	stream.indirect_vreg.scatter @!p1 [tilespmem:s30], [sflag:$0x2], $0x80, v7, vm9, $0xb8;
	[tilespmem:$0x7A00] =	vst v63  }
0x23e: {  	_ = 	snop  }
0x23f: {  	[hbm4b:s17+s1] =	stream.indirect_vreg.scatter @!p1 [tilespmem:s24], [sflag:$0x2], $0x80, v7, vm9, $0xb8;
	[tilespmem:$0x7A00] =	vst v63  }
0x240: {  	_ = 	snop  }
0x241: {  	[hbm4b:s18+s1] =	stream.indirect_vreg.scatter @!p1 [tilespmem:s21], [sflag:$0x2], $0x80, v7, vm9, $0xb8;
	[tilespmem:$0x7A00] =	vst v63  }
0x242: {  	_ = 	snop  }
0x243: {  	[hbm4b:s19+s1] =	stream.indirect_vreg.scatter @!p1 [tilespmem:s10], [sflag:$0x2], $0x80, v7, vm9, $0xb8;
	[tilespmem:$0x7A00] =	vst v63  }
0x244: {  	p0 =	slt.s32 @!p1 s31, $0x6;
	s14 =	rddreg [dreg:$0x19]  }
0x245: {  	[hbm4b:s14+s1] =	stream.indirect_vreg.scatter @!p1 [tilespmem:s11], [sflag:$0x2], $0x80, v7, vm9, $0xb8;
	[tilespmem:$0x7A00] =	vst v63  }
0x246: {  	p0 =	por p1, p0  }
0x247: {  	[hbm4b:s20+s1] =	stream.indirect_vreg.scatter @!p1 [tilespmem:s12], [sflag:$0x2], $0x80, v7, vm9, $0xb8;
	v7 =	vlaneseq.u32 @!p0;
	[tilespmem:$0x7A00] =	vst v63  }
0x248: {  	s1 =	simm.s32 @!p1 $0x2  }
0x249: {  	_ =	swait.ge @!p1 [sflag:s1], $0x6000  }
0x24a: {  	v8 =	vbroadcast @!p0 v5, $0x5;
	[sflag:s1] =	ssyncset.done @!p1 $0x0  }
0x24b: {  	v9 =	vbroadcast @!p0 v6, $0x5;
	[sflag:s1] =	ssyncadd.s32 @!p1 $0xFFFFA000;
	s1 =	simm.s32 @!p0 $0x7980  }
0x24c: {  	[tilespmem:v7+s1+$0x0] =	vst.idx.msk @!p0 $0xff, v8;
	s1 =	simm.s32 @!p0 $0x7900  }
0x24d: {  	[tilespmem:v7+s1+$0x0] =	vst.idx.msk @!p0 $0xff, v9  }
0x24e: {  	v8 =	vld.msk @!p0 [tilespmem:$0x7900], $0xff;
	_ =	sdelay $0x4  }
0x24f: {  	v9 =	vshrl.u32 @!p0 v8, $0x3  }
0x250: {  	v9 =	vmul.u32 @!p0 $0xC0, v9  }
0x251: {  	v8 =	vand.u32 @!p0 $0x7, v8  }
0x252: {  	v8 =	vor.u32 @!p0 v8, v9;
	v9 =	vand.u32 @!p0 $0x7, v7;
	v7 =	vshrl.u32 @!p0 v7, $0x3  }
0x253: {  	v8 =	vperm.xlane @!p0 v8, v9;
	v7 =	vmul.u32 @!p0 $0x8, v7;
	_ =	sdelay $0x1  }
0x254: {  	v8 =	vadd.s32 @!p0 v7, v8;
	_ =	sdelay $0x3  }
0x255: {  	vm9 =	vmmov @!p0 $0xffff;
	s1 =	simm.s32 @!p0 $0x0  }
0x256: {  	[tilespmem:s1], [sflag:$0x1] =	stream.indirect_vreg.gather @!p0 [hbm4b:s15+s1], $0x80, v8, vm9, $0xb8;
	[tilespmem:$0x7A00] =	vst v63  }
0x257: {  	s15 =	simm.s32 @!p0 $0x800  }
0x258: {  	[tilespmem:s15], [sflag:$0x1] =	stream.indirect_vreg.gather @!p0 [hbm4b:s16+s1], $0x80, v8, vm9, $0xb8;
	[tilespmem:$0x7A00] =	vst v63  }
0x259: {  	s21 =	simm.s32 @!p0 $0x1000  }
0x25a: {  	[tilespmem:s21], [sflag:$0x1] =	stream.indirect_vreg.gather @!p0 [hbm4b:s2+s1], $0x80, v8, vm9, $0xb8;
	[tilespmem:$0x7A00] =	vst v63  }
0x25b: {  	s2 =	simm.s32 @!p0 $0x1800  }
0x25c: {  	[tilespmem:s2], [sflag:$0x1] =	stream.indirect_vreg.gather @!p0 [hbm4b:s28+s1], $0x80, v8, vm9, $0xb8;
	[tilespmem:$0x7A00] =	vst v63  }
0x25d: {  	s24 =	simm.s32 @!p0 $0x2000  }
0x25e: {  	[tilespmem:s24], [sflag:$0x1] =	stream.indirect_vreg.gather @!p0 [hbm4b:s3+s1], $0x80, v8, vm9, $0xb8;
	[tilespmem:$0x7A00] =	vst v63  }
0x25f: {  	s3 =	simm.s32 @!p0 $0x2800  }
0x260: {  	[tilespmem:s3], [sflag:$0x1] =	stream.indirect_vreg.gather @!p0 [hbm4b:s4+s1], $0x80, v8, vm9, $0xb8;
	[tilespmem:$0x7A00] =	vst v63  }
0x261: {  	s4 =	simm.s32 @!p0 $0x3000  }
0x262: {  	[tilespmem:s4], [sflag:$0x1] =	stream.indirect_vreg.gather @!p0 [hbm4b:s5+s1], $0x80, v8, vm9, $0xb8;
	[tilespmem:$0x7A00] =	vst v63  }
0x263: {  	s5 =	simm.s32 @!p0 $0x3800  }
0x264: {  	[tilespmem:s5], [sflag:$0x1] =	stream.indirect_vreg.gather @!p0 [hbm4b:s6+s1], $0x80, v8, vm9, $0xb8;
	[tilespmem:$0x7A00] =	vst v63  }
0x265: {  	s25 =	smov.u32 s22;
	s6 =	simm.s32 @!p0 $0x4000  }
0x266: {  	[tilespmem:s6], [sflag:$0x1] =	stream.indirect_vreg.gather @!p0 [hbm4b:s8+s1], $0x80, v8, vm9, $0xb8;
	[tilespmem:$0x7A00] =	vst v63  }
0x267: {  	s22 =	smov.u32 s0;
	s10 =	simm.s32 @!p0 $0x4800;
	s0 =	rddreg [dreg:$0xd]  }
0x268: {  	[tilespmem:s10], [sflag:$0x1] =	stream.indirect_vreg.gather @!p0 [hbm4b:s0+s1], $0x80, v8, vm9, $0xb8;
	[tilespmem:$0x7A00] =	vst v63  }
0x269: {  	s11 =	simm.s32 @!p0 $0x5000  }
0x26a: {  	[tilespmem:s11], [sflag:$0x1] =	stream.indirect_vreg.gather @!p0 [hbm4b:s26+s1], $0x80, v8, vm9, $0xb8;
	[tilespmem:$0x7A00] =	vst v63  }
0x26b: {  	s13 =	simm.s32 @!p0 $0x1;
	s12 =	simm.s32 @!p0 $0x5800  }
0x26c: {  	[tilespmem:s12], [sflag:$0x1] =	stream.indirect_vreg.gather @!p0 [hbm4b:s7+s1], $0x80, v8, vm9, $0xb8;
	[tilespmem:$0x7A00] =	vst v63  }
0x26d: {  	_ =	swait.ge @!p0 [sflag:s13], $0x6000  }
0x26e: {  	[sflag:s13] =	ssyncset.done @!p0 $0x0  }
0x26f: {  	[sflag:s13] =	ssyncadd.s32 @!p0 $0xFFFFA000  }
0x270: {  	v8 =	vld.msk @!p0 [tilespmem:$0x7980], $0xff;
	_ =	sdelay $0x4  }
0x271: {  	v10 =	vshrl.u32 @!p0 v8, $0x3  }
0x272: {  	v10 =	vmul.u32 @!p0 $0xC0, v10  }
0x273: {  	v8 =	vand.u32 @!p0 $0x7, v8  }
0x274: {  	v8 =	vor.u32 @!p0 v8, v10  }
0x275: {  	v8 =	vperm.xlane @!p0 v8, v9;
	_ =	sdelay $0x1  }
0x276: {  	v7 =	vadd.s32 @!p0 v7, v8;
	_ =	sdelay $0x3  }
0x277: {  	s30 =	rddreg [dreg:$0x3]  }
0x278: {  	[hbm4b:s30+s1] =	stream.indirect_vreg.scatter @!p0 [tilespmem:s1], [sflag:$0x2], $0x80, v7, vm9, $0xb8;
	[tilespmem:$0x7A00] =	vst v63  }
0x279: {  	_ = 	snop  }
0x27a: {  	[hbm4b:s25+s1] =	stream.indirect_vreg.scatter @!p0 [tilespmem:s15], [sflag:$0x2], $0x80, v7, vm9, $0xb8;
	[tilespmem:$0x7A00] =	vst v63  }
0x27b: {  	_ = 	snop  }
0x27c: {  	[hbm4b:s23+s1] =	stream.indirect_vreg.scatter @!p0 [tilespmem:s21], [sflag:$0x2], $0x80, v7, vm9, $0xb8;
	[tilespmem:$0x7A00] =	vst v63  }
0x27d: {  	_ = 	snop  }
0x27e: {  	[hbm4b:s29+s1] =	stream.indirect_vreg.scatter @!p0 [tilespmem:s2], [sflag:$0x2], $0x80, v7, vm9, $0xb8;
	[tilespmem:$0x7A00] =	vst v63  }
0x27f: {  	_ = 	snop  }
0x280: {  	[hbm4b:s9+s1] =	stream.indirect_vreg.scatter @!p0 [tilespmem:s24], [sflag:$0x2], $0x80, v7, vm9, $0xb8;
	[tilespmem:$0x7A00] =	vst v63  }
0x281: {  	_ = 	snop  }
0x282: {  	[hbm4b:s22+s1] =	stream.indirect_vreg.scatter @!p0 [tilespmem:s3], [sflag:$0x2], $0x80, v7, vm9, $0xb8;
	[tilespmem:$0x7A00] =	vst v63  }
0x283: {  	s21 =	rddreg [dreg:$0x15]  }
0x284: {  	[hbm4b:s21+s1] =	stream.indirect_vreg.scatter @!p0 [tilespmem:s4], [sflag:$0x2], $0x80, v7, vm9, $0xb8;
	[tilespmem:$0x7A00] =	vst v63  }
0x285: {  	_ = 	snop  }
0x286: {  	[hbm4b:s17+s1] =	stream.indirect_vreg.scatter @!p0 [tilespmem:s5], [sflag:$0x2], $0x80, v7, vm9, $0xb8;
	[tilespmem:$0x7A00] =	vst v63  }
0x287: {  	_ = 	snop  }
0x288: {  	[hbm4b:s18+s1] =	stream.indirect_vreg.scatter @!p0 [tilespmem:s6], [sflag:$0x2], $0x80, v7, vm9, $0xb8;
	[tilespmem:$0x7A00] =	vst v63  }
0x289: {  	_ = 	snop  }
0x28a: {  	[hbm4b:s19+s1] =	stream.indirect_vreg.scatter @!p0 [tilespmem:s10], [sflag:$0x2], $0x80, v7, vm9, $0xb8;
	[tilespmem:$0x7A00] =	vst v63  }
0x28b: {  	p1 =	slt.s32 @!p0 s31, $0x7  }
0x28c: {  	[hbm4b:s14+s1] =	stream.indirect_vreg.scatter @!p0 [tilespmem:s11], [sflag:$0x2], $0x80, v7, vm9, $0xb8;
	[tilespmem:$0x7A00] =	vst v63  }
0x28d: {  	p1 =	por p0, p1  }
0x28e: {  	[hbm4b:s20+s1] =	stream.indirect_vreg.scatter @!p0 [tilespmem:s12], [sflag:$0x2], $0x80, v7, vm9, $0xb8;
	v7 =	vlaneseq.u32 @!p1;
	[tilespmem:$0x7A00] =	vst v63  }
0x28f: {  	s1 =	simm.s32 @!p0 $0x2  }
0x290: {  	_ =	swait.ge @!p0 [sflag:s1], $0x6000  }
0x291: {  	v8 =	vbroadcast @!p1 v5, $0x6;
	[sflag:s1] =	ssyncset.done @!p0 $0x0  }
0x292: {  	v9 =	vbroadcast @!p1 v6, $0x6;
	[sflag:s1] =	ssyncadd.s32 @!p0 $0xFFFFA000;
	s1 =	simm.s32 @!p1 $0x7980  }
0x293: {  	[tilespmem:v7+s1+$0x0] =	vst.idx.msk @!p1 $0xff, v8;
	s1 =	simm.s32 @!p1 $0x7900  }
0x294: {  	[tilespmem:v7+s1+$0x0] =	vst.idx.msk @!p1 $0xff, v9  }
0x295: {  	v8 =	vld.msk @!p1 [tilespmem:$0x7900], $0xff;
	_ =	sdelay $0x4  }
0x296: {  	v9 =	vshrl.u32 @!p1 v8, $0x3  }
0x297: {  	v9 =	vmul.u32 @!p1 $0xC0, v9  }
0x298: {  	v8 =	vand.u32 @!p1 $0x7, v8  }
0x299: {  	v8 =	vor.u32 @!p1 v8, v9;
	v9 =	vand.u32 @!p1 $0x7, v7;
	v7 =	vshrl.u32 @!p1 v7, $0x3  }
0x29a: {  	v8 =	vperm.xlane @!p1 v8, v9;
	v7 =	vmul.u32 @!p1 $0x8, v7;
	_ =	sdelay $0x1  }
0x29b: {  	v8 =	vadd.s32 @!p1 v7, v8;
	_ =	sdelay $0x3  }
0x29c: {  	vm9 =	vmmov @!p1 $0xffff;
	s2 =	rddreg [dreg:$0x4];
	s1 =	simm.s32 @!p1 $0x0  }
0x29d: {  	[tilespmem:s1], [sflag:$0x1] =	stream.indirect_vreg.gather @!p1 [hbm4b:s2+s1], $0x80, v8, vm9, $0xb8;
	[tilespmem:$0x7A00] =	vst v63  }
0x29e: {  	s2 =	simm.s32 @!p1 $0x800  }
0x29f: {  	[tilespmem:s2], [sflag:$0x1] =	stream.indirect_vreg.gather @!p1 [hbm4b:s16+s1], $0x80, v8, vm9, $0xb8;
	[tilespmem:$0x7A00] =	vst v63  }
0x2a0: {  	s3 =	simm.s32 @!p1 $0x1000;
	s4 =	rddreg [dreg:$0x6]  }
0x2a1: {  	[tilespmem:s3], [sflag:$0x1] =	stream.indirect_vreg.gather @!p1 [hbm4b:s4+s1], $0x80, v8, vm9, $0xb8;
	[tilespmem:$0x7A00] =	vst v63  }
0x2a2: {  	s4 =	simm.s32 @!p1 $0x1800  }
0x2a3: {  	[tilespmem:s4], [sflag:$0x1] =	stream.indirect_vreg.gather @!p1 [hbm4b:s28+s1], $0x80, v8, vm9, $0xb8;
	[tilespmem:$0x7A00] =	vst v63  }
0x2a4: {  	s5 =	simm.s32 @!p1 $0x2000;
	s6 =	rddreg [dreg:$0x8]  }
0x2a5: {  	[tilespmem:s5], [sflag:$0x1] =	stream.indirect_vreg.gather @!p1 [hbm4b:s6+s1], $0x80, v8, vm9, $0xb8;
	[tilespmem:$0x7A00] =	vst v63  }
0x2a6: {  	s7 =	rddreg [dreg:$0x9];
	s6 =	simm.s32 @!p1 $0x2800  }
0x2a7: {  	[tilespmem:s6], [sflag:$0x1] =	stream.indirect_vreg.gather @!p1 [hbm4b:s7+s1], $0x80, v8, vm9, $0xb8;
	[tilespmem:$0x7A00] =	vst v63  }
0x2a8: {  	s8 =	rddreg [dreg:$0xa];
	s7 =	simm.s32 @!p1 $0x3000  }
0x2a9: {  	[tilespmem:s7], [sflag:$0x1] =	stream.indirect_vreg.gather @!p1 [hbm4b:s8+s1], $0x80, v8, vm9, $0xb8;
	[tilespmem:$0x7A00] =	vst v63  }
0x2aa: {  	s29 =	smov.u32 s9;
	s9 =	rddreg [dreg:$0xb];
	s8 =	simm.s32 @!p1 $0x3800  }
0x2ab: {  	[tilespmem:s8], [sflag:$0x1] =	stream.indirect_vreg.gather @!p1 [hbm4b:s9+s1], $0x80, v8, vm9, $0xb8;
	[tilespmem:$0x7A00] =	vst v63  }
0x2ac: {  	s10 =	rddreg [dreg:$0xc];
	s9 =	simm.s32 @!p1 $0x4000  }
0x2ad: {  	[tilespmem:s9], [sflag:$0x1] =	stream.indirect_vreg.gather @!p1 [hbm4b:s10+s1], $0x80, v8, vm9, $0xb8;
	[tilespmem:$0x7A00] =	vst v63  }
0x2ae: {  	s10 =	simm.s32 @!p1 $0x4800  }
0x2af: {  	[tilespmem:s10], [sflag:$0x1] =	stream.indirect_vreg.gather @!p1 [hbm4b:s0+s1], $0x80, v8, vm9, $0xb8;
	[tilespmem:$0x7A00] =	vst v63  }
0x2b0: {  	s11 =	simm.s32 @!p1 $0x5000;
	s15 =	rddreg [dreg:$0x1e]  }
0x2b1: {  	[tilespmem:s11], [sflag:$0x1] =	stream.indirect_vreg.gather @!p1 [hbm4b:s26+s1], $0x80, v8, vm9, $0xb8;
	[tilespmem:$0x7A00] =	vst v63  }
0x2b2: {  	s13 =	simm.s32 @!p1 $0x1;
	s12 =	simm.s32 @!p1 $0x5800;
	s0 =	rddreg [dreg:$0xf]  }
0x2b3: {  	[tilespmem:s12], [sflag:$0x1] =	stream.indirect_vreg.gather @!p1 [hbm4b:s0+s1], $0x80, v8, vm9, $0xb8;
	[tilespmem:$0x7A00] =	vst v63  }
0x2b4: {  	s16 =	rddreg [dreg:$0x1f];
	_ =	swait.ge @!p1 [sflag:s13], $0x6000  }
0x2b5: {  	[sflag:s13] =	ssyncset.done @!p1 $0x0  }
0x2b6: {  	[sflag:s13] =	ssyncadd.s32 @!p1 $0xFFFFA000  }
0x2b7: {  	v8 =	vld.msk @!p1 [tilespmem:$0x7980], $0xff;
	_ =	sdelay $0x4  }
0x2b8: {  	v10 =	vshrl.u32 @!p1 v8, $0x3  }
0x2b9: {  	v10 =	vmul.u32 @!p1 $0xC0, v10  }
0x2ba: {  	v8 =	vand.u32 @!p1 $0x7, v8  }
0x2bb: {  	v8 =	vor.u32 @!p1 v8, v10  }
0x2bc: {  	v8 =	vperm.xlane @!p1 v8, v9;
	_ =	sdelay $0x1  }
0x2bd: {  	v7 =	vadd.s32 @!p1 v7, v8;
	_ =	sdelay $0x4  }
0x2be: {  	[hbm4b:s30+s1] =	stream.indirect_vreg.scatter @!p1 [tilespmem:s1], [sflag:$0x2], $0x80, v7, vm9, $0xb8;
	[tilespmem:$0x7A00] =	vst v63  }
0x2bf: {  	_ = 	snop  }
0x2c0: {  	[hbm4b:s25+s1] =	stream.indirect_vreg.scatter @!p1 [tilespmem:s2], [sflag:$0x2], $0x80, v7, vm9, $0xb8;
	[tilespmem:$0x7A00] =	vst v63  }
0x2c1: {  	_ = 	snop  }
0x2c2: {  	[hbm4b:s23+s1] =	stream.indirect_vreg.scatter @!p1 [tilespmem:s3], [sflag:$0x2], $0x80, v7, vm9, $0xb8;
	[tilespmem:$0x7A00] =	vst v63  }
0x2c3: {  	s0 =	rddreg [dreg:$0x12]  }
0x2c4: {  	[hbm4b:s0+s1] =	stream.indirect_vreg.scatter @!p1 [tilespmem:s4], [sflag:$0x2], $0x80, v7, vm9, $0xb8;
	[tilespmem:$0x7A00] =	vst v63  }
0x2c5: {  	_ = 	snop  }
0x2c6: {  	[hbm4b:s29+s1] =	stream.indirect_vreg.scatter @!p1 [tilespmem:s5], [sflag:$0x2], $0x80, v7, vm9, $0xb8;
	[tilespmem:$0x7A00] =	vst v63  }
0x2c7: {  	_ = 	snop  }
0x2c8: {  	[hbm4b:s22+s1] =	stream.indirect_vreg.scatter @!p1 [tilespmem:s6], [sflag:$0x2], $0x80, v7, vm9, $0xb8;
	[tilespmem:$0x7A00] =	vst v63  }
0x2c9: {  	_ = 	snop  }
0x2ca: {  	[hbm4b:s21+s1] =	stream.indirect_vreg.scatter @!p1 [tilespmem:s7], [sflag:$0x2], $0x80, v7, vm9, $0xb8;
	[tilespmem:$0x7A00] =	vst v63  }
0x2cb: {  	_ = 	snop  }
0x2cc: {  	[hbm4b:s17+s1] =	stream.indirect_vreg.scatter @!p1 [tilespmem:s8], [sflag:$0x2], $0x80, v7, vm9, $0xb8;
	[tilespmem:$0x7A00] =	vst v63  }
0x2cd: {  	_ = 	snop  }
0x2ce: {  	[hbm4b:s18+s1] =	stream.indirect_vreg.scatter @!p1 [tilespmem:s9], [sflag:$0x2], $0x80, v7, vm9, $0xb8;
	[tilespmem:$0x7A00] =	vst v63  }
0x2cf: {  	_ = 	snop  }
0x2d0: {  	[hbm4b:s19+s1] =	stream.indirect_vreg.scatter @!p1 [tilespmem:s10], [sflag:$0x2], $0x80, v7, vm9, $0xb8;
	[tilespmem:$0x7A00] =	vst v63  }
0x2d1: {  	p0 =	seq.s32 @!p1 s31, $0x7  }
0x2d2: {  	[hbm4b:s14+s1] =	stream.indirect_vreg.scatter @!p1 [tilespmem:s11], [sflag:$0x2], $0x80, v7, vm9, $0xb8;
	[tilespmem:$0x7A00] =	vst v63  }
0x2d3: {  	p0 =	por p1, p0  }
0x2d4: {  	[hbm4b:s20+s1] =	stream.indirect_vreg.scatter @!p1 [tilespmem:s12], [sflag:$0x2], $0x80, v7, vm9, $0xb8;
	[tilespmem:$0x7A00] =	vst v63  }
.Ltmp10:
0x2d5: {  	_ = 	snop;
	(pc) =	sbr.rel @p0 .LBB2_12-.Ltmp10, $4  }
0x2d6: {  	s1 =	simm.s32 @!p1 $0x2  }
0x2d7: {  	s14 =	rddreg [dreg:$0x1d];
	_ =	swait.ge @!p1 [sflag:s1], $0x6000  }
0x2d8: {  	[sflag:s1] =	ssyncset.done @!p1 $0x0  }
0x2d9: {  	[sflag:s1] =	ssyncadd.s32 @!p1 $0xFFFFA000  }
0x2da: {  	_ =	sdelay $0x1  }
0x2db: {  	v5 =	vbroadcast v5, $0x7  }
0x2dc: {  	v6 =	vbroadcast v6, $0x7;
	s0 =	simm.s32 $0x7980  }
0x2dd: {  	s19 =	simm.s32 $0x7900;
	[tilespmem:v2+s0+$0x0] =	vst.idx.msk $0xff, v5  }
0x2de: {  	[tilespmem:v2+s19+$0x0] =	vst.idx.msk $0xff, v6  }
0x2df: {  	v5 =	vld.msk [tilespmem:$0x7900], $0xff;
	_ =	sdelay $0x4  }
0x2e0: {  	v6 =	vshrl.u32 v5, $0x3  }
0x2e1: {  	v6 =	vmul.u32 $0xC0, v6  }
0x2e2: {  	v5 =	vand.u32 $0x7, v5  }
0x2e3: {  	v5 =	vor.u32 v5, v6  }
0x2e4: {  	v5 =	vperm.xlane v5, v3;
	_ =	sdelay $0x1  }
0x2e5: {  	v5 =	vadd.s32 v4, v5;
	_ =	sdelay $0x3  }
0x2e6: {  	s1 =	rddreg [dreg:$0x4];
	s2 =	simm.s32 $0x0  }
0x2e7: {  	[tilespmem:s2], [sflag:$0x1] =	stream.indirect_vreg.gather [hbm4b:s1+s2], $0x80, v5, vm8, $0xb8;
	[tilespmem:$0x7A00] =	vst v63  }
0x2e8: {  	s20 =	rddreg [dreg:$0x5];
	s3 =	simm.s32 $0x800  }
0x2e9: {  	[tilespmem:s3], [sflag:$0x1] =	stream.indirect_vreg.gather [hbm4b:s20+s2], $0x80, v5, vm8, $0xb8;
	[tilespmem:$0x7A00] =	vst v63  }
0x2ea: {  	s21 =	rddreg [dreg:$0x6];
	s4 =	simm.s32 $0x1000  }
0x2eb: {  	[tilespmem:s4], [sflag:$0x1] =	stream.indirect_vreg.gather [hbm4b:s21+s2], $0x80, v5, vm8, $0xb8;
	[tilespmem:$0x7A00] =	vst v63  }
0x2ec: {  	s22 =	rddreg [dreg:$0x7];
	s5 =	simm.s32 $0x1800  }
0x2ed: {  	[tilespmem:s5], [sflag:$0x1] =	stream.indirect_vreg.gather [hbm4b:s22+s2], $0x80, v5, vm8, $0xb8;
	[tilespmem:$0x7A00] =	vst v63  }
0x2ee: {  	s23 =	rddreg [dreg:$0x8];
	s6 =	simm.s32 $0x2000  }
0x2ef: {  	[tilespmem:s6], [sflag:$0x1] =	stream.indirect_vreg.gather [hbm4b:s23+s2], $0x80, v5, vm8, $0xb8;
	[tilespmem:$0x7A00] =	vst v63  }
0x2f0: {  	s24 =	rddreg [dreg:$0x9];
	s7 =	simm.s32 $0x2800  }
0x2f1: {  	[tilespmem:s7], [sflag:$0x1] =	stream.indirect_vreg.gather [hbm4b:s24+s2], $0x80, v5, vm8, $0xb8;
	[tilespmem:$0x7A00] =	vst v63  }
0x2f2: {  	s25 =	rddreg [dreg:$0xa];
	s8 =	simm.s32 $0x3000  }
0x2f3: {  	[tilespmem:s8], [sflag:$0x1] =	stream.indirect_vreg.gather [hbm4b:s25+s2], $0x80, v5, vm8, $0xb8;
	[tilespmem:$0x7A00] =	vst v63  }
0x2f4: {  	s26 =	rddreg [dreg:$0xb];
	s9 =	simm.s32 $0x3800  }
0x2f5: {  	[tilespmem:s9], [sflag:$0x1] =	stream.indirect_vreg.gather [hbm4b:s26+s2], $0x80, v5, vm8, $0xb8;
	[tilespmem:$0x7A00] =	vst v63  }
0x2f6: {  	s28 =	rddreg [dreg:$0xc];
	s10 =	simm.s32 $0x4000  }
0x2f7: {  	[tilespmem:s10], [sflag:$0x1] =	stream.indirect_vreg.gather [hbm4b:s28+s2], $0x80, v5, vm8, $0xb8;
	[tilespmem:$0x7A00] =	vst v63  }
0x2f8: {  	s29 =	rddreg [dreg:$0xd];
	s11 =	simm.s32 $0x4800  }
0x2f9: {  	[tilespmem:s11], [sflag:$0x1] =	stream.indirect_vreg.gather [hbm4b:s29+s2], $0x80, v5, vm8, $0xb8;
	[tilespmem:$0x7A00] =	vst v63  }
0x2fa: {  	s30 =	rddreg [dreg:$0xe];
	s12 =	simm.s32 $0x5000  }
0x2fb: {  	[tilespmem:s12], [sflag:$0x1] =	stream.indirect_vreg.gather [hbm4b:s30+s2], $0x80, v5, vm8, $0xb8;
	[tilespmem:$0x7A00] =	vst v63  }
0x2fc: {  	s13 =	simm.s32 $0x5800;
	s17 =	simm.s32 $0x1;
	s0 =	rddreg [dreg:$0xf]  }
0x2fd: {  	[tilespmem:s13], [sflag:$0x1] =	stream.indirect_vreg.gather [hbm4b:s0+s2], $0x80, v5, vm8, $0xb8;
	[tilespmem:$0x7A00] =	vst v63  }
0x2fe: {  	_ =	swait.ge [sflag:s17], $0x6000  }
0x2ff: {  	[sflag:s17] =	ssyncset.done $0x0  }
0x300: {  	[sflag:s17] =	ssyncadd.s32 $0xFFFFA000  }
0x301: {  	v5 =	vld.msk [tilespmem:$0x7980], $0xff;
	_ =	sdelay $0x4  }
0x302: {  	v6 =	vshrl.u32 v5, $0x3  }
0x303: {  	v6 =	vmul.u32 $0xC0, v6  }
0x304: {  	v5 =	vand.u32 $0x7, v5  }
0x305: {  	v5 =	vor.u32 v5, v6  }
0x306: {  	v5 =	vperm.xlane v5, v3;
	_ =	sdelay $0x1  }
0x307: {  	v5 =	vadd.s32 v4, v5;
	_ =	sdelay $0x3  }
0x308: {  	s18 =	rddreg [dreg:$0x3]  }
0x309: {  	[hbm4b:s18+s2] =	stream.indirect_vreg.scatter [tilespmem:s2], [sflag:$0x2], $0x80, v5, vm8, $0xb8;
	[tilespmem:$0x7A00] =	vst v63  }
0x30a: {  	s19 =	rddreg [dreg:$0x10]  }
0x30b: {  	[hbm4b:s19+s2] =	stream.indirect_vreg.scatter [tilespmem:s3], [sflag:$0x2], $0x80, v5, vm8, $0xb8;
	[tilespmem:$0x7A00] =	vst v63  }
0x30c: {  	s20 =	rddreg [dreg:$0x11]  }
0x30d: {  	[hbm4b:s20+s2] =	stream.indirect_vreg.scatter [tilespmem:s4], [sflag:$0x2], $0x80, v5, vm8, $0xb8;
	[tilespmem:$0x7A00] =	vst v63  }
0x30e: {  	s21 =	rddreg [dreg:$0x12]  }
0x30f: {  	[hbm4b:s21+s2] =	stream.indirect_vreg.scatter [tilespmem:s5], [sflag:$0x2], $0x80, v5, vm8, $0xb8;
	[tilespmem:$0x7A00] =	vst v63  }
0x310: {  	s22 =	rddreg [dreg:$0x13]  }
0x311: {  	[hbm4b:s22+s2] =	stream.indirect_vreg.scatter [tilespmem:s6], [sflag:$0x2], $0x80, v5, vm8, $0xb8;
	[tilespmem:$0x7A00] =	vst v63  }
0x312: {  	s23 =	rddreg [dreg:$0x14]  }
0x313: {  	[hbm4b:s23+s2] =	stream.indirect_vreg.scatter [tilespmem:s7], [sflag:$0x2], $0x80, v5, vm8, $0xb8;
	[tilespmem:$0x7A00] =	vst v63  }
0x314: {  	s24 =	rddreg [dreg:$0x15]  }
0x315: {  	[hbm4b:s24+s2] =	stream.indirect_vreg.scatter [tilespmem:s8], [sflag:$0x2], $0x80, v5, vm8, $0xb8;
	[tilespmem:$0x7A00] =	vst v63  }
0x316: {  	s25 =	rddreg [dreg:$0x16]  }
0x317: {  	[hbm4b:s25+s2] =	stream.indirect_vreg.scatter [tilespmem:s9], [sflag:$0x2], $0x80, v5, vm8, $0xb8;
	[tilespmem:$0x7A00] =	vst v63  }
0x318: {  	s26 =	rddreg [dreg:$0x17]  }
0x319: {  	[hbm4b:s26+s2] =	stream.indirect_vreg.scatter [tilespmem:s10], [sflag:$0x2], $0x80, v5, vm8, $0xb8;
	[tilespmem:$0x7A00] =	vst v63  }
0x31a: {  	s28 =	rddreg [dreg:$0x18]  }
0x31b: {  	[hbm4b:s28+s2] =	stream.indirect_vreg.scatter [tilespmem:s11], [sflag:$0x2], $0x80, v5, vm8, $0xb8;
	[tilespmem:$0x7A00] =	vst v63  }
.Ltmp11:
0x31c: {  	_ = 	snop;
	(pc) =	sbr.rel .LBB2_11-.Ltmp11, $4  }
0x31d: {  	s29 =	rddreg [dreg:$0x19]  }
0x31e: {  	[hbm4b:s29+s2] =	stream.indirect_vreg.scatter [tilespmem:s12], [sflag:$0x2], $0x80, v5, vm8, $0xb8;
	[tilespmem:$0x7A00] =	vst v63  }
0x31f: {  	s30 =	rddreg [dreg:$0x1a]  }
0x320: {  	[hbm4b:s30+s2] =	stream.indirect_vreg.scatter [tilespmem:s13], [sflag:$0x2], $0x80, v5, vm8, $0xb8;
	[tilespmem:$0x7A00] =	vst v63  }
.LBB2_14:
0x321: {  	_ =	sfence.sel $0x180000  }
0x322: {  	[bflag:$0x0] =	sbarrier.arrive $0xFFFF  }
0x323: {  	_ =	strace $0x9000004A  }
0x324: {  	s0 =	stileid.u32;
	[bflag:$0x2] =	sbarrier.arrive $0xFFFF  }
0x325: {  	p0 =	sne.s32 s0, $0x0;
	s0 =	rddreg [dreg:$0x2]  }
0x326: {  	s0 =	sadd.s32 @!p0 $0x100000, s0  }
0x327: {  	[sflag:s0] =	ssyncadd.tile.s32 @!p0 $0x1;
	_ =	shalt  }
.Lfunc_end2:
_tile_overlayer_lowered:
.L_overlay_start_2:
0x328: {  	(tag) =	ssettag $0x2  }
0x329: {  	s0 =	rddreg [dreg:$0x0];
	s2 =	stileid.u32  }
0x32a: {  	s1 =	rddreg [dreg:$0x1];
	p0 =	sne.s32 s2, $0x0  }
0x32b: {  	s3 =	rddreg [dreg:$0x2];
	[bflag:$0x3] =	sbarrier.arrive $0xFFFF;
	s2 =	simm.s32 @!p0 $0x1C03  }
0x32c: {  	[timem:s3], [sflag:s2] =	dma.local @!p0 [hbm:s0], s1  }
0x32d: {  	s0 =	simm.s32 @!p0 $0x3  }
0x32e: {  	_ =	swait.ge @!p0 [sflag:s0], s1  }
0x32f: {  	s1 =	ssub.s32 @!p0 $0x0, s1;
	[sflag:s0] =	ssyncset.done @!p0 $0x0  }
0x330: {  	[sflag:s0] =	ssyncadd.s32 @!p0 s1  }
0x331: {  	[bflag:$0x3] =	sbarrier.arrive $0xFFFF  }
0x332: {  	_ =	shalt  }

// kernel: kernel.7.cloned.1.call-start
scs
__scs_entry_jumppad:
0x0: {  	(pc) =	sbr.rel $0x88, $3  }
0x1: {  	(tag) =	ssettag $0x0;
	lr =	simm.s32 $0x1  }
0x2: {  	[smem:$0x3F94] =	sst lr;
	_ =	strace $0xD0000000  }
0x3: {  	_ = 	snop  }
0x4: {  	_ = 	snop  }
0x5: {  	_ = 	snop  }
0x6: {  	_ = 	snop  }
0x7: {  	_ = 	snop  }
__scs_overlays_trampoline_lowered:
0x8: {  	[smem:$0x3FA3] =	sst s0  }
0x9: {  	[smem:$0x3FA4] =	sst s1  }
0xa: {  	[smem:$0x3FA5] =	sst s2  }
0xb: {  	[smem:$0x3FA6] =	sst s3  }
0xc: {  	[smem:$0x3FA7] =	sst s4  }
0xd: {  	[smem:$0x3FA8] =	sst s5  }
0xe: {  	[smem:$0x3FA9] =	sst s6  }
0xf: {  	[smem:$0x3FAA] =	sst s7  }
0x10: {  	[smem:$0x3FAB] =	sst s8  }
0x11: {  	[smem:$0x3FAC] =	sst s9;
	s0 =	simm.s32 @!p0 $0x0  }
0x12: {  	s1 =	sld [smem:$0x3F92];
	s0 =	simm.s32 @p0 $0x1  }
0x13: {  	[smem:$0x3FAD] =	sst s0;
	s0 =	simm.s32 @!p1 $0x0  }
0x14: {  	s2 =	sld [smem:$0x3F91];
	s0 =	simm.s32 @p1 $0x1  }
0x15: {  	[smem:$0x3FAE] =	sst s0;
	s0 =	simm.s32 @!p2 $0x0  }
0x16: {  	s3 =	sld [smem:$0x3FDB];
	s0 =	simm.s32 @p2 $0x1  }
0x17: {  	s4 =	simm.s32 $0x1BF5;
	[smem:$0x3FB0] =	sst s0  }
0x18: {  	s0 =	sld [smem:$0x3F93];
	_ =	swait.ge [sflag:s4], $0x0  }
0x19: {  	s7 =	sld [smem:$0x3F94]  }
0x1a: {  	s8 =	sadd.s32 $0xFFFFE003, lr  }
0x1b: {  	s9 =	sadd.s32 $0xFFFFFEF7, lr;
	s5 =	simm.s32 $0xFFFFFFFF;
	p2 =	slt.u32 s8, $0xFFFFF086  }
0x1c: {  	p1 =	slt.u32 s9, $0xF7A;
	s5 =	simm.s32 @!p2 $0x0  }
0x1d: {  	s5 =	simm.s32 @p1 $0x1;
	p0 =	seq.s32 s7, s2  }
0x1e: {  	s7 =	smul.u32 @!p0 $0xF7A, s2;
	p2 =	seq.s32 @!p0 s5, $0x0  }
0x1f: {  	s9 =	smul.u32 $0xF7A, s1;
	s8 =	simm.s32 @!p0 $0x1BF5;
	p2 =	por !p2, p0  }
0x20: {  	[sflag:s8] =	ssyncset.s32 @!p0 $0xFFFFF086;
	s6 =	sadd.s32 @!p0 s3, s7;
	s7 =	simm.s32 @!p0 $0x108  }
0x21: {  	s3 =	sadd.s32 s3, s9;
	s6 =	sadd.s32 @!p0 $0x88, s6;
	s7 =	simm.s32 @p2 $0x1082  }
0x22: {  	[simem:s7], [sflag:s8] =	dma.local @!p0 [hbm:s6], $0xF7A  }
0x23: {  	s9 =	sor.u32 $0xD0000000, s2;
	s6 =	simm.s32 $0x108;
	_ =	swait.ge @!p0 [sflag:s8], $0x0  }
0x24: {  	s3 =	sadd.s32 $0x88, s3;
	s6 =	simm.s32 @!p1 $0x1082;
	[sflag:s4] =	ssyncset.s32 $0xFFFFF086  }
0x25: {  	[simem:s6], [sflag:s4] =	dma.local [hbm:s3], $0xF7A  }
0x26: {  	[smem:$0x3F94] =	sst s1;
	(tag) =	ssettag s2;
	_ =	strace s9  }
0x27: {  	s1 =	sld [smem:$0x3FA4]  }
0x28: {  	s2 =	sld [smem:$0x3FA5]  }
0x29: {  	s4 =	sld [smem:$0x3FA7]  }
0x2a: {  	p0 =	seq.s32 s5, $0x0;
	s5 =	sld [smem:$0x3FA8]  }
0x2b: {  	s6 =	sld [smem:$0x3FA9]  }
0x2c: {  	s7 =	sld [smem:$0x3FAA]  }
0x2d: {  	s3 =	simm.s32 $0x108;
	s8 =	sld [smem:$0x3FAB]  }
0x2e: {  	s3 =	simm.s32 @!p0 $0x1082;
	s9 =	sld [smem:$0x3FAC]  }
0x2f: {  	lr =	sadd.s32 s0, s3;
	s0 =	sld [smem:$0x3FA3]  }
0x30: {  	s3 =	sld [smem:$0x3FA6]  }
0x31: {  	[smem:$0x3FAF] =	sst s10  }
0x32: {  	s10 =	sld [smem:$0x3FAD];
	_ =	sdelay $0x3  }
0x33: {  	p0 =	seq.s32 s10, $0x1;
	s10 =	sld [smem:$0x3FAF];
	_ =	sdelay $0x3  }
0x34: {  	[smem:$0x3FAF] =	sst s10  }
0x35: {  	s10 =	sld [smem:$0x3FAE];
	_ =	sdelay $0x3  }
0x36: {  	p1 =	seq.s32 s10, $0x1;
	s10 =	sld [smem:$0x3FAF];
	_ =	sdelay $0x3  }
0x37: {  	[smem:$0x3FAF] =	sst s10  }
0x38: {  	s10 =	sld [smem:$0x3FB0]  }
0x39: {  	_ = 	snop;
	(pc) =	sbr.ind lr, $3  }
0x3a: {  	_ = 	snop  }
0x3b: {  	_ = 	snop  }
0x3c: {  	p2 =	seq.s32 s10, $0x1;
	s10 =	sld [smem:$0x3FAF]  }
0x3d: {  	_ =	shalt  }
0x3e: {  	_ =	shalt  }
0x3f: {  	_ =	shalt  }
0x40: {  	_ =	shalt  }
0x41: {  	_ =	shalt  }
0x42: {  	_ =	shalt  }
0x43: {  	_ =	shalt  }
0x44: {  	_ =	shalt  }
0x45: {  	_ =	shalt  }
0x46: {  	_ =	shalt  }
0x47: {  	_ =	shalt  }
0x48: {  	_ =	shalt  }
0x49: {  	_ =	shalt  }
0x4a: {  	_ =	shalt  }
0x4b: {  	_ =	shalt  }
0x4c: {  	_ =	shalt  }
0x4d: {  	_ =	shalt  }
0x4e: {  	_ =	shalt  }
0x4f: {  	_ =	shalt  }
0x50: {  	_ =	shalt  }
0x51: {  	_ =	shalt  }
0x52: {  	_ =	shalt  }
0x53: {  	_ =	shalt  }
0x54: {  	_ =	shalt  }
0x55: {  	_ =	shalt  }
0x56: {  	_ =	shalt  }
0x57: {  	_ =	shalt  }
0x58: {  	_ =	shalt  }
0x59: {  	_ =	shalt  }
0x5a: {  	_ =	shalt  }
0x5b: {  	_ =	shalt  }
0x5c: {  	_ =	shalt  }
0x5d: {  	_ =	shalt  }
0x5e: {  	_ =	shalt  }
0x5f: {  	_ =	shalt  }
0x60: {  	_ =	shalt  }
0x61: {  	_ =	shalt  }
0x62: {  	_ =	shalt  }
0x63: {  	_ =	shalt  }
0x64: {  	_ =	shalt  }
0x65: {  	_ =	shalt  }
0x66: {  	_ =	shalt  }
0x67: {  	_ =	shalt  }
0x68: {  	_ =	shalt  }
0x69: {  	_ =	shalt  }
0x6a: {  	_ =	shalt  }
0x6b: {  	_ =	shalt  }
0x6c: {  	_ =	shalt  }
0x6d: {  	_ =	shalt  }
0x6e: {  	_ =	shalt  }
0x6f: {  	_ =	shalt  }
0x70: {  	_ =	shalt  }
0x71: {  	_ =	shalt  }
0x72: {  	_ =	shalt  }
0x73: {  	_ =	shalt  }
0x74: {  	_ =	shalt  }
0x75: {  	_ =	shalt  }
0x76: {  	_ =	shalt  }
0x77: {  	_ =	shalt  }
0x78: {  	_ =	shalt  }
0x79: {  	_ =	shalt  }
0x7a: {  	_ =	shalt  }
0x7b: {  	_ =	shalt  }
0x7c: {  	_ =	shalt  }
0x7d: {  	_ =	shalt  }
0x7e: {  	_ =	shalt  }
0x7f: {  	_ =	shalt  }
0x80: {  	_ =	shalt  }
0x81: {  	_ =	shalt  }
0x82: {  	_ =	shalt  }
0x83: {  	_ =	shalt  }
0x84: {  	_ =	shalt  }
0x85: {  	_ =	shalt  }
0x86: {  	_ =	shalt  }
0x87: {  	_ =	shalt  }
.Lfunc_end0:
.L_simem_size_0:
called_computation.1_lowered:
.L_overlay_start_0:
0x88: {  	s2 =	sld [smem:$0x3FD9]  }
0x89: {  	s3 =	sld [smem:$0x3FFE];
	_ =	sdelay $0x1  }
0x8a: {  	s1 =	srdreg.scid  }
0x8b: {  	s0 =	sand.u32 $0x1, s1  }
0x8c: {  	s14 =	sshll.u32 s0, $0xA;
	s2 =	sadd.s32 s3, s2  }
0x8d: {  	s2 =	sadd.s32 s2, s14  }
0x8e: {  	[smem:$0x3FBB] =	sst s2  }
0x8f: {  	_ = 	snop  }
0x90: {  	s2 =	sld [smem:$0x3FD0];
	_ =	sdelay $0x2  }
0x91: {  	s4 =	simm.s32 $0xB;
	s5 =	simm.s32 $0x10;
	s15 =	sld [smem:$0x3FBD]  }
0x92: {  	[smem:s5], [sflag:s4] =	dma.local [hbm:s2], $0x1  }
0x93: {  	_ =	swait.eq [sflag:s4], $0x1  }
0x94: {  	s16 =	sld [smem:$0x10];
	[sflag:s4] =	ssyncset.done $0x0  }
0x95: {  	s17 =	sld [smem:$0x11];
	[sflag:s4] =	ssyncadd.s32 $0xFFFFFFFF  }
0x96: {  	s18 =	sld [smem:$0x13];
	(tm) =	ssettm $0x1  }
0x97: {  	s6 =	sld [smem:$0x3FFB];
	_ =	sdelay $0x3  }
0x98: {  	_ =	strace s6  }
0x99: {  	s6 =	sld [smem:$0x3FFC];
	_ =	sdelay $0x3  }
0x9a: {  	_ =	strace s6  }
0x9b: {  	s6 =	sld [smem:$0x3FFD];
	_ =	sdelay $0x3  }
0x9c: {  	_ =	strace s6  }
0x9d: {  	_ =	strace $0x8FFFFFFF  }
0x9e: {  	s19 =	sld [smem:$0x3FDB];
	_ =	sdelay $0x1  }
0x9f: {  	s7 =	simm.s32 $_scs_section_size  }
0xa0: {  	s8 =	simm.s32 $_size__tile_overlayer_lowered;
	s9 =	simm.s32 $_tile_overlayer_lowered  }
0xa1: {  	s22 =	simm.s32 $0x1BFF;
	s21 =	sshll.u32 s9, $0x1;
	s6 =	sadd.s32 s7, s19  }
0xa2: {  	s10 =	simm.s32 $0x0;
	s20 =	sshll.u32 s8, $0x1;
	s8 =	sadd.s32 s21, s6  }
0xa3: {  	[timem:s10], [sflag:s22] =	dma.local [hbm:s8], s20  }
0xa4: {  	_ =	swait.ge [sflag:s22], s20  }
0xa5: {  	s7 =	ssub.s32 $0x0, s20;
	[sflag:s22] =	ssyncset.done $0x0  }
0xa6: {  	[sflag:s22] =	ssyncadd.s32 s7;
	_ =	sdelay $0x1  }
0xa7: {  	s23 =	simm.s32 $0x1B8B  }
0xa8: {  	_ =	swait.ge [sflag:s23], $0x1  }
0xa9: {  	[sflag:s23] =	ssyncset.done $0x0  }
0xaa: {  	s25 =	simm.s32 $0x1B8E;
	s24 =	sld [smem:$0x3FFE];
	[sflag:s23] =	ssyncadd.s32 $0xFFFFFFFF  }
0xab: {  	s26 =	simm.s32 $execute0_lowered;
	[smem:$0x3FD2] =	sst s25  }
0xac: {  	s8 =	sshll.u32 s26, $0x1;
	_ =	strace $0x80000046;
	[dreg:$0x1] =	wrdreg $0xFFFFFFFF  }
0xad: {  	s28 =	simm.s32 $_size_execute0_lowered;
	s6 =	sadd.s32 s6, s8;
	[dreg:$0x0] =	wrdreg $0x0  }
0xae: {  	s8 =	sshll.u32 s28, $0x1;
	[dreg:$0x2] =	wrdreg s6  }
0xaf: {  	[dreg:$0x3] =	wrdreg s8  }
0xb0: {  	[dreg:$0x4] =	wrdreg $0xC0  }
0xb1: {  	_ =	task [dreg:s10], $0x5FFFF  }
0xb2: {  	[dreg:$0x1] =	wrdreg $0xFFFFFFFF  }
0xb3: {  	[dreg:$0x0] =	wrdreg $0x60  }
0xb4: {  	[dreg:$0x2] =	wrdreg s16  }
0xb5: {  	[dreg:$0x3] =	wrdreg s24  }
0xb6: {  	[dreg:$0x4] =	wrdreg s17  }
0xb7: {  	[dreg:$0x5] =	wrdreg s18  }
0xb8: {  	[dreg:$0x6] =	wrdreg s15  }
0xb9: {  	[dreg:$0x7] =	wrdreg $0xA  }
0xba: {  	_ =	task.clear_ibuf [dreg:s10], $0x8FFFF;
	_ =	strace $0x90000046  }
0xbb: {  	s29 =	simm.s32 $0xA;
	_ =	strace $0x80000048  }
0xbc: {  	_ =	swait.ge [sflag:s29], $0x1  }
0xbd: {  	[sflag:s29] =	ssyncadd.s32 $0xFFFFFFFF  }
0xbe: {  	_ =	strace $0x90000048  }
0xbf: {  	_ =	sfence  }
0xc0: {  	s30 =	sld [smem:$0x0];
	_ =	sdelay $0x2  }
0xc1: {  	s31 =	sshll.u32 s1, $0xD;
	s1 =	sshrl.u32 s1, $0x2  }
0xc2: {  	s3 =	sand.u32 $0x4000, s31;
	s1 =	sadd.s32 s1, s30  }
0xc3: {  	s0 =	sor.u32 s3, s0;
	s1 =	sshll.u32 s1, $0x11  }
0xc4: {  	s0 =	sor.u32 s1, s0  }
0xc5: {  	s0 =	sadd.s32 $0x8F2B, s0  }
0xc6: {  	[sflag:s0] =	ssyncadd.remote.s32 $0x1  }
0xc7: {  	_ =	sfence.sel $0xFFFF  }
0xc8: {  	[dreg:$0x0] =	wrdreg $0xFFFFFFFF;
	(pc) =	sbr.abs _section_cstart, $3  }
0xc9: {  	[dreg:$0x1] =	wrdreg $0xFFFFFFFF  }
0xca: {  	_ =	task.clear_ibuf [dreg:s10], $0x2FFFF;
	_ =	strace $0x9FFFFFFF  }
0xcb: {  	(tm) =	ssettm $0x7FFFFFFF  }
tec
execute0_lowered:
.L_overlay_start_1:
0x0: {  	(tag) =	ssettag $0x1  }
0x1: {  	s0 =	rddreg [dreg:$0x0]  }
0x2: {  	s1 =	rddreg [dreg:$0x1]  }
0x3: {  	s2 =	rddreg [dreg:$0x2];
	s1 =	sadd.s32 $0x4FC00, s1  }
0x4: {  	_ =	strace $0x80000047;
	s11 =	sadd.s32 $0x100, s2;
	[smem:$0x7FD] =	sst s1  }
0x5: {  	s12 =	sadd.s32 $0x200, s2;
	[dreg:$0x9] =	wrdreg s11  }
0x6: {  	s13 =	sadd.s32 $0x300, s2;
	[dreg:$0xa] =	wrdreg s12  }
0x7: {  	s14 =	sadd.s32 $0x400, s2;
	[dreg:$0xb] =	wrdreg s13  }
0x8: {  	s15 =	sadd.s32 $0x500, s2;
	[dreg:$0xc] =	wrdreg s14  }
0x9: {  	s16 =	sadd.s32 $0x600, s2;
	[dreg:$0xd] =	wrdreg s15  }
0xa: {  	s17 =	sadd.s32 $0x700, s2;
	[dreg:$0xe] =	wrdreg s16  }
0xb: {  	s18 =	sadd.s32 $0x800, s2;
	[dreg:$0xf] =	wrdreg s17  }
0xc: {  	s19 =	sadd.s32 $0x900, s2;
	[dreg:$0x10] =	wrdreg s18  }
0xd: {  	s20 =	sadd.s32 $0xA00, s2;
	[dreg:$0x11] =	wrdreg s19  }
0xe: {  	s2 =	sadd.s32 $0xB00, s2;
	[dreg:$0x12] =	wrdreg s20  }
0xf: {  	s21 =	sadd.s32 $0x100, s0;
	[dreg:$0x6] =	wrdreg s2  }
0x10: {  	s3 =	srdreg.scid;
	s22 =	sadd.s32 $0x200, s0;
	[dreg:$0x7] =	wrdreg s21  }
0x11: {  	s6 =	stileid.u32;
	s23 =	sadd.s32 $0x300, s0;
	[dreg:$0x8] =	wrdreg s22  }
0x12: {  	s3 =	sand.u32 $0x1, s3;
	s24 =	sadd.s32 $0x400, s0;
	[dreg:$0x13] =	wrdreg s23  }
0x13: {  	s7 =	sshll.u32 s6, $0x1;
	s25 =	sadd.s32 $0x500, s0;
	[dreg:$0x14] =	wrdreg s24  }
0x14: {  	s26 =	sadd.s32 $0x600, s0;
	s28 =	sadd.s32 $0x700, s0;
	[dreg:$0x15] =	wrdreg s25  }
0x15: {  	s29 =	sadd.s32 $0x800, s0;
	s30 =	sadd.s32 $0x900, s0;
	[dreg:$0x16] =	wrdreg s26  }
0x16: {  	s31 =	sadd.s32 $0xA00, s0;
	s0 =	sadd.s32 $0xB00, s0;
	[dreg:$0x18] =	wrdreg s28  }
.Ltmp0:
0x17: {  	v1 =	vimm.s32 $0x0;
	vm14 =	vmxor vm14, vm14;
	vm1 =	vcmask $0x3F04;
	s4 =	ssub.s32 $0x2, s3;
	[dreg:$0x19] =	wrdreg s29;
	(pc) =	sbr.rel .LBB2_1-.Ltmp0, $4  }
0x18: {  	vm2 =	vcmask $0x3F08;
	vm3 =	vcmask $0x3F0C;
	vm4 =	vcmask $0x3F10;
	s6 =	simm.s32 $0x7D80;
	[dreg:$0x1a] =	wrdreg s30;
	s5 =	sshrl.u32 s4, $0x1  }
0x19: {  	vm5 =	vcmask $0x3F14;
	vm6 =	vcmask $0x3F18;
	v2 =	vlaneseq.u32;
	s3 =	sor.u32 s3, s7;
	[dreg:$0x1b] =	wrdreg s31;
	s10 =	ssub.s32 s4, s5  }
0x1a: {  	vm7 =	vcmask $0x3F1C;
	vm8 =	vmmov $0xffff;
	v4 =	vshrl.u32 v2, $0x3;
	[dreg:$0x1c] =	wrdreg s0;
	s16 =	simm.s32 $0x8;
	s1 =	smax.u32 s10, $0x1  }
0x1b: {  	v3 =	vand.u32 $0x7, v2;
	v4 =	vmul.u32 $0x8, v4;
	s17 =	simm.s32 $0x6000;
	v0 =	vmov s3;
	[dreg:$0x17] =	wrdreg s1;
	s1 =	simm.s32 $0x0  }
.LBB2_13:
0x1c: {  	s1 =	rddreg [dreg:$0x1d]  }
0x1d: {  	s0 =	rddreg [dreg:$0x17];
	s1 =	sadd.s32 $0x1, s1  }
0x1e: {  	p0 =	sne.s32 s1, s0  }
.Ltmp1:
0x1f: {  	_ = 	snop;
	(pc) =	sbr.rel @!p0 .LBB2_14-.Ltmp1, $1  }
0x20: {  	_ =	sdelay $0x3  }
.LBB2_1:
0x21: {  	[dreg:$0x1d] =	wrdreg s1  }
0x22: {  	s4 =	simm.s32 $0x6400;
	s0 =	rddreg [dreg:$0x4]  }
.Ltmp2:
0x23: {  	s30 =	simm.s32 $0x0;
	s31 =	simm.s32 $0x3;
	(pc) =	sbr.rel .LBB2_2-.Ltmp2, $4  }
0x24: {  	[tilespmem:s4], [sflag:$0x3] =	stream.linear.gather [hbm4b:s0+s30], $0x800, $0x38;
	[tilespmem:$0x7E00] =	vst v63  }
0x25: {  	_ =	swait.ge [sflag:s31], $0x800  }
0x26: {  	s24 =	simm.s32 $0x0;
	[sflag:s31] =	ssyncset.done $0x0  }
0x27: {  	s3 =	simm.s32 $0x0;
	s0 =	simm.s32 $0x6C00;
	[sflag:s31] =	ssyncadd.s32 $0xFFFFF800  }
.LBB2_4:
0x28: {  	s24 =	sadd.s32 $0x10, s24  }
0x29: {  	p0 =	sne.s32 s24, $0x800  }
.Ltmp3:
0x2a: {  	_ = 	snop;
	(pc) =	sbr.rel @!p0 .LBB2_5-.Ltmp3, $2  }
0x2b: {  	_ =	sdelay $0x2  }
0x2c: {  	s3 =	sadd.s32 s5, s1;
	s4 =	sadd.s32 $0x10, s4  }
.LBB2_2:
0x2d: {  	v5 =	vld [tilespmem:s4+$0x0];
	_ =	sdelay $0x4  }
0x2e: {  	v6 =	vshrl.u32 v5, $0x4  }
0x2f: {  	v6 =	vand.u32 $0x1F, v6  }
0x30: {  	vm9 =	vlt.s32 v5, $0x2710;
	vm10 =	veq.s32 v6, v0  }
0x31: {  	vm9 =	vmand vm9, vm10  }
0x32: {  	v6 =	vmpcnt.ones.xlane vm9;
	_ =	sdelay $0x1  }
0x33: {  	(v2sf) =	vpush v6, $0x0;
	_ =	sdelay $0xe  }
0x34: {  	s1 =	spop (v2sf)  }
0x35: {  	p0 =	slt.s32 s1, $0x1  }
.Ltmp4:
0x36: {  	_ = 	snop;
	(pc) =	sbr.rel @p0 .LBB2_4-.Ltmp4, $2  }
0x37: {  	_ =	sdelay $0x2  }
0x38: {  	s5 =	smov.u32 s3  }
0x39: {  	v6 =	vsel vm9, $0x1, v1  }
0x3a: {  	(v2sf) =	vpush v6, $0x0  }
0x3b: {  	(v2sf) =	vpush v6, $0x1  }
0x3c: {  	(v2sf) =	vpush v6, $0x2  }
0x3d: {  	(v2sf) =	vpush v6, $0x3;
	_ =	sdelay $0x1  }
0x3e: {  	(v2sf) =	vpush v6, $0x4;
	_ =	sdelay $0x2  }
0x3f: {  	(v2sf) =	vpush v6, $0x5  }
0x40: {  	(v2sf) =	vpush v6, $0x6;
	_ =	sdelay $0x1  }
0x41: {  	(v2sf) =	vpush v6, $0x7  }
0x42: {  	(v2sf) =	vpush v6, $0x8  }
0x43: {  	(v2sf) =	vpush v6, $0x9  }
0x44: {  	(v2sf) =	vpush v6, $0xA  }
0x45: {  	(v2sf) =	vpush v6, $0xB;
	s3 =	spop (v2sf)  }
0x46: {  	vm10 =	vmmov vm14;
	vm0 =	vmmov vm14;
	(v2sf) =	vpush v6, $0xC;
	p0 =	sne.s32 s3, $0x0;
	s14 =	spop (v2sf)  }
0x47: {  	vm11 =	vmmov vm14;
	(v2sf) =	vpush v6, $0xD;
	vm10 =	vmneg @p0 vm10;
	p0 =	sne.s32 s14, $0x0;
	s15 =	spop (v2sf)  }
0x48: {  	(v2sf) =	vpush v6, $0xE;
	vm10 =	vmand vm10, vm1;
	vm0 =	vmneg @p0 vm0;
	p0 =	sne.s32 s15, $0x0;
	s18 =	spop (v2sf)  }
0x49: {  	vm11 =	vmneg @p0 vm11;
	p0 =	sne.s32 s18, $0x0;
	v6 =	vsel vm10, $0x1, v1;
	vm10 =	vmmov vm14  }
0x4a: {  	s19 =	spop (v2sf);
	vm0 =	vmand vm0, vm2;
	vm10 =	vmneg @p0 vm10  }
0x4b: {  	p0 =	sne.s32 s19, $0x0;
	v7 =	vsel vm0, $0x1, v1;
	vm0 =	vmand vm11, vm3;
	vm11 =	vmmov vm14  }
0x4c: {  	vm11 =	vmneg @p0 vm11  }
0x4d: {  	s20 =	spop (v2sf);
	v8 =	vsel vm0, $0x1, v1;
	vm0 =	vmand vm10, vm4;
	vm10 =	vmmov vm14  }
0x4e: {  	p0 =	sne.s32 s20, $0x0;
	s21 =	spop (v2sf);
	v7 =	vadd.s32 s5, v7;
	v9 =	vsel vm0, $0x1, v1;
	vm0 =	vmand vm11, vm5  }
0x4f: {  	vm10 =	vmneg @p0 vm10;
	p0 =	sne.s32 s21, $0x0;
	vm11 =	vmmov vm14;
	v6 =	vadd.s32 v6, v7  }
0x50: {  	s22 =	spop (v2sf);
	v10 =	vsel vm0, $0x1, v1;
	vm0 =	vmand vm10, vm6;
	vm11 =	vmneg @p0 vm11  }
0x51: {  	p0 =	sne.s32 s22, $0x0;
	vm10 =	vmmov vm14;
	v6 =	vadd.s32 v8, v6;
	v11 =	vsel vm0, $0x1, v1  }
0x52: {  	vm0 =	vmand vm11, vm7;
	vm10 =	vmneg @p0 vm10;
	vm11 =	vcmask $0x3F20  }
0x53: {  	s23 =	spop (v2sf);
	v6 =	vadd.s32 v9, v6;
	v12 =	vsel vm0, $0x1, v1;
	vm0 =	vmmov vm14  }
0x54: {  	p0 =	sne.s32 s23, $0x0;
	vm10 =	vmand vm10, vm11;
	v6 =	vadd.s32 v10, v6;
	vm11 =	vcmask $0x3F28  }
0x55: {  	s25 =	spop (v2sf);
	vm0 =	vmneg @p0 vm0;
	v7 =	vsel vm10, $0x1, v1;
	vm10 =	vcmask $0x3F24  }
0x56: {  	p0 =	sne.s32 s25, $0x0;
	v6 =	vadd.s32 v11, v6;
	vm0 =	vmand vm0, vm10;
	vm10 =	vmmov vm14  }
0x57: {  	s26 =	spop (v2sf);
	v6 =	vadd.s32 v12, v6;
	v59 =	vsel vm0, $0x1, v1;
	vm10 =	vmneg @p0 vm10  }
0x58: {  	p0 =	sne.s32 s26, $0x0;
	vm0 =	vmmov vm14;
	v6 =	vadd.s32 v7, v6;
	vm10 =	vmand vm10, vm11  }
0x59: {  	s28 =	spop (v2sf);
	vm0 =	vmneg @p0 vm0;
	v60 =	vsel vm10, $0x1, v1;
	vm10 =	vcmask $0x3F2C  }
0x5a: {  	p0 =	sne.s32 s28, $0x0;
	v6 =	vadd.s32 v59, v6;
	vm0 =	vmand vm0, vm10;
	vm10 =	vmmov vm14  }
0x5b: {  	vm11 =	vcmask $0x3F30;
	s29 =	spop (v2sf);
	v6 =	vadd.s32 v60, v6;
	vm10 =	vmneg @p0 vm10  }
0x5c: {  	v61 =	vsel vm0, $0x1, v1;
	p0 =	sne.s32 s29, $0x0;
	vm0 =	vmmov vm14;
	vm10 =	vmand vm10, vm11  }
0x5d: {  	s30 =	spop (v2sf);
	vm0 =	vmneg @p0 vm0;
	v7 =	vsel vm10, $0x1, v1;
	vm10 =	vcmask $0x3F34  }
0x5e: {  	p0 =	sne.s32 s30, $0x0;
	v6 =	vadd.s32 v61, v6;
	vm0 =	vmand vm0, vm10;
	vm10 =	vmmov vm14  }
0x5f: {  	s31 =	spop (v2sf);
	vm11 =	vcmask $0x3F38;
	v6 =	vadd.s32 v7, v6;
	vm10 =	vmneg @p0 vm10  }
0x60: {  	v62 =	vsel vm0, $0x1, v1;
	p0 =	sne.s32 s31, $0x0;
	vm0 =	vmmov vm14;
	vm10 =	vmand vm10, vm11  }
0x61: {  	vm0 =	vmneg @p0 vm0;
	v7 =	vsel vm10, $0x1, v1;
	vm10 =	vcmask $0x3F3C  }
0x62: {  	v6 =	vadd.s32 v62, v6;
	vm0 =	vmand vm0, vm10  }
0x63: {  	v6 =	vadd.s32 v7, v6;
	v63 =	vsel vm0, $0x1, v1  }
0x64: {  	v6 =	vadd.s32 v63, v6;
	_ =	sdelay $0x1  }
.Ltmp5:
0x65: {  	_ = 	snop;
	(pc) =	sbr.rel .LBB2_4-.Ltmp5, $3  }
0x66: {  	_ =	sdelay $0x1  }
0x67: {  	s2 =	simm.s32 $0x7480;
	[tilespmem:v6+s0+$0x0] =	vst.idx.msk vm9, v5;
	v5 =	vor.u32 s24, v2  }
0x68: {  	[tilespmem:v6+s2+$0x0] =	vst.idx.msk vm9, v5  }
.LBB2_5:
0x69: {  	s3 =	sadd.s32 $0x7, s3  }
0x6a: {  	s4 =	sand.u32 $0x7, s3  }
0x6b: {  	s24 =	sshra.s32 s3, $0x1F;
	p0 =	slt.s32 s3, $0x1;
	p1 =	sne.s32 s4, $0x0  }
0x6c: {  	s31 =	sshrl.u32 s24, $0x1D;
	p0 =	por !p0, !p1  }
0x6d: {  	s4 =	simm.s32 $0x1;
	s3 =	sadd.s32 s31, s3;
	p0 =	por !p0, !p0  }
0x6e: {  	s3 =	sshra.s32 s3, $0x3;
	s4 =	simm.s32 @!p0 $0x0  }
0x6f: {  	s18 =	ssub.s32 s3, s4  }
0x70: {  	p0 =	slt.s32 s18, $0x1  }
.Ltmp6:
0x71: {  	_ = 	snop;
	(pc) =	sbr.rel @p0 .LBB2_13-.Ltmp6, $1  }
0x72: {  	_ =	sdelay $0x3  }
.Ltmp7:
0x73: {  	(pc) =	sbr.rel .LBB2_7-.Ltmp7, $2  }
0x74: {  	_ =	sdelay $0x2  }
0x75: {  	s5 =	sadd.s32 s5, s1;
	s20 =	simm.s32 $0x6C00;
	s21 =	simm.s32 $0x7480  }
.LBB2_8:
0x76: {  	_ =	sdelay $0x3  }
0x77: {  	[tilespmem:v2+s6+$0x0] =	vst.idx.msk $0xff, v5;
	s2 =	simm.s32 $0x7D00  }
0x78: {  	[tilespmem:v2+s2+$0x0] =	vst.idx.msk $0xff, v6  }
0x79: {  	v5 =	vld.msk [tilespmem:$0x7D00], $0xff;
	_ =	sdelay $0x4  }
0x7a: {  	v6 =	vshrl.u32 v5, $0x3  }
0x7b: {  	v6 =	vmul.u32 $0xC0, v6  }
0x7c: {  	v5 =	vand.u32 $0x7, v5  }
0x7d: {  	v5 =	vor.u32 v5, v6  }
0x7e: {  	v5 =	vperm.xlane v5, v3;
	_ =	sdelay $0x1  }
0x7f: {  	v5 =	vadd.s32 v4, v5;
	_ =	sdelay $0x3  }
0x80: {  	s0 =	rddreg [dreg:$0x2];
	s1 =	simm.s32 $0x0  }
0x81: {  	[tilespmem:s1], [sflag:$0x1] =	stream.indirect_vreg.gather [hbm4b:s0+s1], $0x80, v5, vm8, $0xb8;
	[tilespmem:$0x7E00] =	vst v63  }
0x82: {  	s13 =	rddreg [dreg:$0x9];
	s3 =	simm.s32 $0x800  }
0x83: {  	[tilespmem:s3], [sflag:$0x1] =	stream.indirect_vreg.gather [hbm4b:s13+s1], $0x80, v5, vm8, $0xb8;
	[tilespmem:$0x7E00] =	vst v63  }
0x84: {  	s14 =	rddreg [dreg:$0xa];
	s4 =	simm.s32 $0x1000  }
0x85: {  	[tilespmem:s4], [sflag:$0x1] =	stream.indirect_vreg.gather [hbm4b:s14+s1], $0x80, v5, vm8, $0xb8;
	[tilespmem:$0x7E00] =	vst v63  }
0x86: {  	s15 =	rddreg [dreg:$0xb];
	s7 =	simm.s32 $0x1800  }
0x87: {  	[tilespmem:s7], [sflag:$0x1] =	stream.indirect_vreg.gather [hbm4b:s15+s1], $0x80, v5, vm8, $0xb8;
	[tilespmem:$0x7E00] =	vst v63  }
0x88: {  	s19 =	rddreg [dreg:$0xc];
	s8 =	simm.s32 $0x2000  }
0x89: {  	[tilespmem:s8], [sflag:$0x1] =	stream.indirect_vreg.gather [hbm4b:s19+s1], $0x80, v5, vm8, $0xb8;
	[tilespmem:$0x7E00] =	vst v63  }
0x8a: {  	s22 =	rddreg [dreg:$0xd];
	s9 =	simm.s32 $0x2800  }
0x8b: {  	[tilespmem:s9], [sflag:$0x1] =	stream.indirect_vreg.gather [hbm4b:s22+s1], $0x80, v5, vm8, $0xb8;
	[tilespmem:$0x7E00] =	vst v63  }
0x8c: {  	s23 =	rddreg [dreg:$0xe];
	s10 =	simm.s32 $0x3000  }
0x8d: {  	[tilespmem:s10], [sflag:$0x1] =	stream.indirect_vreg.gather [hbm4b:s23+s1], $0x80, v5, vm8, $0xb8;
	[tilespmem:$0x7E00] =	vst v63  }
0x8e: {  	s24 =	rddreg [dreg:$0xf];
	s11 =	simm.s32 $0x3800  }
0x8f: {  	[tilespmem:s11], [sflag:$0x1] =	stream.indirect_vreg.gather [hbm4b:s24+s1], $0x80, v5, vm8, $0xb8;
	[tilespmem:$0x7E00] =	vst v63  }
0x90: {  	s25 =	rddreg [dreg:$0x10];
	s12 =	simm.s32 $0x4000  }
0x91: {  	[tilespmem:s12], [sflag:$0x1] =	stream.indirect_vreg.gather [hbm4b:s25+s1], $0x80, v5, vm8, $0xb8;
	[tilespmem:$0x7E00] =	vst v63  }
0x92: {  	s26 =	rddreg [dreg:$0x11];
	s13 =	simm.s32 $0x4800  }
0x93: {  	[tilespmem:s13], [sflag:$0x1] =	stream.indirect_vreg.gather [hbm4b:s26+s1], $0x80, v5, vm8, $0xb8;
	[tilespmem:$0x7E00] =	vst v63  }
0x94: {  	s28 =	rddreg [dreg:$0x12];
	s14 =	simm.s32 $0x5000  }
0x95: {  	[tilespmem:s14], [sflag:$0x1] =	stream.indirect_vreg.gather [hbm4b:s28+s1], $0x80, v5, vm8, $0xb8;
	[tilespmem:$0x7E00] =	vst v63  }
0x96: {  	s29 =	rddreg [dreg:$0x6];
	s15 =	simm.s32 $0x5800  }
0x97: {  	[tilespmem:s15], [sflag:$0x1] =	stream.indirect_vreg.gather [hbm4b:s29+s1], $0x80, v5, vm8, $0xb8;
	[tilespmem:$0x7E00] =	vst v63  }
0x98: {  	s30 =	rddreg [dreg:$0x3];
	s31 =	simm.s32 $0x1  }
0x99: {  	[tilespmem:s17], [sflag:$0x1] =	stream.indirect.gather [hbm4b:s30+s16], $0x80, s2, s16, $0xb8;
	[tilespmem:$0x7E00] =	vst v63  }
0x9a: {  	_ =	swait.ge [sflag:s31], $0x6000  }
0x9b: {  	[sflag:s31] =	ssyncset.done $0x0  }
0x9c: {  	[sflag:s31] =	ssyncadd.s32 $0xFFFFA000  }
0x9d: {  	_ =	swait.ge [sflag:s31], $0x400  }
0x9e: {  	[sflag:s31] =	ssyncset.done $0x0  }
0x9f: {  	[sflag:s31] =	ssyncadd.s32 $0xFFFFFC00  }
0xa0: {  	v5 =	vld.msk [tilespmem:$0x7D80], $0xff;
	_ =	sdelay $0x4  }
0xa1: {  	v6 =	vshrl.u32 v5, $0x3  }
0xa2: {  	v6 =	vmul.u32 $0xC0, v6  }
0xa3: {  	v5 =	vand.u32 $0x7, v5  }
0xa4: {  	v5 =	vor.u32 v5, v6  }
0xa5: {  	v5 =	vperm.xlane v5, v3;
	_ =	sdelay $0x1  }
0xa6: {  	v5 =	vadd.s32 v4, v5;
	_ =	sdelay $0x3  }
0xa7: {  	s0 =	rddreg [dreg:$0x0]  }
0xa8: {  	[hbm4b:s0+s1] =	stream.indirect_vreg.scatter [tilespmem:s1], [sflag:$0x2], $0x80, v5, vm8, $0xb8;
	[tilespmem:$0x7E00] =	vst v63  }
0xa9: {  	s2 =	rddreg [dreg:$0x7]  }
0xaa: {  	[hbm4b:s2+s1] =	stream.indirect_vreg.scatter [tilespmem:s3], [sflag:$0x2], $0x80, v5, vm8, $0xb8;
	[tilespmem:$0x7E00] =	vst v63  }
0xab: {  	s19 =	rddreg [dreg:$0x8]  }
0xac: {  	[hbm4b:s19+s1] =	stream.indirect_vreg.scatter [tilespmem:s4], [sflag:$0x2], $0x80, v5, vm8, $0xb8;
	[tilespmem:$0x7E00] =	vst v63  }
0xad: {  	s22 =	rddreg [dreg:$0x13]  }
0xae: {  	[hbm4b:s22+s1] =	stream.indirect_vreg.scatter [tilespmem:s7], [sflag:$0x2], $0x80, v5, vm8, $0xb8;
	[tilespmem:$0x7E00] =	vst v63  }
0xaf: {  	s23 =	rddreg [dreg:$0x14]  }
0xb0: {  	[hbm4b:s23+s1] =	stream.indirect_vreg.scatter [tilespmem:s8], [sflag:$0x2], $0x80, v5, vm8, $0xb8;
	[tilespmem:$0x7E00] =	vst v63  }
0xb1: {  	s24 =	rddreg [dreg:$0x15]  }
0xb2: {  	[hbm4b:s24+s1] =	stream.indirect_vreg.scatter [tilespmem:s9], [sflag:$0x2], $0x80, v5, vm8, $0xb8;
	[tilespmem:$0x7E00] =	vst v63  }
0xb3: {  	s25 =	rddreg [dreg:$0x16]  }
0xb4: {  	[hbm4b:s25+s1] =	stream.indirect_vreg.scatter [tilespmem:s10], [sflag:$0x2], $0x80, v5, vm8, $0xb8;
	[tilespmem:$0x7E00] =	vst v63  }
0xb5: {  	s26 =	rddreg [dreg:$0x18]  }
0xb6: {  	[hbm4b:s26+s1] =	stream.indirect_vreg.scatter [tilespmem:s11], [sflag:$0x2], $0x80, v5, vm8, $0xb8;
	[tilespmem:$0x7E00] =	vst v63  }
0xb7: {  	s28 =	rddreg [dreg:$0x19]  }
0xb8: {  	[hbm4b:s28+s1] =	stream.indirect_vreg.scatter [tilespmem:s12], [sflag:$0x2], $0x80, v5, vm8, $0xb8;
	[tilespmem:$0x7E00] =	vst v63  }
0xb9: {  	s29 =	rddreg [dreg:$0x1a]  }
0xba: {  	[hbm4b:s29+s1] =	stream.indirect_vreg.scatter [tilespmem:s13], [sflag:$0x2], $0x80, v5, vm8, $0xb8;
	[tilespmem:$0x7E00] =	vst v63  }
0xbb: {  	s30 =	rddreg [dreg:$0x1b]  }
0xbc: {  	[hbm4b:s30+s1] =	stream.indirect_vreg.scatter [tilespmem:s14], [sflag:$0x2], $0x80, v5, vm8, $0xb8;
	[tilespmem:$0x7E00] =	vst v63  }
0xbd: {  	s31 =	rddreg [dreg:$0x1c]  }
0xbe: {  	[hbm4b:s31+s1] =	stream.indirect_vreg.scatter [tilespmem:s15], [sflag:$0x2], $0x80, v5, vm8, $0xb8;
	[tilespmem:$0x7E00] =	vst v63  }
.LBB2_11:
0xbf: {  	s0 =	sld [smem:$0x7FD];
	_ =	sdelay $0x1  }
0xc0: {  	s31 =	simm.s32 $0x2  }
0xc1: {  	[hbm4b:s0+s16] =	stream.indirect.scatter [tilespmem:s17], [sflag:$0x2], $0x80, s6, s16, $0xb8;
	[tilespmem:$0x7E00] =	vst v63  }
0xc2: {  	_ =	swait.ge [sflag:s31], $0x6000  }
0xc3: {  	[sflag:s31] =	ssyncset.done $0x0  }
0xc4: {  	[sflag:s31] =	ssyncadd.s32 $0xFFFFA000  }
0xc5: {  	_ =	swait.ge [sflag:s31], $0x400  }
0xc6: {  	[sflag:s31] =	ssyncset.done $0x0  }
0xc7: {  	[sflag:s31] =	ssyncadd.s32 $0xFFFFFC00  }
.LBB2_12:
0xc8: {  	s18 =	sadd.s32 $0xFFFFFFFF, s18  }
0xc9: {  	p0 =	sne.s32 s18, $0x0  }
.Ltmp8:
0xca: {  	_ = 	snop;
	(pc) =	sbr.rel @!p0 .LBB2_13-.Ltmp8, $2  }
0xcb: {  	_ =	sdelay $0x2  }
0xcc: {  	s20 =	sadd.s32 $0x8, s20;
	s21 =	sadd.s32 $0x8, s21;
	s5 =	sadd.s32 $0xFFFFFFF8, s5  }
.LBB2_7:
0xcd: {  	v6 =	vld [tilespmem:s20+$0x0];
	_ =	sdelay $0x2  }
0xce: {  	p0 =	slt.s32 s5, $0x8;
	s3 =	smov.u32 s5  }
0xcf: {  	s3 =	simm.s32 @!p0 $0x8  }
0xd0: {  	v5 =	vmov s3;
	v7 =	vbroadcast v6, $0x0  }
0xd1: {  	vm9 =	vgt.s32 v5, v2  }
0xd2: {  	vm0 =	vmmov vm14;
	vm12 =	vmmov vm14;
	p0 =	sgt.s32 s5, $0x0;
	v5 =	vsel vm9, v6, v7  }
0xd3: {  	vm0 =	vmneg @p0 vm0;
	vm10 =	veq.s32 v5, v7;
	v7 =	vbroadcast v6, $0x1  }
0xd4: {  	vm13 =	vmmov vm14;
	p0 =	sgt.s32 s5, $0x1;
	vm0 =	vmand vm10, vm0;
	vm10 =	vmmov vm14  }
0xd5: {  	v8 =	vbroadcast v6, $0x2;
	vm11 =	veq.s32 v5, v7;
	vm10 =	vmneg @p0 vm10  }
0xd6: {  	vm0 =	vmand vm0, vm1;
	p0 =	sgt.s32 s5, $0x2;
	v7 =	vbroadcast v6, $0x3;
	vm10 =	vmand vm11, vm10  }
0xd7: {  	vm11 =	veq.s32 v5, v8;
	vm12 =	vmneg @p0 vm12;
	v8 =	vbroadcast v6, $0x5  }
0xd8: {  	vm10 =	vmand vm10, vm2;
	vm11 =	vmand vm11, vm12;
	vm12 =	veq.s32 v5, v7  }
0xd9: {  	p0 =	sgt.s32 s5, $0x3;
	vm0 =	vmor vm0, vm10;
	vm10 =	vmand vm11, vm3;
	vm11 =	vmmov vm14  }
0xda: {  	v7 =	vbroadcast v6, $0x4;
	v6 =	vbroadcast v6, $0x6;
	vm11 =	vmneg @p0 vm11  }
0xdb: {  	vm0 =	vmor vm10, vm0;
	p0 =	sgt.s32 s5, $0x4;
	vm10 =	vmand vm12, vm11;
	vm11 =	vmmov vm14  }
0xdc: {  	vm15 =	veq.s32 v5, v8;
	vm10 =	vmand vm10, vm4;
	vm11 =	vmneg @p0 vm11;
	p0 =	sgt.s32 s5, $0x5  }
0xdd: {  	vm12 =	veq.s32 v5, v7;
	vm13 =	vmneg @p0 vm13;
	vm0 =	vmor vm10, vm0  }
0xde: {  	vm10 =	vmand vm12, vm11;
	p0 =	sgt.s32 s5, $0x6;
	vm12 =	vmmov vm14;
	vm11 =	vmand vm15, vm13  }
0xdf: {  	vm10 =	vmand vm10, vm5;
	vm13 =	veq.s32 v5, v6;
	vm12 =	vmneg @p0 vm12  }
0xe0: {  	vm0 =	vmor vm10, vm0;
	vm10 =	vmand vm13, vm12;
	vm11 =	vmand vm11, vm6  }
0xe1: {  	vm0 =	vmor vm11, vm0;
	vm10 =	vmand vm10, vm7  }
0xe2: {  	vm0 =	vmor vm10, vm0  }
0xe3: {  	vm0 =	vmand vm9, vm0  }
0xe4: {  	v6 =	vmpcnt.ones.xlane vm0;
	_ =	sdelay $0x1  }
0xe5: {  	(v2sf) =	vpush v6, $0x0;
	_ =	sdelay $0xd  }
0xe6: {  	v6 =	vld [tilespmem:s21+$0x0]  }
0xe7: {  	s3 =	spop (v2sf)  }
0xe8: {  	p0 =	sne.s32 s3, $0x0  }
.Ltmp9:
0xe9: {  	_ = 	snop;
	(pc) =	sbr.rel @!p0 .LBB2_8-.Ltmp9, $3  }
0xea: {  	_ = 	snop  }
0xeb: {  	v7 =	vbroadcast v6, $0x0;
	_ =	sdelay $0x1  }
0xec: {  	v6 =	vsel vm9, v6, v7  }
0xed: {  	p0 =	slt.s32 s3, $0x1  }
0xee: {  	p1 =	slt.s32 @!p0 s5, $0x1  }
0xef: {  	p1 =	por p0, p1  }
0xf0: {  	v7 =	vlaneseq.u32 @!p1;
	_ =	sdelay $0x2  }
0xf1: {  	v8 =	vbroadcast @!p1 v5, $0x0  }
0xf2: {  	s0 =	simm.s32 @!p1 $0x7D80;
	v9 =	vbroadcast @!p1 v6, $0x0  }
0xf3: {  	[tilespmem:v7+s0+$0x0] =	vst.idx.msk @!p1 $0xff, v8;
	s0 =	simm.s32 @!p1 $0x7D00  }
0xf4: {  	[tilespmem:v7+s0+$0x0] =	vst.idx.msk @!p1 $0xff, v9  }
0xf5: {  	v8 =	vld.msk @!p1 [tilespmem:$0x7D00], $0xff;
	_ =	sdelay $0x4  }
0xf6: {  	v9 =	vshrl.u32 @!p1 v8, $0x3  }
0xf7: {  	v9 =	vmul.u32 @!p1 $0xC0, v9  }
0xf8: {  	v8 =	vand.u32 @!p1 $0x7, v8  }
0xf9: {  	v8 =	vor.u32 @!p1 v8, v9;
	v9 =	vand.u32 @!p1 $0x7, v7;
	v7 =	vshrl.u32 @!p1 v7, $0x3  }
0xfa: {  	v8 =	vperm.xlane @!p1 v8, v9;
	v7 =	vmul.u32 @!p1 $0x8, v7;
	_ =	sdelay $0x1  }
0xfb: {  	v8 =	vadd.s32 @!p1 v7, v8;
	_ =	sdelay $0x1  }
0xfc: {  	s6 =	rddreg [dreg:$0x2]  }
0xfd: {  	[smem:$0x7FC] =	sst s21  }
0xfe: {  	s21 =	rddreg [dreg:$0x9];
	vm9 =	vmmov @!p1 $0xffff;
	s2 =	simm.s32 @!p1 $0x0  }
0xff: {  	[tilespmem:s2], [sflag:$0x1] =	stream.indirect_vreg.gather @!p1 [hbm4b:s6+s2], $0x80, v8, vm9, $0xb8;
	[tilespmem:$0x7E00] =	vst v63  }
0x100: {  	s22 =	rddreg [dreg:$0xa];
	s6 =	simm.s32 @!p1 $0x800  }
0x101: {  	[tilespmem:s6], [sflag:$0x1] =	stream.indirect_vreg.gather @!p1 [hbm4b:s21+s2], $0x80, v8, vm9, $0xb8;
	[tilespmem:$0x7E00] =	vst v63  }
0x102: {  	s23 =	rddreg [dreg:$0xb];
	s7 =	simm.s32 @!p1 $0x1000  }
0x103: {  	[tilespmem:s7], [sflag:$0x1] =	stream.indirect_vreg.gather @!p1 [hbm4b:s22+s2], $0x80, v8, vm9, $0xb8;
	[tilespmem:$0x7E00] =	vst v63  }
0x104: {  	s25 =	rddreg [dreg:$0xc];
	s8 =	simm.s32 @!p1 $0x1800  }
0x105: {  	[tilespmem:s8], [sflag:$0x1] =	stream.indirect_vreg.gather @!p1 [hbm4b:s23+s2], $0x80, v8, vm9, $0xb8;
	[tilespmem:$0x7E00] =	vst v63  }
0x106: {  	s26 =	rddreg [dreg:$0xd];
	s9 =	simm.s32 @!p1 $0x2000  }
0x107: {  	[tilespmem:s9], [sflag:$0x1] =	stream.indirect_vreg.gather @!p1 [hbm4b:s25+s2], $0x80, v8, vm9, $0xb8;
	[tilespmem:$0x7E00] =	vst v63  }
0x108: {  	s28 =	rddreg [dreg:$0xe];
	s10 =	simm.s32 @!p1 $0x2800  }
0x109: {  	[tilespmem:s10], [sflag:$0x1] =	stream.indirect_vreg.gather @!p1 [hbm4b:s26+s2], $0x80, v8, vm9, $0xb8;
	[tilespmem:$0x7E00] =	vst v63  }
0x10a: {  	s29 =	rddreg [dreg:$0xf];
	s11 =	simm.s32 @!p1 $0x3000  }
0x10b: {  	[tilespmem:s11], [sflag:$0x1] =	stream.indirect_vreg.gather @!p1 [hbm4b:s28+s2], $0x80, v8, vm9, $0xb8;
	[tilespmem:$0x7E00] =	vst v63  }
0x10c: {  	s30 =	rddreg [dreg:$0x10];
	s12 =	simm.s32 @!p1 $0x3800  }
0x10d: {  	[tilespmem:s12], [sflag:$0x1] =	stream.indirect_vreg.gather @!p1 [hbm4b:s29+s2], $0x80, v8, vm9, $0xb8;
	[tilespmem:$0x7E00] =	vst v63  }
0x10e: {  	s31 =	rddreg [dreg:$0x11];
	s13 =	simm.s32 @!p1 $0x4000  }
0x10f: {  	[tilespmem:s13], [sflag:$0x1] =	stream.indirect_vreg.gather @!p1 [hbm4b:s30+s2], $0x80, v8, vm9, $0xb8;
	[tilespmem:$0x7E00] =	vst v63  }
0x110: {  	s24 =	rddreg [dreg:$0x12];
	s14 =	simm.s32 @!p1 $0x4800  }
0x111: {  	[tilespmem:s14], [sflag:$0x1] =	stream.indirect_vreg.gather @!p1 [hbm4b:s31+s2], $0x80, v8, vm9, $0xb8;
	[tilespmem:$0x7E00] =	vst v63  }
0x112: {  	s1 =	rddreg [dreg:$0x6];
	s15 =	simm.s32 @!p1 $0x5000  }
0x113: {  	[tilespmem:s15], [sflag:$0x1] =	stream.indirect_vreg.gather @!p1 [hbm4b:s24+s2], $0x80, v8, vm9, $0xb8;
	[tilespmem:$0x7E00] =	vst v63  }
0x114: {  	[dreg:$0x1e] =	wrdreg s18;
	s16 =	simm.s32 @!p1 $0x5800  }
0x115: {  	[tilespmem:s16], [sflag:$0x1] =	stream.indirect_vreg.gather @!p1 [hbm4b:s1+s2], $0x80, v8, vm9, $0xb8;
	[tilespmem:$0x7E00] =	vst v63  }
0x116: {  	s19 =	rddreg [dreg:$0x3];
	s17 =	simm.s32 @!p1 $0x8;
	s18 =	simm.s32 @!p1 $0x6000  }
0x117: {  	[tilespmem:s18], [sflag:$0x1] =	stream.indirect.gather @!p1 [hbm4b:s19+s17], $0x80, s0, s17, $0xb8;
	[tilespmem:$0x7E00] =	vst v63  }
0x118: {  	[dreg:$0x1f] =	wrdreg s20;
	s0 =	simm.s32 @!p1 $0x1  }
0x119: {  	s20 =	sld [smem:$0x7FD];
	_ =	swait.ge @!p1 [sflag:s0], $0x6000  }
0x11a: {  	[sflag:s0] =	ssyncset.done @!p1 $0x0  }
0x11b: {  	[sflag:s0] =	ssyncadd.s32 @!p1 $0xFFFFA000  }
0x11c: {  	_ =	swait.ge @!p1 [sflag:s0], $0x400  }
0x11d: {  	[sflag:s0] =	ssyncset.done @!p1 $0x0  }
0x11e: {  	[sflag:s0] =	ssyncadd.s32 @!p1 $0xFFFFFC00  }
0x11f: {  	v8 =	vld.msk @!p1 [tilespmem:$0x7D80], $0xff;
	_ =	sdelay $0x4  }
0x120: {  	v10 =	vshrl.u32 @!p1 v8, $0x3  }
0x121: {  	v10 =	vmul.u32 @!p1 $0xC0, v10  }
0x122: {  	v8 =	vand.u32 @!p1 $0x7, v8  }
0x123: {  	v8 =	vor.u32 @!p1 v8, v10  }
0x124: {  	v8 =	vperm.xlane @!p1 v8, v9;
	_ =	sdelay $0x1  }
0x125: {  	v7 =	vadd.s32 @!p1 v7, v8;
	_ =	sdelay $0x3  }
0x126: {  	s0 =	rddreg [dreg:$0x0]  }
0x127: {  	[hbm4b:s0+s2] =	stream.indirect_vreg.scatter @!p1 [tilespmem:s2], [sflag:$0x2], $0x80, v7, vm9, $0xb8;
	[tilespmem:$0x7E00] =	vst v63  }
0x128: {  	s0 =	rddreg [dreg:$0x7]  }
0x129: {  	[hbm4b:s0+s2] =	stream.indirect_vreg.scatter @!p1 [tilespmem:s6], [sflag:$0x2], $0x80, v7, vm9, $0xb8;
	[tilespmem:$0x7E00] =	vst v63  }
0x12a: {  	s4 =	rddreg [dreg:$0x8]  }
0x12b: {  	[hbm4b:s4+s2] =	stream.indirect_vreg.scatter @!p1 [tilespmem:s7], [sflag:$0x2], $0x80, v7, vm9, $0xb8;
	[tilespmem:$0x7E00] =	vst v63  }
0x12c: {  	s6 =	smov.u32 s0;
	s0 =	rddreg [dreg:$0x13]  }
0x12d: {  	[hbm4b:s0+s2] =	stream.indirect_vreg.scatter @!p1 [tilespmem:s8], [sflag:$0x2], $0x80, v7, vm9, $0xb8;
	[tilespmem:$0x7E00] =	vst v63  }
0x12e: {  	s3 =	rddreg [dreg:$0x14]  }
0x12f: {  	[hbm4b:s3+s2] =	stream.indirect_vreg.scatter @!p1 [tilespmem:s9], [sflag:$0x2], $0x80, v7, vm9, $0xb8;
	[tilespmem:$0x7E00] =	vst v63  }
0x130: {  	s0 =	rddreg [dreg:$0x15]  }
0x131: {  	[hbm4b:s0+s2] =	stream.indirect_vreg.scatter @!p1 [tilespmem:s10], [sflag:$0x2], $0x80, v7, vm9, $0xb8;
	[tilespmem:$0x7E00] =	vst v63  }
0x132: {  	s10 =	rddreg [dreg:$0x16]  }
0x133: {  	[hbm4b:s10+s2] =	stream.indirect_vreg.scatter @!p1 [tilespmem:s11], [sflag:$0x2], $0x80, v7, vm9, $0xb8;
	[tilespmem:$0x7E00] =	vst v63  }
0x134: {  	s0 =	rddreg [dreg:$0x18]  }
0x135: {  	[hbm4b:s0+s2] =	stream.indirect_vreg.scatter @!p1 [tilespmem:s12], [sflag:$0x2], $0x80, v7, vm9, $0xb8;
	[tilespmem:$0x7E00] =	vst v63  }
0x136: {  	s19 =	smov.u32 s0;
	s0 =	rddreg [dreg:$0x19]  }
0x137: {  	[hbm4b:s0+s2] =	stream.indirect_vreg.scatter @!p1 [tilespmem:s13], [sflag:$0x2], $0x80, v7, vm9, $0xb8;
	[tilespmem:$0x7E00] =	vst v63  }
0x138: {  	s0 =	rddreg [dreg:$0x1a]  }
0x139: {  	[hbm4b:s0+s2] =	stream.indirect_vreg.scatter @!p1 [tilespmem:s14], [sflag:$0x2], $0x80, v7, vm9, $0xb8;
	[tilespmem:$0x7E00] =	vst v63  }
0x13a: {  	s0 =	rddreg [dreg:$0x1b]  }
0x13b: {  	[hbm4b:s0+s2] =	stream.indirect_vreg.scatter @!p1 [tilespmem:s15], [sflag:$0x2], $0x80, v7, vm9, $0xb8;
	[tilespmem:$0x7E00] =	vst v63  }
0x13c: {  	s9 =	rddreg [dreg:$0x1c]  }
0x13d: {  	[hbm4b:s9+s2] =	stream.indirect_vreg.scatter @!p1 [tilespmem:s16], [sflag:$0x2], $0x80, v7, vm9, $0xb8;
	[tilespmem:$0x7E00] =	vst v63  }
0x13e: {  	s0 =	simm.s32 @!p1 $0x7D80  }
0x13f: {  	[hbm4b:s20+s17] =	stream.indirect.scatter @!p1 [tilespmem:s18], [sflag:$0x2], $0x80, s0, s17, $0xb8;
	[tilespmem:$0x7E00] =	vst v63  }
0x140: {  	p0 =	slt.s32 @!p1 s5, $0x2;
	s0 =	simm.s32 @!p1 $0x2  }
0x141: {  	p0 =	por p1, p0;
	_ =	swait.ge @!p1 [sflag:s0], $0x6000  }
0x142: {  	v7 =	vlaneseq.u32 @!p0;
	[sflag:s0] =	ssyncset.done @!p1 $0x0  }
0x143: {  	[sflag:s0] =	ssyncadd.s32 @!p1 $0xFFFFA000  }
0x144: {  	_ =	swait.ge @!p1 [sflag:s0], $0x400  }
0x145: {  	v8 =	vbroadcast @!p0 v5, $0x1;
	[sflag:s0] =	ssyncset.done @!p1 $0x0  }
0x146: {  	v9 =	vbroadcast @!p0 v6, $0x1;
	[sflag:s0] =	ssyncadd.s32 @!p1 $0xFFFFFC00;
	s0 =	simm.s32 @!p0 $0x7D80  }
0x147: {  	[tilespmem:v7+s0+$0x0] =	vst.idx.msk @!p0 $0xff, v8;
	s0 =	simm.s32 @!p0 $0x7D00  }
0x148: {  	[tilespmem:v7+s0+$0x0] =	vst.idx.msk @!p0 $0xff, v9  }
0x149: {  	v8 =	vld.msk @!p0 [tilespmem:$0x7D00], $0xff;
	_ =	sdelay $0x4  }
0x14a: {  	v9 =	vshrl.u32 @!p0 v8, $0x3  }
0x14b: {  	v9 =	vmul.u32 @!p0 $0xC0, v9  }
0x14c: {  	v8 =	vand.u32 @!p0 $0x7, v8  }
0x14d: {  	v8 =	vor.u32 @!p0 v8, v9;
	v9 =	vand.u32 @!p0 $0x7, v7;
	v7 =	vshrl.u32 @!p0 v7, $0x3  }
0x14e: {  	v8 =	vperm.xlane @!p0 v8, v9;
	v7 =	vmul.u32 @!p0 $0x8, v7;
	_ =	sdelay $0x1  }
0x14f: {  	v8 =	vadd.s32 @!p0 v7, v8;
	_ =	sdelay $0x3  }
0x150: {  	vm9 =	vmmov @!p0 $0xffff;
	s2 =	simm.s32 @!p0 $0x0;
	s7 =	rddreg [dreg:$0x2]  }
0x151: {  	[tilespmem:s2], [sflag:$0x1] =	stream.indirect_vreg.gather @!p0 [hbm4b:s7+s2], $0x80, v8, vm9, $0xb8;
	[tilespmem:$0x7E00] =	vst v63  }
0x152: {  	s7 =	simm.s32 @!p0 $0x800  }
0x153: {  	[tilespmem:s7], [sflag:$0x1] =	stream.indirect_vreg.gather @!p0 [hbm4b:s21+s2], $0x80, v8, vm9, $0xb8;
	[tilespmem:$0x7E00] =	vst v63  }
0x154: {  	s8 =	simm.s32 @!p0 $0x1000  }
0x155: {  	[tilespmem:s8], [sflag:$0x1] =	stream.indirect_vreg.gather @!p0 [hbm4b:s22+s2], $0x80, v8, vm9, $0xb8;
	[tilespmem:$0x7E00] =	vst v63  }
0x156: {  	s11 =	simm.s32 @!p0 $0x1800  }
0x157: {  	[tilespmem:s11], [sflag:$0x1] =	stream.indirect_vreg.gather @!p0 [hbm4b:s23+s2], $0x80, v8, vm9, $0xb8;
	[tilespmem:$0x7E00] =	vst v63  }
0x158: {  	s11 =	simm.s32 @!p0 $0x2000  }
0x159: {  	[tilespmem:s11], [sflag:$0x1] =	stream.indirect_vreg.gather @!p0 [hbm4b:s25+s2], $0x80, v8, vm9, $0xb8;
	[tilespmem:$0x7E00] =	vst v63  }
0x15a: {  	s7 =	smov.u32 s22;
	s22 =	simm.s32 @!p0 $0x2800  }
0x15b: {  	[tilespmem:s22], [sflag:$0x1] =	stream.indirect_vreg.gather @!p0 [hbm4b:s26+s2], $0x80, v8, vm9, $0xb8;
	[tilespmem:$0x7E00] =	vst v63  }
0x15c: {  	s11 =	simm.s32 @!p0 $0x3000  }
0x15d: {  	[tilespmem:s11], [sflag:$0x1] =	stream.indirect_vreg.gather @!p0 [hbm4b:s28+s2], $0x80, v8, vm9, $0xb8;
	[tilespmem:$0x7E00] =	vst v63  }
0x15e: {  	s12 =	simm.s32 @!p0 $0x3800  }
0x15f: {  	[tilespmem:s12], [sflag:$0x1] =	stream.indirect_vreg.gather @!p0 [hbm4b:s29+s2], $0x80, v8, vm9, $0xb8;
	[tilespmem:$0x7E00] =	vst v63  }
0x160: {  	s13 =	simm.s32 @!p0 $0x4000  }
0x161: {  	[tilespmem:s13], [sflag:$0x1] =	stream.indirect_vreg.gather @!p0 [hbm4b:s30+s2], $0x80, v8, vm9, $0xb8;
	[tilespmem:$0x7E00] =	vst v63  }
0x162: {  	s14 =	simm.s32 @!p0 $0x4800  }
0x163: {  	[tilespmem:s14], [sflag:$0x1] =	stream.indirect_vreg.gather @!p0 [hbm4b:s31+s2], $0x80, v8, vm9, $0xb8;
	[tilespmem:$0x7E00] =	vst v63  }
0x164: {  	s15 =	simm.s32 @!p0 $0x5000  }
0x165: {  	[tilespmem:s15], [sflag:$0x1] =	stream.indirect_vreg.gather @!p0 [hbm4b:s24+s2], $0x80, v8, vm9, $0xb8;
	[tilespmem:$0x7E00] =	vst v63  }
0x166: {  	s16 =	simm.s32 @!p0 $0x5800;
	s17 =	simm.s32 @!p0 $0x8  }
0x167: {  	[tilespmem:s16], [sflag:$0x1] =	stream.indirect_vreg.gather @!p0 [hbm4b:s1+s2], $0x80, v8, vm9, $0xb8;
	[tilespmem:$0x7E00] =	vst v63  }
0x168: {  	s18 =	simm.s32 @!p0 $0x6000;
	s8 =	smov.u32 s23;
	s23 =	rddreg [dreg:$0x3]  }
0x169: {  	[tilespmem:s18], [sflag:$0x1] =	stream.indirect.gather @!p0 [hbm4b:s23+s17], $0x80, s0, s17, $0xb8;
	[tilespmem:$0x7E00] =	vst v63  }
0x16a: {  	s0 =	simm.s32 @!p0 $0x1  }
0x16b: {  	_ =	swait.ge @!p0 [sflag:s0], $0x6000  }
0x16c: {  	[sflag:s0] =	ssyncset.done @!p0 $0x0  }
0x16d: {  	[sflag:s0] =	ssyncadd.s32 @!p0 $0xFFFFA000  }
0x16e: {  	_ =	swait.ge @!p0 [sflag:s0], $0x400  }
0x16f: {  	[sflag:s0] =	ssyncset.done @!p0 $0x0  }
0x170: {  	[sflag:s0] =	ssyncadd.s32 @!p0 $0xFFFFFC00  }
0x171: {  	v8 =	vld.msk @!p0 [tilespmem:$0x7D80], $0xff;
	_ =	sdelay $0x4  }
0x172: {  	v10 =	vshrl.u32 @!p0 v8, $0x3  }
0x173: {  	v10 =	vmul.u32 @!p0 $0xC0, v10  }
0x174: {  	v8 =	vand.u32 @!p0 $0x7, v8  }
0x175: {  	v8 =	vor.u32 @!p0 v8, v10  }
0x176: {  	v8 =	vperm.xlane @!p0 v8, v9;
	_ =	sdelay $0x1  }
0x177: {  	v7 =	vadd.s32 @!p0 v7, v8;
	_ =	sdelay $0x3  }
0x178: {  	s0 =	rddreg [dreg:$0x0]  }
0x179: {  	[hbm4b:s0+s2] =	stream.indirect_vreg.scatter @!p0 [tilespmem:s2], [sflag:$0x2], $0x80, v7, vm9, $0xb8;
	[tilespmem:$0x7E00] =	vst v63  }
0x17a: {  	s0 =	simm.s32 @!p0 $0x800  }
0x17b: {  	[hbm4b:s6+s2] =	stream.indirect_vreg.scatter @!p0 [tilespmem:s0], [sflag:$0x2], $0x80, v7, vm9, $0xb8;
	[tilespmem:$0x7E00] =	vst v63  }
0x17c: {  	s0 =	simm.s32 @!p0 $0x1000  }
0x17d: {  	[hbm4b:s4+s2] =	stream.indirect_vreg.scatter @!p0 [tilespmem:s0], [sflag:$0x2], $0x80, v7, vm9, $0xb8;
	[tilespmem:$0x7E00] =	vst v63  }
0x17e: {  	s23 =	rddreg [dreg:$0x13];
	s0 =	simm.s32 @!p0 $0x1800  }
0x17f: {  	[hbm4b:s23+s2] =	stream.indirect_vreg.scatter @!p0 [tilespmem:s0], [sflag:$0x2], $0x80, v7, vm9, $0xb8;
	[tilespmem:$0x7E00] =	vst v63  }
0x180: {  	s0 =	simm.s32 @!p0 $0x2000  }
0x181: {  	[hbm4b:s3+s2] =	stream.indirect_vreg.scatter @!p0 [tilespmem:s0], [sflag:$0x2], $0x80, v7, vm9, $0xb8;
	[tilespmem:$0x7E00] =	vst v63  }
0x182: {  	s6 =	rddreg [dreg:$0x15]  }
0x183: {  	[hbm4b:s6+s2] =	stream.indirect_vreg.scatter @!p0 [tilespmem:s22], [sflag:$0x2], $0x80, v7, vm9, $0xb8;
	[tilespmem:$0x7E00] =	vst v63  }
0x184: {  	_ = 	snop  }
0x185: {  	[hbm4b:s10+s2] =	stream.indirect_vreg.scatter @!p0 [tilespmem:s11], [sflag:$0x2], $0x80, v7, vm9, $0xb8;
	[tilespmem:$0x7E00] =	vst v63  }
0x186: {  	_ = 	snop  }
0x187: {  	[hbm4b:s19+s2] =	stream.indirect_vreg.scatter @!p0 [tilespmem:s12], [sflag:$0x2], $0x80, v7, vm9, $0xb8;
	[tilespmem:$0x7E00] =	vst v63  }
0x188: {  	s22 =	rddreg [dreg:$0x19]  }
0x189: {  	[hbm4b:s22+s2] =	stream.indirect_vreg.scatter @!p0 [tilespmem:s13], [sflag:$0x2], $0x80, v7, vm9, $0xb8;
	[tilespmem:$0x7E00] =	vst v63  }
0x18a: {  	s4 =	rddreg [dreg:$0x1a]  }
0x18b: {  	[hbm4b:s4+s2] =	stream.indirect_vreg.scatter @!p0 [tilespmem:s14], [sflag:$0x2], $0x80, v7, vm9, $0xb8;
	[tilespmem:$0x7E00] =	vst v63  }
0x18c: {  	s3 =	rddreg [dreg:$0x1b]  }
0x18d: {  	[hbm4b:s3+s2] =	stream.indirect_vreg.scatter @!p0 [tilespmem:s15], [sflag:$0x2], $0x80, v7, vm9, $0xb8;
	[tilespmem:$0x7E00] =	vst v63  }
0x18e: {  	_ = 	snop  }
0x18f: {  	[hbm4b:s9+s2] =	stream.indirect_vreg.scatter @!p0 [tilespmem:s16], [sflag:$0x2], $0x80, v7, vm9, $0xb8;
	[tilespmem:$0x7E00] =	vst v63  }
0x190: {  	s0 =	simm.s32 @!p0 $0x7D80  }
0x191: {  	[hbm4b:s20+s17] =	stream.indirect.scatter @!p0 [tilespmem:s18], [sflag:$0x2], $0x80, s0, s17, $0xb8;
	[tilespmem:$0x7E00] =	vst v63  }
0x192: {  	p1 =	slt.s32 @!p0 s5, $0x3;
	s0 =	simm.s32 @!p0 $0x2  }
0x193: {  	p1 =	por p0, p1;
	_ =	swait.ge @!p0 [sflag:s0], $0x6000  }
0x194: {  	v7 =	vlaneseq.u32 @!p1;
	[sflag:s0] =	ssyncset.done @!p0 $0x0  }
0x195: {  	[sflag:s0] =	ssyncadd.s32 @!p0 $0xFFFFA000  }
0x196: {  	_ =	swait.ge @!p0 [sflag:s0], $0x400  }
0x197: {  	v8 =	vbroadcast @!p1 v5, $0x2;
	[sflag:s0] =	ssyncset.done @!p0 $0x0  }
0x198: {  	v9 =	vbroadcast @!p1 v6, $0x2;
	[sflag:s0] =	ssyncadd.s32 @!p0 $0xFFFFFC00;
	s0 =	simm.s32 @!p1 $0x7D80  }
0x199: {  	[tilespmem:v7+s0+$0x0] =	vst.idx.msk @!p1 $0xff, v8;
	s0 =	simm.s32 @!p1 $0x7D00  }
0x19a: {  	[tilespmem:v7+s0+$0x0] =	vst.idx.msk @!p1 $0xff, v9  }
0x19b: {  	v8 =	vld.msk @!p1 [tilespmem:$0x7D00], $0xff;
	_ =	sdelay $0x4  }
0x19c: {  	v9 =	vshrl.u32 @!p1 v8, $0x3  }
0x19d: {  	v9 =	vmul.u32 @!p1 $0xC0, v9  }
0x19e: {  	v8 =	vand.u32 @!p1 $0x7, v8  }
0x19f: {  	v8 =	vor.u32 @!p1 v8, v9;
	v9 =	vand.u32 @!p1 $0x7, v7;
	v7 =	vshrl.u32 @!p1 v7, $0x3  }
0x1a0: {  	v8 =	vperm.xlane @!p1 v8, v9;
	v7 =	vmul.u32 @!p1 $0x8, v7;
	_ =	sdelay $0x1  }
0x1a1: {  	v8 =	vadd.s32 @!p1 v7, v8;
	_ =	sdelay $0x3  }
0x1a2: {  	vm9 =	vmmov @!p1 $0xffff;
	s2 =	simm.s32 @!p1 $0x0;
	s9 =	rddreg [dreg:$0x2]  }
0x1a3: {  	[tilespmem:s2], [sflag:$0x1] =	stream.indirect_vreg.gather @!p1 [hbm4b:s9+s2], $0x80, v8, vm9, $0xb8;
	[tilespmem:$0x7E00] =	vst v63  }
0x1a4: {  	s9 =	simm.s32 @!p1 $0x800  }
0x1a5: {  	[tilespmem:s9], [sflag:$0x1] =	stream.indirect_vreg.gather @!p1 [hbm4b:s21+s2], $0x80, v8, vm9, $0xb8;
	[tilespmem:$0x7E00] =	vst v63  }
0x1a6: {  	s20 =	simm.s32 @!p1 $0x1000  }
0x1a7: {  	[tilespmem:s20], [sflag:$0x1] =	stream.indirect_vreg.gather @!p1 [hbm4b:s7+s2], $0x80, v8, vm9, $0xb8;
	[tilespmem:$0x7E00] =	vst v63  }
0x1a8: {  	s19 =	simm.s32 @!p1 $0x1800  }
0x1a9: {  	[tilespmem:s19], [sflag:$0x1] =	stream.indirect_vreg.gather @!p1 [hbm4b:s8+s2], $0x80, v8, vm9, $0xb8;
	[tilespmem:$0x7E00] =	vst v63  }
0x1aa: {  	s8 =	simm.s32 @!p1 $0x2000  }
0x1ab: {  	[tilespmem:s8], [sflag:$0x1] =	stream.indirect_vreg.gather @!p1 [hbm4b:s25+s2], $0x80, v8, vm9, $0xb8;
	[tilespmem:$0x7E00] =	vst v63  }
0x1ac: {  	s10 =	simm.s32 @!p1 $0x2800  }
0x1ad: {  	[tilespmem:s10], [sflag:$0x1] =	stream.indirect_vreg.gather @!p1 [hbm4b:s26+s2], $0x80, v8, vm9, $0xb8;
	[tilespmem:$0x7E00] =	vst v63  }
0x1ae: {  	s11 =	simm.s32 @!p1 $0x3000  }
0x1af: {  	[tilespmem:s11], [sflag:$0x1] =	stream.indirect_vreg.gather @!p1 [hbm4b:s28+s2], $0x80, v8, vm9, $0xb8;
	[tilespmem:$0x7E00] =	vst v63  }
0x1b0: {  	s12 =	simm.s32 @!p1 $0x3800  }
0x1b1: {  	[tilespmem:s12], [sflag:$0x1] =	stream.indirect_vreg.gather @!p1 [hbm4b:s29+s2], $0x80, v8, vm9, $0xb8;
	[tilespmem:$0x7E00] =	vst v63  }
0x1b2: {  	s13 =	simm.s32 @!p1 $0x4000  }
0x1b3: {  	[tilespmem:s13], [sflag:$0x1] =	stream.indirect_vreg.gather @!p1 [hbm4b:s30+s2], $0x80, v8, vm9, $0xb8;
	[tilespmem:$0x7E00] =	vst v63  }
0x1b4: {  	s14 =	simm.s32 @!p1 $0x4800  }
0x1b5: {  	[tilespmem:s14], [sflag:$0x1] =	stream.indirect_vreg.gather @!p1 [hbm4b:s31+s2], $0x80, v8, vm9, $0xb8;
	[tilespmem:$0x7E00] =	vst v63  }
0x1b6: {  	s15 =	simm.s32 @!p1 $0x5000  }
0x1b7: {  	[tilespmem:s15], [sflag:$0x1] =	stream.indirect_vreg.gather @!p1 [hbm4b:s24+s2], $0x80, v8, vm9, $0xb8;
	[tilespmem:$0x7E00] =	vst v63  }
0x1b8: {  	s16 =	simm.s32 @!p1 $0x5800  }
0x1b9: {  	[tilespmem:s16], [sflag:$0x1] =	stream.indirect_vreg.gather @!p1 [hbm4b:s1+s2], $0x80, v8, vm9, $0xb8;
	[tilespmem:$0x7E00] =	vst v63  }
0x1ba: {  	s17 =	simm.s32 @!p1 $0x8;
	s18 =	simm.s32 @!p1 $0x6000;
	s1 =	rddreg [dreg:$0x3]  }
0x1bb: {  	[tilespmem:s18], [sflag:$0x1] =	stream.indirect.gather @!p1 [hbm4b:s1+s17], $0x80, s0, s17, $0xb8;
	[tilespmem:$0x7E00] =	vst v63  }
0x1bc: {  	s0 =	simm.s32 @!p1 $0x1  }
0x1bd: {  	_ =	swait.ge @!p1 [sflag:s0], $0x6000  }
0x1be: {  	[sflag:s0] =	ssyncset.done @!p1 $0x0  }
0x1bf: {  	[sflag:s0] =	ssyncadd.s32 @!p1 $0xFFFFA000  }
0x1c0: {  	_ =	swait.ge @!p1 [sflag:s0], $0x400  }
0x1c1: {  	[sflag:s0] =	ssyncset.done @!p1 $0x0  }
0x1c2: {  	[sflag:s0] =	ssyncadd.s32 @!p1 $0xFFFFFC00  }
0x1c3: {  	v8 =	vld.msk @!p1 [tilespmem:$0x7D80], $0xff;
	_ =	sdelay $0x4  }
0x1c4: {  	v10 =	vshrl.u32 @!p1 v8, $0x3  }
0x1c5: {  	v10 =	vmul.u32 @!p1 $0xC0, v10  }
0x1c6: {  	v8 =	vand.u32 @!p1 $0x7, v8  }
0x1c7: {  	v8 =	vor.u32 @!p1 v8, v10  }
0x1c8: {  	v8 =	vperm.xlane @!p1 v8, v9;
	_ =	sdelay $0x1  }
0x1c9: {  	v7 =	vadd.s32 @!p1 v7, v8;
	_ =	sdelay $0x3  }
0x1ca: {  	s0 =	rddreg [dreg:$0x0]  }
0x1cb: {  	[hbm4b:s0+s2] =	stream.indirect_vreg.scatter @!p1 [tilespmem:s2], [sflag:$0x2], $0x80, v7, vm9, $0xb8;
	[tilespmem:$0x7E00] =	vst v63  }
0x1cc: {  	s24 =	rddreg [dreg:$0x7];
	s0 =	simm.s32 @!p1 $0x800  }
0x1cd: {  	[hbm4b:s24+s2] =	stream.indirect_vreg.scatter @!p1 [tilespmem:s0], [sflag:$0x2], $0x80, v7, vm9, $0xb8;
	[tilespmem:$0x7E00] =	vst v63  }
0x1ce: {  	s9 =	smov.u32 s31;
	s31 =	rddreg [dreg:$0x8]  }
0x1cf: {  	[hbm4b:s31+s2] =	stream.indirect_vreg.scatter @!p1 [tilespmem:s20], [sflag:$0x2], $0x80, v7, vm9, $0xb8;
	[tilespmem:$0x7E00] =	vst v63  }
0x1d0: {  	_ = 	snop  }
0x1d1: {  	[hbm4b:s23+s2] =	stream.indirect_vreg.scatter @!p1 [tilespmem:s19], [sflag:$0x2], $0x80, v7, vm9, $0xb8;
	[tilespmem:$0x7E00] =	vst v63  }
0x1d2: {  	s29 =	rddreg [dreg:$0x14]  }
0x1d3: {  	[hbm4b:s29+s2] =	stream.indirect_vreg.scatter @!p1 [tilespmem:s8], [sflag:$0x2], $0x80, v7, vm9, $0xb8;
	[tilespmem:$0x7E00] =	vst v63  }
0x1d4: {  	_ = 	snop  }
0x1d5: {  	[hbm4b:s6+s2] =	stream.indirect_vreg.scatter @!p1 [tilespmem:s10], [sflag:$0x2], $0x80, v7, vm9, $0xb8;
	[tilespmem:$0x7E00] =	vst v63  }
0x1d6: {  	s19 =	rddreg [dreg:$0x16]  }
0x1d7: {  	[hbm4b:s19+s2] =	stream.indirect_vreg.scatter @!p1 [tilespmem:s11], [sflag:$0x2], $0x80, v7, vm9, $0xb8;
	[tilespmem:$0x7E00] =	vst v63  }
0x1d8: {  	s20 =	rddreg [dreg:$0x18]  }
0x1d9: {  	[hbm4b:s20+s2] =	stream.indirect_vreg.scatter @!p1 [tilespmem:s12], [sflag:$0x2], $0x80, v7, vm9, $0xb8;
	[tilespmem:$0x7E00] =	vst v63  }
0x1da: {  	_ = 	snop  }
0x1db: {  	[hbm4b:s22+s2] =	stream.indirect_vreg.scatter @!p1 [tilespmem:s13], [sflag:$0x2], $0x80, v7, vm9, $0xb8;
	[tilespmem:$0x7E00] =	vst v63  }
0x1dc: {  	_ = 	snop  }
0x1dd: {  	[hbm4b:s4+s2] =	stream.indirect_vreg.scatter @!p1 [tilespmem:s14], [sflag:$0x2], $0x80, v7, vm9, $0xb8;
	[tilespmem:$0x7E00] =	vst v63  }
0x1de: {  	s8 =	sld [smem:$0x7FD]  }
0x1df: {  	[hbm4b:s3+s2] =	stream.indirect_vreg.scatter @!p1 [tilespmem:s15], [sflag:$0x2], $0x80, v7, vm9, $0xb8;
	[tilespmem:$0x7E00] =	vst v63  }
0x1e0: {  	s10 =	smov.u32 s3;
	s3 =	rddreg [dreg:$0x1c]  }
0x1e1: {  	[hbm4b:s3+s2] =	stream.indirect_vreg.scatter @!p1 [tilespmem:s16], [sflag:$0x2], $0x80, v7, vm9, $0xb8;
	[tilespmem:$0x7E00] =	vst v63  }
0x1e2: {  	s0 =	simm.s32 @!p1 $0x7D80  }
0x1e3: {  	[hbm4b:s8+s17] =	stream.indirect.scatter @!p1 [tilespmem:s18], [sflag:$0x2], $0x80, s0, s17, $0xb8;
	[tilespmem:$0x7E00] =	vst v63  }
0x1e4: {  	p0 =	slt.s32 @!p1 s5, $0x4;
	s0 =	simm.s32 @!p1 $0x2  }
0x1e5: {  	p0 =	por p1, p0;
	_ =	swait.ge @!p1 [sflag:s0], $0x6000  }
0x1e6: {  	v7 =	vlaneseq.u32 @!p0;
	[sflag:s0] =	ssyncset.done @!p1 $0x0  }
0x1e7: {  	[sflag:s0] =	ssyncadd.s32 @!p1 $0xFFFFA000  }
0x1e8: {  	_ =	swait.ge @!p1 [sflag:s0], $0x400  }
0x1e9: {  	v8 =	vbroadcast @!p0 v5, $0x3;
	[sflag:s0] =	ssyncset.done @!p1 $0x0  }
0x1ea: {  	v9 =	vbroadcast @!p0 v6, $0x3;
	[sflag:s0] =	ssyncadd.s32 @!p1 $0xFFFFFC00;
	s0 =	simm.s32 @!p0 $0x7D80  }
0x1eb: {  	[tilespmem:v7+s0+$0x0] =	vst.idx.msk @!p0 $0xff, v8;
	s0 =	simm.s32 @!p0 $0x7D00  }
0x1ec: {  	[tilespmem:v7+s0+$0x0] =	vst.idx.msk @!p0 $0xff, v9  }
0x1ed: {  	v8 =	vld.msk @!p0 [tilespmem:$0x7D00], $0xff;
	_ =	sdelay $0x4  }
0x1ee: {  	v9 =	vshrl.u32 @!p0 v8, $0x3  }
0x1ef: {  	v9 =	vmul.u32 @!p0 $0xC0, v9  }
0x1f0: {  	v8 =	vand.u32 @!p0 $0x7, v8  }
0x1f1: {  	v8 =	vor.u32 @!p0 v8, v9;
	v9 =	vand.u32 @!p0 $0x7, v7;
	v7 =	vshrl.u32 @!p0 v7, $0x3  }
0x1f2: {  	v8 =	vperm.xlane @!p0 v8, v9;
	v7 =	vmul.u32 @!p0 $0x8, v7;
	_ =	sdelay $0x1  }
0x1f3: {  	v8 =	vadd.s32 @!p0 v7, v8;
	_ =	sdelay $0x3  }
0x1f4: {  	vm9 =	vmmov @!p0 $0xffff;
	s2 =	simm.s32 @!p0 $0x0;
	s4 =	rddreg [dreg:$0x2]  }
0x1f5: {  	[tilespmem:s2], [sflag:$0x1] =	stream.indirect_vreg.gather @!p0 [hbm4b:s4+s2], $0x80, v8, vm9, $0xb8;
	[tilespmem:$0x7E00] =	vst v63  }
0x1f6: {  	s0 =	simm.s32 @!p0 $0x800  }
0x1f7: {  	[tilespmem:s0], [sflag:$0x1] =	stream.indirect_vreg.gather @!p0 [hbm4b:s21+s2], $0x80, v8, vm9, $0xb8;
	[tilespmem:$0x7E00] =	vst v63  }
0x1f8: {  	s0 =	simm.s32 @!p0 $0x1000  }
0x1f9: {  	[tilespmem:s0], [sflag:$0x1] =	stream.indirect_vreg.gather @!p0 [hbm4b:s7+s2], $0x80, v8, vm9, $0xb8;
	[tilespmem:$0x7E00] =	vst v63  }
0x1fa: {  	s1 =	smov.u32 s23;
	s23 =	rddreg [dreg:$0xb];
	s0 =	simm.s32 @!p0 $0x1800  }
0x1fb: {  	[tilespmem:s0], [sflag:$0x1] =	stream.indirect_vreg.gather @!p0 [hbm4b:s23+s2], $0x80, v8, vm9, $0xb8;
	[tilespmem:$0x7E00] =	vst v63  }
0x1fc: {  	s7 =	simm.s32 @!p0 $0x2000  }
0x1fd: {  	[tilespmem:s7], [sflag:$0x1] =	stream.indirect_vreg.gather @!p0 [hbm4b:s25+s2], $0x80, v8, vm9, $0xb8;
	[tilespmem:$0x7E00] =	vst v63  }
0x1fe: {  	s4 =	simm.s32 @!p0 $0x2800  }
0x1ff: {  	[tilespmem:s4], [sflag:$0x1] =	stream.indirect_vreg.gather @!p0 [hbm4b:s26+s2], $0x80, v8, vm9, $0xb8;
	[tilespmem:$0x7E00] =	vst v63  }
0x200: {  	s25 =	simm.s32 @!p0 $0x3000  }
0x201: {  	[tilespmem:s25], [sflag:$0x1] =	stream.indirect_vreg.gather @!p0 [hbm4b:s28+s2], $0x80, v8, vm9, $0xb8;
	[tilespmem:$0x7E00] =	vst v63  }
0x202: {  	s12 =	simm.s32 @!p0 $0x3800;
	s22 =	rddreg [dreg:$0xf]  }
0x203: {  	[tilespmem:s12], [sflag:$0x1] =	stream.indirect_vreg.gather @!p0 [hbm4b:s22+s2], $0x80, v8, vm9, $0xb8;
	[tilespmem:$0x7E00] =	vst v63  }
0x204: {  	s13 =	simm.s32 @!p0 $0x4000  }
0x205: {  	[tilespmem:s13], [sflag:$0x1] =	stream.indirect_vreg.gather @!p0 [hbm4b:s30+s2], $0x80, v8, vm9, $0xb8;
	[tilespmem:$0x7E00] =	vst v63  }
0x206: {  	s14 =	simm.s32 @!p0 $0x4800  }
0x207: {  	[tilespmem:s14], [sflag:$0x1] =	stream.indirect_vreg.gather @!p0 [hbm4b:s9+s2], $0x80, v8, vm9, $0xb8;
	[tilespmem:$0x7E00] =	vst v63  }
0x208: {  	s15 =	simm.s32 @!p0 $0x5000;
	s11 =	rddreg [dreg:$0x12]  }
0x209: {  	[tilespmem:s15], [sflag:$0x1] =	stream.indirect_vreg.gather @!p0 [hbm4b:s11+s2], $0x80, v8, vm9, $0xb8;
	[tilespmem:$0x7E00] =	vst v63  }
0x20a: {  	s6 =	simm.s32 @!p0 $0x7D00;
	s16 =	simm.s32 @!p0 $0x5800;
	s9 =	rddreg [dreg:$0x6]  }
0x20b: {  	[tilespmem:s16], [sflag:$0x1] =	stream.indirect_vreg.gather @!p0 [hbm4b:s9+s2], $0x80, v8, vm9, $0xb8;
	[tilespmem:$0x7E00] =	vst v63  }
0x20c: {  	s17 =	simm.s32 @!p0 $0x8;
	s18 =	simm.s32 @!p0 $0x6000;
	s0 =	rddreg [dreg:$0x3]  }
0x20d: {  	[tilespmem:s18], [sflag:$0x1] =	stream.indirect.gather @!p0 [hbm4b:s0+s17], $0x80, s6, s17, $0xb8;
	[tilespmem:$0x7E00] =	vst v63  }
0x20e: {  	s0 =	simm.s32 @!p0 $0x1  }
0x20f: {  	_ =	swait.ge @!p0 [sflag:s0], $0x6000  }
0x210: {  	[sflag:s0] =	ssyncset.done @!p0 $0x0  }
0x211: {  	[sflag:s0] =	ssyncadd.s32 @!p0 $0xFFFFA000  }
0x212: {  	_ =	swait.ge @!p0 [sflag:s0], $0x400  }
0x213: {  	[sflag:s0] =	ssyncset.done @!p0 $0x0  }
0x214: {  	[sflag:s0] =	ssyncadd.s32 @!p0 $0xFFFFFC00  }
0x215: {  	v8 =	vld.msk @!p0 [tilespmem:$0x7D80], $0xff;
	_ =	sdelay $0x4  }
0x216: {  	v10 =	vshrl.u32 @!p0 v8, $0x3  }
0x217: {  	v10 =	vmul.u32 @!p0 $0xC0, v10  }
0x218: {  	v8 =	vand.u32 @!p0 $0x7, v8  }
0x219: {  	v8 =	vor.u32 @!p0 v8, v10  }
0x21a: {  	v8 =	vperm.xlane @!p0 v8, v9;
	_ =	sdelay $0x1  }
0x21b: {  	v7 =	vadd.s32 @!p0 v7, v8;
	_ =	sdelay $0x3  }
0x21c: {  	s0 =	rddreg [dreg:$0x0]  }
0x21d: {  	[hbm4b:s0+s2] =	stream.indirect_vreg.scatter @!p0 [tilespmem:s2], [sflag:$0x2], $0x80, v7, vm9, $0xb8;
	[tilespmem:$0x7E00] =	vst v63  }
0x21e: {  	s0 =	simm.s32 @!p0 $0x800  }
0x21f: {  	[hbm4b:s24+s2] =	stream.indirect_vreg.scatter @!p0 [tilespmem:s0], [sflag:$0x2], $0x80, v7, vm9, $0xb8;
	[tilespmem:$0x7E00] =	vst v63  }
0x220: {  	s0 =	simm.s32 @!p0 $0x1000  }
0x221: {  	[hbm4b:s31+s2] =	stream.indirect_vreg.scatter @!p0 [tilespmem:s0], [sflag:$0x2], $0x80, v7, vm9, $0xb8;
	[tilespmem:$0x7E00] =	vst v63  }
0x222: {  	s0 =	simm.s32 @!p0 $0x1800  }
0x223: {  	[hbm4b:s1+s2] =	stream.indirect_vreg.scatter @!p0 [tilespmem:s0], [sflag:$0x2], $0x80, v7, vm9, $0xb8;
	[tilespmem:$0x7E00] =	vst v63  }
0x224: {  	_ = 	snop  }
0x225: {  	[hbm4b:s29+s2] =	stream.indirect_vreg.scatter @!p0 [tilespmem:s7], [sflag:$0x2], $0x80, v7, vm9, $0xb8;
	[tilespmem:$0x7E00] =	vst v63  }
0x226: {  	s6 =	rddreg [dreg:$0x15]  }
0x227: {  	[hbm4b:s6+s2] =	stream.indirect_vreg.scatter @!p0 [tilespmem:s4], [sflag:$0x2], $0x80, v7, vm9, $0xb8;
	[tilespmem:$0x7E00] =	vst v63  }
0x228: {  	_ = 	snop  }
0x229: {  	[hbm4b:s19+s2] =	stream.indirect_vreg.scatter @!p0 [tilespmem:s25], [sflag:$0x2], $0x80, v7, vm9, $0xb8;
	[tilespmem:$0x7E00] =	vst v63  }
0x22a: {  	_ = 	snop  }
0x22b: {  	[hbm4b:s20+s2] =	stream.indirect_vreg.scatter @!p0 [tilespmem:s12], [sflag:$0x2], $0x80, v7, vm9, $0xb8;
	[tilespmem:$0x7E00] =	vst v63  }
0x22c: {  	s4 =	rddreg [dreg:$0x19]  }
0x22d: {  	[hbm4b:s4+s2] =	stream.indirect_vreg.scatter @!p0 [tilespmem:s13], [sflag:$0x2], $0x80, v7, vm9, $0xb8;
	[tilespmem:$0x7E00] =	vst v63  }
0x22e: {  	s1 =	rddreg [dreg:$0x1a]  }
0x22f: {  	[hbm4b:s1+s2] =	stream.indirect_vreg.scatter @!p0 [tilespmem:s14], [sflag:$0x2], $0x80, v7, vm9, $0xb8;
	[tilespmem:$0x7E00] =	vst v63  }
0x230: {  	_ = 	snop  }
0x231: {  	[hbm4b:s10+s2] =	stream.indirect_vreg.scatter @!p0 [tilespmem:s15], [sflag:$0x2], $0x80, v7, vm9, $0xb8;
	[tilespmem:$0x7E00] =	vst v63  }
0x232: {  	_ = 	snop  }
0x233: {  	[hbm4b:s3+s2] =	stream.indirect_vreg.scatter @!p0 [tilespmem:s16], [sflag:$0x2], $0x80, v7, vm9, $0xb8;
	[tilespmem:$0x7E00] =	vst v63  }
0x234: {  	s0 =	simm.s32 @!p0 $0x7D80  }
0x235: {  	[hbm4b:s8+s17] =	stream.indirect.scatter @!p0 [tilespmem:s18], [sflag:$0x2], $0x80, s0, s17, $0xb8;
	[tilespmem:$0x7E00] =	vst v63  }
0x236: {  	p1 =	slt.s32 @!p0 s5, $0x5;
	s0 =	simm.s32 @!p0 $0x2  }
0x237: {  	p1 =	por p0, p1;
	_ =	swait.ge @!p0 [sflag:s0], $0x6000  }
0x238: {  	v7 =	vlaneseq.u32 @!p1;
	[sflag:s0] =	ssyncset.done @!p0 $0x0  }
0x239: {  	[sflag:s0] =	ssyncadd.s32 @!p0 $0xFFFFA000  }
0x23a: {  	_ =	swait.ge @!p0 [sflag:s0], $0x400  }
0x23b: {  	v8 =	vbroadcast @!p1 v5, $0x4;
	[sflag:s0] =	ssyncset.done @!p0 $0x0  }
0x23c: {  	v9 =	vbroadcast @!p1 v6, $0x4;
	[sflag:s0] =	ssyncadd.s32 @!p0 $0xFFFFFC00;
	s0 =	simm.s32 @!p1 $0x7D80  }
0x23d: {  	[tilespmem:v7+s0+$0x0] =	vst.idx.msk @!p1 $0xff, v8;
	s0 =	simm.s32 @!p1 $0x7D00  }
0x23e: {  	[tilespmem:v7+s0+$0x0] =	vst.idx.msk @!p1 $0xff, v9  }
0x23f: {  	v8 =	vld.msk @!p1 [tilespmem:$0x7D00], $0xff;
	_ =	sdelay $0x4  }
0x240: {  	v9 =	vshrl.u32 @!p1 v8, $0x3  }
0x241: {  	v9 =	vmul.u32 @!p1 $0xC0, v9  }
0x242: {  	v8 =	vand.u32 @!p1 $0x7, v8  }
0x243: {  	v8 =	vor.u32 @!p1 v8, v9;
	v9 =	vand.u32 @!p1 $0x7, v7;
	v7 =	vshrl.u32 @!p1 v7, $0x3  }
0x244: {  	v8 =	vperm.xlane @!p1 v8, v9;
	v7 =	vmul.u32 @!p1 $0x8, v7;
	_ =	sdelay $0x1  }
0x245: {  	v8 =	vadd.s32 @!p1 v7, v8;
	_ =	sdelay $0x3  }
0x246: {  	vm9 =	vmmov @!p1 $0xffff;
	s2 =	simm.s32 @!p1 $0x0;
	s3 =	rddreg [dreg:$0x2]  }
0x247: {  	[tilespmem:s2], [sflag:$0x1] =	stream.indirect_vreg.gather @!p1 [hbm4b:s3+s2], $0x80, v8, vm9, $0xb8;
	[tilespmem:$0x7E00] =	vst v63  }
0x248: {  	s25 =	simm.s32 @!p1 $0x800  }
0x249: {  	[tilespmem:s25], [sflag:$0x1] =	stream.indirect_vreg.gather @!p1 [hbm4b:s21+s2], $0x80, v8, vm9, $0xb8;
	[tilespmem:$0x7E00] =	vst v63  }
0x24a: {  	s7 =	simm.s32 @!p1 $0x1000;
	s24 =	rddreg [dreg:$0xa]  }
0x24b: {  	[tilespmem:s7], [sflag:$0x1] =	stream.indirect_vreg.gather @!p1 [hbm4b:s24+s2], $0x80, v8, vm9, $0xb8;
	[tilespmem:$0x7E00] =	vst v63  }
0x24c: {  	s19 =	simm.s32 @!p1 $0x1800  }
0x24d: {  	[tilespmem:s19], [sflag:$0x1] =	stream.indirect_vreg.gather @!p1 [hbm4b:s23+s2], $0x80, v8, vm9, $0xb8;
	[tilespmem:$0x7E00] =	vst v63  }
0x24e: {  	s12 =	rddreg [dreg:$0xc];
	s3 =	simm.s32 @!p1 $0x2000  }
0x24f: {  	[tilespmem:s3], [sflag:$0x1] =	stream.indirect_vreg.gather @!p1 [hbm4b:s12+s2], $0x80, v8, vm9, $0xb8;
	[tilespmem:$0x7E00] =	vst v63  }
0x250: {  	s10 =	simm.s32 @!p1 $0x2800  }
0x251: {  	[tilespmem:s10], [sflag:$0x1] =	stream.indirect_vreg.gather @!p1 [hbm4b:s26+s2], $0x80, v8, vm9, $0xb8;
	[tilespmem:$0x7E00] =	vst v63  }
0x252: {  	s21 =	simm.s32 @!p1 $0x3000  }
0x253: {  	[tilespmem:s21], [sflag:$0x1] =	stream.indirect_vreg.gather @!p1 [hbm4b:s28+s2], $0x80, v8, vm9, $0xb8;
	[tilespmem:$0x7E00] =	vst v63  }
0x254: {  	s26 =	simm.s32 @!p1 $0x3800  }
0x255: {  	[tilespmem:s26], [sflag:$0x1] =	stream.indirect_vreg.gather @!p1 [hbm4b:s22+s2], $0x80, v8, vm9, $0xb8;
	[tilespmem:$0x7E00] =	vst v63  }
0x256: {  	s13 =	simm.s32 @!p1 $0x4000  }
0x257: {  	[tilespmem:s13], [sflag:$0x1] =	stream.indirect_vreg.gather @!p1 [hbm4b:s30+s2], $0x80, v8, vm9, $0xb8;
	[tilespmem:$0x7E00] =	vst v63  }
0x258: {  	s14 =	simm.s32 @!p1 $0x4800;
	s31 =	rddreg [dreg:$0x11]  }
0x259: {  	[tilespmem:s14], [sflag:$0x1] =	stream.indirect_vreg.gather @!p1 [hbm4b:s31+s2], $0x80, v8, vm9, $0xb8;
	[tilespmem:$0x7E00] =	vst v63  }
0x25a: {  	s15 =	simm.s32 @!p1 $0x5000  }
0x25b: {  	[tilespmem:s15], [sflag:$0x1] =	stream.indirect_vreg.gather @!p1 [hbm4b:s11+s2], $0x80, v8, vm9, $0xb8;
	[tilespmem:$0x7E00] =	vst v63  }
0x25c: {  	s16 =	simm.s32 @!p1 $0x5800;
	s17 =	simm.s32 @!p1 $0x8  }
0x25d: {  	[tilespmem:s16], [sflag:$0x1] =	stream.indirect_vreg.gather @!p1 [hbm4b:s9+s2], $0x80, v8, vm9, $0xb8;
	[tilespmem:$0x7E00] =	vst v63  }
0x25e: {  	s18 =	simm.s32 @!p1 $0x6000;
	s22 =	smov.u32 s11;
	s11 =	rddreg [dreg:$0x3]  }
0x25f: {  	[tilespmem:s18], [sflag:$0x1] =	stream.indirect.gather @!p1 [hbm4b:s11+s17], $0x80, s0, s17, $0xb8;
	[tilespmem:$0x7E00] =	vst v63  }
0x260: {  	s0 =	simm.s32 @!p1 $0x1  }
0x261: {  	_ =	swait.ge @!p1 [sflag:s0], $0x6000  }
0x262: {  	[sflag:s0] =	ssyncset.done @!p1 $0x0  }
0x263: {  	[sflag:s0] =	ssyncadd.s32 @!p1 $0xFFFFA000  }
0x264: {  	_ =	swait.ge @!p1 [sflag:s0], $0x400  }
0x265: {  	[sflag:s0] =	ssyncset.done @!p1 $0x0  }
0x266: {  	[sflag:s0] =	ssyncadd.s32 @!p1 $0xFFFFFC00  }
0x267: {  	v8 =	vld.msk @!p1 [tilespmem:$0x7D80], $0xff;
	_ =	sdelay $0x4  }
0x268: {  	v10 =	vshrl.u32 @!p1 v8, $0x3  }
0x269: {  	v10 =	vmul.u32 @!p1 $0xC0, v10  }
0x26a: {  	v8 =	vand.u32 @!p1 $0x7, v8  }
0x26b: {  	v8 =	vor.u32 @!p1 v8, v10  }
0x26c: {  	v8 =	vperm.xlane @!p1 v8, v9;
	_ =	sdelay $0x1  }
0x26d: {  	v7 =	vadd.s32 @!p1 v7, v8;
	_ =	sdelay $0x3  }
0x26e: {  	s0 =	rddreg [dreg:$0x0]  }
0x26f: {  	[hbm4b:s0+s2] =	stream.indirect_vreg.scatter @!p1 [tilespmem:s2], [sflag:$0x2], $0x80, v7, vm9, $0xb8;
	[tilespmem:$0x7E00] =	vst v63  }
0x270: {  	s11 =	rddreg [dreg:$0x7]  }
0x271: {  	[hbm4b:s11+s2] =	stream.indirect_vreg.scatter @!p1 [tilespmem:s25], [sflag:$0x2], $0x80, v7, vm9, $0xb8;
	[tilespmem:$0x7E00] =	vst v63  }
0x272: {  	s25 =	rddreg [dreg:$0x8]  }
0x273: {  	[hbm4b:s25+s2] =	stream.indirect_vreg.scatter @!p1 [tilespmem:s7], [sflag:$0x2], $0x80, v7, vm9, $0xb8;
	[tilespmem:$0x7E00] =	vst v63  }
0x274: {  	s7 =	rddreg [dreg:$0x13]  }
0x275: {  	[hbm4b:s7+s2] =	stream.indirect_vreg.scatter @!p1 [tilespmem:s19], [sflag:$0x2], $0x80, v7, vm9, $0xb8;
	[tilespmem:$0x7E00] =	vst v63  }
0x276: {  	_ = 	snop  }
0x277: {  	[hbm4b:s29+s2] =	stream.indirect_vreg.scatter @!p1 [tilespmem:s3], [sflag:$0x2], $0x80, v7, vm9, $0xb8;
	[tilespmem:$0x7E00] =	vst v63  }
0x278: {  	_ = 	snop  }
0x279: {  	[hbm4b:s6+s2] =	stream.indirect_vreg.scatter @!p1 [tilespmem:s10], [sflag:$0x2], $0x80, v7, vm9, $0xb8;
	[tilespmem:$0x7E00] =	vst v63  }
0x27a: {  	s10 =	rddreg [dreg:$0x16]  }
0x27b: {  	[hbm4b:s10+s2] =	stream.indirect_vreg.scatter @!p1 [tilespmem:s21], [sflag:$0x2], $0x80, v7, vm9, $0xb8;
	[tilespmem:$0x7E00] =	vst v63  }
0x27c: {  	_ = 	snop  }
0x27d: {  	[hbm4b:s20+s2] =	stream.indirect_vreg.scatter @!p1 [tilespmem:s26], [sflag:$0x2], $0x80, v7, vm9, $0xb8;
	[tilespmem:$0x7E00] =	vst v63  }
0x27e: {  	_ = 	snop  }
0x27f: {  	[hbm4b:s4+s2] =	stream.indirect_vreg.scatter @!p1 [tilespmem:s13], [sflag:$0x2], $0x80, v7, vm9, $0xb8;
	[tilespmem:$0x7E00] =	vst v63  }
0x280: {  	_ = 	snop  }
0x281: {  	[hbm4b:s1+s2] =	stream.indirect_vreg.scatter @!p1 [tilespmem:s14], [sflag:$0x2], $0x80, v7, vm9, $0xb8;
	[tilespmem:$0x7E00] =	vst v63  }
0x282: {  	s3 =	smov.u32 s4;
	s4 =	rddreg [dreg:$0x1b]  }
0x283: {  	[hbm4b:s4+s2] =	stream.indirect_vreg.scatter @!p1 [tilespmem:s15], [sflag:$0x2], $0x80, v7, vm9, $0xb8;
	[tilespmem:$0x7E00] =	vst v63  }
0x284: {  	s19 =	rddreg [dreg:$0x1c]  }
0x285: {  	[hbm4b:s19+s2] =	stream.indirect_vreg.scatter @!p1 [tilespmem:s16], [sflag:$0x2], $0x80, v7, vm9, $0xb8;
	[tilespmem:$0x7E00] =	vst v63  }
0x286: {  	s0 =	simm.s32 @!p1 $0x7D80  }
0x287: {  	[hbm4b:s8+s17] =	stream.indirect.scatter @!p1 [tilespmem:s18], [sflag:$0x2], $0x80, s0, s17, $0xb8;
	[tilespmem:$0x7E00] =	vst v63  }
0x288: {  	p0 =	slt.s32 @!p1 s5, $0x6;
	s0 =	simm.s32 @!p1 $0x2  }
0x289: {  	p0 =	por p1, p0;
	_ =	swait.ge @!p1 [sflag:s0], $0x6000  }
0x28a: {  	v7 =	vlaneseq.u32 @!p0;
	[sflag:s0] =	ssyncset.done @!p1 $0x0  }
0x28b: {  	[sflag:s0] =	ssyncadd.s32 @!p1 $0xFFFFA000  }
0x28c: {  	_ =	swait.ge @!p1 [sflag:s0], $0x400  }
0x28d: {  	v8 =	vbroadcast @!p0 v5, $0x5;
	[sflag:s0] =	ssyncset.done @!p1 $0x0  }
0x28e: {  	v9 =	vbroadcast @!p0 v6, $0x5;
	[sflag:s0] =	ssyncadd.s32 @!p1 $0xFFFFFC00;
	s0 =	simm.s32 @!p0 $0x7D80  }
0x28f: {  	[tilespmem:v7+s0+$0x0] =	vst.idx.msk @!p0 $0xff, v8;
	s0 =	simm.s32 @!p0 $0x7D00  }
0x290: {  	[tilespmem:v7+s0+$0x0] =	vst.idx.msk @!p0 $0xff, v9  }
0x291: {  	v8 =	vld.msk @!p0 [tilespmem:$0x7D00], $0xff;
	_ =	sdelay $0x4  }
0x292: {  	v9 =	vshrl.u32 @!p0 v8, $0x3  }
0x293: {  	v9 =	vmul.u32 @!p0 $0xC0, v9  }
0x294: {  	v8 =	vand.u32 @!p0 $0x7, v8  }
0x295: {  	v8 =	vor.u32 @!p0 v8, v9;
	v9 =	vand.u32 @!p0 $0x7, v7;
	v7 =	vshrl.u32 @!p0 v7, $0x3  }
0x296: {  	v8 =	vperm.xlane @!p0 v8, v9;
	v7 =	vmul.u32 @!p0 $0x8, v7;
	_ =	sdelay $0x1  }
0x297: {  	v8 =	vadd.s32 @!p0 v7, v8;
	_ =	sdelay $0x3  }
0x298: {  	vm9 =	vmmov @!p0 $0xffff;
	s2 =	simm.s32 @!p0 $0x0;
	s8 =	rddreg [dreg:$0x2]  }
0x299: {  	[tilespmem:s2], [sflag:$0x1] =	stream.indirect_vreg.gather @!p0 [hbm4b:s8+s2], $0x80, v8, vm9, $0xb8;
	[tilespmem:$0x7E00] =	vst v63  }
0x29a: {  	s13 =	simm.s32 @!p0 $0x800;
	s8 =	rddreg [dreg:$0x9]  }
0x29b: {  	[tilespmem:s13], [sflag:$0x1] =	stream.indirect_vreg.gather @!p0 [hbm4b:s8+s2], $0x80, v8, vm9, $0xb8;
	[tilespmem:$0x7E00] =	vst v63  }
0x29c: {  	s13 =	simm.s32 @!p0 $0x1000  }
0x29d: {  	[tilespmem:s13], [sflag:$0x1] =	stream.indirect_vreg.gather @!p0 [hbm4b:s24+s2], $0x80, v8, vm9, $0xb8;
	[tilespmem:$0x7E00] =	vst v63  }
0x29e: {  	s13 =	simm.s32 @!p0 $0x1800  }
0x29f: {  	[tilespmem:s13], [sflag:$0x1] =	stream.indirect_vreg.gather @!p0 [hbm4b:s23+s2], $0x80, v8, vm9, $0xb8;
	[tilespmem:$0x7E00] =	vst v63  }
0x2a0: {  	s26 =	simm.s32 @!p0 $0x2000  }
0x2a1: {  	[tilespmem:s26], [sflag:$0x1] =	stream.indirect_vreg.gather @!p0 [hbm4b:s12+s2], $0x80, v8, vm9, $0xb8;
	[tilespmem:$0x7E00] =	vst v63  }
0x2a2: {  	s28 =	simm.s32 @!p0 $0x2800;
	s12 =	rddreg [dreg:$0xd]  }
0x2a3: {  	[tilespmem:s28], [sflag:$0x1] =	stream.indirect_vreg.gather @!p0 [hbm4b:s12+s2], $0x80, v8, vm9, $0xb8;
	[tilespmem:$0x7E00] =	vst v63  }
0x2a4: {  	s20 =	simm.s32 @!p0 $0x3000;
	s13 =	rddreg [dreg:$0xe]  }
0x2a5: {  	[tilespmem:s20], [sflag:$0x1] =	stream.indirect_vreg.gather @!p0 [hbm4b:s13+s2], $0x80, v8, vm9, $0xb8;
	[tilespmem:$0x7E00] =	vst v63  }
0x2a6: {  	s14 =	rddreg [dreg:$0xf];
	s24 =	simm.s32 @!p0 $0x3800  }
0x2a7: {  	[tilespmem:s24], [sflag:$0x1] =	stream.indirect_vreg.gather @!p0 [hbm4b:s14+s2], $0x80, v8, vm9, $0xb8;
	[tilespmem:$0x7E00] =	vst v63  }
0x2a8: {  	s23 =	simm.s32 @!p0 $0x4000  }
0x2a9: {  	[tilespmem:s23], [sflag:$0x1] =	stream.indirect_vreg.gather @!p0 [hbm4b:s30+s2], $0x80, v8, vm9, $0xb8;
	[tilespmem:$0x7E00] =	vst v63  }
0x2aa: {  	s21 =	simm.s32 @!p0 $0x4800  }
0x2ab: {  	[tilespmem:s21], [sflag:$0x1] =	stream.indirect_vreg.gather @!p0 [hbm4b:s31+s2], $0x80, v8, vm9, $0xb8;
	[tilespmem:$0x7E00] =	vst v63  }
0x2ac: {  	s15 =	simm.s32 @!p0 $0x5000  }
0x2ad: {  	[tilespmem:s15], [sflag:$0x1] =	stream.indirect_vreg.gather @!p0 [hbm4b:s22+s2], $0x80, v8, vm9, $0xb8;
	[tilespmem:$0x7E00] =	vst v63  }
0x2ae: {  	s16 =	simm.s32 @!p0 $0x5800  }
0x2af: {  	[tilespmem:s16], [sflag:$0x1] =	stream.indirect_vreg.gather @!p0 [hbm4b:s9+s2], $0x80, v8, vm9, $0xb8;
	[tilespmem:$0x7E00] =	vst v63  }
0x2b0: {  	s17 =	simm.s32 @!p0 $0x8;
	s18 =	simm.s32 @!p0 $0x6000;
	s9 =	rddreg [dreg:$0x3]  }
0x2b1: {  	[tilespmem:s18], [sflag:$0x1] =	stream.indirect.gather @!p0 [hbm4b:s9+s17], $0x80, s0, s17, $0xb8;
	[tilespmem:$0x7E00] =	vst v63  }
0x2b2: {  	s0 =	simm.s32 @!p0 $0x1  }
0x2b3: {  	_ =	swait.ge @!p0 [sflag:s0], $0x6000  }
0x2b4: {  	[sflag:s0] =	ssyncset.done @!p0 $0x0  }
0x2b5: {  	[sflag:s0] =	ssyncadd.s32 @!p0 $0xFFFFA000  }
0x2b6: {  	_ =	swait.ge @!p0 [sflag:s0], $0x400  }
0x2b7: {  	[sflag:s0] =	ssyncset.done @!p0 $0x0  }
0x2b8: {  	[sflag:s0] =	ssyncadd.s32 @!p0 $0xFFFFFC00  }
0x2b9: {  	v8 =	vld.msk @!p0 [tilespmem:$0x7D80], $0xff;
	_ =	sdelay $0x4  }
0x2ba: {  	v10 =	vshrl.u32 @!p0 v8, $0x3  }
0x2bb: {  	v10 =	vmul.u32 @!p0 $0xC0, v10  }
0x2bc: {  	v8 =	vand.u32 @!p0 $0x7, v8  }
0x2bd: {  	v8 =	vor.u32 @!p0 v8, v10  }
0x2be: {  	v8 =	vperm.xlane @!p0 v8, v9;
	_ =	sdelay $0x1  }
0x2bf: {  	v7 =	vadd.s32 @!p0 v7, v8;
	_ =	sdelay $0x3  }
0x2c0: {  	s0 =	rddreg [dreg:$0x0]  }
0x2c1: {  	[hbm4b:s0+s2] =	stream.indirect_vreg.scatter @!p0 [tilespmem:s2], [sflag:$0x2], $0x80, v7, vm9, $0xb8;
	[tilespmem:$0x7E00] =	vst v63  }
0x2c2: {  	s0 =	simm.s32 @!p0 $0x800  }
0x2c3: {  	[hbm4b:s11+s2] =	stream.indirect_vreg.scatter @!p0 [tilespmem:s0], [sflag:$0x2], $0x80, v7, vm9, $0xb8;
	[tilespmem:$0x7E00] =	vst v63  }
0x2c4: {  	s0 =	simm.s32 @!p0 $0x1000  }
0x2c5: {  	[hbm4b:s25+s2] =	stream.indirect_vreg.scatter @!p0 [tilespmem:s0], [sflag:$0x2], $0x80, v7, vm9, $0xb8;
	[tilespmem:$0x7E00] =	vst v63  }
0x2c6: {  	s0 =	simm.s32 @!p0 $0x1800  }
0x2c7: {  	[hbm4b:s7+s2] =	stream.indirect_vreg.scatter @!p0 [tilespmem:s0], [sflag:$0x2], $0x80, v7, vm9, $0xb8;
	[tilespmem:$0x7E00] =	vst v63  }
0x2c8: {  	_ = 	snop  }
0x2c9: {  	[hbm4b:s29+s2] =	stream.indirect_vreg.scatter @!p0 [tilespmem:s26], [sflag:$0x2], $0x80, v7, vm9, $0xb8;
	[tilespmem:$0x7E00] =	vst v63  }
0x2ca: {  	_ = 	snop  }
0x2cb: {  	[hbm4b:s6+s2] =	stream.indirect_vreg.scatter @!p0 [tilespmem:s28], [sflag:$0x2], $0x80, v7, vm9, $0xb8;
	[tilespmem:$0x7E00] =	vst v63  }
0x2cc: {  	_ = 	snop  }
0x2cd: {  	[hbm4b:s10+s2] =	stream.indirect_vreg.scatter @!p0 [tilespmem:s20], [sflag:$0x2], $0x80, v7, vm9, $0xb8;
	[tilespmem:$0x7E00] =	vst v63  }
0x2ce: {  	s20 =	rddreg [dreg:$0x18]  }
0x2cf: {  	[hbm4b:s20+s2] =	stream.indirect_vreg.scatter @!p0 [tilespmem:s24], [sflag:$0x2], $0x80, v7, vm9, $0xb8;
	[tilespmem:$0x7E00] =	vst v63  }
0x2d0: {  	_ = 	snop  }
0x2d1: {  	[hbm4b:s3+s2] =	stream.indirect_vreg.scatter @!p0 [tilespmem:s23], [sflag:$0x2], $0x80, v7, vm9, $0xb8;
	[tilespmem:$0x7E00] =	vst v63  }
0x2d2: {  	_ = 	snop  }
0x2d3: {  	[hbm4b:s1+s2] =	stream.indirect_vreg.scatter @!p0 [tilespmem:s21], [sflag:$0x2], $0x80, v7, vm9, $0xb8;
	[tilespmem:$0x7E00] =	vst v63  }
0x2d4: {  	_ = 	snop  }
0x2d5: {  	[hbm4b:s4+s2] =	stream.indirect_vreg.scatter @!p0 [tilespmem:s15], [sflag:$0x2], $0x80, v7, vm9, $0xb8;
	[tilespmem:$0x7E00] =	vst v63  }
0x2d6: {  	s30 =	sld [smem:$0x7FD]  }
0x2d7: {  	[hbm4b:s19+s2] =	stream.indirect_vreg.scatter @!p0 [tilespmem:s16], [sflag:$0x2], $0x80, v7, vm9, $0xb8;
	[tilespmem:$0x7E00] =	vst v63  }
0x2d8: {  	s0 =	simm.s32 @!p0 $0x7D80  }
0x2d9: {  	[hbm4b:s30+s17] =	stream.indirect.scatter @!p0 [tilespmem:s18], [sflag:$0x2], $0x80, s0, s17, $0xb8;
	[tilespmem:$0x7E00] =	vst v63  }
0x2da: {  	p1 =	slt.s32 @!p0 s5, $0x7;
	s0 =	simm.s32 @!p0 $0x2  }
0x2db: {  	p1 =	por p0, p1;
	_ =	swait.ge @!p0 [sflag:s0], $0x6000  }
0x2dc: {  	v7 =	vlaneseq.u32 @!p1;
	[sflag:s0] =	ssyncset.done @!p0 $0x0  }
0x2dd: {  	[sflag:s0] =	ssyncadd.s32 @!p0 $0xFFFFA000  }
0x2de: {  	_ =	swait.ge @!p0 [sflag:s0], $0x400  }
0x2df: {  	v8 =	vbroadcast @!p1 v5, $0x6;
	[sflag:s0] =	ssyncset.done @!p0 $0x0  }
0x2e0: {  	v9 =	vbroadcast @!p1 v6, $0x6;
	s23 =	simm.s32 @!p1 $0x7D80;
	[sflag:s0] =	ssyncadd.s32 @!p0 $0xFFFFFC00  }
0x2e1: {  	s0 =	simm.s32 @!p1 $0x7D00;
	[tilespmem:v7+s23+$0x0] =	vst.idx.msk @!p1 $0xff, v8  }
0x2e2: {  	[tilespmem:v7+s0+$0x0] =	vst.idx.msk @!p1 $0xff, v9  }
0x2e3: {  	v8 =	vld.msk @!p1 [tilespmem:$0x7D00], $0xff;
	_ =	sdelay $0x4  }
0x2e4: {  	v9 =	vshrl.u32 @!p1 v8, $0x3  }
0x2e5: {  	v9 =	vmul.u32 @!p1 $0xC0, v9  }
0x2e6: {  	v8 =	vand.u32 @!p1 $0x7, v8  }
0x2e7: {  	v8 =	vor.u32 @!p1 v8, v9;
	v9 =	vand.u32 @!p1 $0x7, v7;
	v7 =	vshrl.u32 @!p1 v7, $0x3  }
0x2e8: {  	v8 =	vperm.xlane @!p1 v8, v9;
	v7 =	vmul.u32 @!p1 $0x8, v7;
	_ =	sdelay $0x1  }
0x2e9: {  	v8 =	vadd.s32 @!p1 v7, v8;
	_ =	sdelay $0x3  }
0x2ea: {  	s26 =	smov.u32 s6;
	vm9 =	vmmov @!p1 $0xffff;
	s2 =	simm.s32 @!p1 $0x0;
	s6 =	rddreg [dreg:$0x2]  }
0x2eb: {  	[tilespmem:s2], [sflag:$0x1] =	stream.indirect_vreg.gather @!p1 [hbm4b:s6+s2], $0x80, v8, vm9, $0xb8;
	[tilespmem:$0x7E00] =	vst v63  }
0x2ec: {  	s6 =	simm.s32 @!p1 $0x800  }
0x2ed: {  	[tilespmem:s6], [sflag:$0x1] =	stream.indirect_vreg.gather @!p1 [hbm4b:s8+s2], $0x80, v8, vm9, $0xb8;
	[tilespmem:$0x7E00] =	vst v63  }
0x2ee: {  	s7 =	simm.s32 @!p1 $0x1000;
	s8 =	rddreg [dreg:$0xa]  }
0x2ef: {  	[tilespmem:s7], [sflag:$0x1] =	stream.indirect_vreg.gather @!p1 [hbm4b:s8+s2], $0x80, v8, vm9, $0xb8;
	[tilespmem:$0x7E00] =	vst v63  }
0x2f0: {  	s9 =	rddreg [dreg:$0xb];
	s8 =	simm.s32 @!p1 $0x1800  }
0x2f1: {  	[tilespmem:s8], [sflag:$0x1] =	stream.indirect_vreg.gather @!p1 [hbm4b:s9+s2], $0x80, v8, vm9, $0xb8;
	[tilespmem:$0x7E00] =	vst v63  }
0x2f2: {  	s28 =	smov.u32 s10;
	s10 =	rddreg [dreg:$0xc];
	s9 =	simm.s32 @!p1 $0x2000  }
0x2f3: {  	[tilespmem:s9], [sflag:$0x1] =	stream.indirect_vreg.gather @!p1 [hbm4b:s10+s2], $0x80, v8, vm9, $0xb8;
	[tilespmem:$0x7E00] =	vst v63  }
0x2f4: {  	s10 =	simm.s32 @!p1 $0x2800  }
0x2f5: {  	[tilespmem:s10], [sflag:$0x1] =	stream.indirect_vreg.gather @!p1 [hbm4b:s12+s2], $0x80, v8, vm9, $0xb8;
	[tilespmem:$0x7E00] =	vst v63  }
0x2f6: {  	s11 =	simm.s32 @!p1 $0x3000  }
0x2f7: {  	[tilespmem:s11], [sflag:$0x1] =	stream.indirect_vreg.gather @!p1 [hbm4b:s13+s2], $0x80, v8, vm9, $0xb8;
	[tilespmem:$0x7E00] =	vst v63  }
0x2f8: {  	s12 =	simm.s32 @!p1 $0x3800  }
0x2f9: {  	[tilespmem:s12], [sflag:$0x1] =	stream.indirect_vreg.gather @!p1 [hbm4b:s14+s2], $0x80, v8, vm9, $0xb8;
	[tilespmem:$0x7E00] =	vst v63  }
0x2fa: {  	s13 =	simm.s32 @!p1 $0x4000;
	s14 =	rddreg [dreg:$0x10]  }
0x2fb: {  	[tilespmem:s13], [sflag:$0x1] =	stream.indirect_vreg.gather @!p1 [hbm4b:s14+s2], $0x80, v8, vm9, $0xb8;
	[tilespmem:$0x7E00] =	vst v63  }
0x2fc: {  	s14 =	simm.s32 @!p1 $0x4800  }
0x2fd: {  	[tilespmem:s14], [sflag:$0x1] =	stream.indirect_vreg.gather @!p1 [hbm4b:s31+s2], $0x80, v8, vm9, $0xb8;
	[tilespmem:$0x7E00] =	vst v63  }
0x2fe: {  	s15 =	simm.s32 @!p1 $0x5000  }
0x2ff: {  	[tilespmem:s15], [sflag:$0x1] =	stream.indirect_vreg.gather @!p1 [hbm4b:s22+s2], $0x80, v8, vm9, $0xb8;
	[tilespmem:$0x7E00] =	vst v63  }
0x300: {  	s16 =	simm.s32 @!p1 $0x5800;
	s17 =	rddreg [dreg:$0x6]  }
0x301: {  	[tilespmem:s16], [sflag:$0x1] =	stream.indirect_vreg.gather @!p1 [hbm4b:s17+s2], $0x80, v8, vm9, $0xb8;
	[tilespmem:$0x7E00] =	vst v63  }
0x302: {  	s18 =	simm.s32 @!p1 $0x6000;
	s22 =	rddreg [dreg:$0x3];
	s17 =	simm.s32 @!p1 $0x8  }
0x303: {  	[tilespmem:s18], [sflag:$0x1] =	stream.indirect.gather @!p1 [hbm4b:s22+s17], $0x80, s0, s17, $0xb8;
	[tilespmem:$0x7E00] =	vst v63  }
0x304: {  	s0 =	simm.s32 @!p1 $0x1  }
0x305: {  	s21 =	sld [smem:$0x7FC];
	_ =	swait.ge @!p1 [sflag:s0], $0x6000  }
0x306: {  	[sflag:s0] =	ssyncset.done @!p1 $0x0  }
0x307: {  	[sflag:s0] =	ssyncadd.s32 @!p1 $0xFFFFA000  }
0x308: {  	_ =	swait.ge @!p1 [sflag:s0], $0x400  }
0x309: {  	[sflag:s0] =	ssyncset.done @!p1 $0x0  }
0x30a: {  	[sflag:s0] =	ssyncadd.s32 @!p1 $0xFFFFFC00  }
0x30b: {  	v8 =	vld.msk @!p1 [tilespmem:$0x7D80], $0xff;
	_ =	sdelay $0x4  }
0x30c: {  	v10 =	vshrl.u32 @!p1 v8, $0x3  }
0x30d: {  	v10 =	vmul.u32 @!p1 $0xC0, v10  }
0x30e: {  	v8 =	vand.u32 @!p1 $0x7, v8  }
0x30f: {  	v8 =	vor.u32 @!p1 v8, v10  }
0x310: {  	v8 =	vperm.xlane @!p1 v8, v9;
	_ =	sdelay $0x1  }
0x311: {  	v7 =	vadd.s32 @!p1 v7, v8;
	_ =	sdelay $0x3  }
0x312: {  	s0 =	rddreg [dreg:$0x0]  }
0x313: {  	[hbm4b:s0+s2] =	stream.indirect_vreg.scatter @!p1 [tilespmem:s2], [sflag:$0x2], $0x80, v7, vm9, $0xb8;
	[tilespmem:$0x7E00] =	vst v63  }
0x314: {  	s0 =	rddreg [dreg:$0x7]  }
0x315: {  	[hbm4b:s0+s2] =	stream.indirect_vreg.scatter @!p1 [tilespmem:s6], [sflag:$0x2], $0x80, v7, vm9, $0xb8;
	[tilespmem:$0x7E00] =	vst v63  }
0x316: {  	_ = 	snop  }
0x317: {  	[hbm4b:s25+s2] =	stream.indirect_vreg.scatter @!p1 [tilespmem:s7], [sflag:$0x2], $0x80, v7, vm9, $0xb8;
	[tilespmem:$0x7E00] =	vst v63  }
0x318: {  	s0 =	rddreg [dreg:$0x13]  }
0x319: {  	[hbm4b:s0+s2] =	stream.indirect_vreg.scatter @!p1 [tilespmem:s8], [sflag:$0x2], $0x80, v7, vm9, $0xb8;
	[tilespmem:$0x7E00] =	vst v63  }
0x31a: {  	_ = 	snop  }
0x31b: {  	[hbm4b:s29+s2] =	stream.indirect_vreg.scatter @!p1 [tilespmem:s9], [sflag:$0x2], $0x80, v7, vm9, $0xb8;
	[tilespmem:$0x7E00] =	vst v63  }
0x31c: {  	_ = 	snop  }
0x31d: {  	[hbm4b:s26+s2] =	stream.indirect_vreg.scatter @!p1 [tilespmem:s10], [sflag:$0x2], $0x80, v7, vm9, $0xb8;
	[tilespmem:$0x7E00] =	vst v63  }
0x31e: {  	_ = 	snop  }
0x31f: {  	[hbm4b:s28+s2] =	stream.indirect_vreg.scatter @!p1 [tilespmem:s11], [sflag:$0x2], $0x80, v7, vm9, $0xb8;
	[tilespmem:$0x7E00] =	vst v63  }
0x320: {  	_ = 	snop  }
0x321: {  	[hbm4b:s20+s2] =	stream.indirect_vreg.scatter @!p1 [tilespmem:s12], [sflag:$0x2], $0x80, v7, vm9, $0xb8;
	[tilespmem:$0x7E00] =	vst v63  }
0x322: {  	_ = 	snop  }
0x323: {  	[hbm4b:s3+s2] =	stream.indirect_vreg.scatter @!p1 [tilespmem:s13], [sflag:$0x2], $0x80, v7, vm9, $0xb8;
	[tilespmem:$0x7E00] =	vst v63  }
0x324: {  	_ = 	snop  }
0x325: {  	[hbm4b:s1+s2] =	stream.indirect_vreg.scatter @!p1 [tilespmem:s14], [sflag:$0x2], $0x80, v7, vm9, $0xb8;
	[tilespmem:$0x7E00] =	vst v63  }
0x326: {  	_ = 	snop  }
0x327: {  	[hbm4b:s4+s2] =	stream.indirect_vreg.scatter @!p1 [tilespmem:s15], [sflag:$0x2], $0x80, v7, vm9, $0xb8;
	[tilespmem:$0x7E00] =	vst v63  }
0x328: {  	_ = 	snop  }
0x329: {  	[hbm4b:s19+s2] =	stream.indirect_vreg.scatter @!p1 [tilespmem:s16], [sflag:$0x2], $0x80, v7, vm9, $0xb8;
	[tilespmem:$0x7E00] =	vst v63  }
0x32a: {  	p0 =	seq.s32 @!p1 s5, $0x7;
	s0 =	simm.s32 @!p1 $0x2;
	s20 =	rddreg [dreg:$0x1f]  }
0x32b: {  	[hbm4b:s30+s17] =	stream.indirect.scatter @!p1 [tilespmem:s18], [sflag:$0x2], $0x80, s23, s17, $0xb8;
	[tilespmem:$0x7E00] =	vst v63  }
0x32c: {  	p0 =	por p1, p0;
	s18 =	rddreg [dreg:$0x1e];
	_ =	swait.ge @!p1 [sflag:s0], $0x6000  }
.Ltmp10:
0x32d: {  	[sflag:s0] =	ssyncset.done @!p1 $0x0;
	(pc) =	sbr.rel @p0 .LBB2_12-.Ltmp10, $4  }
0x32e: {  	[sflag:s0] =	ssyncadd.s32 @!p1 $0xFFFFA000  }
0x32f: {  	_ =	swait.ge @!p1 [sflag:s0], $0x400  }
0x330: {  	s6 =	simm.s32 $0x7D80;
	[sflag:s0] =	ssyncset.done @!p1 $0x0  }
0x331: {  	s16 =	simm.s32 $0x8;
	s17 =	simm.s32 $0x6000;
	[sflag:s0] =	ssyncadd.s32 @!p1 $0xFFFFFC00  }
0x332: {  	_ =	sdelay $0x1  }
0x333: {  	v5 =	vbroadcast v5, $0x7  }
0x334: {  	v6 =	vbroadcast v6, $0x7  }
0x335: {  	s2 =	simm.s32 $0x7D00;
	[tilespmem:v2+s6+$0x0] =	vst.idx.msk $0xff, v5  }
0x336: {  	[tilespmem:v2+s2+$0x0] =	vst.idx.msk $0xff, v6  }
0x337: {  	v5 =	vld.msk [tilespmem:$0x7D00], $0xff;
	_ =	sdelay $0x4  }
0x338: {  	v6 =	vshrl.u32 v5, $0x3  }
0x339: {  	v6 =	vmul.u32 $0xC0, v6  }
0x33a: {  	v5 =	vand.u32 $0x7, v5  }
0x33b: {  	v5 =	vor.u32 v5, v6  }
0x33c: {  	v5 =	vperm.xlane v5, v3;
	_ =	sdelay $0x1  }
0x33d: {  	v5 =	vadd.s32 v4, v5;
	_ =	sdelay $0x3  }
0x33e: {  	s0 =	rddreg [dreg:$0x2];
	s1 =	simm.s32 $0x0  }
0x33f: {  	[tilespmem:s1], [sflag:$0x1] =	stream.indirect_vreg.gather [hbm4b:s0+s1], $0x80, v5, vm8, $0xb8;
	[tilespmem:$0x7E00] =	vst v63  }
0x340: {  	s13 =	rddreg [dreg:$0x9];
	s3 =	simm.s32 $0x800  }
0x341: {  	[tilespmem:s3], [sflag:$0x1] =	stream.indirect_vreg.gather [hbm4b:s13+s1], $0x80, v5, vm8, $0xb8;
	[tilespmem:$0x7E00] =	vst v63  }
0x342: {  	s14 =	rddreg [dreg:$0xa];
	s4 =	simm.s32 $0x1000  }
0x343: {  	[tilespmem:s4], [sflag:$0x1] =	stream.indirect_vreg.gather [hbm4b:s14+s1], $0x80, v5, vm8, $0xb8;
	[tilespmem:$0x7E00] =	vst v63  }
0x344: {  	s15 =	rddreg [dreg:$0xb];
	s7 =	simm.s32 $0x1800  }
0x345: {  	[tilespmem:s7], [sflag:$0x1] =	stream.indirect_vreg.gather [hbm4b:s15+s1], $0x80, v5, vm8, $0xb8;
	[tilespmem:$0x7E00] =	vst v63  }
0x346: {  	s19 =	rddreg [dreg:$0xc];
	s8 =	simm.s32 $0x2000  }
0x347: {  	[tilespmem:s8], [sflag:$0x1] =	stream.indirect_vreg.gather [hbm4b:s19+s1], $0x80, v5, vm8, $0xb8;
	[tilespmem:$0x7E00] =	vst v63  }
0x348: {  	s22 =	rddreg [dreg:$0xd];
	s9 =	simm.s32 $0x2800  }
0x349: {  	[tilespmem:s9], [sflag:$0x1] =	stream.indirect_vreg.gather [hbm4b:s22+s1], $0x80, v5, vm8, $0xb8;
	[tilespmem:$0x7E00] =	vst v63  }
0x34a: {  	s23 =	rddreg [dreg:$0xe];
	s10 =	simm.s32 $0x3000  }
0x34b: {  	[tilespmem:s10], [sflag:$0x1] =	stream.indirect_vreg.gather [hbm4b:s23+s1], $0x80, v5, vm8, $0xb8;
	[tilespmem:$0x7E00] =	vst v63  }
0x34c: {  	s24 =	rddreg [dreg:$0xf];
	s11 =	simm.s32 $0x3800  }
0x34d: {  	[tilespmem:s11], [sflag:$0x1] =	stream.indirect_vreg.gather [hbm4b:s24+s1], $0x80, v5, vm8, $0xb8;
	[tilespmem:$0x7E00] =	vst v63  }
0x34e: {  	s25 =	rddreg [dreg:$0x10];
	s12 =	simm.s32 $0x4000  }
0x34f: {  	[tilespmem:s12], [sflag:$0x1] =	stream.indirect_vreg.gather [hbm4b:s25+s1], $0x80, v5, vm8, $0xb8;
	[tilespmem:$0x7E00] =	vst v63  }
0x350: {  	s26 =	rddreg [dreg:$0x11];
	s13 =	simm.s32 $0x4800  }
0x351: {  	[tilespmem:s13], [sflag:$0x1] =	stream.indirect_vreg.gather [hbm4b:s26+s1], $0x80, v5, vm8, $0xb8;
	[tilespmem:$0x7E00] =	vst v63  }
0x352: {  	s28 =	rddreg [dreg:$0x12];
	s14 =	simm.s32 $0x5000  }
0x353: {  	[tilespmem:s14], [sflag:$0x1] =	stream.indirect_vreg.gather [hbm4b:s28+s1], $0x80, v5, vm8, $0xb8;
	[tilespmem:$0x7E00] =	vst v63  }
0x354: {  	s29 =	rddreg [dreg:$0x6];
	s15 =	simm.s32 $0x5800  }
0x355: {  	[tilespmem:s15], [sflag:$0x1] =	stream.indirect_vreg.gather [hbm4b:s29+s1], $0x80, v5, vm8, $0xb8;
	[tilespmem:$0x7E00] =	vst v63  }
0x356: {  	s30 =	rddreg [dreg:$0x3];
	s31 =	simm.s32 $0x1  }
0x357: {  	[tilespmem:s17], [sflag:$0x1] =	stream.indirect.gather [hbm4b:s30+s16], $0x80, s2, s16, $0xb8;
	[tilespmem:$0x7E00] =	vst v63  }
0x358: {  	_ =	swait.ge [sflag:s31], $0x6000  }
0x359: {  	[sflag:s31] =	ssyncset.done $0x0  }
0x35a: {  	[sflag:s31] =	ssyncadd.s32 $0xFFFFA000  }
0x35b: {  	_ =	swait.ge [sflag:s31], $0x400  }
0x35c: {  	[sflag:s31] =	ssyncset.done $0x0  }
0x35d: {  	[sflag:s31] =	ssyncadd.s32 $0xFFFFFC00  }
0x35e: {  	v5 =	vld.msk [tilespmem:$0x7D80], $0xff;
	_ =	sdelay $0x4  }
0x35f: {  	v6 =	vshrl.u32 v5, $0x3  }
0x360: {  	v6 =	vmul.u32 $0xC0, v6  }
0x361: {  	v5 =	vand.u32 $0x7, v5  }
0x362: {  	v5 =	vor.u32 v5, v6  }
0x363: {  	v5 =	vperm.xlane v5, v3;
	_ =	sdelay $0x1  }
0x364: {  	v5 =	vadd.s32 v4, v5;
	_ =	sdelay $0x3  }
0x365: {  	s0 =	rddreg [dreg:$0x0]  }
0x366: {  	[hbm4b:s0+s1] =	stream.indirect_vreg.scatter [tilespmem:s1], [sflag:$0x2], $0x80, v5, vm8, $0xb8;
	[tilespmem:$0x7E00] =	vst v63  }
0x367: {  	s2 =	rddreg [dreg:$0x7]  }
0x368: {  	[hbm4b:s2+s1] =	stream.indirect_vreg.scatter [tilespmem:s3], [sflag:$0x2], $0x80, v5, vm8, $0xb8;
	[tilespmem:$0x7E00] =	vst v63  }
0x369: {  	s19 =	rddreg [dreg:$0x8]  }
0x36a: {  	[hbm4b:s19+s1] =	stream.indirect_vreg.scatter [tilespmem:s4], [sflag:$0x2], $0x80, v5, vm8, $0xb8;
	[tilespmem:$0x7E00] =	vst v63  }
0x36b: {  	s22 =	rddreg [dreg:$0x13]  }
0x36c: {  	[hbm4b:s22+s1] =	stream.indirect_vreg.scatter [tilespmem:s7], [sflag:$0x2], $0x80, v5, vm8, $0xb8;
	[tilespmem:$0x7E00] =	vst v63  }
0x36d: {  	s23 =	rddreg [dreg:$0x14]  }
0x36e: {  	[hbm4b:s23+s1] =	stream.indirect_vreg.scatter [tilespmem:s8], [sflag:$0x2], $0x80, v5, vm8, $0xb8;
	[tilespmem:$0x7E00] =	vst v63  }
0x36f: {  	s24 =	rddreg [dreg:$0x15]  }
0x370: {  	[hbm4b:s24+s1] =	stream.indirect_vreg.scatter [tilespmem:s9], [sflag:$0x2], $0x80, v5, vm8, $0xb8;
	[tilespmem:$0x7E00] =	vst v63  }
0x371: {  	s25 =	rddreg [dreg:$0x16]  }
0x372: {  	[hbm4b:s25+s1] =	stream.indirect_vreg.scatter [tilespmem:s10], [sflag:$0x2], $0x80, v5, vm8, $0xb8;
	[tilespmem:$0x7E00] =	vst v63  }
0x373: {  	s26 =	rddreg [dreg:$0x18]  }
0x374: {  	[hbm4b:s26+s1] =	stream.indirect_vreg.scatter [tilespmem:s11], [sflag:$0x2], $0x80, v5, vm8, $0xb8;
	[tilespmem:$0x7E00] =	vst v63  }
0x375: {  	s28 =	rddreg [dreg:$0x19]  }
0x376: {  	[hbm4b:s28+s1] =	stream.indirect_vreg.scatter [tilespmem:s12], [sflag:$0x2], $0x80, v5, vm8, $0xb8;
	[tilespmem:$0x7E00] =	vst v63  }
0x377: {  	s29 =	rddreg [dreg:$0x1a]  }
0x378: {  	[hbm4b:s29+s1] =	stream.indirect_vreg.scatter [tilespmem:s13], [sflag:$0x2], $0x80, v5, vm8, $0xb8;
	[tilespmem:$0x7E00] =	vst v63  }
.Ltmp11:
0x379: {  	_ = 	snop;
	(pc) =	sbr.rel .LBB2_11-.Ltmp11, $4  }
0x37a: {  	s30 =	rddreg [dreg:$0x1b]  }
0x37b: {  	[hbm4b:s30+s1] =	stream.indirect_vreg.scatter [tilespmem:s14], [sflag:$0x2], $0x80, v5, vm8, $0xb8;
	[tilespmem:$0x7E00] =	vst v63  }
0x37c: {  	s31 =	rddreg [dreg:$0x1c]  }
0x37d: {  	[hbm4b:s31+s1] =	stream.indirect_vreg.scatter [tilespmem:s15], [sflag:$0x2], $0x80, v5, vm8, $0xb8;
	[tilespmem:$0x7E00] =	vst v63  }
.LBB2_14:
0x37e: {  	_ =	sfence.sel $0x180000  }
0x37f: {  	[bflag:$0x0] =	sbarrier.arrive $0xFFFF  }
0x380: {  	_ =	strace $0x90000047  }
0x381: {  	s0 =	stileid.u32;
	[bflag:$0x2] =	sbarrier.arrive $0xFFFF  }
0x382: {  	p0 =	sne.s32 s0, $0x0;
	s0 =	rddreg [dreg:$0x5]  }
0x383: {  	s0 =	sadd.s32 @!p0 $0x100000, s0  }
0x384: {  	[sflag:s0] =	ssyncadd.tile.s32 @!p0 $0x1;
	_ =	shalt  }
.Lfunc_end2:
_tile_overlayer_lowered:
.L_overlay_start_2:
0x385: {  	(tag) =	ssettag $0x2  }
0x386: {  	s0 =	rddreg [dreg:$0x0];
	s2 =	stileid.u32  }
0x387: {  	s1 =	rddreg [dreg:$0x1];
	p0 =	sne.s32 s2, $0x0  }
0x388: {  	s3 =	rddreg [dreg:$0x2];
	[bflag:$0x3] =	sbarrier.arrive $0xFFFF;
	s2 =	simm.s32 @!p0 $0x1C03  }
0x389: {  	[timem:s3], [sflag:s2] =	dma.local @!p0 [hbm:s0], s1  }
0x38a: {  	s0 =	simm.s32 @!p0 $0x3  }
0x38b: {  	_ =	swait.ge @!p0 [sflag:s0], s1  }
0x38c: {  	s1 =	ssub.s32 @!p0 $0x0, s1;
	[sflag:s0] =	ssyncset.done @!p0 $0x0  }
0x38d: {  	[sflag:s0] =	ssyncadd.s32 @!p0 s1  }
0x38e: {  	[bflag:$0x3] =	sbarrier.arrive $0xFFFF  }
0x38f: {  	_ =	shalt  }

</sc_bundles>
